<compile_context>
chip_gen: v7x
topology: tpu7x:2x2x1
jax: 0.10.2.dev20260603
libtpu: 0.0.44.dev20260713+nightly
codegen_flags: <defaults>
</compile_context>

<pallas_src>
import functools

import jax
import jax.numpy as jnp
from jax import lax
from jax.experimental import pallas as pl
from jax.experimental.pallas import tpu as pltpu
from jax.experimental.pallas import tpu_sc as plsc

BATCH = 16384
NF = 32
NW = 32
B_PER_W = BATCH // NW
CHUNK = 128
N_CHUNKS = B_PER_W // CHUNK
L = 16


def _sc_gather_body(uid_hbm, iid_hbm, gu_hbm, gi_hbm, mu_hbm, mi_hbm,
                    gmf_out, mu_out, mi_out,
                    ids_u_s, ids_i_s,
                    a_gu, a_gi, a_mu, a_mi, e_gu, e_u, e_i, sem):
    wid = lax.axis_index("s") * 2 + lax.axis_index("c")
    base = wid * B_PER_W

    pltpu.sync_copy(uid_hbm.at[pl.ds(base, B_PER_W)], ids_u_s)
    pltpu.sync_copy(iid_hbm.at[pl.ds(base, B_PER_W)], ids_i_s)

    def chunk_step(k, carry):
        c0 = k * CHUNK

        def issue(g, carry2):
            u_vec = ids_u_s[pl.ds(c0 + g * L, L)]
            i_vec = ids_i_s[pl.ds(c0 + g * L, L)]
            for l in range(L):
                j = g * L + l
                u = lax.shift_right_logical(u_vec[l], 2)
                i = lax.shift_right_logical(i_vec[l], 2)
                pltpu.make_async_copy(gu_hbm.at[u], a_gu.at[j], sem).start()
                pltpu.make_async_copy(gi_hbm.at[i], a_gi.at[j], sem).start()
                pltpu.make_async_copy(mu_hbm.at[u], a_mu.at[j], sem).start()
                pltpu.make_async_copy(mi_hbm.at[i], a_mi.at[j], sem).start()
            return carry2
        lax.fori_loop(0, CHUNK // L, issue, 0)

        rows = pl.ds(base + c0, CHUNK)
        pltpu.make_async_copy(gu_hbm.at[pl.ds(0, CHUNK)], a_gu, sem).wait()
        pltpu.make_async_copy(gu_hbm.at[pl.ds(0, CHUNK)], a_gi, sem).wait()
        pltpu.make_async_copy(gu_hbm.at[pl.ds(0, CHUNK)], a_mu, sem).wait()
        pltpu.make_async_copy(gu_hbm.at[pl.ds(0, CHUNK)], a_mi, sem).wait()

        def extract(g, carry2):
            u_vec = ids_u_s[pl.ds(c0 + g * L, L)]
            i_vec = ids_i_s[pl.ds(c0 + g * L, L)]
            for l in range(L):
                j = g * L + l
                qu = lax.bitwise_and(u_vec[l], 3) * NF
                qi = lax.bitwise_and(i_vec[l], 3) * NF
                for h in range(NF // L):
                    d = pl.ds(h * L, L)
                    su = pl.ds(qu + h * L, L)
                    si = pl.ds(qi + h * L, L)
                    e_gu[j, d] = a_gu[j, su] * a_gi[j, si]
                    e_u[j, d] = a_mu[j, su]
                    e_i[j, d] = a_mi[j, si]
            return carry2
        lax.fori_loop(0, CHUNK // L, extract, 0)

        pltpu.sync_copy(e_gu, gmf_out.at[rows])
        pltpu.sync_copy(e_u, mu_out.at[rows])
        pltpu.sync_copy(e_i, mi_out.at[rows])
        return carry
    lax.fori_loop(0, N_CHUNKS, chunk_step, 0)


def _sc_gather(user_ids, item_ids, gu3, gi3, mu3, mi3):
    mesh = plsc.VectorSubcoreMesh(core_axis_name="c", subcore_axis_name="s")
    f32 = jnp.float32
    i32 = jnp.int32
    out_type = (
        jax.ShapeDtypeStruct((BATCH, NF), f32),
        jax.ShapeDtypeStruct((BATCH, NF), f32),
        jax.ShapeDtypeStruct((BATCH, NF), f32),
    )
    scratch = [
        pltpu.VMEM((B_PER_W,), i32),
        pltpu.VMEM((B_PER_W,), i32),
        pltpu.VMEM((CHUNK, 128), f32),
        pltpu.VMEM((CHUNK, 128), f32),
        pltpu.VMEM((CHUNK, 128), f32),
        pltpu.VMEM((CHUNK, 128), f32),
        pltpu.VMEM((CHUNK, NF), f32),
        pltpu.VMEM((CHUNK, NF), f32),
        pltpu.VMEM((CHUNK, NF), f32),
        pltpu.SemaphoreType.DMA,
    ]
    fn = pl.kernel(_sc_gather_body, out_type=out_type, mesh=mesh,
                   scratch_types=scratch,
                   compiler_params=pltpu.CompilerParams(
                       use_tc_tiling_on_sc=True))
    return fn(user_ids, item_ids, gu3, gi3, mu3, mi3)


BB = 1024


def _tc_mlp_body(gmf_ref, mu_ref, mi_ref, W1_ref, b1_ref, W2_ref, b2_ref,
                 W3_ref, b3_ref, Wo_ref, bo_ref, out_ref):
    f32 = jnp.float32
    w1 = W1_ref[...]
    h = jnp.dot(mu_ref[...], w1[:NF], preferred_element_type=f32)
    h += jnp.dot(mi_ref[...], w1[NF:], preferred_element_type=f32)
    h = jnp.maximum(h + b1_ref[...], 0.0)
    h = jnp.maximum(jnp.dot(h, W2_ref[...], preferred_element_type=f32)
                    + b2_ref[...], 0.0)
    h = jnp.maximum(jnp.dot(h, W3_ref[...], preferred_element_type=f32)
                    + b3_ref[...], 0.0)
    wo = Wo_ref[...]
    logits = jnp.dot(gmf_ref[...], wo[:NF], preferred_element_type=f32)
    logits += jnp.dot(h, wo[NF:], preferred_element_type=f32)
    logits += bo_ref[...]
    out_ref[...] = jax.nn.sigmoid(logits)


def _tc_mlp(gmf_vec, mu_rows, mi_rows, W1, b1, W2, b2, W3, b3, Wo, bo):
    grid = (BATCH // BB,)
    row_spec = pl.BlockSpec((BB, NF), lambda i: (i, 0))
    full = lambda a: pl.BlockSpec(a.shape, lambda i: (0,) * a.ndim)
    return pl.pallas_call(
        _tc_mlp_body,
        grid=grid,
        in_specs=[row_spec, row_spec, row_spec,
                  full(W1), full(b1), full(W2), full(b2),
                  full(W3), full(b3), full(Wo), full(bo)],
        out_specs=pl.BlockSpec((BB, 1), lambda i: (i, 0)),
        out_shape=jax.ShapeDtypeStruct((BATCH, 1), jnp.float32),
        compiler_params=pltpu.CompilerParams(
            dimension_semantics=("arbitrary",)),
    )(gmf_vec, mu_rows, mi_rows, W1, b1, W2, b2, W3, b3, Wo, bo)


def kernel(user_ids, item_ids, gmf_user_emb, gmf_item_emb, mlp_user_emb,
           mlp_item_emb, W1, b1, W2, b2, W3, b3, Wo, bo):
    gu3 = gmf_user_emb.reshape(-1, 128)
    gi3 = gmf_item_emb.reshape(-1, 128)
    mu3 = mlp_user_emb.reshape(-1, 128)
    mi3 = mlp_item_emb.reshape(-1, 128)
    gmf_vec, mu_rows, mi_rows = _sc_gather(
        user_ids, item_ids, gu3, gi3, mu3, mi3)
    b1r = b1.reshape(1, -1)
    b2r = b2.reshape(1, -1)
    b3r = b3.reshape(1, -1)
    return _tc_mlp(gmf_vec, mu_rows, mi_rows, W1, b1r, W2, b2r, W3, b3r,
                   Wo, bor := bo.reshape(1, -1))

# --- scband reference (transcript-rebuilt; emitter-appended) ---
"""Pipeline reference for scband-neu-mf-56573309223636 (READ-ONLY COPY).

The authoritative reference and input builder live on the scoring server;
editing this copy changes nothing except your own understanding.
"""

import jax, jax.numpy as jnp
import numpy as np

N_USERS = 1000000
N_ITEMS = 100000
N_FACTORS = 32
LAYERS = [64, 32, 16, 8]
BATCH = 16384


def setup_inputs(seed: int = 0) -> dict:
    key = jax.random.key(seed)
    ks = jax.random.split(key, 14)
    user_ids = jax.random.randint(ks[0], (BATCH,), 0, N_USERS, dtype=jnp.int64 if jax.config.jax_enable_x64 else jnp.int32)
    item_ids = jax.random.randint(ks[1], (BATCH,), 0, N_ITEMS, dtype=jnp.int64 if jax.config.jax_enable_x64 else jnp.int32)
    half = LAYERS[0] // 2
    gmf_user_emb = jax.random.normal(ks[2], (N_USERS, N_FACTORS), jnp.float32) * 0.05
    gmf_item_emb = jax.random.normal(ks[3], (N_ITEMS, N_FACTORS), jnp.float32) * 0.05
    mlp_user_emb = jax.random.normal(ks[4], (N_USERS, half), jnp.float32) * 0.05
    mlp_item_emb = jax.random.normal(ks[5], (N_ITEMS, half), jnp.float32) * 0.05
    W1 = jax.random.normal(ks[6], (LAYERS[0], LAYERS[1]), jnp.float32) * 0.1
    b1 = jnp.zeros((LAYERS[1],), jnp.float32)
    W2 = jax.random.normal(ks[7], (LAYERS[1], LAYERS[2]), jnp.float32) * 0.1
    b2 = jnp.zeros((LAYERS[2],), jnp.float32)
    W3 = jax.random.normal(ks[8], (LAYERS[2], LAYERS[3]), jnp.float32) * 0.1
    b3 = jnp.zeros((LAYERS[3],), jnp.float32)
    Wo = jax.random.normal(ks[9], (N_FACTORS + LAYERS[-1], 1), jnp.float32) * 0.1
    bo = jnp.zeros((1,), jnp.float32)
    return {
        "user_ids": user_ids,
        "item_ids": item_ids,
        "gmf_user_emb": gmf_user_emb,
        "gmf_item_emb": gmf_item_emb,
        "mlp_user_emb": mlp_user_emb,
        "mlp_item_emb": mlp_item_emb,
        "W1": W1, "b1": b1,
        "W2": W2, "b2": b2,
        "W3": W3, "b3": b3,
        "Wo": Wo, "bo": bo,
    }


def reference(user_ids, item_ids, gmf_user_emb, gmf_item_emb, mlp_user_emb, mlp_item_emb,
              W1, b1, W2, b2, W3, b3, Wo, bo):
    # GMF branch: elementwise product of user/item embeddings
    gmf_user = jnp.take(gmf_user_emb, user_ids, axis=0)
    gmf_item = jnp.take(gmf_item_emb, item_ids, axis=0)
    gmf_vector = gmf_user * gmf_item
    # MLP branch: concat embeddings then MLP (dropout is identity at inference)
    mlp_user = jnp.take(mlp_user_emb, user_ids, axis=0)
    mlp_item = jnp.take(mlp_item_emb, item_ids, axis=0)
    h = jnp.concatenate([mlp_user, mlp_item], axis=-1)
    h = jax.nn.relu(h @ W1 + b1)
    h = jax.nn.relu(h @ W2 + b2)
    h = jax.nn.relu(h @ W3 + b3)
    concat_vector = jnp.concatenate([gmf_vector, h], axis=-1)
    out = concat_vector @ Wo + bo
    return jax.nn.sigmoid(out)

if __name__ == "__main__":
    import jax
    _d = setup_inputs()
    print(jax.jit(kernel)(*tuple(_d.values())))

</pallas_src>

<mosaic_0001>
#map = affine_map<(d0, d1) -> (0)>
#map1 = affine_map<(d0, d1) -> (0, 0)>
module attributes {stable_mosaic.version = 14 : i64} {
  func.func @_sc_gather_body(%arg0: i32, %arg1: i32, %arg2: memref<16384xi32, #tpu.memory_space<hbm>>, %arg3: memref<16384xi32, #tpu.memory_space<hbm>>, %arg4: memref<250000x128xf32, #tpu.memory_space<hbm>>, %arg5: memref<25000x128xf32, #tpu.memory_space<hbm>>, %arg6: memref<250000x128xf32, #tpu.memory_space<hbm>>, %arg7: memref<25000x128xf32, #tpu.memory_space<hbm>>, %arg8: memref<16384x32xf32, #tpu.memory_space<hbm>>, %arg9: memref<16384x32xf32, #tpu.memory_space<hbm>>, %arg10: memref<16384x32xf32, #tpu.memory_space<hbm>>, %arg11: memref<512xi32, #tpu.memory_space<vmem>>, %arg12: memref<512xi32, #tpu.memory_space<vmem>>, %arg13: memref<128x128xf32, #tpu.memory_space<vmem>>, %arg14: memref<128x128xf32, #tpu.memory_space<vmem>>, %arg15: memref<128x128xf32, #tpu.memory_space<vmem>>, %arg16: memref<128x128xf32, #tpu.memory_space<vmem>>, %arg17: memref<128x32xf32, #tpu.memory_space<vmem>>, %arg18: memref<128x32xf32, #tpu.memory_space<vmem>>, %arg19: memref<128x32xf32, #tpu.memory_space<vmem>>, %arg20: memref<!tpu.dma_semaphore, #tpu.memory_space<semaphore_mem>>) attributes {dimension_semantics = [#tpu.dimension_semantics<core_parallel>, #tpu.dimension_semantics<subcore_parallel>], iteration_bounds = array<i64: 2, 16>, scalar_prefetch = 0 : i64, scratch_operands = 10 : i64, tpu.core_type = #tpu.core_type<sc_vector_subcore>, window_params = [{transform_indices = #map}, {transform_indices = #map}, {transform_indices = #map1}, {transform_indices = #map1}, {transform_indices = #map1}, {transform_indices = #map1}, {transform_indices = #map1}, {transform_indices = #map1}, {transform_indices = #map1}]} {
    %mul3A = arith.constant 2 : i32
    %mul3A_0 = arith.muli %arg1, %mul3A : i32
    %add3A = arith.addi %mul3A_0, %arg0 : i32
    %mul3A_1 = arith.constant 512 : i32
    %mul3A_2 = arith.muli %add3A, %mul3A_1 : i32
    "tpu.region"() ({
      %run_scoped3A = tpu.sem_alloc : memref<!tpu.dma_semaphore, #tpu.memory_space<semaphore_mem>>
      %dma_start3A = tpu.memref_slice %arg2[%mul3A_2] : memref<16384xi32, #tpu.memory_space<hbm>> -> memref<512xi32, #tpu.memory_space<hbm>>
      %dma_start3A_8 = tpu.memref_slice %arg2[%mul3A_2] : memref<16384xi32, #tpu.memory_space<hbm>> -> memref<512xi32, #tpu.memory_space<hbm>>
      tpu.enqueue_dma source(%dma_start3A_8 : memref<512xi32, #tpu.memory_space<hbm>>) target(%arg11 : memref<512xi32, #tpu.memory_space<vmem>>) target_semaphore(%run_scoped3A : memref<!tpu.dma_semaphore, #tpu.memory_space<semaphore_mem>>)
      %dma_wait3A = tpu.memref_slice %arg2[%mul3A_2] : memref<16384xi32, #tpu.memory_space<hbm>> -> memref<512xi32, #tpu.memory_space<hbm>>
      %dma_wait3A_9 = tpu.memref_slice %arg2[%mul3A_2] : memref<16384xi32, #tpu.memory_space<hbm>> -> memref<512xi32, #tpu.memory_space<hbm>>
      tpu.wait_dma2 semaphore(%run_scoped3A : memref<!tpu.dma_semaphore, #tpu.memory_space<semaphore_mem>>) src(%dma_wait3A_9 : memref<512xi32, #tpu.memory_space<hbm>>) dst(%arg11 : memref<512xi32, #tpu.memory_space<vmem>>)
      tpu.yield
    }) : () -> ()
    "tpu.region"() ({
      %run_scoped3A = tpu.sem_alloc : memref<!tpu.dma_semaphore, #tpu.memory_space<semaphore_mem>>
      %dma_start3A = tpu.memref_slice %arg3[%mul3A_2] : memref<16384xi32, #tpu.memory_space<hbm>> -> memref<512xi32, #tpu.memory_space<hbm>>
      %dma_start3A_8 = tpu.memref_slice %arg3[%mul3A_2] : memref<16384xi32, #tpu.memory_space<hbm>> -> memref<512xi32, #tpu.memory_space<hbm>>
      tpu.enqueue_dma source(%dma_start3A_8 : memref<512xi32, #tpu.memory_space<hbm>>) target(%arg12 : memref<512xi32, #tpu.memory_space<vmem>>) target_semaphore(%run_scoped3A : memref<!tpu.dma_semaphore, #tpu.memory_space<semaphore_mem>>)
      %dma_wait3A = tpu.memref_slice %arg3[%mul3A_2] : memref<16384xi32, #tpu.memory_space<hbm>> -> memref<512xi32, #tpu.memory_space<hbm>>
      %dma_wait3A_9 = tpu.memref_slice %arg3[%mul3A_2] : memref<16384xi32, #tpu.memory_space<hbm>> -> memref<512xi32, #tpu.memory_space<hbm>>
      tpu.wait_dma2 semaphore(%run_scoped3A : memref<!tpu.dma_semaphore, #tpu.memory_space<semaphore_mem>>) src(%dma_wait3A_9 : memref<512xi32, #tpu.memory_space<hbm>>) dst(%arg12 : memref<512xi32, #tpu.memory_space<vmem>>)
      tpu.yield
    }) : () -> ()
    %scan3A = arith.constant 0 : i32
    %scan3A_3 = arith.constant 0 : i32
    %scan3A_4 = arith.constant 4 : i32
    %scan3A_5 = arith.addi %scan3A_3, %scan3A_4 : i32
    %scan3A_6 = arith.constant 1 : i32
    scf.for %scan3A_8 = %scan3A_3 to %scan3A_5 step %scan3A_6  : i32 {
      %mul3A_9 = arith.constant 128 : i32
      %mul3A_10 = arith.muli %scan3A_8, %mul3A_9 : i32
      %scan3A_11 = arith.constant 0 : i32
      %scan3A_12 = arith.constant 0 : i32
      %scan3A_13 = arith.constant 8 : i32
      %scan3A_14 = arith.addi %scan3A_12, %scan3A_13 : i32
      %scan3A_15 = arith.constant 1 : i32
      scf.for %scan3A_47 = %scan3A_12 to %scan3A_14 step %scan3A_15  : i32 {
        %mul3A_48 = arith.constant 16 : i32
        %mul3A_49 = arith.muli %scan3A_47, %mul3A_48 : i32
        %add3A_50 = arith.addi %mul3A_10, %mul3A_49 : i32
        %get3A = arith.index_cast %add3A_50 : i32 to index
        %get3A_51 = tpu.vector_load %arg11[%get3A] {strides = array<i32>} : memref<512xi32, #tpu.memory_space<vmem>>, vector<16xi32>,
        %get3A_52 = vector.shape_cast %get3A_51 : vector<16xi32> to vector<16xi32>
        %mul3A_53 = arith.constant 16 : i32
        %mul3A_54 = arith.muli %scan3A_47, %mul3A_53 : i32
        %add3A_55 = arith.addi %mul3A_10, %mul3A_54 : i32
        %get3A_56 = arith.index_cast %add3A_55 : i32 to index
        %get3A_57 = tpu.vector_load %arg12[%get3A_56] {strides = array<i32>} : memref<512xi32, #tpu.memory_space<vmem>>, vector<16xi32>,
        %get3A_58 = vector.shape_cast %get3A_57 : vector<16xi32> to vector<16xi32>
        %mul3A_59 = arith.constant 16 : i32
        %mul3A_60 = arith.muli %scan3A_47, %mul3A_59 : i32
        %add3A_61 = arith.constant 0 : i32
        %add3A_62 = arith.addi %mul3A_60, %add3A_61 : i32
        %slice3A = vector.extract_strided_slice %get3A_52 {offsets = [0], sizes = [1], strides = [1]} : vector<16xi32> to vector<1xi32>
        %squeeze3A = vector.extract %slice3A[0] : i32 from vector<1xi32>
        %shift_right_logical3A = arith.constant 2 : i32
        %shift_right_logical3A_63 = arith.shrui %squeeze3A, %shift_right_logical3A : i32
        %slice3A_64 = vector.extract_strided_slice %get3A_58 {offsets = [0], sizes = [1], strides = [1]} : vector<16xi32> to vector<1xi32>
        %squeeze3A_65 = vector.extract %slice3A_64[0] : i32 from vector<1xi32>
        %shift_right_logical3A_66 = arith.constant 2 : i32
        %shift_right_logical3A_67 = arith.shrui %squeeze3A_65, %shift_right_logical3A_66 : i32
        %dma_start3A = arith.constant 0 : i32
        %dma_start3A_68 = tpu.memref_slice %arg13[%add3A_62, %dma_start3A] : memref<128x128xf32, #tpu.memory_space<vmem>> -> memref<1x128xf32, #tpu.memory_space<vmem>>
        %dma_start3A_69 = tpu.memref_squeeze %dma_start3A_68 : memref<1x128xf32, #tpu.memory_space<vmem>> -> memref<128xf32, #tpu.memory_space<vmem>>
        %dma_start3A_70 = arith.constant 0 : i32
        %dma_start3A_71 = tpu.memref_slice %arg4[%shift_right_logical3A_63, %dma_start3A_70] : memref<250000x128xf32, #tpu.memory_space<hbm>> -> memref<1x128xf32, #tpu.memory_space<hbm>>
        %dma_start3A_72 = tpu.memref_squeeze %dma_start3A_71 : memref<1x128xf32, #tpu.memory_space<hbm>> -> memref<128xf32, #tpu.memory_space<hbm>>
        %dma_start3A_73 = arith.constant 0 : i32
        %dma_start3A_74 = tpu.memref_slice %arg13[%add3A_62, %dma_start3A_73] : memref<128x128xf32, #tpu.memory_space<vmem>> -> memref<1x128xf32, #tpu.memory_space<vmem>>
        %dma_start3A_75 = tpu.memref_squeeze %dma_start3A_74 : memref<1x128xf32, #tpu.memory_space<vmem>> -> memref<128xf32, #tpu.memory_space<vmem>>
        %dma_start3A_76 = arith.constant 0 : i32
        %dma_start3A_77 = tpu.memref_slice %arg4[%shift_right_logical3A_63, %dma_start3A_76] : memref<250000x128xf32, #tpu.memory_space<hbm>> -> memref<1x128xf32, #tpu.memory_space<hbm>>
        %dma_start3A_78 = tpu.memref_squeeze %dma_start3A_77 : memref<1x128xf32, #tpu.memory_space<hbm>> -> memref<128xf32, #tpu.memory_space<hbm>>
        tpu.enqueue_dma source(%dma_start3A_78 : memref<128xf32, #tpu.memory_space<hbm>>) target(%dma_start3A_75 : memref<128xf32, #tpu.memory_space<vmem>>) target_semaphore(%arg20 : memref<!tpu.dma_semaphore, #tpu.memory_space<semaphore_mem>>)
        %dma_start3A_79 = arith.constant 0 : i32
        %dma_start3A_80 = tpu.memref_slice %arg14[%add3A_62, %dma_start3A_79] : memref<128x128xf32, #tpu.memory_space<vmem>> -> memref<1x128xf32, #tpu.memory_space<vmem>>
        %dma_start3A_81 = tpu.memref_squeeze %dma_start3A_80 : memref<1x128xf32, #tpu.memory_space<vmem>> -> memref<128xf32, #tpu.memory_space<vmem>>
        %dma_start3A_82 = arith.constant 0 : i32
        %dma_start3A_83 = tpu.memref_slice %arg5[%shift_right_logical3A_67, %dma_start3A_82] : memref<25000x128xf32, #tpu.memory_space<hbm>> -> memref<1x128xf32, #tpu.memory_space<hbm>>
        %dma_start3A_84 = tpu.memref_squeeze %dma_start3A_83 : memref<1x128xf32, #tpu.memory_space<hbm>> -> memref<128xf32, #tpu.memory_space<hbm>>
        %dma_start3A_85 = arith.constant 0 : i32
        %dma_start3A_86 = tpu.memref_slice %arg14[%add3A_62, %dma_start3A_85] : memref<128x128xf32, #tpu.memory_space<vmem>> -> memref<1x128xf32, #tpu.memory_space<vmem>>
        %dma_start3A_87 = tpu.memref_squeeze %dma_start3A_86 : memref<1x128xf32, #tpu.memory_space<vmem>> -> memref<128xf32, #tpu.memory_space<vmem>>
        %dma_start3A_88 = arith.constant 0 : i32
        %dma_start3A_89 = tpu.memref_slice %arg5[%shift_right_logical3A_67, %dma_start3A_88] : memref<25000x128xf32, #tpu.memory_space<hbm>> -> memref<1x128xf32, #tpu.memory_space<hbm>>
        %dma_start3A_90 = tpu.memref_squeeze %dma_start3A_89 : memref<1x128xf32, #tpu.memory_space<hbm>> -> memref<128xf32, #tpu.memory_space<hbm>>
        tpu.enqueue_dma source(%dma_start3A_90 : memref<128xf32, #tpu.memory_space<hbm>>) target(%dma_start3A_87 : memref<128xf32, #tpu.memory_space<vmem>>) target_semaphore(%arg20 : memref<!tpu.dma_semaphore, #tpu.memory_space<semaphore_mem>>)
        %dma_start3A_91 = arith.constant 0 : i32
        %dma_start3A_92 = tpu.memref_slice %arg15[%add3A_62, %dma_start3A_91] : memref<128x128xf32, #tpu.memory_space<vmem>> -> memref<1x128xf32, #tpu.memory_space<vmem>>
        %dma_start3A_93 = tpu.memref_squeeze %dma_start3A_92 : memref<1x128xf32, #tpu.memory_space<vmem>> -> memref<128xf32, #tpu.memory_space<vmem>>
        %dma_start3A_94 = arith.constant 0 : i32
        %dma_start3A_95 = tpu.memref_slice %arg6[%shift_right_logical3A_63, %dma_start3A_94] : memref<250000x128xf32, #tpu.memory_space<hbm>> -> memref<1x128xf32, #tpu.memory_space<hbm>>
        %dma_start3A_96 = tpu.memref_squeeze %dma_start3A_95 : memref<1x128xf32, #tpu.memory_space<hbm>> -> memref<128xf32, #tpu.memory_space<hbm>>
        %dma_start3A_97 = arith.constant 0 : i32
        %dma_start3A_98 = tpu.memref_slice %arg15[%add3A_62, %dma_start3A_97] : memref<128x128xf32, #tpu.memory_space<vmem>> -> memref<1x128xf32, #tpu.memory_space<vmem>>
        %dma_start3A_99 = tpu.memref_squeeze %dma_start3A_98 : memref<1x128xf32, #tpu.memory_space<vmem>> -> memref<128xf32, #tpu.memory_space<vmem>>
        %dma_start3A_100 = arith.constant 0 : i32
        %dma_start3A_101 = tpu.memref_slice %arg6[%shift_right_logical3A_63, %dma_start3A_100] : memref<250000x128xf32, #tpu.memory_space<hbm>> -> memref<1x128xf32, #tpu.memory_space<hbm>>
        %dma_start3A_102 = tpu.memref_squeeze %dma_start3A_101 : memref<1x128xf32, #tpu.memory_space<hbm>> -> memref<128xf32, #tpu.memory_space<hbm>>
        tpu.enqueue_dma source(%dma_start3A_102 : memref<128xf32, #tpu.memory_space<hbm>>) target(%dma_start3A_99 : memref<128xf32, #tpu.memory_space<vmem>>) target_semaphore(%arg20 : memref<!tpu.dma_semaphore, #tpu.memory_space<semaphore_mem>>)
        %dma_start3A_103 = arith.constant 0 : i32
        %dma_start3A_104 = tpu.memref_slice %arg16[%add3A_62, %dma_start3A_103] : memref<128x128xf32, #tpu.memory_space<vmem>> -> memref<1x128xf32, #tpu.memory_space<vmem>>
        %dma_start3A_105 = tpu.memref_squeeze %dma_start3A_104 : memref<1x128xf32, #tpu.memory_space<vmem>> -> memref<128xf32, #tpu.memory_space<vmem>>
        %dma_start3A_106 = arith.constant 0 : i32
        %dma_start3A_107 = tpu.memref_slice %arg7[%shift_right_logical3A_67, %dma_start3A_106] : memref<25000x128xf32, #tpu.memory_space<hbm>> -> memref<1x128xf32, #tpu.memory_space<hbm>>
        %dma_start3A_108 = tpu.memref_squeeze %dma_start3A_107 : memref<1x128xf32, #tpu.memory_space<hbm>> -> memref<128xf32, #tpu.memory_space<hbm>>
        %dma_start3A_109 = arith.constant 0 : i32
        %dma_start3A_110 = tpu.memref_slice %arg16[%add3A_62, %dma_start3A_109] : memref<128x128xf32, #tpu.memory_space<vmem>> -> memref<1x128xf32, #tpu.memory_space<vmem>>
        %dma_start3A_111 = tpu.memref_squeeze %dma_start3A_110 : memref<1x128xf32, #tpu.memory_space<vmem>> -> memref<128xf32, #tpu.memory_space<vmem>>
        %dma_start3A_112 = arith.constant 0 : i32
        %dma_start3A_113 = tpu.memref_slice %arg7[%shift_right_logical3A_67, %dma_start3A_112] : memref<25000x128xf32, #tpu.memory_space<hbm>> -> memref<1x128xf32, #tpu.memory_space<hbm>>
        %dma_start3A_114 = tpu.memref_squeeze %dma_start3A_113 : memref<1x128xf32, #tpu.memory_space<hbm>> -> memref<128xf32, #tpu.memory_space<hbm>>
        tpu.enqueue_dma source(%dma_start3A_114 : memref<128xf32, #tpu.memory_space<hbm>>) target(%dma_start3A_111 : memref<128xf32, #tpu.memory_space<vmem>>) target_semaphore(%arg20 : memref<!tpu.dma_semaphore, #tpu.memory_space<semaphore_mem>>)
        %mul3A_115 = arith.constant 16 : i32
        %mul3A_116 = arith.muli %scan3A_47, %mul3A_115 : i32
        %add3A_117 = arith.constant 1 : i32
        %add3A_118 = arith.addi %mul3A_116, %add3A_117 : i32
        %slice3A_119 = vector.extract_strided_slice %get3A_52 {offsets = [1], sizes = [1], strides = [1]} : vector<16xi32> to vector<1xi32>
        %squeeze3A_120 = vector.extract %slice3A_119[0] : i32 from vector<1xi32>
        %shift_right_logical3A_121 = arith.constant 2 : i32
        %shift_right_logical3A_122 = arith.shrui %squeeze3A_120, %shift_right_logical3A_121 : i32
        %slice3A_123 = vector.extract_strided_slice %get3A_58 {offsets = [1], sizes = [1], strides = [1]} : vector<16xi32> to vector<1xi32>
        %squeeze3A_124 = vector.extract %slice3A_123[0] : i32 from vector<1xi32>
        %shift_right_logical3A_125 = arith.constant 2 : i32
        %shift_right_logical3A_126 = arith.shrui %squeeze3A_124, %shift_right_logical3A_125 : i32
        %dma_start3A_127 = arith.constant 0 : i32
        %dma_start3A_128 = tpu.memref_slice %arg13[%add3A_118, %dma_start3A_127] : memref<128x128xf32, #tpu.memory_space<vmem>> -> memref<1x128xf32, #tpu.memory_space<vmem>>
        %dma_start3A_129 = tpu.memref_squeeze %dma_start3A_128 : memref<1x128xf32, #tpu.memory_space<vmem>> -> memref<128xf32, #tpu.memory_space<vmem>>
        %dma_start3A_130 = arith.constant 0 : i32
        %dma_start3A_131 = tpu.memref_slice %arg4[%shift_right_logical3A_122, %dma_start3A_130] : memref<250000x128xf32, #tpu.memory_space<hbm>> -> memref<1x128xf32, #tpu.memory_space<hbm>>
        %dma_start3A_132 = tpu.memref_squeeze %dma_start3A_131 : memref<1x128xf32, #tpu.memory_space<hbm>> -> memref<128xf32, #tpu.memory_space<hbm>>
        %dma_start3A_133 = arith.constant 0 : i32
        %dma_start3A_134 = tpu.memref_slice %arg13[%add3A_118, %dma_start3A_133] : memref<128x128xf32, #tpu.memory_space<vmem>> -> memref<1x128xf32, #tpu.memory_space<vmem>>
        %dma_start3A_135 = tpu.memref_squeeze %dma_start3A_134 : memref<1x128xf32, #tpu.memory_space<vmem>> -> memref<128xf32, #tpu.memory_space<vmem>>
        %dma_start3A_136 = arith.constant 0 : i32
        %dma_start3A_137 = tpu.memref_slice %arg4[%shift_right_logical3A_122, %dma_start3A_136] : memref<250000x128xf32, #tpu.memory_space<hbm>> -> memref<1x128xf32, #tpu.memory_space<hbm>>
        %dma_start3A_138 = tpu.memref_squeeze %dma_start3A_137 : memref<1x128xf32, #tpu.memory_space<hbm>> -> memref<128xf32, #tpu.memory_space<hbm>>
        tpu.enqueue_dma source(%dma_start3A_138 : memref<128xf32, #tpu.memory_space<hbm>>) target(%dma_start3A_135 : memref<128xf32, #tpu.memory_space<vmem>>) target_semaphore(%arg20 : memref<!tpu.dma_semaphore, #tpu.memory_space<semaphore_mem>>)
        %dma_start3A_139 = arith.constant 0 : i32
        %dma_start3A_140 = tpu.memref_slice %arg14[%add3A_118, %dma_start3A_139] : memref<128x128xf32, #tpu.memory_space<vmem>> -> memref<1x128xf32, #tpu.memory_space<vmem>>
        %dma_start3A_141 = tpu.memref_squeeze %dma_start3A_140 : memref<1x128xf32, #tpu.memory_space<vmem>> -> memref<128xf32, #tpu.memory_space<vmem>>
        %dma_start3A_142 = arith.constant 0 : i32
        %dma_start3A_143 = tpu.memref_slice %arg5[%shift_right_logical3A_126, %dma_start3A_142] : memref<25000x128xf32, #tpu.memory_space<hbm>> -> memref<1x128xf32, #tpu.memory_space<hbm>>
        %dma_start3A_144 = tpu.memref_squeeze %dma_start3A_143 : memref<1x128xf32, #tpu.memory_space<hbm>> -> memref<128xf32, #tpu.memory_space<hbm>>
        %dma_start3A_145 = arith.constant 0 : i32
        %dma_start3A_146 = tpu.memref_slice %arg14[%add3A_118, %dma_start3A_145] : memref<128x128xf32, #tpu.memory_space<vmem>> -> memref<1x128xf32, #tpu.memory_space<vmem>>
        %dma_start3A_147 = tpu.memref_squeeze %dma_start3A_146 : memref<1x128xf32, #tpu.memory_space<vmem>> -> memref<128xf32, #tpu.memory_space<vmem>>
        %dma_start3A_148 = arith.constant 0 : i32
        %dma_start3A_149 = tpu.memref_slice %arg5[%shift_right_logical3A_126, %dma_start3A_148] : memref<25000x128xf32, #tpu.memory_space<hbm>> -> memref<1x128xf32, #tpu.memory_space<hbm>>
        %dma_start3A_150 = tpu.memref_squeeze %dma_start3A_149 : memref<1x128xf32, #tpu.memory_space<hbm>> -> memref<128xf32, #tpu.memory_space<hbm>>
        tpu.enqueue_dma source(%dma_start3A_150 : memref<128xf32, #tpu.memory_space<hbm>>) target(%dma_start3A_147 : memref<128xf32, #tpu.memory_space<vmem>>) target_semaphore(%arg20 : memref<!tpu.dma_semaphore, #tpu.memory_space<semaphore_mem>>)
        %dma_start3A_151 = arith.constant 0 : i32
        %dma_start3A_152 = tpu.memref_slice %arg15[%add3A_118, %dma_start3A_151] : memref<128x128xf32, #tpu.memory_space<vmem>> -> memref<1x128xf32, #tpu.memory_space<vmem>>
        %dma_start3A_153 = tpu.memref_squeeze %dma_start3A_152 : memref<1x128xf32, #tpu.memory_space<vmem>> -> memref<128xf32, #tpu.memory_space<vmem>>
        %dma_start3A_154 = arith.constant 0 : i32
        %dma_start3A_155 = tpu.memref_slice %arg6[%shift_right_logical3A_122, %dma_start3A_154] : memref<250000x128xf32, #tpu.memory_space<hbm>> -> memref<1x128xf32, #tpu.memory_space<hbm>>
        %dma_start3A_156 = tpu.memref_squeeze %dma_start3A_155 : memref<1x128xf32, #tpu.memory_space<hbm>> -> memref<128xf32, #tpu.memory_space<hbm>>
        %dma_start3A_157 = arith.constant 0 : i32
        %dma_start3A_158 = tpu.memref_slice %arg15[%add3A_118, %dma_start3A_157] : memref<128x128xf32, #tpu.memory_space<vmem>> -> memref<1x128xf32, #tpu.memory_space<vmem>>
        %dma_start3A_159 = tpu.memref_squeeze %dma_start3A_158 : memref<1x128xf32, #tpu.memory_space<vmem>> -> memref<128xf32, #tpu.memory_space<vmem>>
        %dma_start3A_160 = arith.constant 0 : i32
        %dma_start3A_161 = tpu.memref_slice %arg6[%shift_right_logical3A_122, %dma_start3A_160] : memref<250000x128xf32, #tpu.memory_space<hbm>> -> memref<1x128xf32, #tpu.memory_space<hbm>>
        %dma_start3A_162 = tpu.memref_squeeze %dma_start3A_161 : memref<1x128xf32, #tpu.memory_space<hbm>> -> memref<128xf32, #tpu.memory_space<hbm>>
        tpu.enqueue_dma source(%dma_start3A_162 : memref<128xf32, #tpu.memory_space<hbm>>) target(%dma_start3A_159 : memref<128xf32, #tpu.memory_space<vmem>>) target_semaphore(%arg20 : memref<!tpu.dma_semaphore, #tpu.memory_space<semaphore_mem>>)
        %dma_start3A_163 = arith.constant 0 : i32
        %dma_start3A_164 = tpu.memref_slice %arg16[%add3A_118, %dma_start3A_163] : memref<128x128xf32, #tpu.memory_space<vmem>> -> memref<1x128xf32, #tpu.memory_space<vmem>>
        %dma_start3A_165 = tpu.memref_squeeze %dma_start3A_164 : memref<1x128xf32, #tpu.memory_space<vmem>> -> memref<128xf32, #tpu.memory_space<vmem>>
        %dma_start3A_166 = arith.constant 0 : i32
        %dma_start3A_167 = tpu.memref_slice %arg7[%shift_right_logical3A_126, %dma_start3A_166] : memref<25000x128xf32, #tpu.memory_space<hbm>> -> memref<1x128xf32, #tpu.memory_space<hbm>>
        %dma_start3A_168 = tpu.memref_squeeze %dma_start3A_167 : memref<1x128xf32, #tpu.memory_space<hbm>> -> memref<128xf32, #tpu.memory_space<hbm>>
        %dma_start3A_169 = arith.constant 0 : i32
        %dma_start3A_170 = tpu.memref_slice %arg16[%add3A_118, %dma_start3A_169] : memref<128x128xf32, #tpu.memory_space<vmem>> -> memref<1x128xf32, #tpu.memory_space<vmem>>
        %dma_start3A_171 = tpu.memref_squeeze %dma_start3A_170 : memref<1x128xf32, #tpu.memory_space<vmem>> -> memref<128xf32, #tpu.memory_space<vmem>>
        %dma_start3A_172 = arith.constant 0 : i32
        %dma_start3A_173 = tpu.memref_slice %arg7[%shift_right_logical3A_126, %dma_start3A_172] : memref<25000x128xf32, #tpu.memory_space<hbm>> -> memref<1x128xf32, #tpu.memory_space<hbm>>
        %dma_start3A_174 = tpu.memref_squeeze %dma_start3A_173 : memref<1x128xf32, #tpu.memory_space<hbm>> -> memref<128xf32, #tpu.memory_space<hbm>>
        tpu.enqueue_dma source(%dma_start3A_174 : memref<128xf32, #tpu.memory_space<hbm>>) target(%dma_start3A_171 : memref<128xf32, #tpu.memory_space<vmem>>) target_semaphore(%arg20 : memref<!tpu.dma_semaphore, #tpu.memory_space<semaphore_mem>>)
        %mul3A_175 = arith.constant 16 : i32
        %mul3A_176 = arith.muli %scan3A_47, %mul3A_175 : i32
        %add3A_177 = arith.constant 2 : i32
        %add3A_178 = arith.addi %mul3A_176, %add3A_177 : i32
        %slice3A_179 = vector.extract_strided_slice %get3A_52 {offsets = [2], sizes = [1], strides = [1]} : vector<16xi32> to vector<1xi32>
        %squeeze3A_180 = vector.extract %slice3A_179[0] : i32 from vector<1xi32>
        %shift_right_logical3A_181 = arith.constant 2 : i32
        %shift_right_logical3A_182 = arith.shrui %squeeze3A_180, %shift_right_logical3A_181 : i32
        %slice3A_183 = vector.extract_strided_slice %get3A_58 {offsets = [2], sizes = [1], strides = [1]} : vector<16xi32> to vector<1xi32>
        %squeeze3A_184 = vector.extract %slice3A_183[0] : i32 from vector<1xi32>
        %shift_right_logical3A_185 = arith.constant 2 : i32
        %shift_right_logical3A_186 = arith.shrui %squeeze3A_184, %shift_right_logical3A_185 : i32
        %dma_start3A_187 = arith.constant 0 : i32
        %dma_start3A_188 = tpu.memref_slice %arg13[%add3A_178, %dma_start3A_187] : memref<128x128xf32, #tpu.memory_space<vmem>> -> memref<1x128xf32, #tpu.memory_space<vmem>>
        %dma_start3A_189 = tpu.memref_squeeze %dma_start3A_188 : memref<1x128xf32, #tpu.memory_space<vmem>> -> memref<128xf32, #tpu.memory_space<vmem>>
        %dma_start3A_190 = arith.constant 0 : i32
        %dma_start3A_191 = tpu.memref_slice %arg4[%shift_right_logical3A_182, %dma_start3A_190] : memref<250000x128xf32, #tpu.memory_space<hbm>> -> memref<1x128xf32, #tpu.memory_space<hbm>>
        %dma_start3A_192 = tpu.memref_squeeze %dma_start3A_191 : memref<1x128xf32, #tpu.memory_space<hbm>> -> memref<128xf32, #tpu.memory_space<hbm>>
        %dma_start3A_193 = arith.constant 0 : i32
        %dma_start3A_194 = tpu.memref_slice %arg13[%add3A_178, %dma_start3A_193] : memref<128x128xf32, #tpu.memory_space<vmem>> -> memref<1x128xf32, #tpu.memory_space<vmem>>
        %dma_start3A_195 = tpu.memref_squeeze %dma_start3A_194 : memref<1x128xf32, #tpu.memory_space<vmem>> -> memref<128xf32, #tpu.memory_space<vmem>>
        %dma_start3A_196 = arith.constant 0 : i32
        %dma_start3A_197 = tpu.memref_slice %arg4[%shift_right_logical3A_182, %dma_start3A_196] : memref<250000x128xf32, #tpu.memory_space<hbm>> -> memref<1x128xf32, #tpu.memory_space<hbm>>
        %dma_start3A_198 = tpu.memref_squeeze %dma_start3A_197 : memref<1x128xf32, #tpu.memory_space<hbm>> -> memref<128xf32, #tpu.memory_space<hbm>>
        tpu.enqueue_dma source(%dma_start3A_198 : memref<128xf32, #tpu.memory_space<hbm>>) target(%dma_start3A_195 : memref<128xf32, #tpu.memory_space<vmem>>) target_semaphore(%arg20 : memref<!tpu.dma_semaphore, #tpu.memory_space<semaphore_mem>>)
        %dma_start3A_199 = arith.constant 0 : i32
        %dma_start3A_200 = tpu.memref_slice %arg14[%add3A_178, %dma_start3A_199] : memref<128x128xf32, #tpu.memory_space<vmem>> -> memref<1x128xf32, #tpu.memory_space<vmem>>
        %dma_start3A_201 = tpu.memref_squeeze %dma_start3A_200 : memref<1x128xf32, #tpu.memory_space<vmem>> -> memref<128xf32, #tpu.memory_space<vmem>>
        %dma_start3A_202 = arith.constant 0 : i32
        %dma_start3A_203 = tpu.memref_slice %arg5[%shift_right_logical3A_186, %dma_start3A_202] : memref<25000x128xf32, #tpu.memory_space<hbm>> -> memref<1x128xf32, #tpu.memory_space<hbm>>
        %dma_start3A_204 = tpu.memref_squeeze %dma_start3A_203 : memref<1x128xf32, #tpu.memory_space<hbm>> -> memref<128xf32, #tpu.memory_space<hbm>>
        %dma_start3A_205 = arith.constant 0 : i32
        %dma_start3A_206 = tpu.memref_slice %arg14[%add3A_178, %dma_start3A_205] : memref<128x128xf32, #tpu.memory_space<vmem>> -> memref<1x128xf32, #tpu.memory_space<vmem>>
        %dma_start3A_207 = tpu.memref_squeeze %dma_start3A_206 : memref<1x128xf32, #tpu.memory_space<vmem>> -> memref<128xf32, #tpu.memory_space<vmem>>
        %dma_start3A_208 = arith.constant 0 : i32
        %dma_start3A_209 = tpu.memref_slice %arg5[%shift_right_logical3A_186, %dma_start3A_208] : memref<25000x128xf32, #tpu.memory_space<hbm>> -> memref<1x128xf32, #tpu.memory_space<hbm>>
        %dma_start3A_210 = tpu.memref_squeeze %dma_start3A_209 : memref<1x128xf32, #tpu.memory_space<hbm>> -> memref<128xf32, #tpu.memory_space<hbm>>
        tpu.enqueue_dma source(%dma_start3A_210 : memref<128xf32, #tpu.memory_space<hbm>>) target(%dma_start3A_207 : memref<128xf32, #tpu.memory_space<vmem>>) target_semaphore(%arg20 : memref<!tpu.dma_semaphore, #tpu.memory_space<semaphore_mem>>)
        %dma_start3A_211 = arith.constant 0 : i32
        %dma_start3A_212 = tpu.memref_slice %arg15[%add3A_178, %dma_start3A_211] : memref<128x128xf32, #tpu.memory_space<vmem>> -> memref<1x128xf32, #tpu.memory_space<vmem>>
        %dma_start3A_213 = tpu.memref_squeeze %dma_start3A_212 : memref<1x128xf32, #tpu.memory_space<vmem>> -> memref<128xf32, #tpu.memory_space<vmem>>
        %dma_start3A_214 = arith.constant 0 : i32
        %dma_start3A_215 = tpu.memref_slice %arg6[%shift_right_logical3A_182, %dma_start3A_214] : memref<250000x128xf32, #tpu.memory_space<hbm>> -> memref<1x128xf32, #tpu.memory_space<hbm>>
        %dma_start3A_216 = tpu.memref_squeeze %dma_start3A_215 : memref<1x128xf32, #tpu.memory_space<hbm>> -> memref<128xf32, #tpu.memory_space<hbm>>
        %dma_start3A_217 = arith.constant 0 : i32
        %dma_start3A_218 = tpu.memref_slice %arg15[%add3A_178, %dma_start3A_217] : memref<128x128xf32, #tpu.memory_space<vmem>> -> memref<1x128xf32, #tpu.memory_space<vmem>>
        %dma_start3A_219 = tpu.memref_squeeze %dma_start3A_218 : memref<1x128xf32, #tpu.memory_space<vmem>> -> memref<128xf32, #tpu.memory_space<vmem>>
        %dma_start3A_220 = arith.constant 0 : i32
        %dma_start3A_221 = tpu.memref_slice %arg6[%shift_right_logical3A_182, %dma_start3A_220] : memref<250000x128xf32, #tpu.memory_space<hbm>> -> memref<1x128xf32, #tpu.memory_space<hbm>>
        %dma_start3A_222 = tpu.memref_squeeze %dma_start3A_221 : memref<1x128xf32, #tpu.memory_space<hbm>> -> memref<128xf32, #tpu.memory_space<hbm>>
        tpu.enqueue_dma source(%dma_start3A_222 : memref<128xf32, #tpu.memory_space<hbm>>) target(%dma_start3A_219 : memref<128xf32, #tpu.memory_space<vmem>>) target_semaphore(%arg20 : memref<!tpu.dma_semaphore, #tpu.memory_space<semaphore_mem>>)
        %dma_start3A_223 = arith.constant 0 : i32
        %dma_start3A_224 = tpu.memref_slice %arg16[%add3A_178, %dma_start3A_223] : memref<128x128xf32, #tpu.memory_space<vmem>> -> memref<1x128xf32, #tpu.memory_space<vmem>>
        %dma_start3A_225 = tpu.memref_squeeze %dma_start3A_224 : memref<1x128xf32, #tpu.memory_space<vmem>> -> memref<128xf32, #tpu.memory_space<vmem>>
        %dma_start3A_226 = arith.constant 0 : i32
        %dma_start3A_227 = tpu.memref_slice %arg7[%shift_right_logical3A_186, %dma_start3A_226] : memref<25000x128xf32, #tpu.memory_space<hbm>> -> memref<1x128xf32, #tpu.memory_space<hbm>>
        %dma_start3A_228 = tpu.memref_squeeze %dma_start3A_227 : memref<1x128xf32, #tpu.memory_space<hbm>> -> memref<128xf32, #tpu.memory_space<hbm>>
        %dma_start3A_229 = arith.constant 0 : i32
        %dma_start3A_230 = tpu.memref_slice %arg16[%add3A_178, %dma_start3A_229] : memref<128x128xf32, #tpu.memory_space<vmem>> -> memref<1x128xf32, #tpu.memory_space<vmem>>
        %dma_start3A_231 = tpu.memref_squeeze %dma_start3A_230 : memref<1x128xf32, #tpu.memory_space<vmem>> -> memref<128xf32, #tpu.memory_space<vmem>>
        %dma_start3A_232 = arith.constant 0 : i32
        %dma_start3A_233 = tpu.memref_slice %arg7[%shift_right_logical3A_186, %dma_start3A_232] : memref<25000x128xf32, #tpu.memory_space<hbm>> -> memref<1x128xf32, #tpu.memory_space<hbm>>
        %dma_start3A_234 = tpu.memref_squeeze %dma_start3A_233 : memref<1x128xf32, #tpu.memory_space<hbm>> -> memref<128xf32, #tpu.memory_space<hbm>>
        tpu.enqueue_dma source(%dma_start3A_234 : memref<128xf32, #tpu.memory_space<hbm>>) target(%dma_start3A_231 : memref<128xf32, #tpu.memory_space<vmem>>) target_semaphore(%arg20 : memref<!tpu.dma_semaphore, #tpu.memory_space<semaphore_mem>>)
        %mul3A_235 = arith.constant 16 : i32
        %mul3A_236 = arith.muli %scan3A_47, %mul3A_235 : i32
        %add3A_237 = arith.constant 3 : i32
        %add3A_238 = arith.addi %mul3A_236, %add3A_237 : i32
        %slice3A_239 = vector.extract_strided_slice %get3A_52 {offsets = [3], sizes = [1], strides = [1]} : vector<16xi32> to vector<1xi32>
        %squeeze3A_240 = vector.extract %slice3A_239[0] : i32 from vector<1xi32>
        %shift_right_logical3A_241 = arith.constant 2 : i32
        %shift_right_logical3A_242 = arith.shrui %squeeze3A_240, %shift_right_logical3A_241 : i32
        %slice3A_243 = vector.extract_strided_slice %get3A_58 {offsets = [3], sizes = [1], strides = [1]} : vector<16xi32> to vector<1xi32>
        %squeeze3A_244 = vector.extract %slice3A_243[0] : i32 from vector<1xi32>
        %shift_right_logical3A_245 = arith.constant 2 : i32
        %shift_right_logical3A_246 = arith.shrui %squeeze3A_244, %shift_right_logical3A_245 : i32
        %dma_start3A_247 = arith.constant 0 : i32
        %dma_start3A_248 = tpu.memref_slice %arg13[%add3A_238, %dma_start3A_247] : memref<128x128xf32, #tpu.memory_space<vmem>> -> memref<1x128xf32, #tpu.memory_space<vmem>>
        %dma_start3A_249 = tpu.memref_squeeze %dma_start3A_248 : memref<1x128xf32, #tpu.memory_space<vmem>> -> memref<128xf32, #tpu.memory_space<vmem>>
        %dma_start3A_250 = arith.constant 0 : i32
        %dma_start3A_251 = tpu.memref_slice %arg4[%shift_right_logical3A_242, %dma_start3A_250] : memref<250000x128xf32, #tpu.memory_space<hbm>> -> memref<1x128xf32, #tpu.memory_space<hbm>>
        %dma_start3A_252 = tpu.memref_squeeze %dma_start3A_251 : memref<1x128xf32, #tpu.memory_space<hbm>> -> memref<128xf32, #tpu.memory_space<hbm>>
        %dma_start3A_253 = arith.constant 0 : i32
        %dma_start3A_254 = tpu.memref_slice %arg13[%add3A_238, %dma_start3A_253] : memref<128x128xf32, #tpu.memory_space<vmem>> -> memref<1x128xf32, #tpu.memory_space<vmem>>
        %dma_start3A_255 = tpu.memref_squeeze %dma_start3A_254 : memref<1x128xf32, #tpu.memory_space<vmem>> -> memref<128xf32, #tpu.memory_space<vmem>>
        %dma_start3A_256 = arith.constant 0 : i32
        %dma_start3A_257 = tpu.memref_slice %arg4[%shift_right_logical3A_242, %dma_start3A_256] : memref<250000x128xf32, #tpu.memory_space<hbm>> -> memref<1x128xf32, #tpu.memory_space<hbm>>
        %dma_start3A_258 = tpu.memref_squeeze %dma_start3A_257 : memref<1x128xf32, #tpu.memory_space<hbm>> -> memref<128xf32, #tpu.memory_space<hbm>>
        tpu.enqueue_dma source(%dma_start3A_258 : memref<128xf32, #tpu.memory_space<hbm>>) target(%dma_start3A_255 : memref<128xf32, #tpu.memory_space<vmem>>) target_semaphore(%arg20 : memref<!tpu.dma_semaphore, #tpu.memory_space<semaphore_mem>>)
        %dma_start3A_259 = arith.constant 0 : i32
        %dma_start3A_260 = tpu.memref_slice %arg14[%add3A_238, %dma_start3A_259] : memref<128x128xf32, #tpu.memory_space<vmem>> -> memref<1x128xf32, #tpu.memory_space<vmem>>
        %dma_start3A_261 = tpu.memref_squeeze %dma_start3A_260 : memref<1x128xf32, #tpu.memory_space<vmem>> -> memref<128xf32, #tpu.memory_space<vmem>>
        %dma_start3A_262 = arith.constant 0 : i32
        %dma_start3A_263 = tpu.memref_slice %arg5[%shift_right_logical3A_246, %dma_start3A_262] : memref<25000x128xf32, #tpu.memory_space<hbm>> -> memref<1x128xf32, #tpu.memory_space<hbm>>
        %dma_start3A_264 = tpu.memref_squeeze %dma_start3A_263 : memref<1x128xf32, #tpu.memory_space<hbm>> -> memref<128xf32, #tpu.memory_space<hbm>>
        %dma_start3A_265 = arith.constant 0 : i32
        %dma_start3A_266 = tpu.memref_slice %arg14[%add3A_238, %dma_start3A_265] : memref<128x128xf32, #tpu.memory_space<vmem>> -> memref<1x128xf32, #tpu.memory_space<vmem>>
        %dma_start3A_267 = tpu.memref_squeeze %dma_start3A_266 : memref<1x128xf32, #tpu.memory_space<vmem>> -> memref<128xf32, #tpu.memory_space<vmem>>
        %dma_start3A_268 = arith.constant 0 : i32
        %dma_start3A_269 = tpu.memref_slice %arg5[%shift_right_logical3A_246, %dma_start3A_268] : memref<25000x128xf32, #tpu.memory_space<hbm>> -> memref<1x128xf32, #tpu.memory_space<hbm>>
        %dma_start3A_270 = tpu.memref_squeeze %dma_start3A_269 : memref<1x128xf32, #tpu.memory_space<hbm>> -> memref<128xf32, #tpu.memory_space<hbm>>
        tpu.enqueue_dma source(%dma_start3A_270 : memref<128xf32, #tpu.memory_space<hbm>>) target(%dma_start3A_267 : memref<128xf32, #tpu.memory_space<vmem>>) target_semaphore(%arg20 : memref<!tpu.dma_semaphore, #tpu.memory_space<semaphore_mem>>)
        %dma_start3A_271 = arith.constant 0 : i32
        %dma_start3A_272 = tpu.memref_slice %arg15[%add3A_238, %dma_start3A_271] : memref<128x128xf32, #tpu.memory_space<vmem>> -> memref<1x128xf32, #tpu.memory_space<vmem>>
        %dma_start3A_273 = tpu.memref_squeeze %dma_start3A_272 : memref<1x128xf32, #tpu.memory_space<vmem>> -> memref<128xf32, #tpu.memory_space<vmem>>
        %dma_start3A_274 = arith.constant 0 : i32
        %dma_start3A_275 = tpu.memref_slice %arg6[%shift_right_logical3A_242, %dma_start3A_274] : memref<250000x128xf32, #tpu.memory_space<hbm>> -> memref<1x128xf32, #tpu.memory_space<hbm>>
        %dma_start3A_276 = tpu.memref_squeeze %dma_start3A_275 : memref<1x128xf32, #tpu.memory_space<hbm>> -> memref<128xf32, #tpu.memory_space<hbm>>
        %dma_start3A_277 = arith.constant 0 : i32
        %dma_start3A_278 = tpu.memref_slice %arg15[%add3A_238, %dma_start3A_277] : memref<128x128xf32, #tpu.memory_space<vmem>> -> memref<1x128xf32, #tpu.memory_space<vmem>>
        %dma_start3A_279 = tpu.memref_squeeze %dma_start3A_278 : memref<1x128xf32, #tpu.memory_space<vmem>> -> memref<128xf32, #tpu.memory_space<vmem>>
        %dma_start3A_280 = arith.constant 0 : i32
        %dma_start3A_281 = tpu.memref_slice %arg6[%shift_right_logical3A_242, %dma_start3A_280] : memref<250000x128xf32, #tpu.memory_space<hbm>> -> memref<1x128xf32, #tpu.memory_space<hbm>>
        %dma_start3A_282 = tpu.memref_squeeze %dma_start3A_281 : memref<1x128xf32, #tpu.memory_space<hbm>> -> memref<128xf32, #tpu.memory_space<hbm>>
        tpu.enqueue_dma source(%dma_start3A_282 : memref<128xf32, #tpu.memory_space<hbm>>) target(%dma_start3A_279 : memref<128xf32, #tpu.memory_space<vmem>>) target_semaphore(%arg20 : memref<!tpu.dma_semaphore, #tpu.memory_space<semaphore_mem>>)
        %dma_start3A_283 = arith.constant 0 : i32
        %dma_start3A_284 = tpu.memref_slice %arg16[%add3A_238, %dma_start3A_283] : memref<128x128xf32, #tpu.memory_space<vmem>> -> memref<1x128xf32, #tpu.memory_space<vmem>>
        %dma_start3A_285 = tpu.memref_squeeze %dma_start3A_284 : memref<1x128xf32, #tpu.memory_space<vmem>> -> memref<128xf32, #tpu.memory_space<vmem>>
        %dma_start3A_286 = arith.constant 0 : i32
        %dma_start3A_287 = tpu.memref_slice %arg7[%shift_right_logical3A_246, %dma_start3A_286] : memref<25000x128xf32, #tpu.memory_space<hbm>> -> memref<1x128xf32, #tpu.memory_space<hbm>>
        %dma_start3A_288 = tpu.memref_squeeze %dma_start3A_287 : memref<1x128xf32, #tpu.memory_space<hbm>> -> memref<128xf32, #tpu.memory_space<hbm>>
        %dma_start3A_289 = arith.constant 0 : i32
        %dma_start3A_290 = tpu.memref_slice %arg16[%add3A_238, %dma_start3A_289] : memref<128x128xf32, #tpu.memory_space<vmem>> -> memref<1x128xf32, #tpu.memory_space<vmem>>
        %dma_start3A_291 = tpu.memref_squeeze %dma_start3A_290 : memref<1x128xf32, #tpu.memory_space<vmem>> -> memref<128xf32, #tpu.memory_space<vmem>>
        %dma_start3A_292 = arith.constant 0 : i32
        %dma_start3A_293 = tpu.memref_slice %arg7[%shift_right_logical3A_246, %dma_start3A_292] : memref<25000x128xf32, #tpu.memory_space<hbm>> -> memref<1x128xf32, #tpu.memory_space<hbm>>
        %dma_start3A_294 = tpu.memref_squeeze %dma_start3A_293 : memref<1x128xf32, #tpu.memory_space<hbm>> -> memref<128xf32, #tpu.memory_space<hbm>>
        tpu.enqueue_dma source(%dma_start3A_294 : memref<128xf32, #tpu.memory_space<hbm>>) target(%dma_start3A_291 : memref<128xf32, #tpu.memory_space<vmem>>) target_semaphore(%arg20 : memref<!tpu.dma_semaphore, #tpu.memory_space<semaphore_mem>>)
        %mul3A_295 = arith.constant 16 : i32
        %mul3A_296 = arith.muli %scan3A_47, %mul3A_295 : i32
        %add3A_297 = arith.constant 4 : i32
        %add3A_298 = arith.addi %mul3A_296, %add3A_297 : i32
        %slice3A_299 = vector.extract_strided_slice %get3A_52 {offsets = [4], sizes = [1], strides = [1]} : vector<16xi32> to vector<1xi32>
        %squeeze3A_300 = vector.extract %slice3A_299[0] : i32 from vector<1xi32>
        %shift_right_logical3A_301 = arith.constant 2 : i32
        %shift_right_logical3A_302 = arith.shrui %squeeze3A_300, %shift_right_logical3A_301 : i32
        %slice3A_303 = vector.extract_strided_slice %get3A_58 {offsets = [4], sizes = [1], strides = [1]} : vector<16xi32> to vector<1xi32>
        %squeeze3A_304 = vector.extract %slice3A_303[0] : i32 from vector<1xi32>
        %shift_right_logical3A_305 = arith.constant 2 : i32
        %shift_right_logical3A_306 = arith.shrui %squeeze3A_304, %shift_right_logical3A_305 : i32
        %dma_start3A_307 = arith.constant 0 : i32
        %dma_start3A_308 = tpu.memref_slice %arg13[%add3A_298, %dma_start3A_307] : memref<128x128xf32, #tpu.memory_space<vmem>> -> memref<1x128xf32, #tpu.memory_space<vmem>>
        %dma_start3A_309 = tpu.memref_squeeze %dma_start3A_308 : memref<1x128xf32, #tpu.memory_space<vmem>> -> memref<128xf32, #tpu.memory_space<vmem>>
        %dma_start3A_310 = arith.constant 0 : i32
        %dma_start3A_311 = tpu.memref_slice %arg4[%shift_right_logical3A_302, %dma_start3A_310] : memref<250000x128xf32, #tpu.memory_space<hbm>> -> memref<1x128xf32, #tpu.memory_space<hbm>>
        %dma_start3A_312 = tpu.memref_squeeze %dma_start3A_311 : memref<1x128xf32, #tpu.memory_space<hbm>> -> memref<128xf32, #tpu.memory_space<hbm>>
        %dma_start3A_313 = arith.constant 0 : i32
        %dma_start3A_314 = tpu.memref_slice %arg13[%add3A_298, %dma_start3A_313] : memref<128x128xf32, #tpu.memory_space<vmem>> -> memref<1x128xf32, #tpu.memory_space<vmem>>
        %dma_start3A_315 = tpu.memref_squeeze %dma_start3A_314 : memref<1x128xf32, #tpu.memory_space<vmem>> -> memref<128xf32, #tpu.memory_space<vmem>>
        %dma_start3A_316 = arith.constant 0 : i32
        %dma_start3A_317 = tpu.memref_slice %arg4[%shift_right_logical3A_302, %dma_start3A_316] : memref<250000x128xf32, #tpu.memory_space<hbm>> -> memref<1x128xf32, #tpu.memory_space<hbm>>
        %dma_start3A_318 = tpu.memref_squeeze %dma_start3A_317 : memref<1x128xf32, #tpu.memory_space<hbm>> -> memref<128xf32, #tpu.memory_space<hbm>>
        tpu.enqueue_dma source(%dma_start3A_318 : memref<128xf32, #tpu.memory_space<hbm>>) target(%dma_start3A_315 : memref<128xf32, #tpu.memory_space<vmem>>) target_semaphore(%arg20 : memref<!tpu.dma_semaphore, #tpu.memory_space<semaphore_mem>>)
        %dma_start3A_319 = arith.constant 0 : i32
        %dma_start3A_320 = tpu.memref_slice %arg14[%add3A_298, %dma_start3A_319] : memref<128x128xf32, #tpu.memory_space<vmem>> -> memref<1x128xf32, #tpu.memory_space<vmem>>
        %dma_start3A_321 = tpu.memref_squeeze %dma_start3A_320 : memref<1x128xf32, #tpu.memory_space<vmem>> -> memref<128xf32, #tpu.memory_space<vmem>>
        %dma_start3A_322 = arith.constant 0 : i32
        %dma_start3A_323 = tpu.memref_slice %arg5[%shift_right_logical3A_306, %dma_start3A_322] : memref<25000x128xf32, #tpu.memory_space<hbm>> -> memref<1x128xf32, #tpu.memory_space<hbm>>
        %dma_start3A_324 = tpu.memref_squeeze %dma_start3A_323 : memref<1x128xf32, #tpu.memory_space<hbm>> -> memref<128xf32, #tpu.memory_space<hbm>>
        %dma_start3A_325 = arith.constant 0 : i32
        %dma_start3A_326 = tpu.memref_slice %arg14[%add3A_298, %dma_start3A_325] : memref<128x128xf32, #tpu.memory_space<vmem>> -> memref<1x128xf32, #tpu.memory_space<vmem>>
        %dma_start3A_327 = tpu.memref_squeeze %dma_start3A_326 : memref<1x128xf32, #tpu.memory_space<vmem>> -> memref<128xf32, #tpu.memory_space<vmem>>
        %dma_start3A_328 = arith.constant 0 : i32
        %dma_start3A_329 = tpu.memref_slice %arg5[%shift_right_logical3A_306, %dma_start3A_328] : memref<25000x128xf32, #tpu.memory_space<hbm>> -> memref<1x128xf32, #tpu.memory_space<hbm>>
        %dma_start3A_330 = tpu.memref_squeeze %dma_start3A_329 : memref<1x128xf32, #tpu.memory_space<hbm>> -> memref<128xf32, #tpu.memory_space<hbm>>
        tpu.enqueue_dma source(%dma_start3A_330 : memref<128xf32, #tpu.memory_space<hbm>>) target(%dma_start3A_327 : memref<128xf32, #tpu.memory_space<vmem>>) target_semaphore(%arg20 : memref<!tpu.dma_semaphore, #tpu.memory_space<semaphore_mem>>)
        %dma_start3A_331 = arith.constant 0 : i32
        %dma_start3A_332 = tpu.memref_slice %arg15[%add3A_298, %dma_start3A_331] : memref<128x128xf32, #tpu.memory_space<vmem>> -> memref<1x128xf32, #tpu.memory_space<vmem>>
        %dma_start3A_333 = tpu.memref_squeeze %dma_start3A_332 : memref<1x128xf32, #tpu.memory_space<vmem>> -> memref<128xf32, #tpu.memory_space<vmem>>
        %dma_start3A_334 = arith.constant 0 : i32
        %dma_start3A_335 = tpu.memref_slice %arg6[%shift_right_logical3A_302, %dma_start3A_334] : memref<250000x128xf32, #tpu.memory_space<hbm>> -> memref<1x128xf32, #tpu.memory_space<hbm>>
        %dma_start3A_336 = tpu.memref_squeeze %dma_start3A_335 : memref<1x128xf32, #tpu.memory_space<hbm>> -> memref<128xf32, #tpu.memory_space<hbm>>
        %dma_start3A_337 = arith.constant 0 : i32
        %dma_start3A_338 = tpu.memref_slice %arg15[%add3A_298, %dma_start3A_337] : memref<128x128xf32, #tpu.memory_space<vmem>> -> memref<1x128xf32, #tpu.memory_space<vmem>>
        %dma_start3A_339 = tpu.memref_squeeze %dma_start3A_338 : memref<1x128xf32, #tpu.memory_space<vmem>> -> memref<128xf32, #tpu.memory_space<vmem>>
        %dma_start3A_340 = arith.constant 0 : i32
        %dma_start3A_341 = tpu.memref_slice %arg6[%shift_right_logical3A_302, %dma_start3A_340] : memref<250000x128xf32, #tpu.memory_space<hbm>> -> memref<1x128xf32, #tpu.memory_space<hbm>>
        %dma_start3A_342 = tpu.memref_squeeze %dma_start3A_341 : memref<1x128xf32, #tpu.memory_space<hbm>> -> memref<128xf32, #tpu.memory_space<hbm>>
        tpu.enqueue_dma source(%dma_start3A_342 : memref<128xf32, #tpu.memory_space<hbm>>) target(%dma_start3A_339 : memref<128xf32, #tpu.memory_space<vmem>>) target_semaphore(%arg20 : memref<!tpu.dma_semaphore, #tpu.memory_space<semaphore_mem>>)
        %dma_start3A_343 = arith.constant 0 : i32
        %dma_start3A_344 = tpu.memref_slice %arg16[%add3A_298, %dma_start3A_343] : memref<128x128xf32, #tpu.memory_space<vmem>> -> memref<1x128xf32, #tpu.memory_space<vmem>>
        %dma_start3A_345 = tpu.memref_squeeze %dma_start3A_344 : memref<1x128xf32, #tpu.memory_space<vmem>> -> memref<128xf32, #tpu.memory_space<vmem>>
        %dma_start3A_346 = arith.constant 0 : i32
        %dma_start3A_347 = tpu.memref_slice %arg7[%shift_right_logical3A_306, %dma_start3A_346] : memref<25000x128xf32, #tpu.memory_space<hbm>> -> memref<1x128xf32, #tpu.memory_space<hbm>>
        %dma_start3A_348 = tpu.memref_squeeze %dma_start3A_347 : memref<1x128xf32, #tpu.memory_space<hbm>> -> memref<128xf32, #tpu.memory_space<hbm>>
        %dma_start3A_349 = arith.constant 0 : i32
        %dma_start3A_350 = tpu.memref_slice %arg16[%add3A_298, %dma_start3A_349] : memref<128x128xf32, #tpu.memory_space<vmem>> -> memref<1x128xf32, #tpu.memory_space<vmem>>
        %dma_start3A_351 = tpu.memref_squeeze %dma_start3A_350 : memref<1x128xf32, #tpu.memory_space<vmem>> -> memref<128xf32, #tpu.memory_space<vmem>>
        %dma_start3A_352 = arith.constant 0 : i32
        %dma_start3A_353 = tpu.memref_slice %arg7[%shift_right_logical3A_306, %dma_start3A_352] : memref<25000x128xf32, #tpu.memory_space<hbm>> -> memref<1x128xf32, #tpu.memory_space<hbm>>
        %dma_start3A_354 = tpu.memref_squeeze %dma_start3A_353 : memref<1x128xf32, #tpu.memory_space<hbm>> -> memref<128xf32, #tpu.memory_space<hbm>>
        tpu.enqueue_dma source(%dma_start3A_354 : memref<128xf32, #tpu.memory_space<hbm>>) target(%dma_start3A_351 : memref<128xf32, #tpu.memory_space<vmem>>) target_semaphore(%arg20 : memref<!tpu.dma_semaphore, #tpu.memory_space<semaphore_mem>>)
        %mul3A_355 = arith.constant 16 : i32
        %mul3A_356 = arith.muli %scan3A_47, %mul3A_355 : i32
        %add3A_357 = arith.constant 5 : i32
        %add3A_358 = arith.addi %mul3A_356, %add3A_357 : i32
        %slice3A_359 = vector.extract_strided_slice %get3A_52 {offsets = [5], sizes = [1], strides = [1]} : vector<16xi32> to vector<1xi32>
        %squeeze3A_360 = vector.extract %slice3A_359[0] : i32 from vector<1xi32>
        %shift_right_logical3A_361 = arith.constant 2 : i32
        %shift_right_logical3A_362 = arith.shrui %squeeze3A_360, %shift_right_logical3A_361 : i32
        %slice3A_363 = vector.extract_strided_slice %get3A_58 {offsets = [5], sizes = [1], strides = [1]} : vector<16xi32> to vector<1xi32>
        %squeeze3A_364 = vector.extract %slice3A_363[0] : i32 from vector<1xi32>
        %shift_right_logical3A_365 = arith.constant 2 : i32
        %shift_right_logical3A_366 = arith.shrui %squeeze3A_364, %shift_right_logical3A_365 : i32
        %dma_start3A_367 = arith.constant 0 : i32
        %dma_start3A_368 = tpu.memref_slice %arg13[%add3A_358, %dma_start3A_367] : memref<128x128xf32, #tpu.memory_space<vmem>> -> memref<1x128xf32, #tpu.memory_space<vmem>>
        %dma_start3A_369 = tpu.memref_squeeze %dma_start3A_368 : memref<1x128xf32, #tpu.memory_space<vmem>> -> memref<128xf32, #tpu.memory_space<vmem>>
        %dma_start3A_370 = arith.constant 0 : i32
        %dma_start3A_371 = tpu.memref_slice %arg4[%shift_right_logical3A_362, %dma_start3A_370] : memref<250000x128xf32, #tpu.memory_space<hbm>> -> memref<1x128xf32, #tpu.memory_space<hbm>>
        %dma_start3A_372 = tpu.memref_squeeze %dma_start3A_371 : memref<1x128xf32, #tpu.memory_space<hbm>> -> memref<128xf32, #tpu.memory_space<hbm>>
        %dma_start3A_373 = arith.constant 0 : i32
        %dma_start3A_374 = tpu.memref_slice %arg13[%add3A_358, %dma_start3A_373] : memref<128x128xf32, #tpu.memory_space<vmem>> -> memref<1x128xf32, #tpu.memory_space<vmem>>
        %dma_start3A_375 = tpu.memref_squeeze %dma_start3A_374 : memref<1x128xf32, #tpu.memory_space<vmem>> -> memref<128xf32, #tpu.memory_space<vmem>>
        %dma_start3A_376 = arith.constant 0 : i32
        %dma_start3A_377 = tpu.memref_slice %arg4[%shift_right_logical3A_362, %dma_start3A_376] : memref<250000x128xf32, #tpu.memory_space<hbm>> -> memref<1x128xf32, #tpu.memory_space<hbm>>
        %dma_start3A_378 = tpu.memref_squeeze %dma_start3A_377 : memref<1x128xf32, #tpu.memory_space<hbm>> -> memref<128xf32, #tpu.memory_space<hbm>>
        tpu.enqueue_dma source(%dma_start3A_378 : memref<128xf32, #tpu.memory_space<hbm>>) target(%dma_start3A_375 : memref<128xf32, #tpu.memory_space<vmem>>) target_semaphore(%arg20 : memref<!tpu.dma_semaphore, #tpu.memory_space<semaphore_mem>>)
        %dma_start3A_379 = arith.constant 0 : i32
        %dma_start3A_380 = tpu.memref_slice %arg14[%add3A_358, %dma_start3A_379] : memref<128x128xf32, #tpu.memory_space<vmem>> -> memref<1x128xf32, #tpu.memory_space<vmem>>
        %dma_start3A_381 = tpu.memref_squeeze %dma_start3A_380 : memref<1x128xf32, #tpu.memory_space<vmem>> -> memref<128xf32, #tpu.memory_space<vmem>>
        %dma_start3A_382 = arith.constant 0 : i32
        %dma_start3A_383 = tpu.memref_slice %arg5[%shift_right_logical3A_366, %dma_start3A_382] : memref<25000x128xf32, #tpu.memory_space<hbm>> -> memref<1x128xf32, #tpu.memory_space<hbm>>
        %dma_start3A_384 = tpu.memref_squeeze %dma_start3A_383 : memref<1x128xf32, #tpu.memory_space<hbm>> -> memref<128xf32, #tpu.memory_space<hbm>>
        %dma_start3A_385 = arith.constant 0 : i32
        %dma_start3A_386 = tpu.memref_slice %arg14[%add3A_358, %dma_start3A_385] : memref<128x128xf32, #tpu.memory_space<vmem>> -> memref<1x128xf32, #tpu.memory_space<vmem>>
        %dma_start3A_387 = tpu.memref_squeeze %dma_start3A_386 : memref<1x128xf32, #tpu.memory_space<vmem>> -> memref<128xf32, #tpu.memory_space<vmem>>
        %dma_start3A_388 = arith.constant 0 : i32
        %dma_start3A_389 = tpu.memref_slice %arg5[%shift_right_logical3A_366, %dma_start3A_388] : memref<25000x128xf32, #tpu.memory_space<hbm>> -> memref<1x128xf32, #tpu.memory_space<hbm>>
        %dma_start3A_390 = tpu.memref_squeeze %dma_start3A_389 : memref<1x128xf32, #tpu.memory_space<hbm>> -> memref<128xf32, #tpu.memory_space<hbm>>
        tpu.enqueue_dma source(%dma_start3A_390 : memref<128xf32, #tpu.memory_space<hbm>>) target(%dma_start3A_387 : memref<128xf32, #tpu.memory_space<vmem>>) target_semaphore(%arg20 : memref<!tpu.dma_semaphore, #tpu.memory_space<semaphore_mem>>)
        %dma_start3A_391 = arith.constant 0 : i32
        %dma_start3A_392 = tpu.memref_slice %arg15[%add3A_358, %dma_start3A_391] : memref<128x128xf32, #tpu.memory_space<vmem>> -> memref<1x128xf32, #tpu.memory_space<vmem>>
        %dma_start3A_393 = tpu.memref_squeeze %dma_start3A_392 : memref<1x128xf32, #tpu.memory_space<vmem>> -> memref<128xf32, #tpu.memory_space<vmem>>
        %dma_start3A_394 = arith.constant 0 : i32
        %dma_start3A_395 = tpu.memref_slice %arg6[%shift_right_logical3A_362, %dma_start3A_394] : memref<250000x128xf32, #tpu.memory_space<hbm>> -> memref<1x128xf32, #tpu.memory_space<hbm>>
        %dma_start3A_396 = tpu.memref_squeeze %dma_start3A_395 : memref<1x128xf32, #tpu.memory_space<hbm>> -> memref<128xf32, #tpu.memory_space<hbm>>
        %dma_start3A_397 = arith.constant 0 : i32
        %dma_start3A_398 = tpu.memref_slice %arg15[%add3A_358, %dma_start3A_397] : memref<128x128xf32, #tpu.memory_space<vmem>> -> memref<1x128xf32, #tpu.memory_space<vmem>>
        %dma_start3A_399 = tpu.memref_squeeze %dma_start3A_398 : memref<1x128xf32, #tpu.memory_space<vmem>> -> memref<128xf32, #tpu.memory_space<vmem>>
        %dma_start3A_400 = arith.constant 0 : i32
        %dma_start3A_401 = tpu.memref_slice %arg6[%shift_right_logical3A_362, %dma_start3A_400] : memref<250000x128xf32, #tpu.memory_space<hbm>> -> memref<1x128xf32, #tpu.memory_space<hbm>>
        %dma_start3A_402 = tpu.memref_squeeze %dma_start3A_401 : memref<1x128xf32, #tpu.memory_space<hbm>> -> memref<128xf32, #tpu.memory_space<hbm>>
        tpu.enqueue_dma source(%dma_start3A_402 : memref<128xf32, #tpu.memory_space<hbm>>) target(%dma_start3A_399 : memref<128xf32, #tpu.memory_space<vmem>>) target_semaphore(%arg20 : memref<!tpu.dma_semaphore, #tpu.memory_space<semaphore_mem>>)
        %dma_start3A_403 = arith.constant 0 : i32
        %dma_start3A_404 = tpu.memref_slice %arg16[%add3A_358, %dma_start3A_403] : memref<128x128xf32, #tpu.memory_space<vmem>> -> memref<1x128xf32, #tpu.memory_space<vmem>>
        %dma_start3A_405 = tpu.memref_squeeze %dma_start3A_404 : memref<1x128xf32, #tpu.memory_space<vmem>> -> memref<128xf32, #tpu.memory_space<vmem>>
        %dma_start3A_406 = arith.constant 0 : i32
        %dma_start3A_407 = tpu.memref_slice %arg7[%shift_right_logical3A_366, %dma_start3A_406] : memref<25000x128xf32, #tpu.memory_space<hbm>> -> memref<1x128xf32, #tpu.memory_space<hbm>>
        %dma_start3A_408 = tpu.memref_squeeze %dma_start3A_407 : memref<1x128xf32, #tpu.memory_space<hbm>> -> memref<128xf32, #tpu.memory_space<hbm>>
        %dma_start3A_409 = arith.constant 0 : i32
        %dma_start3A_410 = tpu.memref_slice %arg16[%add3A_358, %dma_start3A_409] : memref<128x128xf32, #tpu.memory_space<vmem>> -> memref<1x128xf32, #tpu.memory_space<vmem>>
        %dma_start3A_411 = tpu.memref_squeeze %dma_start3A_410 : memref<1x128xf32, #tpu.memory_space<vmem>> -> memref<128xf32, #tpu.memory_space<vmem>>
        %dma_start3A_412 = arith.constant 0 : i32
        %dma_start3A_413 = tpu.memref_slice %arg7[%shift_right_logical3A_366, %dma_start3A_412] : memref<25000x128xf32, #tpu.memory_space<hbm>> -> memref<1x128xf32, #tpu.memory_space<hbm>>
        %dma_start3A_414 = tpu.memref_squeeze %dma_start3A_413 : memref<1x128xf32, #tpu.memory_space<hbm>> -> memref<128xf32, #tpu.memory_space<hbm>>
        tpu.enqueue_dma source(%dma_start3A_414 : memref<128xf32, #tpu.memory_space<hbm>>) target(%dma_start3A_411 : memref<128xf32, #tpu.memory_space<vmem>>) target_semaphore(%arg20 : memref<!tpu.dma_semaphore, #tpu.memory_space<semaphore_mem>>)
        %mul3A_415 = arith.constant 16 : i32
        %mul3A_416 = arith.muli %scan3A_47, %mul3A_415 : i32
        %add3A_417 = arith.constant 6 : i32
        %add3A_418 = arith.addi %mul3A_416, %add3A_417 : i32
        %slice3A_419 = vector.extract_strided_slice %get3A_52 {offsets = [6], sizes = [1], strides = [1]} : vector<16xi32> to vector<1xi32>
        %squeeze3A_420 = vector.extract %slice3A_419[0] : i32 from vector<1xi32>
        %shift_right_logical3A_421 = arith.constant 2 : i32
        %shift_right_logical3A_422 = arith.shrui %squeeze3A_420, %shift_right_logical3A_421 : i32
        %slice3A_423 = vector.extract_strided_slice %get3A_58 {offsets = [6], sizes = [1], strides = [1]} : vector<16xi32> to vector<1xi32>
        %squeeze3A_424 = vector.extract %slice3A_423[0] : i32 from vector<1xi32>
        %shift_right_logical3A_425 = arith.constant 2 : i32
        %shift_right_logical3A_426 = arith.shrui %squeeze3A_424, %shift_right_logical3A_425 : i32
        %dma_start3A_427 = arith.constant 0 : i32
        %dma_start3A_428 = tpu.memref_slice %arg13[%add3A_418, %dma_start3A_427] : memref<128x128xf32, #tpu.memory_space<vmem>> -> memref<1x128xf32, #tpu.memory_space<vmem>>
        %dma_start3A_429 = tpu.memref_squeeze %dma_start3A_428 : memref<1x128xf32, #tpu.memory_space<vmem>> -> memref<128xf32, #tpu.memory_space<vmem>>
        %dma_start3A_430 = arith.constant 0 : i32
        %dma_start3A_431 = tpu.memref_slice %arg4[%shift_right_logical3A_422, %dma_start3A_430] : memref<250000x128xf32, #tpu.memory_space<hbm>> -> memref<1x128xf32, #tpu.memory_space<hbm>>
        %dma_start3A_432 = tpu.memref_squeeze %dma_start3A_431 : memref<1x128xf32, #tpu.memory_space<hbm>> -> memref<128xf32, #tpu.memory_space<hbm>>
        %dma_start3A_433 = arith.constant 0 : i32
        %dma_start3A_434 = tpu.memref_slice %arg13[%add3A_418, %dma_start3A_433] : memref<128x128xf32, #tpu.memory_space<vmem>> -> memref<1x128xf32, #tpu.memory_space<vmem>>
        %dma_start3A_435 = tpu.memref_squeeze %dma_start3A_434 : memref<1x128xf32, #tpu.memory_space<vmem>> -> memref<128xf32, #tpu.memory_space<vmem>>
        %dma_start3A_436 = arith.constant 0 : i32
        %dma_start3A_437 = tpu.memref_slice %arg4[%shift_right_logical3A_422, %dma_start3A_436] : memref<250000x128xf32, #tpu.memory_space<hbm>> -> memref<1x128xf32, #tpu.memory_space<hbm>>
        %dma_start3A_438 = tpu.memref_squeeze %dma_start3A_437 : memref<1x128xf32, #tpu.memory_space<hbm>> -> memref<128xf32, #tpu.memory_space<hbm>>
        tpu.enqueue_dma source(%dma_start3A_438 : memref<128xf32, #tpu.memory_space<hbm>>) target(%dma_start3A_435 : memref<128xf32, #tpu.memory_space<vmem>>) target_semaphore(%arg20 : memref<!tpu.dma_semaphore, #tpu.memory_space<semaphore_mem>>)
        %dma_start3A_439 = arith.constant 0 : i32
        %dma_start3A_440 = tpu.memref_slice %arg14[%add3A_418, %dma_start3A_439] : memref<128x128xf32, #tpu.memory_space<vmem>> -> memref<1x128xf32, #tpu.memory_space<vmem>>
        %dma_start3A_441 = tpu.memref_squeeze %dma_start3A_440 : memref<1x128xf32, #tpu.memory_space<vmem>> -> memref<128xf32, #tpu.memory_space<vmem>>
        %dma_start3A_442 = arith.constant 0 : i32
        %dma_start3A_443 = tpu.memref_slice %arg5[%shift_right_logical3A_426, %dma_start3A_442] : memref<25000x128xf32, #tpu.memory_space<hbm>> -> memref<1x128xf32, #tpu.memory_space<hbm>>
        %dma_start3A_444 = tpu.memref_squeeze %dma_start3A_443 : memref<1x128xf32, #tpu.memory_space<hbm>> -> memref<128xf32, #tpu.memory_space<hbm>>
        %dma_start3A_445 = arith.constant 0 : i32
        %dma_start3A_446 = tpu.memref_slice %arg14[%add3A_418, %dma_start3A_445] : memref<128x128xf32, #tpu.memory_space<vmem>> -> memref<1x128xf32, #tpu.memory_space<vmem>>
        %dma_start3A_447 = tpu.memref_squeeze %dma_start3A_446 : memref<1x128xf32, #tpu.memory_space<vmem>> -> memref<128xf32, #tpu.memory_space<vmem>>
        %dma_start3A_448 = arith.constant 0 : i32
        %dma_start3A_449 = tpu.memref_slice %arg5[%shift_right_logical3A_426, %dma_start3A_448] : memref<25000x128xf32, #tpu.memory_space<hbm>> -> memref<1x128xf32, #tpu.memory_space<hbm>>
        %dma_start3A_450 = tpu.memref_squeeze %dma_start3A_449 : memref<1x128xf32, #tpu.memory_space<hbm>> -> memref<128xf32, #tpu.memory_space<hbm>>
        tpu.enqueue_dma source(%dma_start3A_450 : memref<128xf32, #tpu.memory_space<hbm>>) target(%dma_start3A_447 : memref<128xf32, #tpu.memory_space<vmem>>) target_semaphore(%arg20 : memref<!tpu.dma_semaphore, #tpu.memory_space<semaphore_mem>>)
        %dma_start3A_451 = arith.constant 0 : i32
        %dma_start3A_452 = tpu.memref_slice %arg15[%add3A_418, %dma_start3A_451] : memref<128x128xf32, #tpu.memory_space<vmem>> -> memref<1x128xf32, #tpu.memory_space<vmem>>
        %dma_start3A_453 = tpu.memref_squeeze %dma_start3A_452 : memref<1x128xf32, #tpu.memory_space<vmem>> -> memref<128xf32, #tpu.memory_space<vmem>>
        %dma_start3A_454 = arith.constant 0 : i32
        %dma_start3A_455 = tpu.memref_slice %arg6[%shift_right_logical3A_422, %dma_start3A_454] : memref<250000x128xf32, #tpu.memory_space<hbm>> -> memref<1x128xf32, #tpu.memory_space<hbm>>
        %dma_start3A_456 = tpu.memref_squeeze %dma_start3A_455 : memref<1x128xf32, #tpu.memory_space<hbm>> -> memref<128xf32, #tpu.memory_space<hbm>>
        %dma_start3A_457 = arith.constant 0 : i32
        %dma_start3A_458 = tpu.memref_slice %arg15[%add3A_418, %dma_start3A_457] : memref<128x128xf32, #tpu.memory_space<vmem>> -> memref<1x128xf32, #tpu.memory_space<vmem>>
        %dma_start3A_459 = tpu.memref_squeeze %dma_start3A_458 : memref<1x128xf32, #tpu.memory_space<vmem>> -> memref<128xf32, #tpu.memory_space<vmem>>
        %dma_start3A_460 = arith.constant 0 : i32
        %dma_start3A_461 = tpu.memref_slice %arg6[%shift_right_logical3A_422, %dma_start3A_460] : memref<250000x128xf32, #tpu.memory_space<hbm>> -> memref<1x128xf32, #tpu.memory_space<hbm>>
        %dma_start3A_462 = tpu.memref_squeeze %dma_start3A_461 : memref<1x128xf32, #tpu.memory_space<hbm>> -> memref<128xf32, #tpu.memory_space<hbm>>
        tpu.enqueue_dma source(%dma_start3A_462 : memref<128xf32, #tpu.memory_space<hbm>>) target(%dma_start3A_459 : memref<128xf32, #tpu.memory_space<vmem>>) target_semaphore(%arg20 : memref<!tpu.dma_semaphore, #tpu.memory_space<semaphore_mem>>)
        %dma_start3A_463 = arith.constant 0 : i32
        %dma_start3A_464 = tpu.memref_slice %arg16[%add3A_418, %dma_start3A_463] : memref<128x128xf32, #tpu.memory_space<vmem>> -> memref<1x128xf32, #tpu.memory_space<vmem>>
        %dma_start3A_465 = tpu.memref_squeeze %dma_start3A_464 : memref<1x128xf32, #tpu.memory_space<vmem>> -> memref<128xf32, #tpu.memory_space<vmem>>
        %dma_start3A_466 = arith.constant 0 : i32
        %dma_start3A_467 = tpu.memref_slice %arg7[%shift_right_logical3A_426, %dma_start3A_466] : memref<25000x128xf32, #tpu.memory_space<hbm>> -> memref<1x128xf32, #tpu.memory_space<hbm>>
        %dma_start3A_468 = tpu.memref_squeeze %dma_start3A_467 : memref<1x128xf32, #tpu.memory_space<hbm>> -> memref<128xf32, #tpu.memory_space<hbm>>
        %dma_start3A_469 = arith.constant 0 : i32
        %dma_start3A_470 = tpu.memref_slice %arg16[%add3A_418, %dma_start3A_469] : memref<128x128xf32, #tpu.memory_space<vmem>> -> memref<1x128xf32, #tpu.memory_space<vmem>>
        %dma_start3A_471 = tpu.memref_squeeze %dma_start3A_470 : memref<1x128xf32, #tpu.memory_space<vmem>> -> memref<128xf32, #tpu.memory_space<vmem>>
        %dma_start3A_472 = arith.constant 0 : i32
        %dma_start3A_473 = tpu.memref_slice %arg7[%shift_right_logical3A_426, %dma_start3A_472] : memref<25000x128xf32, #tpu.memory_space<hbm>> -> memref<1x128xf32, #tpu.memory_space<hbm>>
        %dma_start3A_474 = tpu.memref_squeeze %dma_start3A_473 : memref<1x128xf32, #tpu.memory_space<hbm>> -> memref<128xf32, #tpu.memory_space<hbm>>
        tpu.enqueue_dma source(%dma_start3A_474 : memref<128xf32, #tpu.memory_space<hbm>>) target(%dma_start3A_471 : memref<128xf32, #tpu.memory_space<vmem>>) target_semaphore(%arg20 : memref<!tpu.dma_semaphore, #tpu.memory_space<semaphore_mem>>)
        %mul3A_475 = arith.constant 16 : i32
        %mul3A_476 = arith.muli %scan3A_47, %mul3A_475 : i32
        %add3A_477 = arith.constant 7 : i32
        %add3A_478 = arith.addi %mul3A_476, %add3A_477 : i32
        %slice3A_479 = vector.extract_strided_slice %get3A_52 {offsets = [7], sizes = [1], strides = [1]} : vector<16xi32> to vector<1xi32>
        %squeeze3A_480 = vector.extract %slice3A_479[0] : i32 from vector<1xi32>
        %shift_right_logical3A_481 = arith.constant 2 : i32
        %shift_right_logical3A_482 = arith.shrui %squeeze3A_480, %shift_right_logical3A_481 : i32
        %slice3A_483 = vector.extract_strided_slice %get3A_58 {offsets = [7], sizes = [1], strides = [1]} : vector<16xi32> to vector<1xi32>
        %squeeze3A_484 = vector.extract %slice3A_483[0] : i32 from vector<1xi32>
        %shift_right_logical3A_485 = arith.constant 2 : i32
        %shift_right_logical3A_486 = arith.shrui %squeeze3A_484, %shift_right_logical3A_485 : i32
        %dma_start3A_487 = arith.constant 0 : i32
        %dma_start3A_488 = tpu.memref_slice %arg13[%add3A_478, %dma_start3A_487] : memref<128x128xf32, #tpu.memory_space<vmem>> -> memref<1x128xf32, #tpu.memory_space<vmem>>
        %dma_start3A_489 = tpu.memref_squeeze %dma_start3A_488 : memref<1x128xf32, #tpu.memory_space<vmem>> -> memref<128xf32, #tpu.memory_space<vmem>>
        %dma_start3A_490 = arith.constant 0 : i32
        %dma_start3A_491 = tpu.memref_slice %arg4[%shift_right_logical3A_482, %dma_start3A_490] : memref<250000x128xf32, #tpu.memory_space<hbm>> -> memref<1x128xf32, #tpu.memory_space<hbm>>
        %dma_start3A_492 = tpu.memref_squeeze %dma_start3A_491 : memref<1x128xf32, #tpu.memory_space<hbm>> -> memref<128xf32, #tpu.memory_space<hbm>>
        %dma_start3A_493 = arith.constant 0 : i32
        %dma_start3A_494 = tpu.memref_slice %arg13[%add3A_478, %dma_start3A_493] : memref<128x128xf32, #tpu.memory_space<vmem>> -> memref<1x128xf32, #tpu.memory_space<vmem>>
        %dma_start3A_495 = tpu.memref_squeeze %dma_start3A_494 : memref<1x128xf32, #tpu.memory_space<vmem>> -> memref<128xf32, #tpu.memory_space<vmem>>
        %dma_start3A_496 = arith.constant 0 : i32
        %dma_start3A_497 = tpu.memref_slice %arg4[%shift_right_logical3A_482, %dma_start3A_496] : memref<250000x128xf32, #tpu.memory_space<hbm>> -> memref<1x128xf32, #tpu.memory_space<hbm>>
        %dma_start3A_498 = tpu.memref_squeeze %dma_start3A_497 : memref<1x128xf32, #tpu.memory_space<hbm>> -> memref<128xf32, #tpu.memory_space<hbm>>
        tpu.enqueue_dma source(%dma_start3A_498 : memref<128xf32, #tpu.memory_space<hbm>>) target(%dma_start3A_495 : memref<128xf32, #tpu.memory_space<vmem>>) target_semaphore(%arg20 : memref<!tpu.dma_semaphore, #tpu.memory_space<semaphore_mem>>)
        %dma_start3A_499 = arith.constant 0 : i32
        %dma_start3A_500 = tpu.memref_slice %arg14[%add3A_478, %dma_start3A_499] : memref<128x128xf32, #tpu.memory_space<vmem>> -> memref<1x128xf32, #tpu.memory_space<vmem>>
        %dma_start3A_501 = tpu.memref_squeeze %dma_start3A_500 : memref<1x128xf32, #tpu.memory_space<vmem>> -> memref<128xf32, #tpu.memory_space<vmem>>
        %dma_start3A_502 = arith.constant 0 : i32
        %dma_start3A_503 = tpu.memref_slice %arg5[%shift_right_logical3A_486, %dma_start3A_502] : memref<25000x128xf32, #tpu.memory_space<hbm>> -> memref<1x128xf32, #tpu.memory_space<hbm>>
        %dma_start3A_504 = tpu.memref_squeeze %dma_start3A_503 : memref<1x128xf32, #tpu.memory_space<hbm>> -> memref<128xf32, #tpu.memory_space<hbm>>
        %dma_start3A_505 = arith.constant 0 : i32
        %dma_start3A_506 = tpu.memref_slice %arg14[%add3A_478, %dma_start3A_505] : memref<128x128xf32, #tpu.memory_space<vmem>> -> memref<1x128xf32, #tpu.memory_space<vmem>>
        %dma_start3A_507 = tpu.memref_squeeze %dma_start3A_506 : memref<1x128xf32, #tpu.memory_space<vmem>> -> memref<128xf32, #tpu.memory_space<vmem>>
        %dma_start3A_508 = arith.constant 0 : i32
        %dma_start3A_509 = tpu.memref_slice %arg5[%shift_right_logical3A_486, %dma_start3A_508] : memref<25000x128xf32, #tpu.memory_space<hbm>> -> memref<1x128xf32, #tpu.memory_space<hbm>>
        %dma_start3A_510 = tpu.memref_squeeze %dma_start3A_509 : memref<1x128xf32, #tpu.memory_space<hbm>> -> memref<128xf32, #tpu.memory_space<hbm>>
        tpu.enqueue_dma source(%dma_start3A_510 : memref<128xf32, #tpu.memory_space<hbm>>) target(%dma_start3A_507 : memref<128xf32, #tpu.memory_space<vmem>>) target_semaphore(%arg20 : memref<!tpu.dma_semaphore, #tpu.memory_space<semaphore_mem>>)
        %dma_start3A_511 = arith.constant 0 : i32
        %dma_start3A_512 = tpu.memref_slice %arg15[%add3A_478, %dma_start3A_511] : memref<128x128xf32, #tpu.memory_space<vmem>> -> memref<1x128xf32, #tpu.memory_space<vmem>>
        %dma_start3A_513 = tpu.memref_squeeze %dma_start3A_512 : memref<1x128xf32, #tpu.memory_space<vmem>> -> memref<128xf32, #tpu.memory_space<vmem>>
        %dma_start3A_514 = arith.constant 0 : i32
        %dma_start3A_515 = tpu.memref_slice %arg6[%shift_right_logical3A_482, %dma_start3A_514] : memref<250000x128xf32, #tpu.memory_space<hbm>> -> memref<1x128xf32, #tpu.memory_space<hbm>>
        %dma_start3A_516 = tpu.memref_squeeze %dma_start3A_515 : memref<1x128xf32, #tpu.memory_space<hbm>> -> memref<128xf32, #tpu.memory_space<hbm>>
        %dma_start3A_517 = arith.constant 0 : i32
        %dma_start3A_518 = tpu.memref_slice %arg15[%add3A_478, %dma_start3A_517] : memref<128x128xf32, #tpu.memory_space<vmem>> -> memref<1x128xf32, #tpu.memory_space<vmem>>
        %dma_start3A_519 = tpu.memref_squeeze %dma_start3A_518 : memref<1x128xf32, #tpu.memory_space<vmem>> -> memref<128xf32, #tpu.memory_space<vmem>>
        %dma_start3A_520 = arith.constant 0 : i32
        %dma_start3A_521 = tpu.memref_slice %arg6[%shift_right_logical3A_482, %dma_start3A_520] : memref<250000x128xf32, #tpu.memory_space<hbm>> -> memref<1x128xf32, #tpu.memory_space<hbm>>
        %dma_start3A_522 = tpu.memref_squeeze %dma_start3A_521 : memref<1x128xf32, #tpu.memory_space<hbm>> -> memref<128xf32, #tpu.memory_space<hbm>>
        tpu.enqueue_dma source(%dma_start3A_522 : memref<128xf32, #tpu.memory_space<hbm>>) target(%dma_start3A_519 : memref<128xf32, #tpu.memory_space<vmem>>) target_semaphore(%arg20 : memref<!tpu.dma_semaphore, #tpu.memory_space<semaphore_mem>>)
        %dma_start3A_523 = arith.constant 0 : i32
        %dma_start3A_524 = tpu.memref_slice %arg16[%add3A_478, %dma_start3A_523] : memref<128x128xf32, #tpu.memory_space<vmem>> -> memref<1x128xf32, #tpu.memory_space<vmem>>
        %dma_start3A_525 = tpu.memref_squeeze %dma_start3A_524 : memref<1x128xf32, #tpu.memory_space<vmem>> -> memref<128xf32, #tpu.memory_space<vmem>>
        %dma_start3A_526 = arith.constant 0 : i32
        %dma_start3A_527 = tpu.memref_slice %arg7[%shift_right_logical3A_486, %dma_start3A_526] : memref<25000x128xf32, #tpu.memory_space<hbm>> -> memref<1x128xf32, #tpu.memory_space<hbm>>
        %dma_start3A_528 = tpu.memref_squeeze %dma_start3A_527 : memref<1x128xf32, #tpu.memory_space<hbm>> -> memref<128xf32, #tpu.memory_space<hbm>>
        %dma_start3A_529 = arith.constant 0 : i32
        %dma_start3A_530 = tpu.memref_slice %arg16[%add3A_478, %dma_start3A_529] : memref<128x128xf32, #tpu.memory_space<vmem>> -> memref<1x128xf32, #tpu.memory_space<vmem>>
        %dma_start3A_531 = tpu.memref_squeeze %dma_start3A_530 : memref<1x128xf32, #tpu.memory_space<vmem>> -> memref<128xf32, #tpu.memory_space<vmem>>
        %dma_start3A_532 = arith.constant 0 : i32
        %dma_start3A_533 = tpu.memref_slice %arg7[%shift_right_logical3A_486, %dma_start3A_532] : memref<25000x128xf32, #tpu.memory_space<hbm>> -> memref<1x128xf32, #tpu.memory_space<hbm>>
        %dma_start3A_534 = tpu.memref_squeeze %dma_start3A_533 : memref<1x128xf32, #tpu.memory_space<hbm>> -> memref<128xf32, #tpu.memory_space<hbm>>
        tpu.enqueue_dma source(%dma_start3A_534 : memref<128xf32, #tpu.memory_space<hbm>>) target(%dma_start3A_531 : memref<128xf32, #tpu.memory_space<vmem>>) target_semaphore(%arg20 : memref<!tpu.dma_semaphore, #tpu.memory_space<semaphore_mem>>)
        %mul3A_535 = arith.constant 16 : i32
        %mul3A_536 = arith.muli %scan3A_47, %mul3A_535 : i32
        %add3A_537 = arith.constant 8 : i32
        %add3A_538 = arith.addi %mul3A_536, %add3A_537 : i32
        %slice3A_539 = vector.extract_strided_slice %get3A_52 {offsets = [8], sizes = [1], strides = [1]} : vector<16xi32> to vector<1xi32>
        %squeeze3A_540 = vector.extract %slice3A_539[0] : i32 from vector<1xi32>
        %shift_right_logical3A_541 = arith.constant 2 : i32
        %shift_right_logical3A_542 = arith.shrui %squeeze3A_540, %shift_right_logical3A_541 : i32
        %slice3A_543 = vector.extract_strided_slice %get3A_58 {offsets = [8], sizes = [1], strides = [1]} : vector<16xi32> to vector<1xi32>
        %squeeze3A_544 = vector.extract %slice3A_543[0] : i32 from vector<1xi32>
        %shift_right_logical3A_545 = arith.constant 2 : i32
        %shift_right_logical3A_546 = arith.shrui %squeeze3A_544, %shift_right_logical3A_545 : i32
        %dma_start3A_547 = arith.constant 0 : i32
        %dma_start3A_548 = tpu.memref_slice %arg13[%add3A_538, %dma_start3A_547] : memref<128x128xf32, #tpu.memory_space<vmem>> -> memref<1x128xf32, #tpu.memory_space<vmem>>
        %dma_start3A_549 = tpu.memref_squeeze %dma_start3A_548 : memref<1x128xf32, #tpu.memory_space<vmem>> -> memref<128xf32, #tpu.memory_space<vmem>>
        %dma_start3A_550 = arith.constant 0 : i32
        %dma_start3A_551 = tpu.memref_slice %arg4[%shift_right_logical3A_542, %dma_start3A_550] : memref<250000x128xf32, #tpu.memory_space<hbm>> -> memref<1x128xf32, #tpu.memory_space<hbm>>
        %dma_start3A_552 = tpu.memref_squeeze %dma_start3A_551 : memref<1x128xf32, #tpu.memory_space<hbm>> -> memref<128xf32, #tpu.memory_space<hbm>>
        %dma_start3A_553 = arith.constant 0 : i32
        %dma_start3A_554 = tpu.memref_slice %arg13[%add3A_538, %dma_start3A_553] : memref<128x128xf32, #tpu.memory_space<vmem>> -> memref<1x128xf32, #tpu.memory_space<vmem>>
        %dma_start3A_555 = tpu.memref_squeeze %dma_start3A_554 : memref<1x128xf32, #tpu.memory_space<vmem>> -> memref<128xf32, #tpu.memory_space<vmem>>
        %dma_start3A_556 = arith.constant 0 : i32
        %dma_start3A_557 = tpu.memref_slice %arg4[%shift_right_logical3A_542, %dma_start3A_556] : memref<250000x128xf32, #tpu.memory_space<hbm>> -> memref<1x128xf32, #tpu.memory_space<hbm>>
        %dma_start3A_558 = tpu.memref_squeeze %dma_start3A_557 : memref<1x128xf32, #tpu.memory_space<hbm>> -> memref<128xf32, #tpu.memory_space<hbm>>
        tpu.enqueue_dma source(%dma_start3A_558 : memref<128xf32, #tpu.memory_space<hbm>>) target(%dma_start3A_555 : memref<128xf32, #tpu.memory_space<vmem>>) target_semaphore(%arg20 : memref<!tpu.dma_semaphore, #tpu.memory_space<semaphore_mem>>)
        %dma_start3A_559 = arith.constant 0 : i32
        %dma_start3A_560 = tpu.memref_slice %arg14[%add3A_538, %dma_start3A_559] : memref<128x128xf32, #tpu.memory_space<vmem>> -> memref<1x128xf32, #tpu.memory_space<vmem>>
        %dma_start3A_561 = tpu.memref_squeeze %dma_start3A_560 : memref<1x128xf32, #tpu.memory_space<vmem>> -> memref<128xf32, #tpu.memory_space<vmem>>
        %dma_start3A_562 = arith.constant 0 : i32
        %dma_start3A_563 = tpu.memref_slice %arg5[%shift_right_logical3A_546, %dma_start3A_562] : memref<25000x128xf32, #tpu.memory_space<hbm>> -> memref<1x128xf32, #tpu.memory_space<hbm>>
        %dma_start3A_564 = tpu.memref_squeeze %dma_start3A_563 : memref<1x128xf32, #tpu.memory_space<hbm>> -> memref<128xf32, #tpu.memory_space<hbm>>
        %dma_start3A_565 = arith.constant 0 : i32
        %dma_start3A_566 = tpu.memref_slice %arg14[%add3A_538, %dma_start3A_565] : memref<128x128xf32, #tpu.memory_space<vmem>> -> memref<1x128xf32, #tpu.memory_space<vmem>>
        %dma_start3A_567 = tpu.memref_squeeze %dma_start3A_566 : memref<1x128xf32, #tpu.memory_space<vmem>> -> memref<128xf32, #tpu.memory_space<vmem>>
        %dma_start3A_568 = arith.constant 0 : i32
        %dma_start3A_569 = tpu.memref_slice %arg5[%shift_right_logical3A_546, %dma_start3A_568] : memref<25000x128xf32, #tpu.memory_space<hbm>> -> memref<1x128xf32, #tpu.memory_space<hbm>>
        %dma_start3A_570 = tpu.memref_squeeze %dma_start3A_569 : memref<1x128xf32, #tpu.memory_space<hbm>> -> memref<128xf32, #tpu.memory_space<hbm>>
        tpu.enqueue_dma source(%dma_start3A_570 : memref<128xf32, #tpu.memory_space<hbm>>) target(%dma_start3A_567 : memref<128xf32, #tpu.memory_space<vmem>>) target_semaphore(%arg20 : memref<!tpu.dma_semaphore, #tpu.memory_space<semaphore_mem>>)
        %dma_start3A_571 = arith.constant 0 : i32
        %dma_start3A_572 = tpu.memref_slice %arg15[%add3A_538, %dma_start3A_571] : memref<128x128xf32, #tpu.memory_space<vmem>> -> memref<1x128xf32, #tpu.memory_space<vmem>>
        %dma_start3A_573 = tpu.memref_squeeze %dma_start3A_572 : memref<1x128xf32, #tpu.memory_space<vmem>> -> memref<128xf32, #tpu.memory_space<vmem>>
        %dma_start3A_574 = arith.constant 0 : i32
        %dma_start3A_575 = tpu.memref_slice %arg6[%shift_right_logical3A_542, %dma_start3A_574] : memref<250000x128xf32, #tpu.memory_space<hbm>> -> memref<1x128xf32, #tpu.memory_space<hbm>>
        %dma_start3A_576 = tpu.memref_squeeze %dma_start3A_575 : memref<1x128xf32, #tpu.memory_space<hbm>> -> memref<128xf32, #tpu.memory_space<hbm>>
        %dma_start3A_577 = arith.constant 0 : i32
        %dma_start3A_578 = tpu.memref_slice %arg15[%add3A_538, %dma_start3A_577] : memref<128x128xf32, #tpu.memory_space<vmem>> -> memref<1x128xf32, #tpu.memory_space<vmem>>
        %dma_start3A_579 = tpu.memref_squeeze %dma_start3A_578 : memref<1x128xf32, #tpu.memory_space<vmem>> -> memref<128xf32, #tpu.memory_space<vmem>>
        %dma_start3A_580 = arith.constant 0 : i32
        %dma_start3A_581 = tpu.memref_slice %arg6[%shift_right_logical3A_542, %dma_start3A_580] : memref<250000x128xf32, #tpu.memory_space<hbm>> -> memref<1x128xf32, #tpu.memory_space<hbm>>
        %dma_start3A_582 = tpu.memref_squeeze %dma_start3A_581 : memref<1x128xf32, #tpu.memory_space<hbm>> -> memref<128xf32, #tpu.memory_space<hbm>>
        tpu.enqueue_dma source(%dma_start3A_582 : memref<128xf32, #tpu.memory_space<hbm>>) target(%dma_start3A_579 : memref<128xf32, #tpu.memory_space<vmem>>) target_semaphore(%arg20 : memref<!tpu.dma_semaphore, #tpu.memory_space<semaphore_mem>>)
        %dma_start3A_583 = arith.constant 0 : i32
        %dma_start3A_584 = tpu.memref_slice %arg16[%add3A_538, %dma_start3A_583] : memref<128x128xf32, #tpu.memory_space<vmem>> -> memref<1x128xf32, #tpu.memory_space<vmem>>
        %dma_start3A_585 = tpu.memref_squeeze %dma_start3A_584 : memref<1x128xf32, #tpu.memory_space<vmem>> -> memref<128xf32, #tpu.memory_space<vmem>>
        %dma_start3A_586 = arith.constant 0 : i32
        %dma_start3A_587 = tpu.memref_slice %arg7[%shift_right_logical3A_546, %dma_start3A_586] : memref<25000x128xf32, #tpu.memory_space<hbm>> -> memref<1x128xf32, #tpu.memory_space<hbm>>
        %dma_start3A_588 = tpu.memref_squeeze %dma_start3A_587 : memref<1x128xf32, #tpu.memory_space<hbm>> -> memref<128xf32, #tpu.memory_space<hbm>>
        %dma_start3A_589 = arith.constant 0 : i32
        %dma_start3A_590 = tpu.memref_slice %arg16[%add3A_538, %dma_start3A_589] : memref<128x128xf32, #tpu.memory_space<vmem>> -> memref<1x128xf32, #tpu.memory_space<vmem>>
        %dma_start3A_591 = tpu.memref_squeeze %dma_start3A_590 : memref<1x128xf32, #tpu.memory_space<vmem>> -> memref<128xf32, #tpu.memory_space<vmem>>
        %dma_start3A_592 = arith.constant 0 : i32
        %dma_start3A_593 = tpu.memref_slice %arg7[%shift_right_logical3A_546, %dma_start3A_592] : memref<25000x128xf32, #tpu.memory_space<hbm>> -> memref<1x128xf32, #tpu.memory_space<hbm>>
        %dma_start3A_594 = tpu.memref_squeeze %dma_start3A_593 : memref<1x128xf32, #tpu.memory_space<hbm>> -> memref<128xf32, #tpu.memory_space<hbm>>
        tpu.enqueue_dma source(%dma_start3A_594 : memref<128xf32, #tpu.memory_space<hbm>>) target(%dma_start3A_591 : memref<128xf32, #tpu.memory_space<vmem>>) target_semaphore(%arg20 : memref<!tpu.dma_semaphore, #tpu.memory_space<semaphore_mem>>)
        %mul3A_595 = arith.constant 16 : i32
        %mul3A_596 = arith.muli %scan3A_47, %mul3A_595 : i32
        %add3A_597 = arith.constant 9 : i32
        %add3A_598 = arith.addi %mul3A_596, %add3A_597 : i32
        %slice3A_599 = vector.extract_strided_slice %get3A_52 {offsets = [9], sizes = [1], strides = [1]} : vector<16xi32> to vector<1xi32>
        %squeeze3A_600 = vector.extract %slice3A_599[0] : i32 from vector<1xi32>
        %shift_right_logical3A_601 = arith.constant 2 : i32
        %shift_right_logical3A_602 = arith.shrui %squeeze3A_600, %shift_right_logical3A_601 : i32
        %slice3A_603 = vector.extract_strided_slice %get3A_58 {offsets = [9], sizes = [1], strides = [1]} : vector<16xi32> to vector<1xi32>
        %squeeze3A_604 = vector.extract %slice3A_603[0] : i32 from vector<1xi32>
        %shift_right_logical3A_605 = arith.constant 2 : i32
        %shift_right_logical3A_606 = arith.shrui %squeeze3A_604, %shift_right_logical3A_605 : i32
        %dma_start3A_607 = arith.constant 0 : i32
        %dma_start3A_608 = tpu.memref_slice %arg13[%add3A_598, %dma_start3A_607] : memref<128x128xf32, #tpu.memory_space<vmem>> -> memref<1x128xf32, #tpu.memory_space<vmem>>
        %dma_start3A_609 = tpu.memref_squeeze %dma_start3A_608 : memref<1x128xf32, #tpu.memory_space<vmem>> -> memref<128xf32, #tpu.memory_space<vmem>>
        %dma_start3A_610 = arith.constant 0 : i32
        %dma_start3A_611 = tpu.memref_slice %arg4[%shift_right_logical3A_602, %dma_start3A_610] : memref<250000x128xf32, #tpu.memory_space<hbm>> -> memref<1x128xf32, #tpu.memory_space<hbm>>
        %dma_start3A_612 = tpu.memref_squeeze %dma_start3A_611 : memref<1x128xf32, #tpu.memory_space<hbm>> -> memref<128xf32, #tpu.memory_space<hbm>>
        %dma_start3A_613 = arith.constant 0 : i32
        %dma_start3A_614 = tpu.memref_slice %arg13[%add3A_598, %dma_start3A_613] : memref<128x128xf32, #tpu.memory_space<vmem>> -> memref<1x128xf32, #tpu.memory_space<vmem>>
        %dma_start3A_615 = tpu.memref_squeeze %dma_start3A_614 : memref<1x128xf32, #tpu.memory_space<vmem>> -> memref<128xf32, #tpu.memory_space<vmem>>
        %dma_start3A_616 = arith.constant 0 : i32
        %dma_start3A_617 = tpu.memref_slice %arg4[%shift_right_logical3A_602, %dma_start3A_616] : memref<250000x128xf32, #tpu.memory_space<hbm>> -> memref<1x128xf32, #tpu.memory_space<hbm>>
        %dma_start3A_618 = tpu.memref_squeeze %dma_start3A_617 : memref<1x128xf32, #tpu.memory_space<hbm>> -> memref<128xf32, #tpu.memory_space<hbm>>
        tpu.enqueue_dma source(%dma_start3A_618 : memref<128xf32, #tpu.memory_space<hbm>>) target(%dma_start3A_615 : memref<128xf32, #tpu.memory_space<vmem>>) target_semaphore(%arg20 : memref<!tpu.dma_semaphore, #tpu.memory_space<semaphore_mem>>)
        %dma_start3A_619 = arith.constant 0 : i32
        %dma_start3A_620 = tpu.memref_slice %arg14[%add3A_598, %dma_start3A_619] : memref<128x128xf32, #tpu.memory_space<vmem>> -> memref<1x128xf32, #tpu.memory_space<vmem>>
        %dma_start3A_621 = tpu.memref_squeeze %dma_start3A_620 : memref<1x128xf32, #tpu.memory_space<vmem>> -> memref<128xf32, #tpu.memory_space<vmem>>
        %dma_start3A_622 = arith.constant 0 : i32
        %dma_start3A_623 = tpu.memref_slice %arg5[%shift_right_logical3A_606, %dma_start3A_622] : memref<25000x128xf32, #tpu.memory_space<hbm>> -> memref<1x128xf32, #tpu.memory_space<hbm>>
        %dma_start3A_624 = tpu.memref_squeeze %dma_start3A_623 : memref<1x128xf32, #tpu.memory_space<hbm>> -> memref<128xf32, #tpu.memory_space<hbm>>
        %dma_start3A_625 = arith.constant 0 : i32
        %dma_start3A_626 = tpu.memref_slice %arg14[%add3A_598, %dma_start3A_625] : memref<128x128xf32, #tpu.memory_space<vmem>> -> memref<1x128xf32, #tpu.memory_space<vmem>>
        %dma_start3A_627 = tpu.memref_squeeze %dma_start3A_626 : memref<1x128xf32, #tpu.memory_space<vmem>> -> memref<128xf32, #tpu.memory_space<vmem>>
        %dma_start3A_628 = arith.constant 0 : i32
        %dma_start3A_629 = tpu.memref_slice %arg5[%shift_right_logical3A_606, %dma_start3A_628] : memref<25000x128xf32, #tpu.memory_space<hbm>> -> memref<1x128xf32, #tpu.memory_space<hbm>>
        %dma_start3A_630 = tpu.memref_squeeze %dma_start3A_629 : memref<1x128xf32, #tpu.memory_space<hbm>> -> memref<128xf32, #tpu.memory_space<hbm>>
        tpu.enqueue_dma source(%dma_start3A_630 : memref<128xf32, #tpu.memory_space<hbm>>) target(%dma_start3A_627 : memref<128xf32, #tpu.memory_space<vmem>>) target_semaphore(%arg20 : memref<!tpu.dma_semaphore, #tpu.memory_space<semaphore_mem>>)
        %dma_start3A_631 = arith.constant 0 : i32
        %dma_start3A_632 = tpu.memref_slice %arg15[%add3A_598, %dma_start3A_631] : memref<128x128xf32, #tpu.memory_space<vmem>> -> memref<1x128xf32, #tpu.memory_space<vmem>>
        %dma_start3A_633 = tpu.memref_squeeze %dma_start3A_632 : memref<1x128xf32, #tpu.memory_space<vmem>> -> memref<128xf32, #tpu.memory_space<vmem>>
        %dma_start3A_634 = arith.constant 0 : i32
        %dma_start3A_635 = tpu.memref_slice %arg6[%shift_right_logical3A_602, %dma_start3A_634] : memref<250000x128xf32, #tpu.memory_space<hbm>> -> memref<1x128xf32, #tpu.memory_space<hbm>>
        %dma_start3A_636 = tpu.memref_squeeze %dma_start3A_635 : memref<1x128xf32, #tpu.memory_space<hbm>> -> memref<128xf32, #tpu.memory_space<hbm>>
        %dma_start3A_637 = arith.constant 0 : i32
        %dma_start3A_638 = tpu.memref_slice %arg15[%add3A_598, %dma_start3A_637] : memref<128x128xf32, #tpu.memory_space<vmem>> -> memref<1x128xf32, #tpu.memory_space<vmem>>
        %dma_start3A_639 = tpu.memref_squeeze %dma_start3A_638 : memref<1x128xf32, #tpu.memory_space<vmem>> -> memref<128xf32, #tpu.memory_space<vmem>>
        %dma_start3A_640 = arith.constant 0 : i32
        %dma_start3A_641 = tpu.memref_slice %arg6[%shift_right_logical3A_602, %dma_start3A_640] : memref<250000x128xf32, #tpu.memory_space<hbm>> -> memref<1x128xf32, #tpu.memory_space<hbm>>
        %dma_start3A_642 = tpu.memref_squeeze %dma_start3A_641 : memref<1x128xf32, #tpu.memory_space<hbm>> -> memref<128xf32, #tpu.memory_space<hbm>>
        tpu.enqueue_dma source(%dma_start3A_642 : memref<128xf32, #tpu.memory_space<hbm>>) target(%dma_start3A_639 : memref<128xf32, #tpu.memory_space<vmem>>) target_semaphore(%arg20 : memref<!tpu.dma_semaphore, #tpu.memory_space<semaphore_mem>>)
        %dma_start3A_643 = arith.constant 0 : i32
        %dma_start3A_644 = tpu.memref_slice %arg16[%add3A_598, %dma_start3A_643] : memref<128x128xf32, #tpu.memory_space<vmem>> -> memref<1x128xf32, #tpu.memory_space<vmem>>
        %dma_start3A_645 = tpu.memref_squeeze %dma_start3A_644 : memref<1x128xf32, #tpu.memory_space<vmem>> -> memref<128xf32, #tpu.memory_space<vmem>>
        %dma_start3A_646 = arith.constant 0 : i32
        %dma_start3A_647 = tpu.memref_slice %arg7[%shift_right_logical3A_606, %dma_start3A_646] : memref<25000x128xf32, #tpu.memory_space<hbm>> -> memref<1x128xf32, #tpu.memory_space<hbm>>
        %dma_start3A_648 = tpu.memref_squeeze %dma_start3A_647 : memref<1x128xf32, #tpu.memory_space<hbm>> -> memref<128xf32, #tpu.memory_space<hbm>>
        %dma_start3A_649 = arith.constant 0 : i32
        %dma_start3A_650 = tpu.memref_slice %arg16[%add3A_598, %dma_start3A_649] : memref<128x128xf32, #tpu.memory_space<vmem>> -> memref<1x128xf32, #tpu.memory_space<vmem>>
        %dma_start3A_651 = tpu.memref_squeeze %dma_start3A_650 : memref<1x128xf32, #tpu.memory_space<vmem>> -> memref<128xf32, #tpu.memory_space<vmem>>
        %dma_start3A_652 = arith.constant 0 : i32
        %dma_start3A_653 = tpu.memref_slice %arg7[%shift_right_logical3A_606, %dma_start3A_652] : memref<25000x128xf32, #tpu.memory_space<hbm>> -> memref<1x128xf32, #tpu.memory_space<hbm>>
        %dma_start3A_654 = tpu.memref_squeeze %dma_start3A_653 : memref<1x128xf32, #tpu.memory_space<hbm>> -> memref<128xf32, #tpu.memory_space<hbm>>
        tpu.enqueue_dma source(%dma_start3A_654 : memref<128xf32, #tpu.memory_space<hbm>>) target(%dma_start3A_651 : memref<128xf32, #tpu.memory_space<vmem>>) target_semaphore(%arg20 : memref<!tpu.dma_semaphore, #tpu.memory_space<semaphore_mem>>)
        %mul3A_655 = arith.constant 16 : i32
        %mul3A_656 = arith.muli %scan3A_47, %mul3A_655 : i32
        %add3A_657 = arith.constant 10 : i32
        %add3A_658 = arith.addi %mul3A_656, %add3A_657 : i32
        %slice3A_659 = vector.extract_strided_slice %get3A_52 {offsets = [10], sizes = [1], strides = [1]} : vector<16xi32> to vector<1xi32>
        %squeeze3A_660 = vector.extract %slice3A_659[0] : i32 from vector<1xi32>
        %shift_right_logical3A_661 = arith.constant 2 : i32
        %shift_right_logical3A_662 = arith.shrui %squeeze3A_660, %shift_right_logical3A_661 : i32
        %slice3A_663 = vector.extract_strided_slice %get3A_58 {offsets = [10], sizes = [1], strides = [1]} : vector<16xi32> to vector<1xi32>
        %squeeze3A_664 = vector.extract %slice3A_663[0] : i32 from vector<1xi32>
        %shift_right_logical3A_665 = arith.constant 2 : i32
        %shift_right_logical3A_666 = arith.shrui %squeeze3A_664, %shift_right_logical3A_665 : i32
        %dma_start3A_667 = arith.constant 0 : i32
        %dma_start3A_668 = tpu.memref_slice %arg13[%add3A_658, %dma_start3A_667] : memref<128x128xf32, #tpu.memory_space<vmem>> -> memref<1x128xf32, #tpu.memory_space<vmem>>
        %dma_start3A_669 = tpu.memref_squeeze %dma_start3A_668 : memref<1x128xf32, #tpu.memory_space<vmem>> -> memref<128xf32, #tpu.memory_space<vmem>>
        %dma_start3A_670 = arith.constant 0 : i32
        %dma_start3A_671 = tpu.memref_slice %arg4[%shift_right_logical3A_662, %dma_start3A_670] : memref<250000x128xf32, #tpu.memory_space<hbm>> -> memref<1x128xf32, #tpu.memory_space<hbm>>
        %dma_start3A_672 = tpu.memref_squeeze %dma_start3A_671 : memref<1x128xf32, #tpu.memory_space<hbm>> -> memref<128xf32, #tpu.memory_space<hbm>>
        %dma_start3A_673 = arith.constant 0 : i32
        %dma_start3A_674 = tpu.memref_slice %arg13[%add3A_658, %dma_start3A_673] : memref<128x128xf32, #tpu.memory_space<vmem>> -> memref<1x128xf32, #tpu.memory_space<vmem>>
        %dma_start3A_675 = tpu.memref_squeeze %dma_start3A_674 : memref<1x128xf32, #tpu.memory_space<vmem>> -> memref<128xf32, #tpu.memory_space<vmem>>
        %dma_start3A_676 = arith.constant 0 : i32
        %dma_start3A_677 = tpu.memref_slice %arg4[%shift_right_logical3A_662, %dma_start3A_676] : memref<250000x128xf32, #tpu.memory_space<hbm>> -> memref<1x128xf32, #tpu.memory_space<hbm>>
        %dma_start3A_678 = tpu.memref_squeeze %dma_start3A_677 : memref<1x128xf32, #tpu.memory_space<hbm>> -> memref<128xf32, #tpu.memory_space<hbm>>
        tpu.enqueue_dma source(%dma_start3A_678 : memref<128xf32, #tpu.memory_space<hbm>>) target(%dma_start3A_675 : memref<128xf32, #tpu.memory_space<vmem>>) target_semaphore(%arg20 : memref<!tpu.dma_semaphore, #tpu.memory_space<semaphore_mem>>)
        %dma_start3A_679 = arith.constant 0 : i32
        %dma_start3A_680 = tpu.memref_slice %arg14[%add3A_658, %dma_start3A_679] : memref<128x128xf32, #tpu.memory_space<vmem>> -> memref<1x128xf32, #tpu.memory_space<vmem>>
        %dma_start3A_681 = tpu.memref_squeeze %dma_start3A_680 : memref<1x128xf32, #tpu.memory_space<vmem>> -> memref<128xf32, #tpu.memory_space<vmem>>
        %dma_start3A_682 = arith.constant 0 : i32
        %dma_start3A_683 = tpu.memref_slice %arg5[%shift_right_logical3A_666, %dma_start3A_682] : memref<25000x128xf32, #tpu.memory_space<hbm>> -> memref<1x128xf32, #tpu.memory_space<hbm>>
        %dma_start3A_684 = tpu.memref_squeeze %dma_start3A_683 : memref<1x128xf32, #tpu.memory_space<hbm>> -> memref<128xf32, #tpu.memory_space<hbm>>
        %dma_start3A_685 = arith.constant 0 : i32
        %dma_start3A_686 = tpu.memref_slice %arg14[%add3A_658, %dma_start3A_685] : memref<128x128xf32, #tpu.memory_space<vmem>> -> memref<1x128xf32, #tpu.memory_space<vmem>>
        %dma_start3A_687 = tpu.memref_squeeze %dma_start3A_686 : memref<1x128xf32, #tpu.memory_space<vmem>> -> memref<128xf32, #tpu.memory_space<vmem>>
        %dma_start3A_688 = arith.constant 0 : i32
        %dma_start3A_689 = tpu.memref_slice %arg5[%shift_right_logical3A_666, %dma_start3A_688] : memref<25000x128xf32, #tpu.memory_space<hbm>> -> memref<1x128xf32, #tpu.memory_space<hbm>>
        %dma_start3A_690 = tpu.memref_squeeze %dma_start3A_689 : memref<1x128xf32, #tpu.memory_space<hbm>> -> memref<128xf32, #tpu.memory_space<hbm>>
        tpu.enqueue_dma source(%dma_start3A_690 : memref<128xf32, #tpu.memory_space<hbm>>) target(%dma_start3A_687 : memref<128xf32, #tpu.memory_space<vmem>>) target_semaphore(%arg20 : memref<!tpu.dma_semaphore, #tpu.memory_space<semaphore_mem>>)
        %dma_start3A_691 = arith.constant 0 : i32
        %dma_start3A_692 = tpu.memref_slice %arg15[%add3A_658, %dma_start3A_691] : memref<128x128xf32, #tpu.memory_space<vmem>> -> memref<1x128xf32, #tpu.memory_space<vmem>>
        %dma_start3A_693 = tpu.memref_squeeze %dma_start3A_692 : memref<1x128xf32, #tpu.memory_space<vmem>> -> memref<128xf32, #tpu.memory_space<vmem>>
        %dma_start3A_694 = arith.constant 0 : i32
        %dma_start3A_695 = tpu.memref_slice %arg6[%shift_right_logical3A_662, %dma_start3A_694] : memref<250000x128xf32, #tpu.memory_space<hbm>> -> memref<1x128xf32, #tpu.memory_space<hbm>>
        %dma_start3A_696 = tpu.memref_squeeze %dma_start3A_695 : memref<1x128xf32, #tpu.memory_space<hbm>> -> memref<128xf32, #tpu.memory_space<hbm>>
        %dma_start3A_697 = arith.constant 0 : i32
        %dma_start3A_698 = tpu.memref_slice %arg15[%add3A_658, %dma_start3A_697] : memref<128x128xf32, #tpu.memory_space<vmem>> -> memref<1x128xf32, #tpu.memory_space<vmem>>
        %dma_start3A_699 = tpu.memref_squeeze %dma_start3A_698 : memref<1x128xf32, #tpu.memory_space<vmem>> -> memref<128xf32, #tpu.memory_space<vmem>>
        %dma_start3A_700 = arith.constant 0 : i32
        %dma_start3A_701 = tpu.memref_slice %arg6[%shift_right_logical3A_662, %dma_start3A_700] : memref<250000x128xf32, #tpu.memory_space<hbm>> -> memref<1x128xf32, #tpu.memory_space<hbm>>
        %dma_start3A_702 = tpu.memref_squeeze %dma_start3A_701 : memref<1x128xf32, #tpu.memory_space<hbm>> -> memref<128xf32, #tpu.memory_space<hbm>>
        tpu.enqueue_dma source(%dma_start3A_702 : memref<128xf32, #tpu.memory_space<hbm>>) target(%dma_start3A_699 : memref<128xf32, #tpu.memory_space<vmem>>) target_semaphore(%arg20 : memref<!tpu.dma_semaphore, #tpu.memory_space<semaphore_mem>>)
        %dma_start3A_703 = arith.constant 0 : i32
        %dma_start3A_704 = tpu.memref_slice %arg16[%add3A_658, %dma_start3A_703] : memref<128x128xf32, #tpu.memory_space<vmem>> -> memref<1x128xf32, #tpu.memory_space<vmem>>
        %dma_start3A_705 = tpu.memref_squeeze %dma_start3A_704 : memref<1x128xf32, #tpu.memory_space<vmem>> -> memref<128xf32, #tpu.memory_space<vmem>>
        %dma_start3A_706 = arith.constant 0 : i32
        %dma_start3A_707 = tpu.memref_slice %arg7[%shift_right_logical3A_666, %dma_start3A_706] : memref<25000x128xf32, #tpu.memory_space<hbm>> -> memref<1x128xf32, #tpu.memory_space<hbm>>
        %dma_start3A_708 = tpu.memref_squeeze %dma_start3A_707 : memref<1x128xf32, #tpu.memory_space<hbm>> -> memref<128xf32, #tpu.memory_space<hbm>>
        %dma_start3A_709 = arith.constant 0 : i32
        %dma_start3A_710 = tpu.memref_slice %arg16[%add3A_658, %dma_start3A_709] : memref<128x128xf32, #tpu.memory_space<vmem>> -> memref<1x128xf32, #tpu.memory_space<vmem>>
        %dma_start3A_711 = tpu.memref_squeeze %dma_start3A_710 : memref<1x128xf32, #tpu.memory_space<vmem>> -> memref<128xf32, #tpu.memory_space<vmem>>
        %dma_start3A_712 = arith.constant 0 : i32
        %dma_start3A_713 = tpu.memref_slice %arg7[%shift_right_logical3A_666, %dma_start3A_712] : memref<25000x128xf32, #tpu.memory_space<hbm>> -> memref<1x128xf32, #tpu.memory_space<hbm>>
        %dma_start3A_714 = tpu.memref_squeeze %dma_start3A_713 : memref<1x128xf32, #tpu.memory_space<hbm>> -> memref<128xf32, #tpu.memory_space<hbm>>
        tpu.enqueue_dma source(%dma_start3A_714 : memref<128xf32, #tpu.memory_space<hbm>>) target(%dma_start3A_711 : memref<128xf32, #tpu.memory_space<vmem>>) target_semaphore(%arg20 : memref<!tpu.dma_semaphore, #tpu.memory_space<semaphore_mem>>)
        %mul3A_715 = arith.constant 16 : i32
        %mul3A_716 = arith.muli %scan3A_47, %mul3A_715 : i32
        %add3A_717 = arith.constant 11 : i32
        %add3A_718 = arith.addi %mul3A_716, %add3A_717 : i32
        %slice3A_719 = vector.extract_strided_slice %get3A_52 {offsets = [11], sizes = [1], strides = [1]} : vector<16xi32> to vector<1xi32>
        %squeeze3A_720 = vector.extract %slice3A_719[0] : i32 from vector<1xi32>
        %shift_right_logical3A_721 = arith.constant 2 : i32
        %shift_right_logical3A_722 = arith.shrui %squeeze3A_720, %shift_right_logical3A_721 : i32
        %slice3A_723 = vector.extract_strided_slice %get3A_58 {offsets = [11], sizes = [1], strides = [1]} : vector<16xi32> to vector<1xi32>
        %squeeze3A_724 = vector.extract %slice3A_723[0] : i32 from vector<1xi32>
        %shift_right_logical3A_725 = arith.constant 2 : i32
        %shift_right_logical3A_726 = arith.shrui %squeeze3A_724, %shift_right_logical3A_725 : i32
        %dma_start3A_727 = arith.constant 0 : i32
        %dma_start3A_728 = tpu.memref_slice %arg13[%add3A_718, %dma_start3A_727] : memref<128x128xf32, #tpu.memory_space<vmem>> -> memref<1x128xf32, #tpu.memory_space<vmem>>
        %dma_start3A_729 = tpu.memref_squeeze %dma_start3A_728 : memref<1x128xf32, #tpu.memory_space<vmem>> -> memref<128xf32, #tpu.memory_space<vmem>>
        %dma_start3A_730 = arith.constant 0 : i32
        %dma_start3A_731 = tpu.memref_slice %arg4[%shift_right_logical3A_722, %dma_start3A_730] : memref<250000x128xf32, #tpu.memory_space<hbm>> -> memref<1x128xf32, #tpu.memory_space<hbm>>
        %dma_start3A_732 = tpu.memref_squeeze %dma_start3A_731 : memref<1x128xf32, #tpu.memory_space<hbm>> -> memref<128xf32, #tpu.memory_space<hbm>>
        %dma_start3A_733 = arith.constant 0 : i32
        %dma_start3A_734 = tpu.memref_slice %arg13[%add3A_718, %dma_start3A_733] : memref<128x128xf32, #tpu.memory_space<vmem>> -> memref<1x128xf32, #tpu.memory_space<vmem>>
        %dma_start3A_735 = tpu.memref_squeeze %dma_start3A_734 : memref<1x128xf32, #tpu.memory_space<vmem>> -> memref<128xf32, #tpu.memory_space<vmem>>
        %dma_start3A_736 = arith.constant 0 : i32
        %dma_start3A_737 = tpu.memref_slice %arg4[%shift_right_logical3A_722, %dma_start3A_736] : memref<250000x128xf32, #tpu.memory_space<hbm>> -> memref<1x128xf32, #tpu.memory_space<hbm>>
        %dma_start3A_738 = tpu.memref_squeeze %dma_start3A_737 : memref<1x128xf32, #tpu.memory_space<hbm>> -> memref<128xf32, #tpu.memory_space<hbm>>
        tpu.enqueue_dma source(%dma_start3A_738 : memref<128xf32, #tpu.memory_space<hbm>>) target(%dma_start3A_735 : memref<128xf32, #tpu.memory_space<vmem>>) target_semaphore(%arg20 : memref<!tpu.dma_semaphore, #tpu.memory_space<semaphore_mem>>)
        %dma_start3A_739 = arith.constant 0 : i32
        %dma_start3A_740 = tpu.memref_slice %arg14[%add3A_718, %dma_start3A_739] : memref<128x128xf32, #tpu.memory_space<vmem>> -> memref<1x128xf32, #tpu.memory_space<vmem>>
        %dma_start3A_741 = tpu.memref_squeeze %dma_start3A_740 : memref<1x128xf32, #tpu.memory_space<vmem>> -> memref<128xf32, #tpu.memory_space<vmem>>
        %dma_start3A_742 = arith.constant 0 : i32
        %dma_start3A_743 = tpu.memref_slice %arg5[%shift_right_logical3A_726, %dma_start3A_742] : memref<25000x128xf32, #tpu.memory_space<hbm>> -> memref<1x128xf32, #tpu.memory_space<hbm>>
        %dma_start3A_744 = tpu.memref_squeeze %dma_start3A_743 : memref<1x128xf32, #tpu.memory_space<hbm>> -> memref<128xf32, #tpu.memory_space<hbm>>
        %dma_start3A_745 = arith.constant 0 : i32
        %dma_start3A_746 = tpu.memref_slice %arg14[%add3A_718, %dma_start3A_745] : memref<128x128xf32, #tpu.memory_space<vmem>> -> memref<1x128xf32, #tpu.memory_space<vmem>>
        %dma_start3A_747 = tpu.memref_squeeze %dma_start3A_746 : memref<1x128xf32, #tpu.memory_space<vmem>> -> memref<128xf32, #tpu.memory_space<vmem>>
        %dma_start3A_748 = arith.constant 0 : i32
        %dma_start3A_749 = tpu.memref_slice %arg5[%shift_right_logical3A_726, %dma_start3A_748] : memref<25000x128xf32, #tpu.memory_space<hbm>> -> memref<1x128xf32, #tpu.memory_space<hbm>>
        %dma_start3A_750 = tpu.memref_squeeze %dma_start3A_749 : memref<1x128xf32, #tpu.memory_space<hbm>> -> memref<128xf32, #tpu.memory_space<hbm>>
        tpu.enqueue_dma source(%dma_start3A_750 : memref<128xf32, #tpu.memory_space<hbm>>) target(%dma_start3A_747 : memref<128xf32, #tpu.memory_space<vmem>>) target_semaphore(%arg20 : memref<!tpu.dma_semaphore, #tpu.memory_space<semaphore_mem>>)
        %dma_start3A_751 = arith.constant 0 : i32
        %dma_start3A_752 = tpu.memref_slice %arg15[%add3A_718, %dma_start3A_751] : memref<128x128xf32, #tpu.memory_space<vmem>> -> memref<1x128xf32, #tpu.memory_space<vmem>>
        %dma_start3A_753 = tpu.memref_squeeze %dma_start3A_752 : memref<1x128xf32, #tpu.memory_space<vmem>> -> memref<128xf32, #tpu.memory_space<vmem>>
        %dma_start3A_754 = arith.constant 0 : i32
        %dma_start3A_755 = tpu.memref_slice %arg6[%shift_right_logical3A_722, %dma_start3A_754] : memref<250000x128xf32, #tpu.memory_space<hbm>> -> memref<1x128xf32, #tpu.memory_space<hbm>>
        %dma_start3A_756 = tpu.memref_squeeze %dma_start3A_755 : memref<1x128xf32, #tpu.memory_space<hbm>> -> memref<128xf32, #tpu.memory_space<hbm>>
        %dma_start3A_757 = arith.constant 0 : i32
        %dma_start3A_758 = tpu.memref_slice %arg15[%add3A_718, %dma_start3A_757] : memref<128x128xf32, #tpu.memory_space<vmem>> -> memref<1x128xf32, #tpu.memory_space<vmem>>
        %dma_start3A_759 = tpu.memref_squeeze %dma_start3A_758 : memref<1x128xf32, #tpu.memory_space<vmem>> -> memref<128xf32, #tpu.memory_space<vmem>>
        %dma_start3A_760 = arith.constant 0 : i32
        %dma_start3A_761 = tpu.memref_slice %arg6[%shift_right_logical3A_722, %dma_start3A_760] : memref<250000x128xf32, #tpu.memory_space<hbm>> -> memref<1x128xf32, #tpu.memory_space<hbm>>
        %dma_start3A_762 = tpu.memref_squeeze %dma_start3A_761 : memref<1x128xf32, #tpu.memory_space<hbm>> -> memref<128xf32, #tpu.memory_space<hbm>>
        tpu.enqueue_dma source(%dma_start3A_762 : memref<128xf32, #tpu.memory_space<hbm>>) target(%dma_start3A_759 : memref<128xf32, #tpu.memory_space<vmem>>) target_semaphore(%arg20 : memref<!tpu.dma_semaphore, #tpu.memory_space<semaphore_mem>>)
        %dma_start3A_763 = arith.constant 0 : i32
        %dma_start3A_764 = tpu.memref_slice %arg16[%add3A_718, %dma_start3A_763] : memref<128x128xf32, #tpu.memory_space<vmem>> -> memref<1x128xf32, #tpu.memory_space<vmem>>
        %dma_start3A_765 = tpu.memref_squeeze %dma_start3A_764 : memref<1x128xf32, #tpu.memory_space<vmem>> -> memref<128xf32, #tpu.memory_space<vmem>>
        %dma_start3A_766 = arith.constant 0 : i32
        %dma_start3A_767 = tpu.memref_slice %arg7[%shift_right_logical3A_726, %dma_start3A_766] : memref<25000x128xf32, #tpu.memory_space<hbm>> -> memref<1x128xf32, #tpu.memory_space<hbm>>
        %dma_start3A_768 = tpu.memref_squeeze %dma_start3A_767 : memref<1x128xf32, #tpu.memory_space<hbm>> -> memref<128xf32, #tpu.memory_space<hbm>>
        %dma_start3A_769 = arith.constant 0 : i32
        %dma_start3A_770 = tpu.memref_slice %arg16[%add3A_718, %dma_start3A_769] : memref<128x128xf32, #tpu.memory_space<vmem>> -> memref<1x128xf32, #tpu.memory_space<vmem>>
        %dma_start3A_771 = tpu.memref_squeeze %dma_start3A_770 : memref<1x128xf32, #tpu.memory_space<vmem>> -> memref<128xf32, #tpu.memory_space<vmem>>
        %dma_start3A_772 = arith.constant 0 : i32
        %dma_start3A_773 = tpu.memref_slice %arg7[%shift_right_logical3A_726, %dma_start3A_772] : memref<25000x128xf32, #tpu.memory_space<hbm>> -> memref<1x128xf32, #tpu.memory_space<hbm>>
        %dma_start3A_774 = tpu.memref_squeeze %dma_start3A_773 : memref<1x128xf32, #tpu.memory_space<hbm>> -> memref<128xf32, #tpu.memory_space<hbm>>
        tpu.enqueue_dma source(%dma_start3A_774 : memref<128xf32, #tpu.memory_space<hbm>>) target(%dma_start3A_771 : memref<128xf32, #tpu.memory_space<vmem>>) target_semaphore(%arg20 : memref<!tpu.dma_semaphore, #tpu.memory_space<semaphore_mem>>)
        %mul3A_775 = arith.constant 16 : i32
        %mul3A_776 = arith.muli %scan3A_47, %mul3A_775 : i32
        %add3A_777 = arith.constant 12 : i32
        %add3A_778 = arith.addi %mul3A_776, %add3A_777 : i32
        %slice3A_779 = vector.extract_strided_slice %get3A_52 {offsets = [12], sizes = [1], strides = [1]} : vector<16xi32> to vector<1xi32>
        %squeeze3A_780 = vector.extract %slice3A_779[0] : i32 from vector<1xi32>
        %shift_right_logical3A_781 = arith.constant 2 : i32
        %shift_right_logical3A_782 = arith.shrui %squeeze3A_780, %shift_right_logical3A_781 : i32
        %slice3A_783 = vector.extract_strided_slice %get3A_58 {offsets = [12], sizes = [1], strides = [1]} : vector<16xi32> to vector<1xi32>
        %squeeze3A_784 = vector.extract %slice3A_783[0] : i32 from vector<1xi32>
        %shift_right_logical3A_785 = arith.constant 2 : i32
        %shift_right_logical3A_786 = arith.shrui %squeeze3A_784, %shift_right_logical3A_785 : i32
        %dma_start3A_787 = arith.constant 0 : i32
        %dma_start3A_788 = tpu.memref_slice %arg13[%add3A_778, %dma_start3A_787] : memref<128x128xf32, #tpu.memory_space<vmem>> -> memref<1x128xf32, #tpu.memory_space<vmem>>
        %dma_start3A_789 = tpu.memref_squeeze %dma_start3A_788 : memref<1x128xf32, #tpu.memory_space<vmem>> -> memref<128xf32, #tpu.memory_space<vmem>>
        %dma_start3A_790 = arith.constant 0 : i32
        %dma_start3A_791 = tpu.memref_slice %arg4[%shift_right_logical3A_782, %dma_start3A_790] : memref<250000x128xf32, #tpu.memory_space<hbm>> -> memref<1x128xf32, #tpu.memory_space<hbm>>
        %dma_start3A_792 = tpu.memref_squeeze %dma_start3A_791 : memref<1x128xf32, #tpu.memory_space<hbm>> -> memref<128xf32, #tpu.memory_space<hbm>>
        %dma_start3A_793 = arith.constant 0 : i32
        %dma_start3A_794 = tpu.memref_slice %arg13[%add3A_778, %dma_start3A_793] : memref<128x128xf32, #tpu.memory_space<vmem>> -> memref<1x128xf32, #tpu.memory_space<vmem>>
        %dma_start3A_795 = tpu.memref_squeeze %dma_start3A_794 : memref<1x128xf32, #tpu.memory_space<vmem>> -> memref<128xf32, #tpu.memory_space<vmem>>
        %dma_start3A_796 = arith.constant 0 : i32
        %dma_start3A_797 = tpu.memref_slice %arg4[%shift_right_logical3A_782, %dma_start3A_796] : memref<250000x128xf32, #tpu.memory_space<hbm>> -> memref<1x128xf32, #tpu.memory_space<hbm>>
        %dma_start3A_798 = tpu.memref_squeeze %dma_start3A_797 : memref<1x128xf32, #tpu.memory_space<hbm>> -> memref<128xf32, #tpu.memory_space<hbm>>
        tpu.enqueue_dma source(%dma_start3A_798 : memref<128xf32, #tpu.memory_space<hbm>>) target(%dma_start3A_795 : memref<128xf32, #tpu.memory_space<vmem>>) target_semaphore(%arg20 : memref<!tpu.dma_semaphore, #tpu.memory_space<semaphore_mem>>)
        %dma_start3A_799 = arith.constant 0 : i32
        %dma_start3A_800 = tpu.memref_slice %arg14[%add3A_778, %dma_start3A_799] : memref<128x128xf32, #tpu.memory_space<vmem>> -> memref<1x128xf32, #tpu.memory_space<vmem>>
        %dma_start3A_801 = tpu.memref_squeeze %dma_start3A_800 : memref<1x128xf32, #tpu.memory_space<vmem>> -> memref<128xf32, #tpu.memory_space<vmem>>
        %dma_start3A_802 = arith.constant 0 : i32
        %dma_start3A_803 = tpu.memref_slice %arg5[%shift_right_logical3A_786, %dma_start3A_802] : memref<25000x128xf32, #tpu.memory_space<hbm>> -> memref<1x128xf32, #tpu.memory_space<hbm>>
        %dma_start3A_804 = tpu.memref_squeeze %dma_start3A_803 : memref<1x128xf32, #tpu.memory_space<hbm>> -> memref<128xf32, #tpu.memory_space<hbm>>
        %dma_start3A_805 = arith.constant 0 : i32
        %dma_start3A_806 = tpu.memref_slice %arg14[%add3A_778, %dma_start3A_805] : memref<128x128xf32, #tpu.memory_space<vmem>> -> memref<1x128xf32, #tpu.memory_space<vmem>>
        %dma_start3A_807 = tpu.memref_squeeze %dma_start3A_806 : memref<1x128xf32, #tpu.memory_space<vmem>> -> memref<128xf32, #tpu.memory_space<vmem>>
        %dma_start3A_808 = arith.constant 0 : i32
        %dma_start3A_809 = tpu.memref_slice %arg5[%shift_right_logical3A_786, %dma_start3A_808] : memref<25000x128xf32, #tpu.memory_space<hbm>> -> memref<1x128xf32, #tpu.memory_space<hbm>>
        %dma_start3A_810 = tpu.memref_squeeze %dma_start3A_809 : memref<1x128xf32, #tpu.memory_space<hbm>> -> memref<128xf32, #tpu.memory_space<hbm>>
        tpu.enqueue_dma source(%dma_start3A_810 : memref<128xf32, #tpu.memory_space<hbm>>) target(%dma_start3A_807 : memref<128xf32, #tpu.memory_space<vmem>>) target_semaphore(%arg20 : memref<!tpu.dma_semaphore, #tpu.memory_space<semaphore_mem>>)
        %dma_start3A_811 = arith.constant 0 : i32
        %dma_start3A_812 = tpu.memref_slice %arg15[%add3A_778, %dma_start3A_811] : memref<128x128xf32, #tpu.memory_space<vmem>> -> memref<1x128xf32, #tpu.memory_space<vmem>>
        %dma_start3A_813 = tpu.memref_squeeze %dma_start3A_812 : memref<1x128xf32, #tpu.memory_space<vmem>> -> memref<128xf32, #tpu.memory_space<vmem>>
        %dma_start3A_814 = arith.constant 0 : i32
        %dma_start3A_815 = tpu.memref_slice %arg6[%shift_right_logical3A_782, %dma_start3A_814] : memref<250000x128xf32, #tpu.memory_space<hbm>> -> memref<1x128xf32, #tpu.memory_space<hbm>>
        %dma_start3A_816 = tpu.memref_squeeze %dma_start3A_815 : memref<1x128xf32, #tpu.memory_space<hbm>> -> memref<128xf32, #tpu.memory_space<hbm>>
        %dma_start3A_817 = arith.constant 0 : i32
        %dma_start3A_818 = tpu.memref_slice %arg15[%add3A_778, %dma_start3A_817] : memref<128x128xf32, #tpu.memory_space<vmem>> -> memref<1x128xf32, #tpu.memory_space<vmem>>
        %dma_start3A_819 = tpu.memref_squeeze %dma_start3A_818 : memref<1x128xf32, #tpu.memory_space<vmem>> -> memref<128xf32, #tpu.memory_space<vmem>>
        %dma_start3A_820 = arith.constant 0 : i32
        %dma_start3A_821 = tpu.memref_slice %arg6[%shift_right_logical3A_782, %dma_start3A_820] : memref<250000x128xf32, #tpu.memory_space<hbm>> -> memref<1x128xf32, #tpu.memory_space<hbm>>
        %dma_start3A_822 = tpu.memref_squeeze %dma_start3A_821 : memref<1x128xf32, #tpu.memory_space<hbm>> -> memref<128xf32, #tpu.memory_space<hbm>>
        tpu.enqueue_dma source(%dma_start3A_822 : memref<128xf32, #tpu.memory_space<hbm>>) target(%dma_start3A_819 : memref<128xf32, #tpu.memory_space<vmem>>) target_semaphore(%arg20 : memref<!tpu.dma_semaphore, #tpu.memory_space<semaphore_mem>>)
        %dma_start3A_823 = arith.constant 0 : i32
        %dma_start3A_824 = tpu.memref_slice %arg16[%add3A_778, %dma_start3A_823] : memref<128x128xf32, #tpu.memory_space<vmem>> -> memref<1x128xf32, #tpu.memory_space<vmem>>
        %dma_start3A_825 = tpu.memref_squeeze %dma_start3A_824 : memref<1x128xf32, #tpu.memory_space<vmem>> -> memref<128xf32, #tpu.memory_space<vmem>>
        %dma_start3A_826 = arith.constant 0 : i32
        %dma_start3A_827 = tpu.memref_slice %arg7[%shift_right_logical3A_786, %dma_start3A_826] : memref<25000x128xf32, #tpu.memory_space<hbm>> -> memref<1x128xf32, #tpu.memory_space<hbm>>
        %dma_start3A_828 = tpu.memref_squeeze %dma_start3A_827 : memref<1x128xf32, #tpu.memory_space<hbm>> -> memref<128xf32, #tpu.memory_space<hbm>>
        %dma_start3A_829 = arith.constant 0 : i32
        %dma_start3A_830 = tpu.memref_slice %arg16[%add3A_778, %dma_start3A_829] : memref<128x128xf32, #tpu.memory_space<vmem>> -> memref<1x128xf32, #tpu.memory_space<vmem>>
        %dma_start3A_831 = tpu.memref_squeeze %dma_start3A_830 : memref<1x128xf32, #tpu.memory_space<vmem>> -> memref<128xf32, #tpu.memory_space<vmem>>
        %dma_start3A_832 = arith.constant 0 : i32
        %dma_start3A_833 = tpu.memref_slice %arg7[%shift_right_logical3A_786, %dma_start3A_832] : memref<25000x128xf32, #tpu.memory_space<hbm>> -> memref<1x128xf32, #tpu.memory_space<hbm>>
        %dma_start3A_834 = tpu.memref_squeeze %dma_start3A_833 : memref<1x128xf32, #tpu.memory_space<hbm>> -> memref<128xf32, #tpu.memory_space<hbm>>
        tpu.enqueue_dma source(%dma_start3A_834 : memref<128xf32, #tpu.memory_space<hbm>>) target(%dma_start3A_831 : memref<128xf32, #tpu.memory_space<vmem>>) target_semaphore(%arg20 : memref<!tpu.dma_semaphore, #tpu.memory_space<semaphore_mem>>)
        %mul3A_835 = arith.constant 16 : i32
        %mul3A_836 = arith.muli %scan3A_47, %mul3A_835 : i32
        %add3A_837 = arith.constant 13 : i32
        %add3A_838 = arith.addi %mul3A_836, %add3A_837 : i32
        %slice3A_839 = vector.extract_strided_slice %get3A_52 {offsets = [13], sizes = [1], strides = [1]} : vector<16xi32> to vector<1xi32>
        %squeeze3A_840 = vector.extract %slice3A_839[0] : i32 from vector<1xi32>
        %shift_right_logical3A_841 = arith.constant 2 : i32
        %shift_right_logical3A_842 = arith.shrui %squeeze3A_840, %shift_right_logical3A_841 : i32
        %slice3A_843 = vector.extract_strided_slice %get3A_58 {offsets = [13], sizes = [1], strides = [1]} : vector<16xi32> to vector<1xi32>
        %squeeze3A_844 = vector.extract %slice3A_843[0] : i32 from vector<1xi32>
        %shift_right_logical3A_845 = arith.constant 2 : i32
        %shift_right_logical3A_846 = arith.shrui %squeeze3A_844, %shift_right_logical3A_845 : i32
        %dma_start3A_847 = arith.constant 0 : i32
        %dma_start3A_848 = tpu.memref_slice %arg13[%add3A_838, %dma_start3A_847] : memref<128x128xf32, #tpu.memory_space<vmem>> -> memref<1x128xf32, #tpu.memory_space<vmem>>
        %dma_start3A_849 = tpu.memref_squeeze %dma_start3A_848 : memref<1x128xf32, #tpu.memory_space<vmem>> -> memref<128xf32, #tpu.memory_space<vmem>>
        %dma_start3A_850 = arith.constant 0 : i32
        %dma_start3A_851 = tpu.memref_slice %arg4[%shift_right_logical3A_842, %dma_start3A_850] : memref<250000x128xf32, #tpu.memory_space<hbm>> -> memref<1x128xf32, #tpu.memory_space<hbm>>
        %dma_start3A_852 = tpu.memref_squeeze %dma_start3A_851 : memref<1x128xf32, #tpu.memory_space<hbm>> -> memref<128xf32, #tpu.memory_space<hbm>>
        %dma_start3A_853 = arith.constant 0 : i32
        %dma_start3A_854 = tpu.memref_slice %arg13[%add3A_838, %dma_start3A_853] : memref<128x128xf32, #tpu.memory_space<vmem>> -> memref<1x128xf32, #tpu.memory_space<vmem>>
        %dma_start3A_855 = tpu.memref_squeeze %dma_start3A_854 : memref<1x128xf32, #tpu.memory_space<vmem>> -> memref<128xf32, #tpu.memory_space<vmem>>
        %dma_start3A_856 = arith.constant 0 : i32
        %dma_start3A_857 = tpu.memref_slice %arg4[%shift_right_logical3A_842, %dma_start3A_856] : memref<250000x128xf32, #tpu.memory_space<hbm>> -> memref<1x128xf32, #tpu.memory_space<hbm>>
        %dma_start3A_858 = tpu.memref_squeeze %dma_start3A_857 : memref<1x128xf32, #tpu.memory_space<hbm>> -> memref<128xf32, #tpu.memory_space<hbm>>
        tpu.enqueue_dma source(%dma_start3A_858 : memref<128xf32, #tpu.memory_space<hbm>>) target(%dma_start3A_855 : memref<128xf32, #tpu.memory_space<vmem>>) target_semaphore(%arg20 : memref<!tpu.dma_semaphore, #tpu.memory_space<semaphore_mem>>)
        %dma_start3A_859 = arith.constant 0 : i32
        %dma_start3A_860 = tpu.memref_slice %arg14[%add3A_838, %dma_start3A_859] : memref<128x128xf32, #tpu.memory_space<vmem>> -> memref<1x128xf32, #tpu.memory_space<vmem>>
        %dma_start3A_861 = tpu.memref_squeeze %dma_start3A_860 : memref<1x128xf32, #tpu.memory_space<vmem>> -> memref<128xf32, #tpu.memory_space<vmem>>
        %dma_start3A_862 = arith.constant 0 : i32
        %dma_start3A_863 = tpu.memref_slice %arg5[%shift_right_logical3A_846, %dma_start3A_862] : memref<25000x128xf32, #tpu.memory_space<hbm>> -> memref<1x128xf32, #tpu.memory_space<hbm>>
        %dma_start3A_864 = tpu.memref_squeeze %dma_start3A_863 : memref<1x128xf32, #tpu.memory_space<hbm>> -> memref<128xf32, #tpu.memory_space<hbm>>
        %dma_start3A_865 = arith.constant 0 : i32
        %dma_start3A_866 = tpu.memref_slice %arg14[%add3A_838, %dma_start3A_865] : memref<128x128xf32, #tpu.memory_space<vmem>> -> memref<1x128xf32, #tpu.memory_space<vmem>>
        %dma_start3A_867 = tpu.memref_squeeze %dma_start3A_866 : memref<1x128xf32, #tpu.memory_space<vmem>> -> memref<128xf32, #tpu.memory_space<vmem>>
        %dma_start3A_868 = arith.constant 0 : i32
        %dma_start3A_869 = tpu.memref_slice %arg5[%shift_right_logical3A_846, %dma_start3A_868] : memref<25000x128xf32, #tpu.memory_space<hbm>> -> memref<1x128xf32, #tpu.memory_space<hbm>>
        %dma_start3A_870 = tpu.memref_squeeze %dma_start3A_869 : memref<1x128xf32, #tpu.memory_space<hbm>> -> memref<128xf32, #tpu.memory_space<hbm>>
        tpu.enqueue_dma source(%dma_start3A_870 : memref<128xf32, #tpu.memory_space<hbm>>) target(%dma_start3A_867 : memref<128xf32, #tpu.memory_space<vmem>>) target_semaphore(%arg20 : memref<!tpu.dma_semaphore, #tpu.memory_space<semaphore_mem>>)
        %dma_start3A_871 = arith.constant 0 : i32
        %dma_start3A_872 = tpu.memref_slice %arg15[%add3A_838, %dma_start3A_871] : memref<128x128xf32, #tpu.memory_space<vmem>> -> memref<1x128xf32, #tpu.memory_space<vmem>>
        %dma_start3A_873 = tpu.memref_squeeze %dma_start3A_872 : memref<1x128xf32, #tpu.memory_space<vmem>> -> memref<128xf32, #tpu.memory_space<vmem>>
        %dma_start3A_874 = arith.constant 0 : i32
        %dma_start3A_875 = tpu.memref_slice %arg6[%shift_right_logical3A_842, %dma_start3A_874] : memref<250000x128xf32, #tpu.memory_space<hbm>> -> memref<1x128xf32, #tpu.memory_space<hbm>>
        %dma_start3A_876 = tpu.memref_squeeze %dma_start3A_875 : memref<1x128xf32, #tpu.memory_space<hbm>> -> memref<128xf32, #tpu.memory_space<hbm>>
        %dma_start3A_877 = arith.constant 0 : i32
        %dma_start3A_878 = tpu.memref_slice %arg15[%add3A_838, %dma_start3A_877] : memref<128x128xf32, #tpu.memory_space<vmem>> -> memref<1x128xf32, #tpu.memory_space<vmem>>
        %dma_start3A_879 = tpu.memref_squeeze %dma_start3A_878 : memref<1x128xf32, #tpu.memory_space<vmem>> -> memref<128xf32, #tpu.memory_space<vmem>>
        %dma_start3A_880 = arith.constant 0 : i32
        %dma_start3A_881 = tpu.memref_slice %arg6[%shift_right_logical3A_842, %dma_start3A_880] : memref<250000x128xf32, #tpu.memory_space<hbm>> -> memref<1x128xf32, #tpu.memory_space<hbm>>
        %dma_start3A_882 = tpu.memref_squeeze %dma_start3A_881 : memref<1x128xf32, #tpu.memory_space<hbm>> -> memref<128xf32, #tpu.memory_space<hbm>>
        tpu.enqueue_dma source(%dma_start3A_882 : memref<128xf32, #tpu.memory_space<hbm>>) target(%dma_start3A_879 : memref<128xf32, #tpu.memory_space<vmem>>) target_semaphore(%arg20 : memref<!tpu.dma_semaphore, #tpu.memory_space<semaphore_mem>>)
        %dma_start3A_883 = arith.constant 0 : i32
        %dma_start3A_884 = tpu.memref_slice %arg16[%add3A_838, %dma_start3A_883] : memref<128x128xf32, #tpu.memory_space<vmem>> -> memref<1x128xf32, #tpu.memory_space<vmem>>
        %dma_start3A_885 = tpu.memref_squeeze %dma_start3A_884 : memref<1x128xf32, #tpu.memory_space<vmem>> -> memref<128xf32, #tpu.memory_space<vmem>>
        %dma_start3A_886 = arith.constant 0 : i32
        %dma_start3A_887 = tpu.memref_slice %arg7[%shift_right_logical3A_846, %dma_start3A_886] : memref<25000x128xf32, #tpu.memory_space<hbm>> -> memref<1x128xf32, #tpu.memory_space<hbm>>
        %dma_start3A_888 = tpu.memref_squeeze %dma_start3A_887 : memref<1x128xf32, #tpu.memory_space<hbm>> -> memref<128xf32, #tpu.memory_space<hbm>>
        %dma_start3A_889 = arith.constant 0 : i32
        %dma_start3A_890 = tpu.memref_slice %arg16[%add3A_838, %dma_start3A_889] : memref<128x128xf32, #tpu.memory_space<vmem>> -> memref<1x128xf32, #tpu.memory_space<vmem>>
        %dma_start3A_891 = tpu.memref_squeeze %dma_start3A_890 : memref<1x128xf32, #tpu.memory_space<vmem>> -> memref<128xf32, #tpu.memory_space<vmem>>
        %dma_start3A_892 = arith.constant 0 : i32
        %dma_start3A_893 = tpu.memref_slice %arg7[%shift_right_logical3A_846, %dma_start3A_892] : memref<25000x128xf32, #tpu.memory_space<hbm>> -> memref<1x128xf32, #tpu.memory_space<hbm>>
        %dma_start3A_894 = tpu.memref_squeeze %dma_start3A_893 : memref<1x128xf32, #tpu.memory_space<hbm>> -> memref<128xf32, #tpu.memory_space<hbm>>
        tpu.enqueue_dma source(%dma_start3A_894 : memref<128xf32, #tpu.memory_space<hbm>>) target(%dma_start3A_891 : memref<128xf32, #tpu.memory_space<vmem>>) target_semaphore(%arg20 : memref<!tpu.dma_semaphore, #tpu.memory_space<semaphore_mem>>)
        %mul3A_895 = arith.constant 16 : i32
        %mul3A_896 = arith.muli %scan3A_47, %mul3A_895 : i32
        %add3A_897 = arith.constant 14 : i32
        %add3A_898 = arith.addi %mul3A_896, %add3A_897 : i32
        %slice3A_899 = vector.extract_strided_slice %get3A_52 {offsets = [14], sizes = [1], strides = [1]} : vector<16xi32> to vector<1xi32>
        %squeeze3A_900 = vector.extract %slice3A_899[0] : i32 from vector<1xi32>
        %shift_right_logical3A_901 = arith.constant 2 : i32
        %shift_right_logical3A_902 = arith.shrui %squeeze3A_900, %shift_right_logical3A_901 : i32
        %slice3A_903 = vector.extract_strided_slice %get3A_58 {offsets = [14], sizes = [1], strides = [1]} : vector<16xi32> to vector<1xi32>
        %squeeze3A_904 = vector.extract %slice3A_903[0] : i32 from vector<1xi32>
        %shift_right_logical3A_905 = arith.constant 2 : i32
        %shift_right_logical3A_906 = arith.shrui %squeeze3A_904, %shift_right_logical3A_905 : i32
        %dma_start3A_907 = arith.constant 0 : i32
        %dma_start3A_908 = tpu.memref_slice %arg13[%add3A_898, %dma_start3A_907] : memref<128x128xf32, #tpu.memory_space<vmem>> -> memref<1x128xf32, #tpu.memory_space<vmem>>
        %dma_start3A_909 = tpu.memref_squeeze %dma_start3A_908 : memref<1x128xf32, #tpu.memory_space<vmem>> -> memref<128xf32, #tpu.memory_space<vmem>>
        %dma_start3A_910 = arith.constant 0 : i32
        %dma_start3A_911 = tpu.memref_slice %arg4[%shift_right_logical3A_902, %dma_start3A_910] : memref<250000x128xf32, #tpu.memory_space<hbm>> -> memref<1x128xf32, #tpu.memory_space<hbm>>
        %dma_start3A_912 = tpu.memref_squeeze %dma_start3A_911 : memref<1x128xf32, #tpu.memory_space<hbm>> -> memref<128xf32, #tpu.memory_space<hbm>>
        %dma_start3A_913 = arith.constant 0 : i32
        %dma_start3A_914 = tpu.memref_slice %arg13[%add3A_898, %dma_start3A_913] : memref<128x128xf32, #tpu.memory_space<vmem>> -> memref<1x128xf32, #tpu.memory_space<vmem>>
        %dma_start3A_915 = tpu.memref_squeeze %dma_start3A_914 : memref<1x128xf32, #tpu.memory_space<vmem>> -> memref<128xf32, #tpu.memory_space<vmem>>
        %dma_start3A_916 = arith.constant 0 : i32
        %dma_start3A_917 = tpu.memref_slice %arg4[%shift_right_logical3A_902, %dma_start3A_916] : memref<250000x128xf32, #tpu.memory_space<hbm>> -> memref<1x128xf32, #tpu.memory_space<hbm>>
        %dma_start3A_918 = tpu.memref_squeeze %dma_start3A_917 : memref<1x128xf32, #tpu.memory_space<hbm>> -> memref<128xf32, #tpu.memory_space<hbm>>
        tpu.enqueue_dma source(%dma_start3A_918 : memref<128xf32, #tpu.memory_space<hbm>>) target(%dma_start3A_915 : memref<128xf32, #tpu.memory_space<vmem>>) target_semaphore(%arg20 : memref<!tpu.dma_semaphore, #tpu.memory_space<semaphore_mem>>)
        %dma_start3A_919 = arith.constant 0 : i32
        %dma_start3A_920 = tpu.memref_slice %arg14[%add3A_898, %dma_start3A_919] : memref<128x128xf32, #tpu.memory_space<vmem>> -> memref<1x128xf32, #tpu.memory_space<vmem>>
        %dma_start3A_921 = tpu.memref_squeeze %dma_start3A_920 : memref<1x128xf32, #tpu.memory_space<vmem>> -> memref<128xf32, #tpu.memory_space<vmem>>
        %dma_start3A_922 = arith.constant 0 : i32
        %dma_start3A_923 = tpu.memref_slice %arg5[%shift_right_logical3A_906, %dma_start3A_922] : memref<25000x128xf32, #tpu.memory_space<hbm>> -> memref<1x128xf32, #tpu.memory_space<hbm>>
        %dma_start3A_924 = tpu.memref_squeeze %dma_start3A_923 : memref<1x128xf32, #tpu.memory_space<hbm>> -> memref<128xf32, #tpu.memory_space<hbm>>
        %dma_start3A_925 = arith.constant 0 : i32
        %dma_start3A_926 = tpu.memref_slice %arg14[%add3A_898, %dma_start3A_925] : memref<128x128xf32, #tpu.memory_space<vmem>> -> memref<1x128xf32, #tpu.memory_space<vmem>>
        %dma_start3A_927 = tpu.memref_squeeze %dma_start3A_926 : memref<1x128xf32, #tpu.memory_space<vmem>> -> memref<128xf32, #tpu.memory_space<vmem>>
        %dma_start3A_928 = arith.constant 0 : i32
        %dma_start3A_929 = tpu.memref_slice %arg5[%shift_right_logical3A_906, %dma_start3A_928] : memref<25000x128xf32, #tpu.memory_space<hbm>> -> memref<1x128xf32, #tpu.memory_space<hbm>>
        %dma_start3A_930 = tpu.memref_squeeze %dma_start3A_929 : memref<1x128xf32, #tpu.memory_space<hbm>> -> memref<128xf32, #tpu.memory_space<hbm>>
        tpu.enqueue_dma source(%dma_start3A_930 : memref<128xf32, #tpu.memory_space<hbm>>) target(%dma_start3A_927 : memref<128xf32, #tpu.memory_space<vmem>>) target_semaphore(%arg20 : memref<!tpu.dma_semaphore, #tpu.memory_space<semaphore_mem>>)
        %dma_start3A_931 = arith.constant 0 : i32
        %dma_start3A_932 = tpu.memref_slice %arg15[%add3A_898, %dma_start3A_931] : memref<128x128xf32, #tpu.memory_space<vmem>> -> memref<1x128xf32, #tpu.memory_space<vmem>>
        %dma_start3A_933 = tpu.memref_squeeze %dma_start3A_932 : memref<1x128xf32, #tpu.memory_space<vmem>> -> memref<128xf32, #tpu.memory_space<vmem>>
        %dma_start3A_934 = arith.constant 0 : i32
        %dma_start3A_935 = tpu.memref_slice %arg6[%shift_right_logical3A_902, %dma_start3A_934] : memref<250000x128xf32, #tpu.memory_space<hbm>> -> memref<1x128xf32, #tpu.memory_space<hbm>>
        %dma_start3A_936 = tpu.memref_squeeze %dma_start3A_935 : memref<1x128xf32, #tpu.memory_space<hbm>> -> memref<128xf32, #tpu.memory_space<hbm>>
        %dma_start3A_937 = arith.constant 0 : i32
        %dma_start3A_938 = tpu.memref_slice %arg15[%add3A_898, %dma_start3A_937] : memref<128x128xf32, #tpu.memory_space<vmem>> -> memref<1x128xf32, #tpu.memory_space<vmem>>
        %dma_start3A_939 = tpu.memref_squeeze %dma_start3A_938 : memref<1x128xf32, #tpu.memory_space<vmem>> -> memref<128xf32, #tpu.memory_space<vmem>>
        %dma_start3A_940 = arith.constant 0 : i32
        %dma_start3A_941 = tpu.memref_slice %arg6[%shift_right_logical3A_902, %dma_start3A_940] : memref<250000x128xf32, #tpu.memory_space<hbm>> -> memref<1x128xf32, #tpu.memory_space<hbm>>
        %dma_start3A_942 = tpu.memref_squeeze %dma_start3A_941 : memref<1x128xf32, #tpu.memory_space<hbm>> -> memref<128xf32, #tpu.memory_space<hbm>>
        tpu.enqueue_dma source(%dma_start3A_942 : memref<128xf32, #tpu.memory_space<hbm>>) target(%dma_start3A_939 : memref<128xf32, #tpu.memory_space<vmem>>) target_semaphore(%arg20 : memref<!tpu.dma_semaphore, #tpu.memory_space<semaphore_mem>>)
        %dma_start3A_943 = arith.constant 0 : i32
        %dma_start3A_944 = tpu.memref_slice %arg16[%add3A_898, %dma_start3A_943] : memref<128x128xf32, #tpu.memory_space<vmem>> -> memref<1x128xf32, #tpu.memory_space<vmem>>
        %dma_start3A_945 = tpu.memref_squeeze %dma_start3A_944 : memref<1x128xf32, #tpu.memory_space<vmem>> -> memref<128xf32, #tpu.memory_space<vmem>>
        %dma_start3A_946 = arith.constant 0 : i32
        %dma_start3A_947 = tpu.memref_slice %arg7[%shift_right_logical3A_906, %dma_start3A_946] : memref<25000x128xf32, #tpu.memory_space<hbm>> -> memref<1x128xf32, #tpu.memory_space<hbm>>
        %dma_start3A_948 = tpu.memref_squeeze %dma_start3A_947 : memref<1x128xf32, #tpu.memory_space<hbm>> -> memref<128xf32, #tpu.memory_space<hbm>>
        %dma_start3A_949 = arith.constant 0 : i32
        %dma_start3A_950 = tpu.memref_slice %arg16[%add3A_898, %dma_start3A_949] : memref<128x128xf32, #tpu.memory_space<vmem>> -> memref<1x128xf32, #tpu.memory_space<vmem>>
        %dma_start3A_951 = tpu.memref_squeeze %dma_start3A_950 : memref<1x128xf32, #tpu.memory_space<vmem>> -> memref<128xf32, #tpu.memory_space<vmem>>
        %dma_start3A_952 = arith.constant 0 : i32
        %dma_start3A_953 = tpu.memref_slice %arg7[%shift_right_logical3A_906, %dma_start3A_952] : memref<25000x128xf32, #tpu.memory_space<hbm>> -> memref<1x128xf32, #tpu.memory_space<hbm>>
        %dma_start3A_954 = tpu.memref_squeeze %dma_start3A_953 : memref<1x128xf32, #tpu.memory_space<hbm>> -> memref<128xf32, #tpu.memory_space<hbm>>
        tpu.enqueue_dma source(%dma_start3A_954 : memref<128xf32, #tpu.memory_space<hbm>>) target(%dma_start3A_951 : memref<128xf32, #tpu.memory_space<vmem>>) target_semaphore(%arg20 : memref<!tpu.dma_semaphore, #tpu.memory_space<semaphore_mem>>)
        %mul3A_955 = arith.constant 16 : i32
        %mul3A_956 = arith.muli %scan3A_47, %mul3A_955 : i32
        %add3A_957 = arith.constant 15 : i32
        %add3A_958 = arith.addi %mul3A_956, %add3A_957 : i32
        %slice3A_959 = vector.extract_strided_slice %get3A_52 {offsets = [15], sizes = [1], strides = [1]} : vector<16xi32> to vector<1xi32>
        %squeeze3A_960 = vector.extract %slice3A_959[0] : i32 from vector<1xi32>
        %shift_right_logical3A_961 = arith.constant 2 : i32
        %shift_right_logical3A_962 = arith.shrui %squeeze3A_960, %shift_right_logical3A_961 : i32
        %slice3A_963 = vector.extract_strided_slice %get3A_58 {offsets = [15], sizes = [1], strides = [1]} : vector<16xi32> to vector<1xi32>
        %squeeze3A_964 = vector.extract %slice3A_963[0] : i32 from vector<1xi32>
        %shift_right_logical3A_965 = arith.constant 2 : i32
        %shift_right_logical3A_966 = arith.shrui %squeeze3A_964, %shift_right_logical3A_965 : i32
        %dma_start3A_967 = arith.constant 0 : i32
        %dma_start3A_968 = tpu.memref_slice %arg13[%add3A_958, %dma_start3A_967] : memref<128x128xf32, #tpu.memory_space<vmem>> -> memref<1x128xf32, #tpu.memory_space<vmem>>
        %dma_start3A_969 = tpu.memref_squeeze %dma_start3A_968 : memref<1x128xf32, #tpu.memory_space<vmem>> -> memref<128xf32, #tpu.memory_space<vmem>>
        %dma_start3A_970 = arith.constant 0 : i32
        %dma_start3A_971 = tpu.memref_slice %arg4[%shift_right_logical3A_962, %dma_start3A_970] : memref<250000x128xf32, #tpu.memory_space<hbm>> -> memref<1x128xf32, #tpu.memory_space<hbm>>
        %dma_start3A_972 = tpu.memref_squeeze %dma_start3A_971 : memref<1x128xf32, #tpu.memory_space<hbm>> -> memref<128xf32, #tpu.memory_space<hbm>>
        %dma_start3A_973 = arith.constant 0 : i32
        %dma_start3A_974 = tpu.memref_slice %arg13[%add3A_958, %dma_start3A_973] : memref<128x128xf32, #tpu.memory_space<vmem>> -> memref<1x128xf32, #tpu.memory_space<vmem>>
        %dma_start3A_975 = tpu.memref_squeeze %dma_start3A_974 : memref<1x128xf32, #tpu.memory_space<vmem>> -> memref<128xf32, #tpu.memory_space<vmem>>
        %dma_start3A_976 = arith.constant 0 : i32
        %dma_start3A_977 = tpu.memref_slice %arg4[%shift_right_logical3A_962, %dma_start3A_976] : memref<250000x128xf32, #tpu.memory_space<hbm>> -> memref<1x128xf32, #tpu.memory_space<hbm>>
        %dma_start3A_978 = tpu.memref_squeeze %dma_start3A_977 : memref<1x128xf32, #tpu.memory_space<hbm>> -> memref<128xf32, #tpu.memory_space<hbm>>
        tpu.enqueue_dma source(%dma_start3A_978 : memref<128xf32, #tpu.memory_space<hbm>>) target(%dma_start3A_975 : memref<128xf32, #tpu.memory_space<vmem>>) target_semaphore(%arg20 : memref<!tpu.dma_semaphore, #tpu.memory_space<semaphore_mem>>)
        %dma_start3A_979 = arith.constant 0 : i32
        %dma_start3A_980 = tpu.memref_slice %arg14[%add3A_958, %dma_start3A_979] : memref<128x128xf32, #tpu.memory_space<vmem>> -> memref<1x128xf32, #tpu.memory_space<vmem>>
        %dma_start3A_981 = tpu.memref_squeeze %dma_start3A_980 : memref<1x128xf32, #tpu.memory_space<vmem>> -> memref<128xf32, #tpu.memory_space<vmem>>
        %dma_start3A_982 = arith.constant 0 : i32
        %dma_start3A_983 = tpu.memref_slice %arg5[%shift_right_logical3A_966, %dma_start3A_982] : memref<25000x128xf32, #tpu.memory_space<hbm>> -> memref<1x128xf32, #tpu.memory_space<hbm>>
        %dma_start3A_984 = tpu.memref_squeeze %dma_start3A_983 : memref<1x128xf32, #tpu.memory_space<hbm>> -> memref<128xf32, #tpu.memory_space<hbm>>
        %dma_start3A_985 = arith.constant 0 : i32
        %dma_start3A_986 = tpu.memref_slice %arg14[%add3A_958, %dma_start3A_985] : memref<128x128xf32, #tpu.memory_space<vmem>> -> memref<1x128xf32, #tpu.memory_space<vmem>>
        %dma_start3A_987 = tpu.memref_squeeze %dma_start3A_986 : memref<1x128xf32, #tpu.memory_space<vmem>> -> memref<128xf32, #tpu.memory_space<vmem>>
        %dma_start3A_988 = arith.constant 0 : i32
        %dma_start3A_989 = tpu.memref_slice %arg5[%shift_right_logical3A_966, %dma_start3A_988] : memref<25000x128xf32, #tpu.memory_space<hbm>> -> memref<1x128xf32, #tpu.memory_space<hbm>>
        %dma_start3A_990 = tpu.memref_squeeze %dma_start3A_989 : memref<1x128xf32, #tpu.memory_space<hbm>> -> memref<128xf32, #tpu.memory_space<hbm>>
        tpu.enqueue_dma source(%dma_start3A_990 : memref<128xf32, #tpu.memory_space<hbm>>) target(%dma_start3A_987 : memref<128xf32, #tpu.memory_space<vmem>>) target_semaphore(%arg20 : memref<!tpu.dma_semaphore, #tpu.memory_space<semaphore_mem>>)
        %dma_start3A_991 = arith.constant 0 : i32
        %dma_start3A_992 = tpu.memref_slice %arg15[%add3A_958, %dma_start3A_991] : memref<128x128xf32, #tpu.memory_space<vmem>> -> memref<1x128xf32, #tpu.memory_space<vmem>>
        %dma_start3A_993 = tpu.memref_squeeze %dma_start3A_992 : memref<1x128xf32, #tpu.memory_space<vmem>> -> memref<128xf32, #tpu.memory_space<vmem>>
        %dma_start3A_994 = arith.constant 0 : i32
        %dma_start3A_995 = tpu.memref_slice %arg6[%shift_right_logical3A_962, %dma_start3A_994] : memref<250000x128xf32, #tpu.memory_space<hbm>> -> memref<1x128xf32, #tpu.memory_space<hbm>>
        %dma_start3A_996 = tpu.memref_squeeze %dma_start3A_995 : memref<1x128xf32, #tpu.memory_space<hbm>> -> memref<128xf32, #tpu.memory_space<hbm>>
        %dma_start3A_997 = arith.constant 0 : i32
        %dma_start3A_998 = tpu.memref_slice %arg15[%add3A_958, %dma_start3A_997] : memref<128x128xf32, #tpu.memory_space<vmem>> -> memref<1x128xf32, #tpu.memory_space<vmem>>
        %dma_start3A_999 = tpu.memref_squeeze %dma_start3A_998 : memref<1x128xf32, #tpu.memory_space<vmem>> -> memref<128xf32, #tpu.memory_space<vmem>>
        %dma_start3A_1000 = arith.constant 0 : i32
        %dma_start3A_1001 = tpu.memref_slice %arg6[%shift_right_logical3A_962, %dma_start3A_1000] : memref<250000x128xf32, #tpu.memory_space<hbm>> -> memref<1x128xf32, #tpu.memory_space<hbm>>
        %dma_start3A_1002 = tpu.memref_squeeze %dma_start3A_1001 : memref<1x128xf32, #tpu.memory_space<hbm>> -> memref<128xf32, #tpu.memory_space<hbm>>
        tpu.enqueue_dma source(%dma_start3A_1002 : memref<128xf32, #tpu.memory_space<hbm>>) target(%dma_start3A_999 : memref<128xf32, #tpu.memory_space<vmem>>) target_semaphore(%arg20 : memref<!tpu.dma_semaphore, #tpu.memory_space<semaphore_mem>>)
        %dma_start3A_1003 = arith.constant 0 : i32
        %dma_start3A_1004 = tpu.memref_slice %arg16[%add3A_958, %dma_start3A_1003] : memref<128x128xf32, #tpu.memory_space<vmem>> -> memref<1x128xf32, #tpu.memory_space<vmem>>
        %dma_start3A_1005 = tpu.memref_squeeze %dma_start3A_1004 : memref<1x128xf32, #tpu.memory_space<vmem>> -> memref<128xf32, #tpu.memory_space<vmem>>
        %dma_start3A_1006 = arith.constant 0 : i32
        %dma_start3A_1007 = tpu.memref_slice %arg7[%shift_right_logical3A_966, %dma_start3A_1006] : memref<25000x128xf32, #tpu.memory_space<hbm>> -> memref<1x128xf32, #tpu.memory_space<hbm>>
        %dma_start3A_1008 = tpu.memref_squeeze %dma_start3A_1007 : memref<1x128xf32, #tpu.memory_space<hbm>> -> memref<128xf32, #tpu.memory_space<hbm>>
        %dma_start3A_1009 = arith.constant 0 : i32
        %dma_start3A_1010 = tpu.memref_slice %arg16[%add3A_958, %dma_start3A_1009] : memref<128x128xf32, #tpu.memory_space<vmem>> -> memref<1x128xf32, #tpu.memory_space<vmem>>
        %dma_start3A_1011 = tpu.memref_squeeze %dma_start3A_1010 : memref<1x128xf32, #tpu.memory_space<vmem>> -> memref<128xf32, #tpu.memory_space<vmem>>
        %dma_start3A_1012 = arith.constant 0 : i32
        %dma_start3A_1013 = tpu.memref_slice %arg7[%shift_right_logical3A_966, %dma_start3A_1012] : memref<25000x128xf32, #tpu.memory_space<hbm>> -> memref<1x128xf32, #tpu.memory_space<hbm>>
        %dma_start3A_1014 = tpu.memref_squeeze %dma_start3A_1013 : memref<1x128xf32, #tpu.memory_space<hbm>> -> memref<128xf32, #tpu.memory_space<hbm>>
        tpu.enqueue_dma source(%dma_start3A_1014 : memref<128xf32, #tpu.memory_space<hbm>>) target(%dma_start3A_1011 : memref<128xf32, #tpu.memory_space<vmem>>) target_semaphore(%arg20 : memref<!tpu.dma_semaphore, #tpu.memory_space<semaphore_mem>>)
      }
      %scan3A_16 = arith.constant 8 : i32
      %add3A_17 = arith.addi %mul3A_2, %mul3A_10 : i32
      %dma_wait3A = arith.constant 0 : i32
      %dma_wait3A_18 = arith.constant 0 : i32
      %dma_wait3A_19 = tpu.memref_slice %arg4[%dma_wait3A, %dma_wait3A_18] : memref<250000x128xf32, #tpu.memory_space<hbm>> -> memref<128x128xf32, #tpu.memory_space<hbm>>
      %dma_wait3A_20 = arith.constant 0 : i32
      %dma_wait3A_21 = arith.constant 0 : i32
      %dma_wait3A_22 = tpu.memref_slice %arg4[%dma_wait3A_20, %dma_wait3A_21] : memref<250000x128xf32, #tpu.memory_space<hbm>> -> memref<128x128xf32, #tpu.memory_space<hbm>>
      tpu.wait_dma2 semaphore(%arg20 : memref<!tpu.dma_semaphore, #tpu.memory_space<semaphore_mem>>) src(%dma_wait3A_22 : memref<128x128xf32, #tpu.memory_space<hbm>>) dst(%arg13 : memref<128x128xf32, #tpu.memory_space<vmem>>)
      %dma_wait3A_23 = arith.constant 0 : i32
      %dma_wait3A_24 = arith.constant 0 : i32
      %dma_wait3A_25 = tpu.memref_slice %arg4[%dma_wait3A_23, %dma_wait3A_24] : memref<250000x128xf32, #tpu.memory_space<hbm>> -> memref<128x128xf32, #tpu.memory_space<hbm>>
      %dma_wait3A_26 = arith.constant 0 : i32
      %dma_wait3A_27 = arith.constant 0 : i32
      %dma_wait3A_28 = tpu.memref_slice %arg4[%dma_wait3A_26, %dma_wait3A_27] : memref<250000x128xf32, #tpu.memory_space<hbm>> -> memref<128x128xf32, #tpu.memory_space<hbm>>
      tpu.wait_dma2 semaphore(%arg20 : memref<!tpu.dma_semaphore, #tpu.memory_space<semaphore_mem>>) src(%dma_wait3A_28 : memref<128x128xf32, #tpu.memory_space<hbm>>) dst(%arg14 : memref<128x128xf32, #tpu.memory_space<vmem>>)
      %dma_wait3A_29 = arith.constant 0 : i32
      %dma_wait3A_30 = arith.constant 0 : i32
      %dma_wait3A_31 = tpu.memref_slice %arg4[%dma_wait3A_29, %dma_wait3A_30] : memref<250000x128xf32, #tpu.memory_space<hbm>> -> memref<128x128xf32, #tpu.memory_space<hbm>>
      %dma_wait3A_32 = arith.constant 0 : i32
      %dma_wait3A_33 = arith.constant 0 : i32
      %dma_wait3A_34 = tpu.memref_slice %arg4[%dma_wait3A_32, %dma_wait3A_33] : memref<250000x128xf32, #tpu.memory_space<hbm>> -> memref<128x128xf32, #tpu.memory_space<hbm>>
      tpu.wait_dma2 semaphore(%arg20 : memref<!tpu.dma_semaphore, #tpu.memory_space<semaphore_mem>>) src(%dma_wait3A_34 : memref<128x128xf32, #tpu.memory_space<hbm>>) dst(%arg15 : memref<128x128xf32, #tpu.memory_space<vmem>>)
      %dma_wait3A_35 = arith.constant 0 : i32
      %dma_wait3A_36 = arith.constant 0 : i32
      %dma_wait3A_37 = tpu.memref_slice %arg4[%dma_wait3A_35, %dma_wait3A_36] : memref<250000x128xf32, #tpu.memory_space<hbm>> -> memref<128x128xf32, #tpu.memory_space<hbm>>
      %dma_wait3A_38 = arith.constant 0 : i32
      %dma_wait3A_39 = arith.constant 0 : i32
      %dma_wait3A_40 = tpu.memref_slice %arg4[%dma_wait3A_38, %dma_wait3A_39] : memref<250000x128xf32, #tpu.memory_space<hbm>> -> memref<128x128xf32, #tpu.memory_space<hbm>>
      tpu.wait_dma2 semaphore(%arg20 : memref<!tpu.dma_semaphore, #tpu.memory_space<semaphore_mem>>) src(%dma_wait3A_40 : memref<128x128xf32, #tpu.memory_space<hbm>>) dst(%arg16 : memref<128x128xf32, #tpu.memory_space<vmem>>)
      %scan3A_41 = arith.constant 0 : i32
      %scan3A_42 = arith.constant 0 : i32
      %scan3A_43 = arith.constant 8 : i32
      %scan3A_44 = arith.addi %scan3A_42, %scan3A_43 : i32
      %scan3A_45 = arith.constant 1 : i32
      scf.for %scan3A_47 = %scan3A_42 to %scan3A_44 step %scan3A_45  : i32 {
        %mul3A_48 = arith.constant 16 : i32
        %mul3A_49 = arith.muli %scan3A_47, %mul3A_48 : i32
        %add3A_50 = arith.addi %mul3A_10, %mul3A_49 : i32
        %get3A = arith.index_cast %add3A_50 : i32 to index
        %get3A_51 = tpu.vector_load %arg11[%get3A] {strides = array<i32>} : memref<512xi32, #tpu.memory_space<vmem>>, vector<16xi32>,
        %get3A_52 = vector.shape_cast %get3A_51 : vector<16xi32> to vector<16xi32>
        %mul3A_53 = arith.constant 16 : i32
        %mul3A_54 = arith.muli %scan3A_47, %mul3A_53 : i32
        %add3A_55 = arith.addi %mul3A_10, %mul3A_54 : i32
        %get3A_56 = arith.index_cast %add3A_55 : i32 to index
        %get3A_57 = tpu.vector_load %arg12[%get3A_56] {strides = array<i32>} : memref<512xi32, #tpu.memory_space<vmem>>, vector<16xi32>,
        %get3A_58 = vector.shape_cast %get3A_57 : vector<16xi32> to vector<16xi32>
        %mul3A_59 = arith.constant 16 : i32
        %mul3A_60 = arith.muli %scan3A_47, %mul3A_59 : i32
        %add3A_61 = arith.constant 0 : i32
        %add3A_62 = arith.addi %mul3A_60, %add3A_61 : i32
        %slice3A = vector.extract_strided_slice %get3A_52 {offsets = [0], sizes = [1], strides = [1]} : vector<16xi32> to vector<1xi32>
        %squeeze3A = vector.extract %slice3A[0] : i32 from vector<1xi32>
        %and3A = arith.constant 3 : i32
        %and3A_63 = arith.andi %squeeze3A, %and3A : i32
        %mul3A_64 = arith.constant 32 : i32
        %mul3A_65 = arith.muli %and3A_63, %mul3A_64 : i32
        %slice3A_66 = vector.extract_strided_slice %get3A_58 {offsets = [0], sizes = [1], strides = [1]} : vector<16xi32> to vector<1xi32>
        %squeeze3A_67 = vector.extract %slice3A_66[0] : i32 from vector<1xi32>
        %and3A_68 = arith.constant 3 : i32
        %and3A_69 = arith.andi %squeeze3A_67, %and3A_68 : i32
        %mul3A_70 = arith.constant 32 : i32
        %mul3A_71 = arith.muli %and3A_69, %mul3A_70 : i32
        %add3A_72 = arith.constant 0 : i32
        %add3A_73 = arith.addi %mul3A_65, %add3A_72 : i32
        %add3A_74 = arith.constant 0 : i32
        %add3A_75 = arith.addi %mul3A_71, %add3A_74 : i32
        %get3A_76 = arith.index_cast %add3A_62 : i32 to index
        %get3A_77 = arith.index_cast %add3A_73 : i32 to index
        %get3A_78 = tpu.vector_load %arg13[%get3A_76, %get3A_77] {strides = array<i32>} : memref<128x128xf32, #tpu.memory_space<vmem>>, vector<1x16xf32>,
        %get3A_79 = vector.shape_cast %get3A_78 : vector<1x16xf32> to vector<16xf32>
        %get3A_80 = arith.index_cast %add3A_62 : i32 to index
        %get3A_81 = arith.index_cast %add3A_75 : i32 to index
        %get3A_82 = tpu.vector_load %arg14[%get3A_80, %get3A_81] {strides = array<i32>} : memref<128x128xf32, #tpu.memory_space<vmem>>, vector<1x16xf32>,
        %get3A_83 = vector.shape_cast %get3A_82 : vector<1x16xf32> to vector<16xf32>
        %mul3A_84 = arith.mulf %get3A_79, %get3A_83 : vector<16xf32>
        %swap3A = arith.index_cast %add3A_62 : i32 to index
        %swap3A_85 = arith.constant 0 : index
        %swap3A_86 = tpu.vector_load %arg17[%swap3A, %swap3A_85] {strides = array<i32>} : memref<128x32xf32, #tpu.memory_space<vmem>>, vector<1x16xf32>,
        %swap3A_87 = vector.shape_cast %swap3A_86 : vector<1x16xf32> to vector<16xf32>
        %swap3A_88 = vector.shape_cast %mul3A_84 : vector<16xf32> to vector<1x16xf32>
        tpu.vector_store %arg17[%swap3A, %swap3A_85], %swap3A_88 {strides = array<i32>} : memref<128x32xf32, #tpu.memory_space<vmem>>, vector<1x16xf32>,
        %get3A_89 = arith.index_cast %add3A_62 : i32 to index
        %get3A_90 = arith.index_cast %add3A_73 : i32 to index
        %get3A_91 = tpu.vector_load %arg15[%get3A_89, %get3A_90] {strides = array<i32>} : memref<128x128xf32, #tpu.memory_space<vmem>>, vector<1x16xf32>,
        %get3A_92 = vector.shape_cast %get3A_91 : vector<1x16xf32> to vector<16xf32>
        %swap3A_93 = arith.index_cast %add3A_62 : i32 to index
        %swap3A_94 = arith.constant 0 : index
        %swap3A_95 = tpu.vector_load %arg18[%swap3A_93, %swap3A_94] {strides = array<i32>} : memref<128x32xf32, #tpu.memory_space<vmem>>, vector<1x16xf32>,
        %swap3A_96 = vector.shape_cast %swap3A_95 : vector<1x16xf32> to vector<16xf32>
        %swap3A_97 = vector.shape_cast %get3A_92 : vector<16xf32> to vector<1x16xf32>
        tpu.vector_store %arg18[%swap3A_93, %swap3A_94], %swap3A_97 {strides = array<i32>} : memref<128x32xf32, #tpu.memory_space<vmem>>, vector<1x16xf32>,
        %get3A_98 = arith.index_cast %add3A_62 : i32 to index
        %get3A_99 = arith.index_cast %add3A_75 : i32 to index
        %get3A_100 = tpu.vector_load %arg16[%get3A_98, %get3A_99] {strides = array<i32>} : memref<128x128xf32, #tpu.memory_space<vmem>>, vector<1x16xf32>,
        %get3A_101 = vector.shape_cast %get3A_100 : vector<1x16xf32> to vector<16xf32>
        %swap3A_102 = arith.index_cast %add3A_62 : i32 to index
        %swap3A_103 = arith.constant 0 : index
        %swap3A_104 = tpu.vector_load %arg19[%swap3A_102, %swap3A_103] {strides = array<i32>} : memref<128x32xf32, #tpu.memory_space<vmem>>, vector<1x16xf32>,
        %swap3A_105 = vector.shape_cast %swap3A_104 : vector<1x16xf32> to vector<16xf32>
        %swap3A_106 = vector.shape_cast %get3A_101 : vector<16xf32> to vector<1x16xf32>
        tpu.vector_store %arg19[%swap3A_102, %swap3A_103], %swap3A_106 {strides = array<i32>} : memref<128x32xf32, #tpu.memory_space<vmem>>, vector<1x16xf32>,
        %add3A_107 = arith.constant 16 : i32
        %add3A_108 = arith.addi %mul3A_65, %add3A_107 : i32
        %add3A_109 = arith.constant 16 : i32
        %add3A_110 = arith.addi %mul3A_71, %add3A_109 : i32
        %get3A_111 = arith.index_cast %add3A_62 : i32 to index
        %get3A_112 = arith.index_cast %add3A_108 : i32 to index
        %get3A_113 = tpu.vector_load %arg13[%get3A_111, %get3A_112] {strides = array<i32>} : memref<128x128xf32, #tpu.memory_space<vmem>>, vector<1x16xf32>,
        %get3A_114 = vector.shape_cast %get3A_113 : vector<1x16xf32> to vector<16xf32>
        %get3A_115 = arith.index_cast %add3A_62 : i32 to index
        %get3A_116 = arith.index_cast %add3A_110 : i32 to index
        %get3A_117 = tpu.vector_load %arg14[%get3A_115, %get3A_116] {strides = array<i32>} : memref<128x128xf32, #tpu.memory_space<vmem>>, vector<1x16xf32>,
        %get3A_118 = vector.shape_cast %get3A_117 : vector<1x16xf32> to vector<16xf32>
        %mul3A_119 = arith.mulf %get3A_114, %get3A_118 : vector<16xf32>
        %swap3A_120 = arith.index_cast %add3A_62 : i32 to index
        %swap3A_121 = arith.constant 16 : index
        %swap3A_122 = tpu.vector_load %arg17[%swap3A_120, %swap3A_121] {strides = array<i32>} : memref<128x32xf32, #tpu.memory_space<vmem>>, vector<1x16xf32>,
        %swap3A_123 = vector.shape_cast %swap3A_122 : vector<1x16xf32> to vector<16xf32>
        %swap3A_124 = vector.shape_cast %mul3A_119 : vector<16xf32> to vector<1x16xf32>
        tpu.vector_store %arg17[%swap3A_120, %swap3A_121], %swap3A_124 {strides = array<i32>} : memref<128x32xf32, #tpu.memory_space<vmem>>, vector<1x16xf32>,
        %get3A_125 = arith.index_cast %add3A_62 : i32 to index
        %get3A_126 = arith.index_cast %add3A_108 : i32 to index
        %get3A_127 = tpu.vector_load %arg15[%get3A_125, %get3A_126] {strides = array<i32>} : memref<128x128xf32, #tpu.memory_space<vmem>>, vector<1x16xf32>,
        %get3A_128 = vector.shape_cast %get3A_127 : vector<1x16xf32> to vector<16xf32>
        %swap3A_129 = arith.index_cast %add3A_62 : i32 to index
        %swap3A_130 = arith.constant 16 : index
        %swap3A_131 = tpu.vector_load %arg18[%swap3A_129, %swap3A_130] {strides = array<i32>} : memref<128x32xf32, #tpu.memory_space<vmem>>, vector<1x16xf32>,
        %swap3A_132 = vector.shape_cast %swap3A_131 : vector<1x16xf32> to vector<16xf32>
        %swap3A_133 = vector.shape_cast %get3A_128 : vector<16xf32> to vector<1x16xf32>
        tpu.vector_store %arg18[%swap3A_129, %swap3A_130], %swap3A_133 {strides = array<i32>} : memref<128x32xf32, #tpu.memory_space<vmem>>, vector<1x16xf32>,
        %get3A_134 = arith.index_cast %add3A_62 : i32 to index
        %get3A_135 = arith.index_cast %add3A_110 : i32 to index
        %get3A_136 = tpu.vector_load %arg16[%get3A_134, %get3A_135] {strides = array<i32>} : memref<128x128xf32, #tpu.memory_space<vmem>>, vector<1x16xf32>,
        %get3A_137 = vector.shape_cast %get3A_136 : vector<1x16xf32> to vector<16xf32>
        %swap3A_138 = arith.index_cast %add3A_62 : i32 to index
        %swap3A_139 = arith.constant 16 : index
        %swap3A_140 = tpu.vector_load %arg19[%swap3A_138, %swap3A_139] {strides = array<i32>} : memref<128x32xf32, #tpu.memory_space<vmem>>, vector<1x16xf32>,
        %swap3A_141 = vector.shape_cast %swap3A_140 : vector<1x16xf32> to vector<16xf32>
        %swap3A_142 = vector.shape_cast %get3A_137 : vector<16xf32> to vector<1x16xf32>
        tpu.vector_store %arg19[%swap3A_138, %swap3A_139], %swap3A_142 {strides = array<i32>} : memref<128x32xf32, #tpu.memory_space<vmem>>, vector<1x16xf32>,
        %mul3A_143 = arith.constant 16 : i32
        %mul3A_144 = arith.muli %scan3A_47, %mul3A_143 : i32
        %add3A_145 = arith.constant 1 : i32
        %add3A_146 = arith.addi %mul3A_144, %add3A_145 : i32
        %slice3A_147 = vector.extract_strided_slice %get3A_52 {offsets = [1], sizes = [1], strides = [1]} : vector<16xi32> to vector<1xi32>
        %squeeze3A_148 = vector.extract %slice3A_147[0] : i32 from vector<1xi32>
        %and3A_149 = arith.constant 3 : i32
        %and3A_150 = arith.andi %squeeze3A_148, %and3A_149 : i32
        %mul3A_151 = arith.constant 32 : i32
        %mul3A_152 = arith.muli %and3A_150, %mul3A_151 : i32
        %slice3A_153 = vector.extract_strided_slice %get3A_58 {offsets = [1], sizes = [1], strides = [1]} : vector<16xi32> to vector<1xi32>
        %squeeze3A_154 = vector.extract %slice3A_153[0] : i32 from vector<1xi32>
        %and3A_155 = arith.constant 3 : i32
        %and3A_156 = arith.andi %squeeze3A_154, %and3A_155 : i32
        %mul3A_157 = arith.constant 32 : i32
        %mul3A_158 = arith.muli %and3A_156, %mul3A_157 : i32
        %add3A_159 = arith.constant 0 : i32
        %add3A_160 = arith.addi %mul3A_152, %add3A_159 : i32
        %add3A_161 = arith.constant 0 : i32
        %add3A_162 = arith.addi %mul3A_158, %add3A_161 : i32
        %get3A_163 = arith.index_cast %add3A_146 : i32 to index
        %get3A_164 = arith.index_cast %add3A_160 : i32 to index
        %get3A_165 = tpu.vector_load %arg13[%get3A_163, %get3A_164] {strides = array<i32>} : memref<128x128xf32, #tpu.memory_space<vmem>>, vector<1x16xf32>,
        %get3A_166 = vector.shape_cast %get3A_165 : vector<1x16xf32> to vector<16xf32>
        %get3A_167 = arith.index_cast %add3A_146 : i32 to index
        %get3A_168 = arith.index_cast %add3A_162 : i32 to index
        %get3A_169 = tpu.vector_load %arg14[%get3A_167, %get3A_168] {strides = array<i32>} : memref<128x128xf32, #tpu.memory_space<vmem>>, vector<1x16xf32>,
        %get3A_170 = vector.shape_cast %get3A_169 : vector<1x16xf32> to vector<16xf32>
        %mul3A_171 = arith.mulf %get3A_166, %get3A_170 : vector<16xf32>
        %swap3A_172 = arith.index_cast %add3A_146 : i32 to index
        %swap3A_173 = arith.constant 0 : index
        %swap3A_174 = tpu.vector_load %arg17[%swap3A_172, %swap3A_173] {strides = array<i32>} : memref<128x32xf32, #tpu.memory_space<vmem>>, vector<1x16xf32>,
        %swap3A_175 = vector.shape_cast %swap3A_174 : vector<1x16xf32> to vector<16xf32>
        %swap3A_176 = vector.shape_cast %mul3A_171 : vector<16xf32> to vector<1x16xf32>
        tpu.vector_store %arg17[%swap3A_172, %swap3A_173], %swap3A_176 {strides = array<i32>} : memref<128x32xf32, #tpu.memory_space<vmem>>, vector<1x16xf32>,
        %get3A_177 = arith.index_cast %add3A_146 : i32 to index
        %get3A_178 = arith.index_cast %add3A_160 : i32 to index
        %get3A_179 = tpu.vector_load %arg15[%get3A_177, %get3A_178] {strides = array<i32>} : memref<128x128xf32, #tpu.memory_space<vmem>>, vector<1x16xf32>,
        %get3A_180 = vector.shape_cast %get3A_179 : vector<1x16xf32> to vector<16xf32>
        %swap3A_181 = arith.index_cast %add3A_146 : i32 to index
        %swap3A_182 = arith.constant 0 : index
        %swap3A_183 = tpu.vector_load %arg18[%swap3A_181, %swap3A_182] {strides = array<i32>} : memref<128x32xf32, #tpu.memory_space<vmem>>, vector<1x16xf32>,
        %swap3A_184 = vector.shape_cast %swap3A_183 : vector<1x16xf32> to vector<16xf32>
        %swap3A_185 = vector.shape_cast %get3A_180 : vector<16xf32> to vector<1x16xf32>
        tpu.vector_store %arg18[%swap3A_181, %swap3A_182], %swap3A_185 {strides = array<i32>} : memref<128x32xf32, #tpu.memory_space<vmem>>, vector<1x16xf32>,
        %get3A_186 = arith.index_cast %add3A_146 : i32 to index
        %get3A_187 = arith.index_cast %add3A_162 : i32 to index
        %get3A_188 = tpu.vector_load %arg16[%get3A_186, %get3A_187] {strides = array<i32>} : memref<128x128xf32, #tpu.memory_space<vmem>>, vector<1x16xf32>,
        %get3A_189 = vector.shape_cast %get3A_188 : vector<1x16xf32> to vector<16xf32>
        %swap3A_190 = arith.index_cast %add3A_146 : i32 to index
        %swap3A_191 = arith.constant 0 : index
        %swap3A_192 = tpu.vector_load %arg19[%swap3A_190, %swap3A_191] {strides = array<i32>} : memref<128x32xf32, #tpu.memory_space<vmem>>, vector<1x16xf32>,
        %swap3A_193 = vector.shape_cast %swap3A_192 : vector<1x16xf32> to vector<16xf32>
        %swap3A_194 = vector.shape_cast %get3A_189 : vector<16xf32> to vector<1x16xf32>
        tpu.vector_store %arg19[%swap3A_190, %swap3A_191], %swap3A_194 {strides = array<i32>} : memref<128x32xf32, #tpu.memory_space<vmem>>, vector<1x16xf32>,
        %add3A_195 = arith.constant 16 : i32
        %add3A_196 = arith.addi %mul3A_152, %add3A_195 : i32
        %add3A_197 = arith.constant 16 : i32
        %add3A_198 = arith.addi %mul3A_158, %add3A_197 : i32
        %get3A_199 = arith.index_cast %add3A_146 : i32 to index
        %get3A_200 = arith.index_cast %add3A_196 : i32 to index
        %get3A_201 = tpu.vector_load %arg13[%get3A_199, %get3A_200] {strides = array<i32>} : memref<128x128xf32, #tpu.memory_space<vmem>>, vector<1x16xf32>,
        %get3A_202 = vector.shape_cast %get3A_201 : vector<1x16xf32> to vector<16xf32>
        %get3A_203 = arith.index_cast %add3A_146 : i32 to index
        %get3A_204 = arith.index_cast %add3A_198 : i32 to index
        %get3A_205 = tpu.vector_load %arg14[%get3A_203, %get3A_204] {strides = array<i32>} : memref<128x128xf32, #tpu.memory_space<vmem>>, vector<1x16xf32>,
        %get3A_206 = vector.shape_cast %get3A_205 : vector<1x16xf32> to vector<16xf32>
        %mul3A_207 = arith.mulf %get3A_202, %get3A_206 : vector<16xf32>
        %swap3A_208 = arith.index_cast %add3A_146 : i32 to index
        %swap3A_209 = arith.constant 16 : index
        %swap3A_210 = tpu.vector_load %arg17[%swap3A_208, %swap3A_209] {strides = array<i32>} : memref<128x32xf32, #tpu.memory_space<vmem>>, vector<1x16xf32>,
        %swap3A_211 = vector.shape_cast %swap3A_210 : vector<1x16xf32> to vector<16xf32>
        %swap3A_212 = vector.shape_cast %mul3A_207 : vector<16xf32> to vector<1x16xf32>
        tpu.vector_store %arg17[%swap3A_208, %swap3A_209], %swap3A_212 {strides = array<i32>} : memref<128x32xf32, #tpu.memory_space<vmem>>, vector<1x16xf32>,
        %get3A_213 = arith.index_cast %add3A_146 : i32 to index
        %get3A_214 = arith.index_cast %add3A_196 : i32 to index
        %get3A_215 = tpu.vector_load %arg15[%get3A_213, %get3A_214] {strides = array<i32>} : memref<128x128xf32, #tpu.memory_space<vmem>>, vector<1x16xf32>,
        %get3A_216 = vector.shape_cast %get3A_215 : vector<1x16xf32> to vector<16xf32>
        %swap3A_217 = arith.index_cast %add3A_146 : i32 to index
        %swap3A_218 = arith.constant 16 : index
        %swap3A_219 = tpu.vector_load %arg18[%swap3A_217, %swap3A_218] {strides = array<i32>} : memref<128x32xf32, #tpu.memory_space<vmem>>, vector<1x16xf32>,
        %swap3A_220 = vector.shape_cast %swap3A_219 : vector<1x16xf32> to vector<16xf32>
        %swap3A_221 = vector.shape_cast %get3A_216 : vector<16xf32> to vector<1x16xf32>
        tpu.vector_store %arg18[%swap3A_217, %swap3A_218], %swap3A_221 {strides = array<i32>} : memref<128x32xf32, #tpu.memory_space<vmem>>, vector<1x16xf32>,
        %get3A_222 = arith.index_cast %add3A_146 : i32 to index
        %get3A_223 = arith.index_cast %add3A_198 : i32 to index
        %get3A_224 = tpu.vector_load %arg16[%get3A_222, %get3A_223] {strides = array<i32>} : memref<128x128xf32, #tpu.memory_space<vmem>>, vector<1x16xf32>,
        %get3A_225 = vector.shape_cast %get3A_224 : vector<1x16xf32> to vector<16xf32>
        %swap3A_226 = arith.index_cast %add3A_146 : i32 to index
        %swap3A_227 = arith.constant 16 : index
        %swap3A_228 = tpu.vector_load %arg19[%swap3A_226, %swap3A_227] {strides = array<i32>} : memref<128x32xf32, #tpu.memory_space<vmem>>, vector<1x16xf32>,
        %swap3A_229 = vector.shape_cast %swap3A_228 : vector<1x16xf32> to vector<16xf32>
        %swap3A_230 = vector.shape_cast %get3A_225 : vector<16xf32> to vector<1x16xf32>
        tpu.vector_store %arg19[%swap3A_226, %swap3A_227], %swap3A_230 {strides = array<i32>} : memref<128x32xf32, #tpu.memory_space<vmem>>, vector<1x16xf32>,
        %mul3A_231 = arith.constant 16 : i32
        %mul3A_232 = arith.muli %scan3A_47, %mul3A_231 : i32
        %add3A_233 = arith.constant 2 : i32
        %add3A_234 = arith.addi %mul3A_232, %add3A_233 : i32
        %slice3A_235 = vector.extract_strided_slice %get3A_52 {offsets = [2], sizes = [1], strides = [1]} : vector<16xi32> to vector<1xi32>
        %squeeze3A_236 = vector.extract %slice3A_235[0] : i32 from vector<1xi32>
        %and3A_237 = arith.constant 3 : i32
        %and3A_238 = arith.andi %squeeze3A_236, %and3A_237 : i32
        %mul3A_239 = arith.constant 32 : i32
        %mul3A_240 = arith.muli %and3A_238, %mul3A_239 : i32
        %slice3A_241 = vector.extract_strided_slice %get3A_58 {offsets = [2], sizes = [1], strides = [1]} : vector<16xi32> to vector<1xi32>
        %squeeze3A_242 = vector.extract %slice3A_241[0] : i32 from vector<1xi32>
        %and3A_243 = arith.constant 3 : i32
        %and3A_244 = arith.andi %squeeze3A_242, %and3A_243 : i32
        %mul3A_245 = arith.constant 32 : i32
        %mul3A_246 = arith.muli %and3A_244, %mul3A_245 : i32
        %add3A_247 = arith.constant 0 : i32
        %add3A_248 = arith.addi %mul3A_240, %add3A_247 : i32
        %add3A_249 = arith.constant 0 : i32
        %add3A_250 = arith.addi %mul3A_246, %add3A_249 : i32
        %get3A_251 = arith.index_cast %add3A_234 : i32 to index
        %get3A_252 = arith.index_cast %add3A_248 : i32 to index
        %get3A_253 = tpu.vector_load %arg13[%get3A_251, %get3A_252] {strides = array<i32>} : memref<128x128xf32, #tpu.memory_space<vmem>>, vector<1x16xf32>,
        %get3A_254 = vector.shape_cast %get3A_253 : vector<1x16xf32> to vector<16xf32>
        %get3A_255 = arith.index_cast %add3A_234 : i32 to index
        %get3A_256 = arith.index_cast %add3A_250 : i32 to index
        %get3A_257 = tpu.vector_load %arg14[%get3A_255, %get3A_256] {strides = array<i32>} : memref<128x128xf32, #tpu.memory_space<vmem>>, vector<1x16xf32>,
        %get3A_258 = vector.shape_cast %get3A_257 : vector<1x16xf32> to vector<16xf32>
        %mul3A_259 = arith.mulf %get3A_254, %get3A_258 : vector<16xf32>
        %swap3A_260 = arith.index_cast %add3A_234 : i32 to index
        %swap3A_261 = arith.constant 0 : index
        %swap3A_262 = tpu.vector_load %arg17[%swap3A_260, %swap3A_261] {strides = array<i32>} : memref<128x32xf32, #tpu.memory_space<vmem>>, vector<1x16xf32>,
        %swap3A_263 = vector.shape_cast %swap3A_262 : vector<1x16xf32> to vector<16xf32>
        %swap3A_264 = vector.shape_cast %mul3A_259 : vector<16xf32> to vector<1x16xf32>
        tpu.vector_store %arg17[%swap3A_260, %swap3A_261], %swap3A_264 {strides = array<i32>} : memref<128x32xf32, #tpu.memory_space<vmem>>, vector<1x16xf32>,
        %get3A_265 = arith.index_cast %add3A_234 : i32 to index
        %get3A_266 = arith.index_cast %add3A_248 : i32 to index
        %get3A_267 = tpu.vector_load %arg15[%get3A_265, %get3A_266] {strides = array<i32>} : memref<128x128xf32, #tpu.memory_space<vmem>>, vector<1x16xf32>,
        %get3A_268 = vector.shape_cast %get3A_267 : vector<1x16xf32> to vector<16xf32>
        %swap3A_269 = arith.index_cast %add3A_234 : i32 to index
        %swap3A_270 = arith.constant 0 : index
        %swap3A_271 = tpu.vector_load %arg18[%swap3A_269, %swap3A_270] {strides = array<i32>} : memref<128x32xf32, #tpu.memory_space<vmem>>, vector<1x16xf32>,
        %swap3A_272 = vector.shape_cast %swap3A_271 : vector<1x16xf32> to vector<16xf32>
        %swap3A_273 = vector.shape_cast %get3A_268 : vector<16xf32> to vector<1x16xf32>
        tpu.vector_store %arg18[%swap3A_269, %swap3A_270], %swap3A_273 {strides = array<i32>} : memref<128x32xf32, #tpu.memory_space<vmem>>, vector<1x16xf32>,
        %get3A_274 = arith.index_cast %add3A_234 : i32 to index
        %get3A_275 = arith.index_cast %add3A_250 : i32 to index
        %get3A_276 = tpu.vector_load %arg16[%get3A_274, %get3A_275] {strides = array<i32>} : memref<128x128xf32, #tpu.memory_space<vmem>>, vector<1x16xf32>,
        %get3A_277 = vector.shape_cast %get3A_276 : vector<1x16xf32> to vector<16xf32>
        %swap3A_278 = arith.index_cast %add3A_234 : i32 to index
        %swap3A_279 = arith.constant 0 : index
        %swap3A_280 = tpu.vector_load %arg19[%swap3A_278, %swap3A_279] {strides = array<i32>} : memref<128x32xf32, #tpu.memory_space<vmem>>, vector<1x16xf32>,
        %swap3A_281 = vector.shape_cast %swap3A_280 : vector<1x16xf32> to vector<16xf32>
        %swap3A_282 = vector.shape_cast %get3A_277 : vector<16xf32> to vector<1x16xf32>
        tpu.vector_store %arg19[%swap3A_278, %swap3A_279], %swap3A_282 {strides = array<i32>} : memref<128x32xf32, #tpu.memory_space<vmem>>, vector<1x16xf32>,
        %add3A_283 = arith.constant 16 : i32
        %add3A_284 = arith.addi %mul3A_240, %add3A_283 : i32
        %add3A_285 = arith.constant 16 : i32
        %add3A_286 = arith.addi %mul3A_246, %add3A_285 : i32
        %get3A_287 = arith.index_cast %add3A_234 : i32 to index
        %get3A_288 = arith.index_cast %add3A_284 : i32 to index
        %get3A_289 = tpu.vector_load %arg13[%get3A_287, %get3A_288] {strides = array<i32>} : memref<128x128xf32, #tpu.memory_space<vmem>>, vector<1x16xf32>,
        %get3A_290 = vector.shape_cast %get3A_289 : vector<1x16xf32> to vector<16xf32>
        %get3A_291 = arith.index_cast %add3A_234 : i32 to index
        %get3A_292 = arith.index_cast %add3A_286 : i32 to index
        %get3A_293 = tpu.vector_load %arg14[%get3A_291, %get3A_292] {strides = array<i32>} : memref<128x128xf32, #tpu.memory_space<vmem>>, vector<1x16xf32>,
        %get3A_294 = vector.shape_cast %get3A_293 : vector<1x16xf32> to vector<16xf32>
        %mul3A_295 = arith.mulf %get3A_290, %get3A_294 : vector<16xf32>
        %swap3A_296 = arith.index_cast %add3A_234 : i32 to index
        %swap3A_297 = arith.constant 16 : index
        %swap3A_298 = tpu.vector_load %arg17[%swap3A_296, %swap3A_297] {strides = array<i32>} : memref<128x32xf32, #tpu.memory_space<vmem>>, vector<1x16xf32>,
        %swap3A_299 = vector.shape_cast %swap3A_298 : vector<1x16xf32> to vector<16xf32>
        %swap3A_300 = vector.shape_cast %mul3A_295 : vector<16xf32> to vector<1x16xf32>
        tpu.vector_store %arg17[%swap3A_296, %swap3A_297], %swap3A_300 {strides = array<i32>} : memref<128x32xf32, #tpu.memory_space<vmem>>, vector<1x16xf32>,
        %get3A_301 = arith.index_cast %add3A_234 : i32 to index
        %get3A_302 = arith.index_cast %add3A_284 : i32 to index
        %get3A_303 = tpu.vector_load %arg15[%get3A_301, %get3A_302] {strides = array<i32>} : memref<128x128xf32, #tpu.memory_space<vmem>>, vector<1x16xf32>,
        %get3A_304 = vector.shape_cast %get3A_303 : vector<1x16xf32> to vector<16xf32>
        %swap3A_305 = arith.index_cast %add3A_234 : i32 to index
        %swap3A_306 = arith.constant 16 : index
        %swap3A_307 = tpu.vector_load %arg18[%swap3A_305, %swap3A_306] {strides = array<i32>} : memref<128x32xf32, #tpu.memory_space<vmem>>, vector<1x16xf32>,
        %swap3A_308 = vector.shape_cast %swap3A_307 : vector<1x16xf32> to vector<16xf32>
        %swap3A_309 = vector.shape_cast %get3A_304 : vector<16xf32> to vector<1x16xf32>
        tpu.vector_store %arg18[%swap3A_305, %swap3A_306], %swap3A_309 {strides = array<i32>} : memref<128x32xf32, #tpu.memory_space<vmem>>, vector<1x16xf32>,
        %get3A_310 = arith.index_cast %add3A_234 : i32 to index
        %get3A_311 = arith.index_cast %add3A_286 : i32 to index
        %get3A_312 = tpu.vector_load %arg16[%get3A_310, %get3A_311] {strides = array<i32>} : memref<128x128xf32, #tpu.memory_space<vmem>>, vector<1x16xf32>,
        %get3A_313 = vector.shape_cast %get3A_312 : vector<1x16xf32> to vector<16xf32>
        %swap3A_314 = arith.index_cast %add3A_234 : i32 to index
        %swap3A_315 = arith.constant 16 : index
        %swap3A_316 = tpu.vector_load %arg19[%swap3A_314, %swap3A_315] {strides = array<i32>} : memref<128x32xf32, #tpu.memory_space<vmem>>, vector<1x16xf32>,
        %swap3A_317 = vector.shape_cast %swap3A_316 : vector<1x16xf32> to vector<16xf32>
        %swap3A_318 = vector.shape_cast %get3A_313 : vector<16xf32> to vector<1x16xf32>
        tpu.vector_store %arg19[%swap3A_314, %swap3A_315], %swap3A_318 {strides = array<i32>} : memref<128x32xf32, #tpu.memory_space<vmem>>, vector<1x16xf32>,
        %mul3A_319 = arith.constant 16 : i32
        %mul3A_320 = arith.muli %scan3A_47, %mul3A_319 : i32
        %add3A_321 = arith.constant 3 : i32
        %add3A_322 = arith.addi %mul3A_320, %add3A_321 : i32
        %slice3A_323 = vector.extract_strided_slice %get3A_52 {offsets = [3], sizes = [1], strides = [1]} : vector<16xi32> to vector<1xi32>
        %squeeze3A_324 = vector.extract %slice3A_323[0] : i32 from vector<1xi32>
        %and3A_325 = arith.constant 3 : i32
        %and3A_326 = arith.andi %squeeze3A_324, %and3A_325 : i32
        %mul3A_327 = arith.constant 32 : i32
        %mul3A_328 = arith.muli %and3A_326, %mul3A_327 : i32
        %slice3A_329 = vector.extract_strided_slice %get3A_58 {offsets = [3], sizes = [1], strides = [1]} : vector<16xi32> to vector<1xi32>
        %squeeze3A_330 = vector.extract %slice3A_329[0] : i32 from vector<1xi32>
        %and3A_331 = arith.constant 3 : i32
        %and3A_332 = arith.andi %squeeze3A_330, %and3A_331 : i32
        %mul3A_333 = arith.constant 32 : i32
        %mul3A_334 = arith.muli %and3A_332, %mul3A_333 : i32
        %add3A_335 = arith.constant 0 : i32
        %add3A_336 = arith.addi %mul3A_328, %add3A_335 : i32
        %add3A_337 = arith.constant 0 : i32
        %add3A_338 = arith.addi %mul3A_334, %add3A_337 : i32
        %get3A_339 = arith.index_cast %add3A_322 : i32 to index
        %get3A_340 = arith.index_cast %add3A_336 : i32 to index
        %get3A_341 = tpu.vector_load %arg13[%get3A_339, %get3A_340] {strides = array<i32>} : memref<128x128xf32, #tpu.memory_space<vmem>>, vector<1x16xf32>,
        %get3A_342 = vector.shape_cast %get3A_341 : vector<1x16xf32> to vector<16xf32>
        %get3A_343 = arith.index_cast %add3A_322 : i32 to index
        %get3A_344 = arith.index_cast %add3A_338 : i32 to index
        %get3A_345 = tpu.vector_load %arg14[%get3A_343, %get3A_344] {strides = array<i32>} : memref<128x128xf32, #tpu.memory_space<vmem>>, vector<1x16xf32>,
        %get3A_346 = vector.shape_cast %get3A_345 : vector<1x16xf32> to vector<16xf32>
        %mul3A_347 = arith.mulf %get3A_342, %get3A_346 : vector<16xf32>
        %swap3A_348 = arith.index_cast %add3A_322 : i32 to index
        %swap3A_349 = arith.constant 0 : index
        %swap3A_350 = tpu.vector_load %arg17[%swap3A_348, %swap3A_349] {strides = array<i32>} : memref<128x32xf32, #tpu.memory_space<vmem>>, vector<1x16xf32>,
        %swap3A_351 = vector.shape_cast %swap3A_350 : vector<1x16xf32> to vector<16xf32>
        %swap3A_352 = vector.shape_cast %mul3A_347 : vector<16xf32> to vector<1x16xf32>
        tpu.vector_store %arg17[%swap3A_348, %swap3A_349], %swap3A_352 {strides = array<i32>} : memref<128x32xf32, #tpu.memory_space<vmem>>, vector<1x16xf32>,
        %get3A_353 = arith.index_cast %add3A_322 : i32 to index
        %get3A_354 = arith.index_cast %add3A_336 : i32 to index
        %get3A_355 = tpu.vector_load %arg15[%get3A_353, %get3A_354] {strides = array<i32>} : memref<128x128xf32, #tpu.memory_space<vmem>>, vector<1x16xf32>,
        %get3A_356 = vector.shape_cast %get3A_355 : vector<1x16xf32> to vector<16xf32>
        %swap3A_357 = arith.index_cast %add3A_322 : i32 to index
        %swap3A_358 = arith.constant 0 : index
        %swap3A_359 = tpu.vector_load %arg18[%swap3A_357, %swap3A_358] {strides = array<i32>} : memref<128x32xf32, #tpu.memory_space<vmem>>, vector<1x16xf32>,
        %swap3A_360 = vector.shape_cast %swap3A_359 : vector<1x16xf32> to vector<16xf32>
        %swap3A_361 = vector.shape_cast %get3A_356 : vector<16xf32> to vector<1x16xf32>
        tpu.vector_store %arg18[%swap3A_357, %swap3A_358], %swap3A_361 {strides = array<i32>} : memref<128x32xf32, #tpu.memory_space<vmem>>, vector<1x16xf32>,
        %get3A_362 = arith.index_cast %add3A_322 : i32 to index
        %get3A_363 = arith.index_cast %add3A_338 : i32 to index
        %get3A_364 = tpu.vector_load %arg16[%get3A_362, %get3A_363] {strides = array<i32>} : memref<128x128xf32, #tpu.memory_space<vmem>>, vector<1x16xf32>,
        %get3A_365 = vector.shape_cast %get3A_364 : vector<1x16xf32> to vector<16xf32>
        %swap3A_366 = arith.index_cast %add3A_322 : i32 to index
        %swap3A_367 = arith.constant 0 : index
        %swap3A_368 = tpu.vector_load %arg19[%swap3A_366, %swap3A_367] {strides = array<i32>} : memref<128x32xf32, #tpu.memory_space<vmem>>, vector<1x16xf32>,
        %swap3A_369 = vector.shape_cast %swap3A_368 : vector<1x16xf32> to vector<16xf32>
        %swap3A_370 = vector.shape_cast %get3A_365 : vector<16xf32> to vector<1x16xf32>
        tpu.vector_store %arg19[%swap3A_366, %swap3A_367], %swap3A_370 {strides = array<i32>} : memref<128x32xf32, #tpu.memory_space<vmem>>, vector<1x16xf32>,
        %add3A_371 = arith.constant 16 : i32
        %add3A_372 = arith.addi %mul3A_328, %add3A_371 : i32
        %add3A_373 = arith.constant 16 : i32
        %add3A_374 = arith.addi %mul3A_334, %add3A_373 : i32
        %get3A_375 = arith.index_cast %add3A_322 : i32 to index
        %get3A_376 = arith.index_cast %add3A_372 : i32 to index
        %get3A_377 = tpu.vector_load %arg13[%get3A_375, %get3A_376] {strides = array<i32>} : memref<128x128xf32, #tpu.memory_space<vmem>>, vector<1x16xf32>,
        %get3A_378 = vector.shape_cast %get3A_377 : vector<1x16xf32> to vector<16xf32>
        %get3A_379 = arith.index_cast %add3A_322 : i32 to index
        %get3A_380 = arith.index_cast %add3A_374 : i32 to index
        %get3A_381 = tpu.vector_load %arg14[%get3A_379, %get3A_380] {strides = array<i32>} : memref<128x128xf32, #tpu.memory_space<vmem>>, vector<1x16xf32>,
        %get3A_382 = vector.shape_cast %get3A_381 : vector<1x16xf32> to vector<16xf32>
        %mul3A_383 = arith.mulf %get3A_378, %get3A_382 : vector<16xf32>
        %swap3A_384 = arith.index_cast %add3A_322 : i32 to index
        %swap3A_385 = arith.constant 16 : index
        %swap3A_386 = tpu.vector_load %arg17[%swap3A_384, %swap3A_385] {strides = array<i32>} : memref<128x32xf32, #tpu.memory_space<vmem>>, vector<1x16xf32>,
        %swap3A_387 = vector.shape_cast %swap3A_386 : vector<1x16xf32> to vector<16xf32>
        %swap3A_388 = vector.shape_cast %mul3A_383 : vector<16xf32> to vector<1x16xf32>
        tpu.vector_store %arg17[%swap3A_384, %swap3A_385], %swap3A_388 {strides = array<i32>} : memref<128x32xf32, #tpu.memory_space<vmem>>, vector<1x16xf32>,
        %get3A_389 = arith.index_cast %add3A_322 : i32 to index
        %get3A_390 = arith.index_cast %add3A_372 : i32 to index
        %get3A_391 = tpu.vector_load %arg15[%get3A_389, %get3A_390] {strides = array<i32>} : memref<128x128xf32, #tpu.memory_space<vmem>>, vector<1x16xf32>,
        %get3A_392 = vector.shape_cast %get3A_391 : vector<1x16xf32> to vector<16xf32>
        %swap3A_393 = arith.index_cast %add3A_322 : i32 to index
        %swap3A_394 = arith.constant 16 : index
        %swap3A_395 = tpu.vector_load %arg18[%swap3A_393, %swap3A_394] {strides = array<i32>} : memref<128x32xf32, #tpu.memory_space<vmem>>, vector<1x16xf32>,
        %swap3A_396 = vector.shape_cast %swap3A_395 : vector<1x16xf32> to vector<16xf32>
        %swap3A_397 = vector.shape_cast %get3A_392 : vector<16xf32> to vector<1x16xf32>
        tpu.vector_store %arg18[%swap3A_393, %swap3A_394], %swap3A_397 {strides = array<i32>} : memref<128x32xf32, #tpu.memory_space<vmem>>, vector<1x16xf32>,
        %get3A_398 = arith.index_cast %add3A_322 : i32 to index
        %get3A_399 = arith.index_cast %add3A_374 : i32 to index
        %get3A_400 = tpu.vector_load %arg16[%get3A_398, %get3A_399] {strides = array<i32>} : memref<128x128xf32, #tpu.memory_space<vmem>>, vector<1x16xf32>,
        %get3A_401 = vector.shape_cast %get3A_400 : vector<1x16xf32> to vector<16xf32>
        %swap3A_402 = arith.index_cast %add3A_322 : i32 to index
        %swap3A_403 = arith.constant 16 : index
        %swap3A_404 = tpu.vector_load %arg19[%swap3A_402, %swap3A_403] {strides = array<i32>} : memref<128x32xf32, #tpu.memory_space<vmem>>, vector<1x16xf32>,
        %swap3A_405 = vector.shape_cast %swap3A_404 : vector<1x16xf32> to vector<16xf32>
        %swap3A_406 = vector.shape_cast %get3A_401 : vector<16xf32> to vector<1x16xf32>
        tpu.vector_store %arg19[%swap3A_402, %swap3A_403], %swap3A_406 {strides = array<i32>} : memref<128x32xf32, #tpu.memory_space<vmem>>, vector<1x16xf32>,
        %mul3A_407 = arith.constant 16 : i32
        %mul3A_408 = arith.muli %scan3A_47, %mul3A_407 : i32
        %add3A_409 = arith.constant 4 : i32
        %add3A_410 = arith.addi %mul3A_408, %add3A_409 : i32
        %slice3A_411 = vector.extract_strided_slice %get3A_52 {offsets = [4], sizes = [1], strides = [1]} : vector<16xi32> to vector<1xi32>
        %squeeze3A_412 = vector.extract %slice3A_411[0] : i32 from vector<1xi32>
        %and3A_413 = arith.constant 3 : i32
        %and3A_414 = arith.andi %squeeze3A_412, %and3A_413 : i32
        %mul3A_415 = arith.constant 32 : i32
        %mul3A_416 = arith.muli %and3A_414, %mul3A_415 : i32
        %slice3A_417 = vector.extract_strided_slice %get3A_58 {offsets = [4], sizes = [1], strides = [1]} : vector<16xi32> to vector<1xi32>
        %squeeze3A_418 = vector.extract %slice3A_417[0] : i32 from vector<1xi32>
        %and3A_419 = arith.constant 3 : i32
        %and3A_420 = arith.andi %squeeze3A_418, %and3A_419 : i32
        %mul3A_421 = arith.constant 32 : i32
        %mul3A_422 = arith.muli %and3A_420, %mul3A_421 : i32
        %add3A_423 = arith.constant 0 : i32
        %add3A_424 = arith.addi %mul3A_416, %add3A_423 : i32
        %add3A_425 = arith.constant 0 : i32
        %add3A_426 = arith.addi %mul3A_422, %add3A_425 : i32
        %get3A_427 = arith.index_cast %add3A_410 : i32 to index
        %get3A_428 = arith.index_cast %add3A_424 : i32 to index
        %get3A_429 = tpu.vector_load %arg13[%get3A_427, %get3A_428] {strides = array<i32>} : memref<128x128xf32, #tpu.memory_space<vmem>>, vector<1x16xf32>,
        %get3A_430 = vector.shape_cast %get3A_429 : vector<1x16xf32> to vector<16xf32>
        %get3A_431 = arith.index_cast %add3A_410 : i32 to index
        %get3A_432 = arith.index_cast %add3A_426 : i32 to index
        %get3A_433 = tpu.vector_load %arg14[%get3A_431, %get3A_432] {strides = array<i32>} : memref<128x128xf32, #tpu.memory_space<vmem>>, vector<1x16xf32>,
        %get3A_434 = vector.shape_cast %get3A_433 : vector<1x16xf32> to vector<16xf32>
        %mul3A_435 = arith.mulf %get3A_430, %get3A_434 : vector<16xf32>
        %swap3A_436 = arith.index_cast %add3A_410 : i32 to index
        %swap3A_437 = arith.constant 0 : index
        %swap3A_438 = tpu.vector_load %arg17[%swap3A_436, %swap3A_437] {strides = array<i32>} : memref<128x32xf32, #tpu.memory_space<vmem>>, vector<1x16xf32>,
        %swap3A_439 = vector.shape_cast %swap3A_438 : vector<1x16xf32> to vector<16xf32>
        %swap3A_440 = vector.shape_cast %mul3A_435 : vector<16xf32> to vector<1x16xf32>
        tpu.vector_store %arg17[%swap3A_436, %swap3A_437], %swap3A_440 {strides = array<i32>} : memref<128x32xf32, #tpu.memory_space<vmem>>, vector<1x16xf32>,
        %get3A_441 = arith.index_cast %add3A_410 : i32 to index
        %get3A_442 = arith.index_cast %add3A_424 : i32 to index
        %get3A_443 = tpu.vector_load %arg15[%get3A_441, %get3A_442] {strides = array<i32>} : memref<128x128xf32, #tpu.memory_space<vmem>>, vector<1x16xf32>,
        %get3A_444 = vector.shape_cast %get3A_443 : vector<1x16xf32> to vector<16xf32>
        %swap3A_445 = arith.index_cast %add3A_410 : i32 to index
        %swap3A_446 = arith.constant 0 : index
        %swap3A_447 = tpu.vector_load %arg18[%swap3A_445, %swap3A_446] {strides = array<i32>} : memref<128x32xf32, #tpu.memory_space<vmem>>, vector<1x16xf32>,
        %swap3A_448 = vector.shape_cast %swap3A_447 : vector<1x16xf32> to vector<16xf32>
        %swap3A_449 = vector.shape_cast %get3A_444 : vector<16xf32> to vector<1x16xf32>
        tpu.vector_store %arg18[%swap3A_445, %swap3A_446], %swap3A_449 {strides = array<i32>} : memref<128x32xf32, #tpu.memory_space<vmem>>, vector<1x16xf32>,
        %get3A_450 = arith.index_cast %add3A_410 : i32 to index
        %get3A_451 = arith.index_cast %add3A_426 : i32 to index
        %get3A_452 = tpu.vector_load %arg16[%get3A_450, %get3A_451] {strides = array<i32>} : memref<128x128xf32, #tpu.memory_space<vmem>>, vector<1x16xf32>,
        %get3A_453 = vector.shape_cast %get3A_452 : vector<1x16xf32> to vector<16xf32>
        %swap3A_454 = arith.index_cast %add3A_410 : i32 to index
        %swap3A_455 = arith.constant 0 : index
        %swap3A_456 = tpu.vector_load %arg19[%swap3A_454, %swap3A_455] {strides = array<i32>} : memref<128x32xf32, #tpu.memory_space<vmem>>, vector<1x16xf32>,
        %swap3A_457 = vector.shape_cast %swap3A_456 : vector<1x16xf32> to vector<16xf32>
        %swap3A_458 = vector.shape_cast %get3A_453 : vector<16xf32> to vector<1x16xf32>
        tpu.vector_store %arg19[%swap3A_454, %swap3A_455], %swap3A_458 {strides = array<i32>} : memref<128x32xf32, #tpu.memory_space<vmem>>, vector<1x16xf32>,
        %add3A_459 = arith.constant 16 : i32
        %add3A_460 = arith.addi %mul3A_416, %add3A_459 : i32
        %add3A_461 = arith.constant 16 : i32
        %add3A_462 = arith.addi %mul3A_422, %add3A_461 : i32
        %get3A_463 = arith.index_cast %add3A_410 : i32 to index
        %get3A_464 = arith.index_cast %add3A_460 : i32 to index
        %get3A_465 = tpu.vector_load %arg13[%get3A_463, %get3A_464] {strides = array<i32>} : memref<128x128xf32, #tpu.memory_space<vmem>>, vector<1x16xf32>,
        %get3A_466 = vector.shape_cast %get3A_465 : vector<1x16xf32> to vector<16xf32>
        %get3A_467 = arith.index_cast %add3A_410 : i32 to index
        %get3A_468 = arith.index_cast %add3A_462 : i32 to index
        %get3A_469 = tpu.vector_load %arg14[%get3A_467, %get3A_468] {strides = array<i32>} : memref<128x128xf32, #tpu.memory_space<vmem>>, vector<1x16xf32>,
        %get3A_470 = vector.shape_cast %get3A_469 : vector<1x16xf32> to vector<16xf32>
        %mul3A_471 = arith.mulf %get3A_466, %get3A_470 : vector<16xf32>
        %swap3A_472 = arith.index_cast %add3A_410 : i32 to index
        %swap3A_473 = arith.constant 16 : index
        %swap3A_474 = tpu.vector_load %arg17[%swap3A_472, %swap3A_473] {strides = array<i32>} : memref<128x32xf32, #tpu.memory_space<vmem>>, vector<1x16xf32>,
        %swap3A_475 = vector.shape_cast %swap3A_474 : vector<1x16xf32> to vector<16xf32>
        %swap3A_476 = vector.shape_cast %mul3A_471 : vector<16xf32> to vector<1x16xf32>
        tpu.vector_store %arg17[%swap3A_472, %swap3A_473], %swap3A_476 {strides = array<i32>} : memref<128x32xf32, #tpu.memory_space<vmem>>, vector<1x16xf32>,
        %get3A_477 = arith.index_cast %add3A_410 : i32 to index
        %get3A_478 = arith.index_cast %add3A_460 : i32 to index
        %get3A_479 = tpu.vector_load %arg15[%get3A_477, %get3A_478] {strides = array<i32>} : memref<128x128xf32, #tpu.memory_space<vmem>>, vector<1x16xf32>,
        %get3A_480 = vector.shape_cast %get3A_479 : vector<1x16xf32> to vector<16xf32>
        %swap3A_481 = arith.index_cast %add3A_410 : i32 to index
        %swap3A_482 = arith.constant 16 : index
        %swap3A_483 = tpu.vector_load %arg18[%swap3A_481, %swap3A_482] {strides = array<i32>} : memref<128x32xf32, #tpu.memory_space<vmem>>, vector<1x16xf32>,
        %swap3A_484 = vector.shape_cast %swap3A_483 : vector<1x16xf32> to vector<16xf32>
        %swap3A_485 = vector.shape_cast %get3A_480 : vector<16xf32> to vector<1x16xf32>
        tpu.vector_store %arg18[%swap3A_481, %swap3A_482], %swap3A_485 {strides = array<i32>} : memref<128x32xf32, #tpu.memory_space<vmem>>, vector<1x16xf32>,
        %get3A_486 = arith.index_cast %add3A_410 : i32 to index
        %get3A_487 = arith.index_cast %add3A_462 : i32 to index
        %get3A_488 = tpu.vector_load %arg16[%get3A_486, %get3A_487] {strides = array<i32>} : memref<128x128xf32, #tpu.memory_space<vmem>>, vector<1x16xf32>,
        %get3A_489 = vector.shape_cast %get3A_488 : vector<1x16xf32> to vector<16xf32>
        %swap3A_490 = arith.index_cast %add3A_410 : i32 to index
        %swap3A_491 = arith.constant 16 : index
        %swap3A_492 = tpu.vector_load %arg19[%swap3A_490, %swap3A_491] {strides = array<i32>} : memref<128x32xf32, #tpu.memory_space<vmem>>, vector<1x16xf32>,
        %swap3A_493 = vector.shape_cast %swap3A_492 : vector<1x16xf32> to vector<16xf32>
        %swap3A_494 = vector.shape_cast %get3A_489 : vector<16xf32> to vector<1x16xf32>
        tpu.vector_store %arg19[%swap3A_490, %swap3A_491], %swap3A_494 {strides = array<i32>} : memref<128x32xf32, #tpu.memory_space<vmem>>, vector<1x16xf32>,
        %mul3A_495 = arith.constant 16 : i32
        %mul3A_496 = arith.muli %scan3A_47, %mul3A_495 : i32
        %add3A_497 = arith.constant 5 : i32
        %add3A_498 = arith.addi %mul3A_496, %add3A_497 : i32
        %slice3A_499 = vector.extract_strided_slice %get3A_52 {offsets = [5], sizes = [1], strides = [1]} : vector<16xi32> to vector<1xi32>
        %squeeze3A_500 = vector.extract %slice3A_499[0] : i32 from vector<1xi32>
        %and3A_501 = arith.constant 3 : i32
        %and3A_502 = arith.andi %squeeze3A_500, %and3A_501 : i32
        %mul3A_503 = arith.constant 32 : i32
        %mul3A_504 = arith.muli %and3A_502, %mul3A_503 : i32
        %slice3A_505 = vector.extract_strided_slice %get3A_58 {offsets = [5], sizes = [1], strides = [1]} : vector<16xi32> to vector<1xi32>
        %squeeze3A_506 = vector.extract %slice3A_505[0] : i32 from vector<1xi32>
        %and3A_507 = arith.constant 3 : i32
        %and3A_508 = arith.andi %squeeze3A_506, %and3A_507 : i32
        %mul3A_509 = arith.constant 32 : i32
        %mul3A_510 = arith.muli %and3A_508, %mul3A_509 : i32
        %add3A_511 = arith.constant 0 : i32
        %add3A_512 = arith.addi %mul3A_504, %add3A_511 : i32
        %add3A_513 = arith.constant 0 : i32
        %add3A_514 = arith.addi %mul3A_510, %add3A_513 : i32
        %get3A_515 = arith.index_cast %add3A_498 : i32 to index
        %get3A_516 = arith.index_cast %add3A_512 : i32 to index
        %get3A_517 = tpu.vector_load %arg13[%get3A_515, %get3A_516] {strides = array<i32>} : memref<128x128xf32, #tpu.memory_space<vmem>>, vector<1x16xf32>,
        %get3A_518 = vector.shape_cast %get3A_517 : vector<1x16xf32> to vector<16xf32>
        %get3A_519 = arith.index_cast %add3A_498 : i32 to index
        %get3A_520 = arith.index_cast %add3A_514 : i32 to index
        %get3A_521 = tpu.vector_load %arg14[%get3A_519, %get3A_520] {strides = array<i32>} : memref<128x128xf32, #tpu.memory_space<vmem>>, vector<1x16xf32>,
        %get3A_522 = vector.shape_cast %get3A_521 : vector<1x16xf32> to vector<16xf32>
        %mul3A_523 = arith.mulf %get3A_518, %get3A_522 : vector<16xf32>
        %swap3A_524 = arith.index_cast %add3A_498 : i32 to index
        %swap3A_525 = arith.constant 0 : index
        %swap3A_526 = tpu.vector_load %arg17[%swap3A_524, %swap3A_525] {strides = array<i32>} : memref<128x32xf32, #tpu.memory_space<vmem>>, vector<1x16xf32>,
        %swap3A_527 = vector.shape_cast %swap3A_526 : vector<1x16xf32> to vector<16xf32>
        %swap3A_528 = vector.shape_cast %mul3A_523 : vector<16xf32> to vector<1x16xf32>
        tpu.vector_store %arg17[%swap3A_524, %swap3A_525], %swap3A_528 {strides = array<i32>} : memref<128x32xf32, #tpu.memory_space<vmem>>, vector<1x16xf32>,
        %get3A_529 = arith.index_cast %add3A_498 : i32 to index
        %get3A_530 = arith.index_cast %add3A_512 : i32 to index
        %get3A_531 = tpu.vector_load %arg15[%get3A_529, %get3A_530] {strides = array<i32>} : memref<128x128xf32, #tpu.memory_space<vmem>>, vector<1x16xf32>,
        %get3A_532 = vector.shape_cast %get3A_531 : vector<1x16xf32> to vector<16xf32>
        %swap3A_533 = arith.index_cast %add3A_498 : i32 to index
        %swap3A_534 = arith.constant 0 : index
        %swap3A_535 = tpu.vector_load %arg18[%swap3A_533, %swap3A_534] {strides = array<i32>} : memref<128x32xf32, #tpu.memory_space<vmem>>, vector<1x16xf32>,
        %swap3A_536 = vector.shape_cast %swap3A_535 : vector<1x16xf32> to vector<16xf32>
        %swap3A_537 = vector.shape_cast %get3A_532 : vector<16xf32> to vector<1x16xf32>
        tpu.vector_store %arg18[%swap3A_533, %swap3A_534], %swap3A_537 {strides = array<i32>} : memref<128x32xf32, #tpu.memory_space<vmem>>, vector<1x16xf32>,
        %get3A_538 = arith.index_cast %add3A_498 : i32 to index
        %get3A_539 = arith.index_cast %add3A_514 : i32 to index
        %get3A_540 = tpu.vector_load %arg16[%get3A_538, %get3A_539] {strides = array<i32>} : memref<128x128xf32, #tpu.memory_space<vmem>>, vector<1x16xf32>,
        %get3A_541 = vector.shape_cast %get3A_540 : vector<1x16xf32> to vector<16xf32>
        %swap3A_542 = arith.index_cast %add3A_498 : i32 to index
        %swap3A_543 = arith.constant 0 : index
        %swap3A_544 = tpu.vector_load %arg19[%swap3A_542, %swap3A_543] {strides = array<i32>} : memref<128x32xf32, #tpu.memory_space<vmem>>, vector<1x16xf32>,
        %swap3A_545 = vector.shape_cast %swap3A_544 : vector<1x16xf32> to vector<16xf32>
        %swap3A_546 = vector.shape_cast %get3A_541 : vector<16xf32> to vector<1x16xf32>
        tpu.vector_store %arg19[%swap3A_542, %swap3A_543], %swap3A_546 {strides = array<i32>} : memref<128x32xf32, #tpu.memory_space<vmem>>, vector<1x16xf32>,
        %add3A_547 = arith.constant 16 : i32
        %add3A_548 = arith.addi %mul3A_504, %add3A_547 : i32
        %add3A_549 = arith.constant 16 : i32
        %add3A_550 = arith.addi %mul3A_510, %add3A_549 : i32
        %get3A_551 = arith.index_cast %add3A_498 : i32 to index
        %get3A_552 = arith.index_cast %add3A_548 : i32 to index
        %get3A_553 = tpu.vector_load %arg13[%get3A_551, %get3A_552] {strides = array<i32>} : memref<128x128xf32, #tpu.memory_space<vmem>>, vector<1x16xf32>,
        %get3A_554 = vector.shape_cast %get3A_553 : vector<1x16xf32> to vector<16xf32>
        %get3A_555 = arith.index_cast %add3A_498 : i32 to index
        %get3A_556 = arith.index_cast %add3A_550 : i32 to index
        %get3A_557 = tpu.vector_load %arg14[%get3A_555, %get3A_556] {strides = array<i32>} : memref<128x128xf32, #tpu.memory_space<vmem>>, vector<1x16xf32>,
        %get3A_558 = vector.shape_cast %get3A_557 : vector<1x16xf32> to vector<16xf32>
        %mul3A_559 = arith.mulf %get3A_554, %get3A_558 : vector<16xf32>
        %swap3A_560 = arith.index_cast %add3A_498 : i32 to index
        %swap3A_561 = arith.constant 16 : index
        %swap3A_562 = tpu.vector_load %arg17[%swap3A_560, %swap3A_561] {strides = array<i32>} : memref<128x32xf32, #tpu.memory_space<vmem>>, vector<1x16xf32>,
        %swap3A_563 = vector.shape_cast %swap3A_562 : vector<1x16xf32> to vector<16xf32>
        %swap3A_564 = vector.shape_cast %mul3A_559 : vector<16xf32> to vector<1x16xf32>
        tpu.vector_store %arg17[%swap3A_560, %swap3A_561], %swap3A_564 {strides = array<i32>} : memref<128x32xf32, #tpu.memory_space<vmem>>, vector<1x16xf32>,
        %get3A_565 = arith.index_cast %add3A_498 : i32 to index
        %get3A_566 = arith.index_cast %add3A_548 : i32 to index
        %get3A_567 = tpu.vector_load %arg15[%get3A_565, %get3A_566] {strides = array<i32>} : memref<128x128xf32, #tpu.memory_space<vmem>>, vector<1x16xf32>,
        %get3A_568 = vector.shape_cast %get3A_567 : vector<1x16xf32> to vector<16xf32>
        %swap3A_569 = arith.index_cast %add3A_498 : i32 to index
        %swap3A_570 = arith.constant 16 : index
        %swap3A_571 = tpu.vector_load %arg18[%swap3A_569, %swap3A_570] {strides = array<i32>} : memref<128x32xf32, #tpu.memory_space<vmem>>, vector<1x16xf32>,
        %swap3A_572 = vector.shape_cast %swap3A_571 : vector<1x16xf32> to vector<16xf32>
        %swap3A_573 = vector.shape_cast %get3A_568 : vector<16xf32> to vector<1x16xf32>
        tpu.vector_store %arg18[%swap3A_569, %swap3A_570], %swap3A_573 {strides = array<i32>} : memref<128x32xf32, #tpu.memory_space<vmem>>, vector<1x16xf32>,
        %get3A_574 = arith.index_cast %add3A_498 : i32 to index
        %get3A_575 = arith.index_cast %add3A_550 : i32 to index
        %get3A_576 = tpu.vector_load %arg16[%get3A_574, %get3A_575] {strides = array<i32>} : memref<128x128xf32, #tpu.memory_space<vmem>>, vector<1x16xf32>,
        %get3A_577 = vector.shape_cast %get3A_576 : vector<1x16xf32> to vector<16xf32>
        %swap3A_578 = arith.index_cast %add3A_498 : i32 to index
        %swap3A_579 = arith.constant 16 : index
        %swap3A_580 = tpu.vector_load %arg19[%swap3A_578, %swap3A_579] {strides = array<i32>} : memref<128x32xf32, #tpu.memory_space<vmem>>, vector<1x16xf32>,
        %swap3A_581 = vector.shape_cast %swap3A_580 : vector<1x16xf32> to vector<16xf32>
        %swap3A_582 = vector.shape_cast %get3A_577 : vector<16xf32> to vector<1x16xf32>
        tpu.vector_store %arg19[%swap3A_578, %swap3A_579], %swap3A_582 {strides = array<i32>} : memref<128x32xf32, #tpu.memory_space<vmem>>, vector<1x16xf32>,
        %mul3A_583 = arith.constant 16 : i32
        %mul3A_584 = arith.muli %scan3A_47, %mul3A_583 : i32
        %add3A_585 = arith.constant 6 : i32
        %add3A_586 = arith.addi %mul3A_584, %add3A_585 : i32
        %slice3A_587 = vector.extract_strided_slice %get3A_52 {offsets = [6], sizes = [1], strides = [1]} : vector<16xi32> to vector<1xi32>
        %squeeze3A_588 = vector.extract %slice3A_587[0] : i32 from vector<1xi32>
        %and3A_589 = arith.constant 3 : i32
        %and3A_590 = arith.andi %squeeze3A_588, %and3A_589 : i32
        %mul3A_591 = arith.constant 32 : i32
        %mul3A_592 = arith.muli %and3A_590, %mul3A_591 : i32
        %slice3A_593 = vector.extract_strided_slice %get3A_58 {offsets = [6], sizes = [1], strides = [1]} : vector<16xi32> to vector<1xi32>
        %squeeze3A_594 = vector.extract %slice3A_593[0] : i32 from vector<1xi32>
        %and3A_595 = arith.constant 3 : i32
        %and3A_596 = arith.andi %squeeze3A_594, %and3A_595 : i32
        %mul3A_597 = arith.constant 32 : i32
        %mul3A_598 = arith.muli %and3A_596, %mul3A_597 : i32
        %add3A_599 = arith.constant 0 : i32
        %add3A_600 = arith.addi %mul3A_592, %add3A_599 : i32
        %add3A_601 = arith.constant 0 : i32
        %add3A_602 = arith.addi %mul3A_598, %add3A_601 : i32
        %get3A_603 = arith.index_cast %add3A_586 : i32 to index
        %get3A_604 = arith.index_cast %add3A_600 : i32 to index
        %get3A_605 = tpu.vector_load %arg13[%get3A_603, %get3A_604] {strides = array<i32>} : memref<128x128xf32, #tpu.memory_space<vmem>>, vector<1x16xf32>,
        %get3A_606 = vector.shape_cast %get3A_605 : vector<1x16xf32> to vector<16xf32>
        %get3A_607 = arith.index_cast %add3A_586 : i32 to index
        %get3A_608 = arith.index_cast %add3A_602 : i32 to index
        %get3A_609 = tpu.vector_load %arg14[%get3A_607, %get3A_608] {strides = array<i32>} : memref<128x128xf32, #tpu.memory_space<vmem>>, vector<1x16xf32>,
        %get3A_610 = vector.shape_cast %get3A_609 : vector<1x16xf32> to vector<16xf32>
        %mul3A_611 = arith.mulf %get3A_606, %get3A_610 : vector<16xf32>
        %swap3A_612 = arith.index_cast %add3A_586 : i32 to index
        %swap3A_613 = arith.constant 0 : index
        %swap3A_614 = tpu.vector_load %arg17[%swap3A_612, %swap3A_613] {strides = array<i32>} : memref<128x32xf32, #tpu.memory_space<vmem>>, vector<1x16xf32>,
        %swap3A_615 = vector.shape_cast %swap3A_614 : vector<1x16xf32> to vector<16xf32>
        %swap3A_616 = vector.shape_cast %mul3A_611 : vector<16xf32> to vector<1x16xf32>
        tpu.vector_store %arg17[%swap3A_612, %swap3A_613], %swap3A_616 {strides = array<i32>} : memref<128x32xf32, #tpu.memory_space<vmem>>, vector<1x16xf32>,
        %get3A_617 = arith.index_cast %add3A_586 : i32 to index
        %get3A_618 = arith.index_cast %add3A_600 : i32 to index
        %get3A_619 = tpu.vector_load %arg15[%get3A_617, %get3A_618] {strides = array<i32>} : memref<128x128xf32, #tpu.memory_space<vmem>>, vector<1x16xf32>,
        %get3A_620 = vector.shape_cast %get3A_619 : vector<1x16xf32> to vector<16xf32>
        %swap3A_621 = arith.index_cast %add3A_586 : i32 to index
        %swap3A_622 = arith.constant 0 : index
        %swap3A_623 = tpu.vector_load %arg18[%swap3A_621, %swap3A_622] {strides = array<i32>} : memref<128x32xf32, #tpu.memory_space<vmem>>, vector<1x16xf32>,
        %swap3A_624 = vector.shape_cast %swap3A_623 : vector<1x16xf32> to vector<16xf32>
        %swap3A_625 = vector.shape_cast %get3A_620 : vector<16xf32> to vector<1x16xf32>
        tpu.vector_store %arg18[%swap3A_621, %swap3A_622], %swap3A_625 {strides = array<i32>} : memref<128x32xf32, #tpu.memory_space<vmem>>, vector<1x16xf32>,
        %get3A_626 = arith.index_cast %add3A_586 : i32 to index
        %get3A_627 = arith.index_cast %add3A_602 : i32 to index
        %get3A_628 = tpu.vector_load %arg16[%get3A_626, %get3A_627] {strides = array<i32>} : memref<128x128xf32, #tpu.memory_space<vmem>>, vector<1x16xf32>,
        %get3A_629 = vector.shape_cast %get3A_628 : vector<1x16xf32> to vector<16xf32>
        %swap3A_630 = arith.index_cast %add3A_586 : i32 to index
        %swap3A_631 = arith.constant 0 : index
        %swap3A_632 = tpu.vector_load %arg19[%swap3A_630, %swap3A_631] {strides = array<i32>} : memref<128x32xf32, #tpu.memory_space<vmem>>, vector<1x16xf32>,
        %swap3A_633 = vector.shape_cast %swap3A_632 : vector<1x16xf32> to vector<16xf32>
        %swap3A_634 = vector.shape_cast %get3A_629 : vector<16xf32> to vector<1x16xf32>
        tpu.vector_store %arg19[%swap3A_630, %swap3A_631], %swap3A_634 {strides = array<i32>} : memref<128x32xf32, #tpu.memory_space<vmem>>, vector<1x16xf32>,
        %add3A_635 = arith.constant 16 : i32
        %add3A_636 = arith.addi %mul3A_592, %add3A_635 : i32
        %add3A_637 = arith.constant 16 : i32
        %add3A_638 = arith.addi %mul3A_598, %add3A_637 : i32
        %get3A_639 = arith.index_cast %add3A_586 : i32 to index
        %get3A_640 = arith.index_cast %add3A_636 : i32 to index
        %get3A_641 = tpu.vector_load %arg13[%get3A_639, %get3A_640] {strides = array<i32>} : memref<128x128xf32, #tpu.memory_space<vmem>>, vector<1x16xf32>,
        %get3A_642 = vector.shape_cast %get3A_641 : vector<1x16xf32> to vector<16xf32>
        %get3A_643 = arith.index_cast %add3A_586 : i32 to index
        %get3A_644 = arith.index_cast %add3A_638 : i32 to index
        %get3A_645 = tpu.vector_load %arg14[%get3A_643, %get3A_644] {strides = array<i32>} : memref<128x128xf32, #tpu.memory_space<vmem>>, vector<1x16xf32>,
        %get3A_646 = vector.shape_cast %get3A_645 : vector<1x16xf32> to vector<16xf32>
        %mul3A_647 = arith.mulf %get3A_642, %get3A_646 : vector<16xf32>
        %swap3A_648 = arith.index_cast %add3A_586 : i32 to index
        %swap3A_649 = arith.constant 16 : index
        %swap3A_650 = tpu.vector_load %arg17[%swap3A_648, %swap3A_649] {strides = array<i32>} : memref<128x32xf32, #tpu.memory_space<vmem>>, vector<1x16xf32>,
        %swap3A_651 = vector.shape_cast %swap3A_650 : vector<1x16xf32> to vector<16xf32>
        %swap3A_652 = vector.shape_cast %mul3A_647 : vector<16xf32> to vector<1x16xf32>
        tpu.vector_store %arg17[%swap3A_648, %swap3A_649], %swap3A_652 {strides = array<i32>} : memref<128x32xf32, #tpu.memory_space<vmem>>, vector<1x16xf32>,
        %get3A_653 = arith.index_cast %add3A_586 : i32 to index
        %get3A_654 = arith.index_cast %add3A_636 : i32 to index
        %get3A_655 = tpu.vector_load %arg15[%get3A_653, %get3A_654] {strides = array<i32>} : memref<128x128xf32, #tpu.memory_space<vmem>>, vector<1x16xf32>,
        %get3A_656 = vector.shape_cast %get3A_655 : vector<1x16xf32> to vector<16xf32>
        %swap3A_657 = arith.index_cast %add3A_586 : i32 to index
        %swap3A_658 = arith.constant 16 : index
        %swap3A_659 = tpu.vector_load %arg18[%swap3A_657, %swap3A_658] {strides = array<i32>} : memref<128x32xf32, #tpu.memory_space<vmem>>, vector<1x16xf32>,
        %swap3A_660 = vector.shape_cast %swap3A_659 : vector<1x16xf32> to vector<16xf32>
        %swap3A_661 = vector.shape_cast %get3A_656 : vector<16xf32> to vector<1x16xf32>
        tpu.vector_store %arg18[%swap3A_657, %swap3A_658], %swap3A_661 {strides = array<i32>} : memref<128x32xf32, #tpu.memory_space<vmem>>, vector<1x16xf32>,
        %get3A_662 = arith.index_cast %add3A_586 : i32 to index
        %get3A_663 = arith.index_cast %add3A_638 : i32 to index
        %get3A_664 = tpu.vector_load %arg16[%get3A_662, %get3A_663] {strides = array<i32>} : memref<128x128xf32, #tpu.memory_space<vmem>>, vector<1x16xf32>,
        %get3A_665 = vector.shape_cast %get3A_664 : vector<1x16xf32> to vector<16xf32>
        %swap3A_666 = arith.index_cast %add3A_586 : i32 to index
        %swap3A_667 = arith.constant 16 : index
        %swap3A_668 = tpu.vector_load %arg19[%swap3A_666, %swap3A_667] {strides = array<i32>} : memref<128x32xf32, #tpu.memory_space<vmem>>, vector<1x16xf32>,
        %swap3A_669 = vector.shape_cast %swap3A_668 : vector<1x16xf32> to vector<16xf32>
        %swap3A_670 = vector.shape_cast %get3A_665 : vector<16xf32> to vector<1x16xf32>
        tpu.vector_store %arg19[%swap3A_666, %swap3A_667], %swap3A_670 {strides = array<i32>} : memref<128x32xf32, #tpu.memory_space<vmem>>, vector<1x16xf32>,
        %mul3A_671 = arith.constant 16 : i32
        %mul3A_672 = arith.muli %scan3A_47, %mul3A_671 : i32
        %add3A_673 = arith.constant 7 : i32
        %add3A_674 = arith.addi %mul3A_672, %add3A_673 : i32
        %slice3A_675 = vector.extract_strided_slice %get3A_52 {offsets = [7], sizes = [1], strides = [1]} : vector<16xi32> to vector<1xi32>
        %squeeze3A_676 = vector.extract %slice3A_675[0] : i32 from vector<1xi32>
        %and3A_677 = arith.constant 3 : i32
        %and3A_678 = arith.andi %squeeze3A_676, %and3A_677 : i32
        %mul3A_679 = arith.constant 32 : i32
        %mul3A_680 = arith.muli %and3A_678, %mul3A_679 : i32
        %slice3A_681 = vector.extract_strided_slice %get3A_58 {offsets = [7], sizes = [1], strides = [1]} : vector<16xi32> to vector<1xi32>
        %squeeze3A_682 = vector.extract %slice3A_681[0] : i32 from vector<1xi32>
        %and3A_683 = arith.constant 3 : i32
        %and3A_684 = arith.andi %squeeze3A_682, %and3A_683 : i32
        %mul3A_685 = arith.constant 32 : i32
        %mul3A_686 = arith.muli %and3A_684, %mul3A_685 : i32
        %add3A_687 = arith.constant 0 : i32
        %add3A_688 = arith.addi %mul3A_680, %add3A_687 : i32
        %add3A_689 = arith.constant 0 : i32
        %add3A_690 = arith.addi %mul3A_686, %add3A_689 : i32
        %get3A_691 = arith.index_cast %add3A_674 : i32 to index
        %get3A_692 = arith.index_cast %add3A_688 : i32 to index
        %get3A_693 = tpu.vector_load %arg13[%get3A_691, %get3A_692] {strides = array<i32>} : memref<128x128xf32, #tpu.memory_space<vmem>>, vector<1x16xf32>,
        %get3A_694 = vector.shape_cast %get3A_693 : vector<1x16xf32> to vector<16xf32>
        %get3A_695 = arith.index_cast %add3A_674 : i32 to index
        %get3A_696 = arith.index_cast %add3A_690 : i32 to index
        %get3A_697 = tpu.vector_load %arg14[%get3A_695, %get3A_696] {strides = array<i32>} : memref<128x128xf32, #tpu.memory_space<vmem>>, vector<1x16xf32>,
        %get3A_698 = vector.shape_cast %get3A_697 : vector<1x16xf32> to vector<16xf32>
        %mul3A_699 = arith.mulf %get3A_694, %get3A_698 : vector<16xf32>
        %swap3A_700 = arith.index_cast %add3A_674 : i32 to index
        %swap3A_701 = arith.constant 0 : index
        %swap3A_702 = tpu.vector_load %arg17[%swap3A_700, %swap3A_701] {strides = array<i32>} : memref<128x32xf32, #tpu.memory_space<vmem>>, vector<1x16xf32>,
        %swap3A_703 = vector.shape_cast %swap3A_702 : vector<1x16xf32> to vector<16xf32>
        %swap3A_704 = vector.shape_cast %mul3A_699 : vector<16xf32> to vector<1x16xf32>
        tpu.vector_store %arg17[%swap3A_700, %swap3A_701], %swap3A_704 {strides = array<i32>} : memref<128x32xf32, #tpu.memory_space<vmem>>, vector<1x16xf32>,
        %get3A_705 = arith.index_cast %add3A_674 : i32 to index
        %get3A_706 = arith.index_cast %add3A_688 : i32 to index
        %get3A_707 = tpu.vector_load %arg15[%get3A_705, %get3A_706] {strides = array<i32>} : memref<128x128xf32, #tpu.memory_space<vmem>>, vector<1x16xf32>,
        %get3A_708 = vector.shape_cast %get3A_707 : vector<1x16xf32> to vector<16xf32>
        %swap3A_709 = arith.index_cast %add3A_674 : i32 to index
        %swap3A_710 = arith.constant 0 : index
        %swap3A_711 = tpu.vector_load %arg18[%swap3A_709, %swap3A_710] {strides = array<i32>} : memref<128x32xf32, #tpu.memory_space<vmem>>, vector<1x16xf32>,
        %swap3A_712 = vector.shape_cast %swap3A_711 : vector<1x16xf32> to vector<16xf32>
        %swap3A_713 = vector.shape_cast %get3A_708 : vector<16xf32> to vector<1x16xf32>
        tpu.vector_store %arg18[%swap3A_709, %swap3A_710], %swap3A_713 {strides = array<i32>} : memref<128x32xf32, #tpu.memory_space<vmem>>, vector<1x16xf32>,
        %get3A_714 = arith.index_cast %add3A_674 : i32 to index
        %get3A_715 = arith.index_cast %add3A_690 : i32 to index
        %get3A_716 = tpu.vector_load %arg16[%get3A_714, %get3A_715] {strides = array<i32>} : memref<128x128xf32, #tpu.memory_space<vmem>>, vector<1x16xf32>,
        %get3A_717 = vector.shape_cast %get3A_716 : vector<1x16xf32> to vector<16xf32>
        %swap3A_718 = arith.index_cast %add3A_674 : i32 to index
        %swap3A_719 = arith.constant 0 : index
        %swap3A_720 = tpu.vector_load %arg19[%swap3A_718, %swap3A_719] {strides = array<i32>} : memref<128x32xf32, #tpu.memory_space<vmem>>, vector<1x16xf32>,
        %swap3A_721 = vector.shape_cast %swap3A_720 : vector<1x16xf32> to vector<16xf32>
        %swap3A_722 = vector.shape_cast %get3A_717 : vector<16xf32> to vector<1x16xf32>
        tpu.vector_store %arg19[%swap3A_718, %swap3A_719], %swap3A_722 {strides = array<i32>} : memref<128x32xf32, #tpu.memory_space<vmem>>, vector<1x16xf32>,
        %add3A_723 = arith.constant 16 : i32
        %add3A_724 = arith.addi %mul3A_680, %add3A_723 : i32
        %add3A_725 = arith.constant 16 : i32
        %add3A_726 = arith.addi %mul3A_686, %add3A_725 : i32
        %get3A_727 = arith.index_cast %add3A_674 : i32 to index
        %get3A_728 = arith.index_cast %add3A_724 : i32 to index
        %get3A_729 = tpu.vector_load %arg13[%get3A_727, %get3A_728] {strides = array<i32>} : memref<128x128xf32, #tpu.memory_space<vmem>>, vector<1x16xf32>,
        %get3A_730 = vector.shape_cast %get3A_729 : vector<1x16xf32> to vector<16xf32>
        %get3A_731 = arith.index_cast %add3A_674 : i32 to index
        %get3A_732 = arith.index_cast %add3A_726 : i32 to index
        %get3A_733 = tpu.vector_load %arg14[%get3A_731, %get3A_732] {strides = array<i32>} : memref<128x128xf32, #tpu.memory_space<vmem>>, vector<1x16xf32>,
        %get3A_734 = vector.shape_cast %get3A_733 : vector<1x16xf32> to vector<16xf32>
        %mul3A_735 = arith.mulf %get3A_730, %get3A_734 : vector<16xf32>
        %swap3A_736 = arith.index_cast %add3A_674 : i32 to index
        %swap3A_737 = arith.constant 16 : index
        %swap3A_738 = tpu.vector_load %arg17[%swap3A_736, %swap3A_737] {strides = array<i32>} : memref<128x32xf32, #tpu.memory_space<vmem>>, vector<1x16xf32>,
        %swap3A_739 = vector.shape_cast %swap3A_738 : vector<1x16xf32> to vector<16xf32>
        %swap3A_740 = vector.shape_cast %mul3A_735 : vector<16xf32> to vector<1x16xf32>
        tpu.vector_store %arg17[%swap3A_736, %swap3A_737], %swap3A_740 {strides = array<i32>} : memref<128x32xf32, #tpu.memory_space<vmem>>, vector<1x16xf32>,
        %get3A_741 = arith.index_cast %add3A_674 : i32 to index
        %get3A_742 = arith.index_cast %add3A_724 : i32 to index
        %get3A_743 = tpu.vector_load %arg15[%get3A_741, %get3A_742] {strides = array<i32>} : memref<128x128xf32, #tpu.memory_space<vmem>>, vector<1x16xf32>,
        %get3A_744 = vector.shape_cast %get3A_743 : vector<1x16xf32> to vector<16xf32>
        %swap3A_745 = arith.index_cast %add3A_674 : i32 to index
        %swap3A_746 = arith.constant 16 : index
        %swap3A_747 = tpu.vector_load %arg18[%swap3A_745, %swap3A_746] {strides = array<i32>} : memref<128x32xf32, #tpu.memory_space<vmem>>, vector<1x16xf32>,
        %swap3A_748 = vector.shape_cast %swap3A_747 : vector<1x16xf32> to vector<16xf32>
        %swap3A_749 = vector.shape_cast %get3A_744 : vector<16xf32> to vector<1x16xf32>
        tpu.vector_store %arg18[%swap3A_745, %swap3A_746], %swap3A_749 {strides = array<i32>} : memref<128x32xf32, #tpu.memory_space<vmem>>, vector<1x16xf32>,
        %get3A_750 = arith.index_cast %add3A_674 : i32 to index
        %get3A_751 = arith.index_cast %add3A_726 : i32 to index
        %get3A_752 = tpu.vector_load %arg16[%get3A_750, %get3A_751] {strides = array<i32>} : memref<128x128xf32, #tpu.memory_space<vmem>>, vector<1x16xf32>,
        %get3A_753 = vector.shape_cast %get3A_752 : vector<1x16xf32> to vector<16xf32>
        %swap3A_754 = arith.index_cast %add3A_674 : i32 to index
        %swap3A_755 = arith.constant 16 : index
        %swap3A_756 = tpu.vector_load %arg19[%swap3A_754, %swap3A_755] {strides = array<i32>} : memref<128x32xf32, #tpu.memory_space<vmem>>, vector<1x16xf32>,
        %swap3A_757 = vector.shape_cast %swap3A_756 : vector<1x16xf32> to vector<16xf32>
        %swap3A_758 = vector.shape_cast %get3A_753 : vector<16xf32> to vector<1x16xf32>
        tpu.vector_store %arg19[%swap3A_754, %swap3A_755], %swap3A_758 {strides = array<i32>} : memref<128x32xf32, #tpu.memory_space<vmem>>, vector<1x16xf32>,
        %mul3A_759 = arith.constant 16 : i32
        %mul3A_760 = arith.muli %scan3A_47, %mul3A_759 : i32
        %add3A_761 = arith.constant 8 : i32
        %add3A_762 = arith.addi %mul3A_760, %add3A_761 : i32
        %slice3A_763 = vector.extract_strided_slice %get3A_52 {offsets = [8], sizes = [1], strides = [1]} : vector<16xi32> to vector<1xi32>
        %squeeze3A_764 = vector.extract %slice3A_763[0] : i32 from vector<1xi32>
        %and3A_765 = arith.constant 3 : i32
        %and3A_766 = arith.andi %squeeze3A_764, %and3A_765 : i32
        %mul3A_767 = arith.constant 32 : i32
        %mul3A_768 = arith.muli %and3A_766, %mul3A_767 : i32
        %slice3A_769 = vector.extract_strided_slice %get3A_58 {offsets = [8], sizes = [1], strides = [1]} : vector<16xi32> to vector<1xi32>
        %squeeze3A_770 = vector.extract %slice3A_769[0] : i32 from vector<1xi32>
        %and3A_771 = arith.constant 3 : i32
        %and3A_772 = arith.andi %squeeze3A_770, %and3A_771 : i32
        %mul3A_773 = arith.constant 32 : i32
        %mul3A_774 = arith.muli %and3A_772, %mul3A_773 : i32
        %add3A_775 = arith.constant 0 : i32
        %add3A_776 = arith.addi %mul3A_768, %add3A_775 : i32
        %add3A_777 = arith.constant 0 : i32
        %add3A_778 = arith.addi %mul3A_774, %add3A_777 : i32
        %get3A_779 = arith.index_cast %add3A_762 : i32 to index
        %get3A_780 = arith.index_cast %add3A_776 : i32 to index
        %get3A_781 = tpu.vector_load %arg13[%get3A_779, %get3A_780] {strides = array<i32>} : memref<128x128xf32, #tpu.memory_space<vmem>>, vector<1x16xf32>,
        %get3A_782 = vector.shape_cast %get3A_781 : vector<1x16xf32> to vector<16xf32>
        %get3A_783 = arith.index_cast %add3A_762 : i32 to index
        %get3A_784 = arith.index_cast %add3A_778 : i32 to index
        %get3A_785 = tpu.vector_load %arg14[%get3A_783, %get3A_784] {strides = array<i32>} : memref<128x128xf32, #tpu.memory_space<vmem>>, vector<1x16xf32>,
        %get3A_786 = vector.shape_cast %get3A_785 : vector<1x16xf32> to vector<16xf32>
        %mul3A_787 = arith.mulf %get3A_782, %get3A_786 : vector<16xf32>
        %swap3A_788 = arith.index_cast %add3A_762 : i32 to index
        %swap3A_789 = arith.constant 0 : index
        %swap3A_790 = tpu.vector_load %arg17[%swap3A_788, %swap3A_789] {strides = array<i32>} : memref<128x32xf32, #tpu.memory_space<vmem>>, vector<1x16xf32>,
        %swap3A_791 = vector.shape_cast %swap3A_790 : vector<1x16xf32> to vector<16xf32>
        %swap3A_792 = vector.shape_cast %mul3A_787 : vector<16xf32> to vector<1x16xf32>
        tpu.vector_store %arg17[%swap3A_788, %swap3A_789], %swap3A_792 {strides = array<i32>} : memref<128x32xf32, #tpu.memory_space<vmem>>, vector<1x16xf32>,
        %get3A_793 = arith.index_cast %add3A_762 : i32 to index
        %get3A_794 = arith.index_cast %add3A_776 : i32 to index
        %get3A_795 = tpu.vector_load %arg15[%get3A_793, %get3A_794] {strides = array<i32>} : memref<128x128xf32, #tpu.memory_space<vmem>>, vector<1x16xf32>,
        %get3A_796 = vector.shape_cast %get3A_795 : vector<1x16xf32> to vector<16xf32>
        %swap3A_797 = arith.index_cast %add3A_762 : i32 to index
        %swap3A_798 = arith.constant 0 : index
        %swap3A_799 = tpu.vector_load %arg18[%swap3A_797, %swap3A_798] {strides = array<i32>} : memref<128x32xf32, #tpu.memory_space<vmem>>, vector<1x16xf32>,
        %swap3A_800 = vector.shape_cast %swap3A_799 : vector<1x16xf32> to vector<16xf32>
        %swap3A_801 = vector.shape_cast %get3A_796 : vector<16xf32> to vector<1x16xf32>
        tpu.vector_store %arg18[%swap3A_797, %swap3A_798], %swap3A_801 {strides = array<i32>} : memref<128x32xf32, #tpu.memory_space<vmem>>, vector<1x16xf32>,
        %get3A_802 = arith.index_cast %add3A_762 : i32 to index
        %get3A_803 = arith.index_cast %add3A_778 : i32 to index
        %get3A_804 = tpu.vector_load %arg16[%get3A_802, %get3A_803] {strides = array<i32>} : memref<128x128xf32, #tpu.memory_space<vmem>>, vector<1x16xf32>,
        %get3A_805 = vector.shape_cast %get3A_804 : vector<1x16xf32> to vector<16xf32>
        %swap3A_806 = arith.index_cast %add3A_762 : i32 to index
        %swap3A_807 = arith.constant 0 : index
        %swap3A_808 = tpu.vector_load %arg19[%swap3A_806, %swap3A_807] {strides = array<i32>} : memref<128x32xf32, #tpu.memory_space<vmem>>, vector<1x16xf32>,
        %swap3A_809 = vector.shape_cast %swap3A_808 : vector<1x16xf32> to vector<16xf32>
        %swap3A_810 = vector.shape_cast %get3A_805 : vector<16xf32> to vector<1x16xf32>
        tpu.vector_store %arg19[%swap3A_806, %swap3A_807], %swap3A_810 {strides = array<i32>} : memref<128x32xf32, #tpu.memory_space<vmem>>, vector<1x16xf32>,
        %add3A_811 = arith.constant 16 : i32
        %add3A_812 = arith.addi %mul3A_768, %add3A_811 : i32
        %add3A_813 = arith.constant 16 : i32
        %add3A_814 = arith.addi %mul3A_774, %add3A_813 : i32
        %get3A_815 = arith.index_cast %add3A_762 : i32 to index
        %get3A_816 = arith.index_cast %add3A_812 : i32 to index
        %get3A_817 = tpu.vector_load %arg13[%get3A_815, %get3A_816] {strides = array<i32>} : memref<128x128xf32, #tpu.memory_space<vmem>>, vector<1x16xf32>,
        %get3A_818 = vector.shape_cast %get3A_817 : vector<1x16xf32> to vector<16xf32>
        %get3A_819 = arith.index_cast %add3A_762 : i32 to index
        %get3A_820 = arith.index_cast %add3A_814 : i32 to index
        %get3A_821 = tpu.vector_load %arg14[%get3A_819, %get3A_820] {strides = array<i32>} : memref<128x128xf32, #tpu.memory_space<vmem>>, vector<1x16xf32>,
        %get3A_822 = vector.shape_cast %get3A_821 : vector<1x16xf32> to vector<16xf32>
        %mul3A_823 = arith.mulf %get3A_818, %get3A_822 : vector<16xf32>
        %swap3A_824 = arith.index_cast %add3A_762 : i32 to index
        %swap3A_825 = arith.constant 16 : index
        %swap3A_826 = tpu.vector_load %arg17[%swap3A_824, %swap3A_825] {strides = array<i32>} : memref<128x32xf32, #tpu.memory_space<vmem>>, vector<1x16xf32>,
        %swap3A_827 = vector.shape_cast %swap3A_826 : vector<1x16xf32> to vector<16xf32>
        %swap3A_828 = vector.shape_cast %mul3A_823 : vector<16xf32> to vector<1x16xf32>
        tpu.vector_store %arg17[%swap3A_824, %swap3A_825], %swap3A_828 {strides = array<i32>} : memref<128x32xf32, #tpu.memory_space<vmem>>, vector<1x16xf32>,
        %get3A_829 = arith.index_cast %add3A_762 : i32 to index
        %get3A_830 = arith.index_cast %add3A_812 : i32 to index
        %get3A_831 = tpu.vector_load %arg15[%get3A_829, %get3A_830] {strides = array<i32>} : memref<128x128xf32, #tpu.memory_space<vmem>>, vector<1x16xf32>,
        %get3A_832 = vector.shape_cast %get3A_831 : vector<1x16xf32> to vector<16xf32>
        %swap3A_833 = arith.index_cast %add3A_762 : i32 to index
        %swap3A_834 = arith.constant 16 : index
        %swap3A_835 = tpu.vector_load %arg18[%swap3A_833, %swap3A_834] {strides = array<i32>} : memref<128x32xf32, #tpu.memory_space<vmem>>, vector<1x16xf32>,
        %swap3A_836 = vector.shape_cast %swap3A_835 : vector<1x16xf32> to vector<16xf32>
        %swap3A_837 = vector.shape_cast %get3A_832 : vector<16xf32> to vector<1x16xf32>
        tpu.vector_store %arg18[%swap3A_833, %swap3A_834], %swap3A_837 {strides = array<i32>} : memref<128x32xf32, #tpu.memory_space<vmem>>, vector<1x16xf32>,
        %get3A_838 = arith.index_cast %add3A_762 : i32 to index
        %get3A_839 = arith.index_cast %add3A_814 : i32 to index
        %get3A_840 = tpu.vector_load %arg16[%get3A_838, %get3A_839] {strides = array<i32>} : memref<128x128xf32, #tpu.memory_space<vmem>>, vector<1x16xf32>,
        %get3A_841 = vector.shape_cast %get3A_840 : vector<1x16xf32> to vector<16xf32>
        %swap3A_842 = arith.index_cast %add3A_762 : i32 to index
        %swap3A_843 = arith.constant 16 : index
        %swap3A_844 = tpu.vector_load %arg19[%swap3A_842, %swap3A_843] {strides = array<i32>} : memref<128x32xf32, #tpu.memory_space<vmem>>, vector<1x16xf32>,
        %swap3A_845 = vector.shape_cast %swap3A_844 : vector<1x16xf32> to vector<16xf32>
        %swap3A_846 = vector.shape_cast %get3A_841 : vector<16xf32> to vector<1x16xf32>
        tpu.vector_store %arg19[%swap3A_842, %swap3A_843], %swap3A_846 {strides = array<i32>} : memref<128x32xf32, #tpu.memory_space<vmem>>, vector<1x16xf32>,
        %mul3A_847 = arith.constant 16 : i32
        %mul3A_848 = arith.muli %scan3A_47, %mul3A_847 : i32
        %add3A_849 = arith.constant 9 : i32
        %add3A_850 = arith.addi %mul3A_848, %add3A_849 : i32
        %slice3A_851 = vector.extract_strided_slice %get3A_52 {offsets = [9], sizes = [1], strides = [1]} : vector<16xi32> to vector<1xi32>
        %squeeze3A_852 = vector.extract %slice3A_851[0] : i32 from vector<1xi32>
        %and3A_853 = arith.constant 3 : i32
        %and3A_854 = arith.andi %squeeze3A_852, %and3A_853 : i32
        %mul3A_855 = arith.constant 32 : i32
        %mul3A_856 = arith.muli %and3A_854, %mul3A_855 : i32
        %slice3A_857 = vector.extract_strided_slice %get3A_58 {offsets = [9], sizes = [1], strides = [1]} : vector<16xi32> to vector<1xi32>
        %squeeze3A_858 = vector.extract %slice3A_857[0] : i32 from vector<1xi32>
        %and3A_859 = arith.constant 3 : i32
        %and3A_860 = arith.andi %squeeze3A_858, %and3A_859 : i32
        %mul3A_861 = arith.constant 32 : i32
        %mul3A_862 = arith.muli %and3A_860, %mul3A_861 : i32
        %add3A_863 = arith.constant 0 : i32
        %add3A_864 = arith.addi %mul3A_856, %add3A_863 : i32
        %add3A_865 = arith.constant 0 : i32
        %add3A_866 = arith.addi %mul3A_862, %add3A_865 : i32
        %get3A_867 = arith.index_cast %add3A_850 : i32 to index
        %get3A_868 = arith.index_cast %add3A_864 : i32 to index
        %get3A_869 = tpu.vector_load %arg13[%get3A_867, %get3A_868] {strides = array<i32>} : memref<128x128xf32, #tpu.memory_space<vmem>>, vector<1x16xf32>,
        %get3A_870 = vector.shape_cast %get3A_869 : vector<1x16xf32> to vector<16xf32>
        %get3A_871 = arith.index_cast %add3A_850 : i32 to index
        %get3A_872 = arith.index_cast %add3A_866 : i32 to index
        %get3A_873 = tpu.vector_load %arg14[%get3A_871, %get3A_872] {strides = array<i32>} : memref<128x128xf32, #tpu.memory_space<vmem>>, vector<1x16xf32>,
        %get3A_874 = vector.shape_cast %get3A_873 : vector<1x16xf32> to vector<16xf32>
        %mul3A_875 = arith.mulf %get3A_870, %get3A_874 : vector<16xf32>
        %swap3A_876 = arith.index_cast %add3A_850 : i32 to index
        %swap3A_877 = arith.constant 0 : index
        %swap3A_878 = tpu.vector_load %arg17[%swap3A_876, %swap3A_877] {strides = array<i32>} : memref<128x32xf32, #tpu.memory_space<vmem>>, vector<1x16xf32>,
        %swap3A_879 = vector.shape_cast %swap3A_878 : vector<1x16xf32> to vector<16xf32>
        %swap3A_880 = vector.shape_cast %mul3A_875 : vector<16xf32> to vector<1x16xf32>
        tpu.vector_store %arg17[%swap3A_876, %swap3A_877], %swap3A_880 {strides = array<i32>} : memref<128x32xf32, #tpu.memory_space<vmem>>, vector<1x16xf32>,
        %get3A_881 = arith.index_cast %add3A_850 : i32 to index
        %get3A_882 = arith.index_cast %add3A_864 : i32 to index
        %get3A_883 = tpu.vector_load %arg15[%get3A_881, %get3A_882] {strides = array<i32>} : memref<128x128xf32, #tpu.memory_space<vmem>>, vector<1x16xf32>,
        %get3A_884 = vector.shape_cast %get3A_883 : vector<1x16xf32> to vector<16xf32>
        %swap3A_885 = arith.index_cast %add3A_850 : i32 to index
        %swap3A_886 = arith.constant 0 : index
        %swap3A_887 = tpu.vector_load %arg18[%swap3A_885, %swap3A_886] {strides = array<i32>} : memref<128x32xf32, #tpu.memory_space<vmem>>, vector<1x16xf32>,
        %swap3A_888 = vector.shape_cast %swap3A_887 : vector<1x16xf32> to vector<16xf32>
        %swap3A_889 = vector.shape_cast %get3A_884 : vector<16xf32> to vector<1x16xf32>
        tpu.vector_store %arg18[%swap3A_885, %swap3A_886], %swap3A_889 {strides = array<i32>} : memref<128x32xf32, #tpu.memory_space<vmem>>, vector<1x16xf32>,
        %get3A_890 = arith.index_cast %add3A_850 : i32 to index
        %get3A_891 = arith.index_cast %add3A_866 : i32 to index
        %get3A_892 = tpu.vector_load %arg16[%get3A_890, %get3A_891] {strides = array<i32>} : memref<128x128xf32, #tpu.memory_space<vmem>>, vector<1x16xf32>,
        %get3A_893 = vector.shape_cast %get3A_892 : vector<1x16xf32> to vector<16xf32>
        %swap3A_894 = arith.index_cast %add3A_850 : i32 to index
        %swap3A_895 = arith.constant 0 : index
        %swap3A_896 = tpu.vector_load %arg19[%swap3A_894, %swap3A_895] {strides = array<i32>} : memref<128x32xf32, #tpu.memory_space<vmem>>, vector<1x16xf32>,
        %swap3A_897 = vector.shape_cast %swap3A_896 : vector<1x16xf32> to vector<16xf32>
        %swap3A_898 = vector.shape_cast %get3A_893 : vector<16xf32> to vector<1x16xf32>
        tpu.vector_store %arg19[%swap3A_894, %swap3A_895], %swap3A_898 {strides = array<i32>} : memref<128x32xf32, #tpu.memory_space<vmem>>, vector<1x16xf32>,
        %add3A_899 = arith.constant 16 : i32
        %add3A_900 = arith.addi %mul3A_856, %add3A_899 : i32
        %add3A_901 = arith.constant 16 : i32
        %add3A_902 = arith.addi %mul3A_862, %add3A_901 : i32
        %get3A_903 = arith.index_cast %add3A_850 : i32 to index
        %get3A_904 = arith.index_cast %add3A_900 : i32 to index
        %get3A_905 = tpu.vector_load %arg13[%get3A_903, %get3A_904] {strides = array<i32>} : memref<128x128xf32, #tpu.memory_space<vmem>>, vector<1x16xf32>,
        %get3A_906 = vector.shape_cast %get3A_905 : vector<1x16xf32> to vector<16xf32>
        %get3A_907 = arith.index_cast %add3A_850 : i32 to index
        %get3A_908 = arith.index_cast %add3A_902 : i32 to index
        %get3A_909 = tpu.vector_load %arg14[%get3A_907, %get3A_908] {strides = array<i32>} : memref<128x128xf32, #tpu.memory_space<vmem>>, vector<1x16xf32>,
        %get3A_910 = vector.shape_cast %get3A_909 : vector<1x16xf32> to vector<16xf32>
        %mul3A_911 = arith.mulf %get3A_906, %get3A_910 : vector<16xf32>
        %swap3A_912 = arith.index_cast %add3A_850 : i32 to index
        %swap3A_913 = arith.constant 16 : index
        %swap3A_914 = tpu.vector_load %arg17[%swap3A_912, %swap3A_913] {strides = array<i32>} : memref<128x32xf32, #tpu.memory_space<vmem>>, vector<1x16xf32>,
        %swap3A_915 = vector.shape_cast %swap3A_914 : vector<1x16xf32> to vector<16xf32>
        %swap3A_916 = vector.shape_cast %mul3A_911 : vector<16xf32> to vector<1x16xf32>
        tpu.vector_store %arg17[%swap3A_912, %swap3A_913], %swap3A_916 {strides = array<i32>} : memref<128x32xf32, #tpu.memory_space<vmem>>, vector<1x16xf32>,
        %get3A_917 = arith.index_cast %add3A_850 : i32 to index
        %get3A_918 = arith.index_cast %add3A_900 : i32 to index
        %get3A_919 = tpu.vector_load %arg15[%get3A_917, %get3A_918] {strides = array<i32>} : memref<128x128xf32, #tpu.memory_space<vmem>>, vector<1x16xf32>,
        %get3A_920 = vector.shape_cast %get3A_919 : vector<1x16xf32> to vector<16xf32>
        %swap3A_921 = arith.index_cast %add3A_850 : i32 to index
        %swap3A_922 = arith.constant 16 : index
        %swap3A_923 = tpu.vector_load %arg18[%swap3A_921, %swap3A_922] {strides = array<i32>} : memref<128x32xf32, #tpu.memory_space<vmem>>, vector<1x16xf32>,
        %swap3A_924 = vector.shape_cast %swap3A_923 : vector<1x16xf32> to vector<16xf32>
        %swap3A_925 = vector.shape_cast %get3A_920 : vector<16xf32> to vector<1x16xf32>
        tpu.vector_store %arg18[%swap3A_921, %swap3A_922], %swap3A_925 {strides = array<i32>} : memref<128x32xf32, #tpu.memory_space<vmem>>, vector<1x16xf32>,
        %get3A_926 = arith.index_cast %add3A_850 : i32 to index
        %get3A_927 = arith.index_cast %add3A_902 : i32 to index
        %get3A_928 = tpu.vector_load %arg16[%get3A_926, %get3A_927] {strides = array<i32>} : memref<128x128xf32, #tpu.memory_space<vmem>>, vector<1x16xf32>,
        %get3A_929 = vector.shape_cast %get3A_928 : vector<1x16xf32> to vector<16xf32>
        %swap3A_930 = arith.index_cast %add3A_850 : i32 to index
        %swap3A_931 = arith.constant 16 : index
        %swap3A_932 = tpu.vector_load %arg19[%swap3A_930, %swap3A_931] {strides = array<i32>} : memref<128x32xf32, #tpu.memory_space<vmem>>, vector<1x16xf32>,
        %swap3A_933 = vector.shape_cast %swap3A_932 : vector<1x16xf32> to vector<16xf32>
        %swap3A_934 = vector.shape_cast %get3A_929 : vector<16xf32> to vector<1x16xf32>
        tpu.vector_store %arg19[%swap3A_930, %swap3A_931], %swap3A_934 {strides = array<i32>} : memref<128x32xf32, #tpu.memory_space<vmem>>, vector<1x16xf32>,
        %mul3A_935 = arith.constant 16 : i32
        %mul3A_936 = arith.muli %scan3A_47, %mul3A_935 : i32
        %add3A_937 = arith.constant 10 : i32
        %add3A_938 = arith.addi %mul3A_936, %add3A_937 : i32
        %slice3A_939 = vector.extract_strided_slice %get3A_52 {offsets = [10], sizes = [1], strides = [1]} : vector<16xi32> to vector<1xi32>
        %squeeze3A_940 = vector.extract %slice3A_939[0] : i32 from vector<1xi32>
        %and3A_941 = arith.constant 3 : i32
        %and3A_942 = arith.andi %squeeze3A_940, %and3A_941 : i32
        %mul3A_943 = arith.constant 32 : i32
        %mul3A_944 = arith.muli %and3A_942, %mul3A_943 : i32
        %slice3A_945 = vector.extract_strided_slice %get3A_58 {offsets = [10], sizes = [1], strides = [1]} : vector<16xi32> to vector<1xi32>
        %squeeze3A_946 = vector.extract %slice3A_945[0] : i32 from vector<1xi32>
        %and3A_947 = arith.constant 3 : i32
        %and3A_948 = arith.andi %squeeze3A_946, %and3A_947 : i32
        %mul3A_949 = arith.constant 32 : i32
        %mul3A_950 = arith.muli %and3A_948, %mul3A_949 : i32
        %add3A_951 = arith.constant 0 : i32
        %add3A_952 = arith.addi %mul3A_944, %add3A_951 : i32
        %add3A_953 = arith.constant 0 : i32
        %add3A_954 = arith.addi %mul3A_950, %add3A_953 : i32
        %get3A_955 = arith.index_cast %add3A_938 : i32 to index
        %get3A_956 = arith.index_cast %add3A_952 : i32 to index
        %get3A_957 = tpu.vector_load %arg13[%get3A_955, %get3A_956] {strides = array<i32>} : memref<128x128xf32, #tpu.memory_space<vmem>>, vector<1x16xf32>,
        %get3A_958 = vector.shape_cast %get3A_957 : vector<1x16xf32> to vector<16xf32>
        %get3A_959 = arith.index_cast %add3A_938 : i32 to index
        %get3A_960 = arith.index_cast %add3A_954 : i32 to index
        %get3A_961 = tpu.vector_load %arg14[%get3A_959, %get3A_960] {strides = array<i32>} : memref<128x128xf32, #tpu.memory_space<vmem>>, vector<1x16xf32>,
        %get3A_962 = vector.shape_cast %get3A_961 : vector<1x16xf32> to vector<16xf32>
        %mul3A_963 = arith.mulf %get3A_958, %get3A_962 : vector<16xf32>
        %swap3A_964 = arith.index_cast %add3A_938 : i32 to index
        %swap3A_965 = arith.constant 0 : index
        %swap3A_966 = tpu.vector_load %arg17[%swap3A_964, %swap3A_965] {strides = array<i32>} : memref<128x32xf32, #tpu.memory_space<vmem>>, vector<1x16xf32>,
        %swap3A_967 = vector.shape_cast %swap3A_966 : vector<1x16xf32> to vector<16xf32>
        %swap3A_968 = vector.shape_cast %mul3A_963 : vector<16xf32> to vector<1x16xf32>
        tpu.vector_store %arg17[%swap3A_964, %swap3A_965], %swap3A_968 {strides = array<i32>} : memref<128x32xf32, #tpu.memory_space<vmem>>, vector<1x16xf32>,
        %get3A_969 = arith.index_cast %add3A_938 : i32 to index
        %get3A_970 = arith.index_cast %add3A_952 : i32 to index
        %get3A_971 = tpu.vector_load %arg15[%get3A_969, %get3A_970] {strides = array<i32>} : memref<128x128xf32, #tpu.memory_space<vmem>>, vector<1x16xf32>,
        %get3A_972 = vector.shape_cast %get3A_971 : vector<1x16xf32> to vector<16xf32>
        %swap3A_973 = arith.index_cast %add3A_938 : i32 to index
        %swap3A_974 = arith.constant 0 : index
        %swap3A_975 = tpu.vector_load %arg18[%swap3A_973, %swap3A_974] {strides = array<i32>} : memref<128x32xf32, #tpu.memory_space<vmem>>, vector<1x16xf32>,
        %swap3A_976 = vector.shape_cast %swap3A_975 : vector<1x16xf32> to vector<16xf32>
        %swap3A_977 = vector.shape_cast %get3A_972 : vector<16xf32> to vector<1x16xf32>
        tpu.vector_store %arg18[%swap3A_973, %swap3A_974], %swap3A_977 {strides = array<i32>} : memref<128x32xf32, #tpu.memory_space<vmem>>, vector<1x16xf32>,
        %get3A_978 = arith.index_cast %add3A_938 : i32 to index
        %get3A_979 = arith.index_cast %add3A_954 : i32 to index
        %get3A_980 = tpu.vector_load %arg16[%get3A_978, %get3A_979] {strides = array<i32>} : memref<128x128xf32, #tpu.memory_space<vmem>>, vector<1x16xf32>,
        %get3A_981 = vector.shape_cast %get3A_980 : vector<1x16xf32> to vector<16xf32>
        %swap3A_982 = arith.index_cast %add3A_938 : i32 to index
        %swap3A_983 = arith.constant 0 : index
        %swap3A_984 = tpu.vector_load %arg19[%swap3A_982, %swap3A_983] {strides = array<i32>} : memref<128x32xf32, #tpu.memory_space<vmem>>, vector<1x16xf32>,
        %swap3A_985 = vector.shape_cast %swap3A_984 : vector<1x16xf32> to vector<16xf32>
        %swap3A_986 = vector.shape_cast %get3A_981 : vector<16xf32> to vector<1x16xf32>
        tpu.vector_store %arg19[%swap3A_982, %swap3A_983], %swap3A_986 {strides = array<i32>} : memref<128x32xf32, #tpu.memory_space<vmem>>, vector<1x16xf32>,
        %add3A_987 = arith.constant 16 : i32
        %add3A_988 = arith.addi %mul3A_944, %add3A_987 : i32
        %add3A_989 = arith.constant 16 : i32
        %add3A_990 = arith.addi %mul3A_950, %add3A_989 : i32
        %get3A_991 = arith.index_cast %add3A_938 : i32 to index
        %get3A_992 = arith.index_cast %add3A_988 : i32 to index
        %get3A_993 = tpu.vector_load %arg13[%get3A_991, %get3A_992] {strides = array<i32>} : memref<128x128xf32, #tpu.memory_space<vmem>>, vector<1x16xf32>,
        %get3A_994 = vector.shape_cast %get3A_993 : vector<1x16xf32> to vector<16xf32>
        %get3A_995 = arith.index_cast %add3A_938 : i32 to index
        %get3A_996 = arith.index_cast %add3A_990 : i32 to index
        %get3A_997 = tpu.vector_load %arg14[%get3A_995, %get3A_996] {strides = array<i32>} : memref<128x128xf32, #tpu.memory_space<vmem>>, vector<1x16xf32>,
        %get3A_998 = vector.shape_cast %get3A_997 : vector<1x16xf32> to vector<16xf32>
        %mul3A_999 = arith.mulf %get3A_994, %get3A_998 : vector<16xf32>
        %swap3A_1000 = arith.index_cast %add3A_938 : i32 to index
        %swap3A_1001 = arith.constant 16 : index
        %swap3A_1002 = tpu.vector_load %arg17[%swap3A_1000, %swap3A_1001] {strides = array<i32>} : memref<128x32xf32, #tpu.memory_space<vmem>>, vector<1x16xf32>,
        %swap3A_1003 = vector.shape_cast %swap3A_1002 : vector<1x16xf32> to vector<16xf32>
        %swap3A_1004 = vector.shape_cast %mul3A_999 : vector<16xf32> to vector<1x16xf32>
        tpu.vector_store %arg17[%swap3A_1000, %swap3A_1001], %swap3A_1004 {strides = array<i32>} : memref<128x32xf32, #tpu.memory_space<vmem>>, vector<1x16xf32>,
        %get3A_1005 = arith.index_cast %add3A_938 : i32 to index
        %get3A_1006 = arith.index_cast %add3A_988 : i32 to index
        %get3A_1007 = tpu.vector_load %arg15[%get3A_1005, %get3A_1006] {strides = array<i32>} : memref<128x128xf32, #tpu.memory_space<vmem>>, vector<1x16xf32>,
        %get3A_1008 = vector.shape_cast %get3A_1007 : vector<1x16xf32> to vector<16xf32>
        %swap3A_1009 = arith.index_cast %add3A_938 : i32 to index
        %swap3A_1010 = arith.constant 16 : index
        %swap3A_1011 = tpu.vector_load %arg18[%swap3A_1009, %swap3A_1010] {strides = array<i32>} : memref<128x32xf32, #tpu.memory_space<vmem>>, vector<1x16xf32>,
        %swap3A_1012 = vector.shape_cast %swap3A_1011 : vector<1x16xf32> to vector<16xf32>
        %swap3A_1013 = vector.shape_cast %get3A_1008 : vector<16xf32> to vector<1x16xf32>
        tpu.vector_store %arg18[%swap3A_1009, %swap3A_1010], %swap3A_1013 {strides = array<i32>} : memref<128x32xf32, #tpu.memory_space<vmem>>, vector<1x16xf32>,
        %get3A_1014 = arith.index_cast %add3A_938 : i32 to index
        %get3A_1015 = arith.index_cast %add3A_990 : i32 to index
        %get3A_1016 = tpu.vector_load %arg16[%get3A_1014, %get3A_1015] {strides = array<i32>} : memref<128x128xf32, #tpu.memory_space<vmem>>, vector<1x16xf32>,
        %get3A_1017 = vector.shape_cast %get3A_1016 : vector<1x16xf32> to vector<16xf32>
        %swap3A_1018 = arith.index_cast %add3A_938 : i32 to index
        %swap3A_1019 = arith.constant 16 : index
        %swap3A_1020 = tpu.vector_load %arg19[%swap3A_1018, %swap3A_1019] {strides = array<i32>} : memref<128x32xf32, #tpu.memory_space<vmem>>, vector<1x16xf32>,
        %swap3A_1021 = vector.shape_cast %swap3A_1020 : vector<1x16xf32> to vector<16xf32>
        %swap3A_1022 = vector.shape_cast %get3A_1017 : vector<16xf32> to vector<1x16xf32>
        tpu.vector_store %arg19[%swap3A_1018, %swap3A_1019], %swap3A_1022 {strides = array<i32>} : memref<128x32xf32, #tpu.memory_space<vmem>>, vector<1x16xf32>,
        %mul3A_1023 = arith.constant 16 : i32
        %mul3A_1024 = arith.muli %scan3A_47, %mul3A_1023 : i32
        %add3A_1025 = arith.constant 11 : i32
        %add3A_1026 = arith.addi %mul3A_1024, %add3A_1025 : i32
        %slice3A_1027 = vector.extract_strided_slice %get3A_52 {offsets = [11], sizes = [1], strides = [1]} : vector<16xi32> to vector<1xi32>
        %squeeze3A_1028 = vector.extract %slice3A_1027[0] : i32 from vector<1xi32>
        %and3A_1029 = arith.constant 3 : i32
        %and3A_1030 = arith.andi %squeeze3A_1028, %and3A_1029 : i32
        %mul3A_1031 = arith.constant 32 : i32
        %mul3A_1032 = arith.muli %and3A_1030, %mul3A_1031 : i32
        %slice3A_1033 = vector.extract_strided_slice %get3A_58 {offsets = [11], sizes = [1], strides = [1]} : vector<16xi32> to vector<1xi32>
        %squeeze3A_1034 = vector.extract %slice3A_1033[0] : i32 from vector<1xi32>
        %and3A_1035 = arith.constant 3 : i32
        %and3A_1036 = arith.andi %squeeze3A_1034, %and3A_1035 : i32
        %mul3A_1037 = arith.constant 32 : i32
        %mul3A_1038 = arith.muli %and3A_1036, %mul3A_1037 : i32
        %add3A_1039 = arith.constant 0 : i32
        %add3A_1040 = arith.addi %mul3A_1032, %add3A_1039 : i32
        %add3A_1041 = arith.constant 0 : i32
        %add3A_1042 = arith.addi %mul3A_1038, %add3A_1041 : i32
        %get3A_1043 = arith.index_cast %add3A_1026 : i32 to index
        %get3A_1044 = arith.index_cast %add3A_1040 : i32 to index
        %get3A_1045 = tpu.vector_load %arg13[%get3A_1043, %get3A_1044] {strides = array<i32>} : memref<128x128xf32, #tpu.memory_space<vmem>>, vector<1x16xf32>,
        %get3A_1046 = vector.shape_cast %get3A_1045 : vector<1x16xf32> to vector<16xf32>
        %get3A_1047 = arith.index_cast %add3A_1026 : i32 to index
        %get3A_1048 = arith.index_cast %add3A_1042 : i32 to index
        %get3A_1049 = tpu.vector_load %arg14[%get3A_1047, %get3A_1048] {strides = array<i32>} : memref<128x128xf32, #tpu.memory_space<vmem>>, vector<1x16xf32>,
        %get3A_1050 = vector.shape_cast %get3A_1049 : vector<1x16xf32> to vector<16xf32>
        %mul3A_1051 = arith.mulf %get3A_1046, %get3A_1050 : vector<16xf32>
        %swap3A_1052 = arith.index_cast %add3A_1026 : i32 to index
        %swap3A_1053 = arith.constant 0 : index
        %swap3A_1054 = tpu.vector_load %arg17[%swap3A_1052, %swap3A_1053] {strides = array<i32>} : memref<128x32xf32, #tpu.memory_space<vmem>>, vector<1x16xf32>,
        %swap3A_1055 = vector.shape_cast %swap3A_1054 : vector<1x16xf32> to vector<16xf32>
        %swap3A_1056 = vector.shape_cast %mul3A_1051 : vector<16xf32> to vector<1x16xf32>
        tpu.vector_store %arg17[%swap3A_1052, %swap3A_1053], %swap3A_1056 {strides = array<i32>} : memref<128x32xf32, #tpu.memory_space<vmem>>, vector<1x16xf32>,
        %get3A_1057 = arith.index_cast %add3A_1026 : i32 to index
        %get3A_1058 = arith.index_cast %add3A_1040 : i32 to index
        %get3A_1059 = tpu.vector_load %arg15[%get3A_1057, %get3A_1058] {strides = array<i32>} : memref<128x128xf32, #tpu.memory_space<vmem>>, vector<1x16xf32>,
        %get3A_1060 = vector.shape_cast %get3A_1059 : vector<1x16xf32> to vector<16xf32>
        %swap3A_1061 = arith.index_cast %add3A_1026 : i32 to index
        %swap3A_1062 = arith.constant 0 : index
        %swap3A_1063 = tpu.vector_load %arg18[%swap3A_1061, %swap3A_1062] {strides = array<i32>} : memref<128x32xf32, #tpu.memory_space<vmem>>, vector<1x16xf32>,
        %swap3A_1064 = vector.shape_cast %swap3A_1063 : vector<1x16xf32> to vector<16xf32>
        %swap3A_1065 = vector.shape_cast %get3A_1060 : vector<16xf32> to vector<1x16xf32>
        tpu.vector_store %arg18[%swap3A_1061, %swap3A_1062], %swap3A_1065 {strides = array<i32>} : memref<128x32xf32, #tpu.memory_space<vmem>>, vector<1x16xf32>,
        %get3A_1066 = arith.index_cast %add3A_1026 : i32 to index
        %get3A_1067 = arith.index_cast %add3A_1042 : i32 to index
        %get3A_1068 = tpu.vector_load %arg16[%get3A_1066, %get3A_1067] {strides = array<i32>} : memref<128x128xf32, #tpu.memory_space<vmem>>, vector<1x16xf32>,
        %get3A_1069 = vector.shape_cast %get3A_1068 : vector<1x16xf32> to vector<16xf32>
        %swap3A_1070 = arith.index_cast %add3A_1026 : i32 to index
        %swap3A_1071 = arith.constant 0 : index
        %swap3A_1072 = tpu.vector_load %arg19[%swap3A_1070, %swap3A_1071] {strides = array<i32>} : memref<128x32xf32, #tpu.memory_space<vmem>>, vector<1x16xf32>,
        %swap3A_1073 = vector.shape_cast %swap3A_1072 : vector<1x16xf32> to vector<16xf32>
        %swap3A_1074 = vector.shape_cast %get3A_1069 : vector<16xf32> to vector<1x16xf32>
        tpu.vector_store %arg19[%swap3A_1070, %swap3A_1071], %swap3A_1074 {strides = array<i32>} : memref<128x32xf32, #tpu.memory_space<vmem>>, vector<1x16xf32>,
        %add3A_1075 = arith.constant 16 : i32
        %add3A_1076 = arith.addi %mul3A_1032, %add3A_1075 : i32
        %add3A_1077 = arith.constant 16 : i32
        %add3A_1078 = arith.addi %mul3A_1038, %add3A_1077 : i32
        %get3A_1079 = arith.index_cast %add3A_1026 : i32 to index
        %get3A_1080 = arith.index_cast %add3A_1076 : i32 to index
        %get3A_1081 = tpu.vector_load %arg13[%get3A_1079, %get3A_1080] {strides = array<i32>} : memref<128x128xf32, #tpu.memory_space<vmem>>, vector<1x16xf32>,
        %get3A_1082 = vector.shape_cast %get3A_1081 : vector<1x16xf32> to vector<16xf32>
        %get3A_1083 = arith.index_cast %add3A_1026 : i32 to index
        %get3A_1084 = arith.index_cast %add3A_1078 : i32 to index
        %get3A_1085 = tpu.vector_load %arg14[%get3A_1083, %get3A_1084] {strides = array<i32>} : memref<128x128xf32, #tpu.memory_space<vmem>>, vector<1x16xf32>,
        %get3A_1086 = vector.shape_cast %get3A_1085 : vector<1x16xf32> to vector<16xf32>
        %mul3A_1087 = arith.mulf %get3A_1082, %get3A_1086 : vector<16xf32>
        %swap3A_1088 = arith.index_cast %add3A_1026 : i32 to index
        %swap3A_1089 = arith.constant 16 : index
        %swap3A_1090 = tpu.vector_load %arg17[%swap3A_1088, %swap3A_1089] {strides = array<i32>} : memref<128x32xf32, #tpu.memory_space<vmem>>, vector<1x16xf32>,
        %swap3A_1091 = vector.shape_cast %swap3A_1090 : vector<1x16xf32> to vector<16xf32>
        %swap3A_1092 = vector.shape_cast %mul3A_1087 : vector<16xf32> to vector<1x16xf32>
        tpu.vector_store %arg17[%swap3A_1088, %swap3A_1089], %swap3A_1092 {strides = array<i32>} : memref<128x32xf32, #tpu.memory_space<vmem>>, vector<1x16xf32>,
        %get3A_1093 = arith.index_cast %add3A_1026 : i32 to index
        %get3A_1094 = arith.index_cast %add3A_1076 : i32 to index
        %get3A_1095 = tpu.vector_load %arg15[%get3A_1093, %get3A_1094] {strides = array<i32>} : memref<128x128xf32, #tpu.memory_space<vmem>>, vector<1x16xf32>,
        %get3A_1096 = vector.shape_cast %get3A_1095 : vector<1x16xf32> to vector<16xf32>
        %swap3A_1097 = arith.index_cast %add3A_1026 : i32 to index
        %swap3A_1098 = arith.constant 16 : index
        %swap3A_1099 = tpu.vector_load %arg18[%swap3A_1097, %swap3A_1098] {strides = array<i32>} : memref<128x32xf32, #tpu.memory_space<vmem>>, vector<1x16xf32>,
        %swap3A_1100 = vector.shape_cast %swap3A_1099 : vector<1x16xf32> to vector<16xf32>
        %swap3A_1101 = vector.shape_cast %get3A_1096 : vector<16xf32> to vector<1x16xf32>
        tpu.vector_store %arg18[%swap3A_1097, %swap3A_1098], %swap3A_1101 {strides = array<i32>} : memref<128x32xf32, #tpu.memory_space<vmem>>, vector<1x16xf32>,
        %get3A_1102 = arith.index_cast %add3A_1026 : i32 to index
        %get3A_1103 = arith.index_cast %add3A_1078 : i32 to index
        %get3A_1104 = tpu.vector_load %arg16[%get3A_1102, %get3A_1103] {strides = array<i32>} : memref<128x128xf32, #tpu.memory_space<vmem>>, vector<1x16xf32>,
        %get3A_1105 = vector.shape_cast %get3A_1104 : vector<1x16xf32> to vector<16xf32>
        %swap3A_1106 = arith.index_cast %add3A_1026 : i32 to index
        %swap3A_1107 = arith.constant 16 : index
        %swap3A_1108 = tpu.vector_load %arg19[%swap3A_1106, %swap3A_1107] {strides = array<i32>} : memref<128x32xf32, #tpu.memory_space<vmem>>, vector<1x16xf32>,
        %swap3A_1109 = vector.shape_cast %swap3A_1108 : vector<1x16xf32> to vector<16xf32>
        %swap3A_1110 = vector.shape_cast %get3A_1105 : vector<16xf32> to vector<1x16xf32>
        tpu.vector_store %arg19[%swap3A_1106, %swap3A_1107], %swap3A_1110 {strides = array<i32>} : memref<128x32xf32, #tpu.memory_space<vmem>>, vector<1x16xf32>,
        %mul3A_1111 = arith.constant 16 : i32
        %mul3A_1112 = arith.muli %scan3A_47, %mul3A_1111 : i32
        %add3A_1113 = arith.constant 12 : i32
        %add3A_1114 = arith.addi %mul3A_1112, %add3A_1113 : i32
        %slice3A_1115 = vector.extract_strided_slice %get3A_52 {offsets = [12], sizes = [1], strides = [1]} : vector<16xi32> to vector<1xi32>
        %squeeze3A_1116 = vector.extract %slice3A_1115[0] : i32 from vector<1xi32>
        %and3A_1117 = arith.constant 3 : i32
        %and3A_1118 = arith.andi %squeeze3A_1116, %and3A_1117 : i32
        %mul3A_1119 = arith.constant 32 : i32
        %mul3A_1120 = arith.muli %and3A_1118, %mul3A_1119 : i32
        %slice3A_1121 = vector.extract_strided_slice %get3A_58 {offsets = [12], sizes = [1], strides = [1]} : vector<16xi32> to vector<1xi32>
        %squeeze3A_1122 = vector.extract %slice3A_1121[0] : i32 from vector<1xi32>
        %and3A_1123 = arith.constant 3 : i32
        %and3A_1124 = arith.andi %squeeze3A_1122, %and3A_1123 : i32
        %mul3A_1125 = arith.constant 32 : i32
        %mul3A_1126 = arith.muli %and3A_1124, %mul3A_1125 : i32
        %add3A_1127 = arith.constant 0 : i32
        %add3A_1128 = arith.addi %mul3A_1120, %add3A_1127 : i32
        %add3A_1129 = arith.constant 0 : i32
        %add3A_1130 = arith.addi %mul3A_1126, %add3A_1129 : i32
        %get3A_1131 = arith.index_cast %add3A_1114 : i32 to index
        %get3A_1132 = arith.index_cast %add3A_1128 : i32 to index
        %get3A_1133 = tpu.vector_load %arg13[%get3A_1131, %get3A_1132] {strides = array<i32>} : memref<128x128xf32, #tpu.memory_space<vmem>>, vector<1x16xf32>,
        %get3A_1134 = vector.shape_cast %get3A_1133 : vector<1x16xf32> to vector<16xf32>
        %get3A_1135 = arith.index_cast %add3A_1114 : i32 to index
        %get3A_1136 = arith.index_cast %add3A_1130 : i32 to index
        %get3A_1137 = tpu.vector_load %arg14[%get3A_1135, %get3A_1136] {strides = array<i32>} : memref<128x128xf32, #tpu.memory_space<vmem>>, vector<1x16xf32>,
        %get3A_1138 = vector.shape_cast %get3A_1137 : vector<1x16xf32> to vector<16xf32>
        %mul3A_1139 = arith.mulf %get3A_1134, %get3A_1138 : vector<16xf32>
        %swap3A_1140 = arith.index_cast %add3A_1114 : i32 to index
        %swap3A_1141 = arith.constant 0 : index
        %swap3A_1142 = tpu.vector_load %arg17[%swap3A_1140, %swap3A_1141] {strides = array<i32>} : memref<128x32xf32, #tpu.memory_space<vmem>>, vector<1x16xf32>,
        %swap3A_1143 = vector.shape_cast %swap3A_1142 : vector<1x16xf32> to vector<16xf32>
        %swap3A_1144 = vector.shape_cast %mul3A_1139 : vector<16xf32> to vector<1x16xf32>
        tpu.vector_store %arg17[%swap3A_1140, %swap3A_1141], %swap3A_1144 {strides = array<i32>} : memref<128x32xf32, #tpu.memory_space<vmem>>, vector<1x16xf32>,
        %get3A_1145 = arith.index_cast %add3A_1114 : i32 to index
        %get3A_1146 = arith.index_cast %add3A_1128 : i32 to index
        %get3A_1147 = tpu.vector_load %arg15[%get3A_1145, %get3A_1146] {strides = array<i32>} : memref<128x128xf32, #tpu.memory_space<vmem>>, vector<1x16xf32>,
        %get3A_1148 = vector.shape_cast %get3A_1147 : vector<1x16xf32> to vector<16xf32>
        %swap3A_1149 = arith.index_cast %add3A_1114 : i32 to index
        %swap3A_1150 = arith.constant 0 : index
        %swap3A_1151 = tpu.vector_load %arg18[%swap3A_1149, %swap3A_1150] {strides = array<i32>} : memref<128x32xf32, #tpu.memory_space<vmem>>, vector<1x16xf32>,
        %swap3A_1152 = vector.shape_cast %swap3A_1151 : vector<1x16xf32> to vector<16xf32>
        %swap3A_1153 = vector.shape_cast %get3A_1148 : vector<16xf32> to vector<1x16xf32>
        tpu.vector_store %arg18[%swap3A_1149, %swap3A_1150], %swap3A_1153 {strides = array<i32>} : memref<128x32xf32, #tpu.memory_space<vmem>>, vector<1x16xf32>,
        %get3A_1154 = arith.index_cast %add3A_1114 : i32 to index
        %get3A_1155 = arith.index_cast %add3A_1130 : i32 to index
        %get3A_1156 = tpu.vector_load %arg16[%get3A_1154, %get3A_1155] {strides = array<i32>} : memref<128x128xf32, #tpu.memory_space<vmem>>, vector<1x16xf32>,
        %get3A_1157 = vector.shape_cast %get3A_1156 : vector<1x16xf32> to vector<16xf32>
        %swap3A_1158 = arith.index_cast %add3A_1114 : i32 to index
        %swap3A_1159 = arith.constant 0 : index
        %swap3A_1160 = tpu.vector_load %arg19[%swap3A_1158, %swap3A_1159] {strides = array<i32>} : memref<128x32xf32, #tpu.memory_space<vmem>>, vector<1x16xf32>,
        %swap3A_1161 = vector.shape_cast %swap3A_1160 : vector<1x16xf32> to vector<16xf32>
        %swap3A_1162 = vector.shape_cast %get3A_1157 : vector<16xf32> to vector<1x16xf32>
        tpu.vector_store %arg19[%swap3A_1158, %swap3A_1159], %swap3A_1162 {strides = array<i32>} : memref<128x32xf32, #tpu.memory_space<vmem>>, vector<1x16xf32>,
        %add3A_1163 = arith.constant 16 : i32
        %add3A_1164 = arith.addi %mul3A_1120, %add3A_1163 : i32
        %add3A_1165 = arith.constant 16 : i32
        %add3A_1166 = arith.addi %mul3A_1126, %add3A_1165 : i32
        %get3A_1167 = arith.index_cast %add3A_1114 : i32 to index
        %get3A_1168 = arith.index_cast %add3A_1164 : i32 to index
        %get3A_1169 = tpu.vector_load %arg13[%get3A_1167, %get3A_1168] {strides = array<i32>} : memref<128x128xf32, #tpu.memory_space<vmem>>, vector<1x16xf32>,
        %get3A_1170 = vector.shape_cast %get3A_1169 : vector<1x16xf32> to vector<16xf32>
        %get3A_1171 = arith.index_cast %add3A_1114 : i32 to index
        %get3A_1172 = arith.index_cast %add3A_1166 : i32 to index
        %get3A_1173 = tpu.vector_load %arg14[%get3A_1171, %get3A_1172] {strides = array<i32>} : memref<128x128xf32, #tpu.memory_space<vmem>>, vector<1x16xf32>,
        %get3A_1174 = vector.shape_cast %get3A_1173 : vector<1x16xf32> to vector<16xf32>
        %mul3A_1175 = arith.mulf %get3A_1170, %get3A_1174 : vector<16xf32>
        %swap3A_1176 = arith.index_cast %add3A_1114 : i32 to index
        %swap3A_1177 = arith.constant 16 : index
        %swap3A_1178 = tpu.vector_load %arg17[%swap3A_1176, %swap3A_1177] {strides = array<i32>} : memref<128x32xf32, #tpu.memory_space<vmem>>, vector<1x16xf32>,
        %swap3A_1179 = vector.shape_cast %swap3A_1178 : vector<1x16xf32> to vector<16xf32>
        %swap3A_1180 = vector.shape_cast %mul3A_1175 : vector<16xf32> to vector<1x16xf32>
        tpu.vector_store %arg17[%swap3A_1176, %swap3A_1177], %swap3A_1180 {strides = array<i32>} : memref<128x32xf32, #tpu.memory_space<vmem>>, vector<1x16xf32>,
        %get3A_1181 = arith.index_cast %add3A_1114 : i32 to index
        %get3A_1182 = arith.index_cast %add3A_1164 : i32 to index
        %get3A_1183 = tpu.vector_load %arg15[%get3A_1181, %get3A_1182] {strides = array<i32>} : memref<128x128xf32, #tpu.memory_space<vmem>>, vector<1x16xf32>,
        %get3A_1184 = vector.shape_cast %get3A_1183 : vector<1x16xf32> to vector<16xf32>
        %swap3A_1185 = arith.index_cast %add3A_1114 : i32 to index
        %swap3A_1186 = arith.constant 16 : index
        %swap3A_1187 = tpu.vector_load %arg18[%swap3A_1185, %swap3A_1186] {strides = array<i32>} : memref<128x32xf32, #tpu.memory_space<vmem>>, vector<1x16xf32>,
        %swap3A_1188 = vector.shape_cast %swap3A_1187 : vector<1x16xf32> to vector<16xf32>
        %swap3A_1189 = vector.shape_cast %get3A_1184 : vector<16xf32> to vector<1x16xf32>
        tpu.vector_store %arg18[%swap3A_1185, %swap3A_1186], %swap3A_1189 {strides = array<i32>} : memref<128x32xf32, #tpu.memory_space<vmem>>, vector<1x16xf32>,
        %get3A_1190 = arith.index_cast %add3A_1114 : i32 to index
        %get3A_1191 = arith.index_cast %add3A_1166 : i32 to index
        %get3A_1192 = tpu.vector_load %arg16[%get3A_1190, %get3A_1191] {strides = array<i32>} : memref<128x128xf32, #tpu.memory_space<vmem>>, vector<1x16xf32>,
        %get3A_1193 = vector.shape_cast %get3A_1192 : vector<1x16xf32> to vector<16xf32>
        %swap3A_1194 = arith.index_cast %add3A_1114 : i32 to index
        %swap3A_1195 = arith.constant 16 : index
        %swap3A_1196 = tpu.vector_load %arg19[%swap3A_1194, %swap3A_1195] {strides = array<i32>} : memref<128x32xf32, #tpu.memory_space<vmem>>, vector<1x16xf32>,
        %swap3A_1197 = vector.shape_cast %swap3A_1196 : vector<1x16xf32> to vector<16xf32>
        %swap3A_1198 = vector.shape_cast %get3A_1193 : vector<16xf32> to vector<1x16xf32>
        tpu.vector_store %arg19[%swap3A_1194, %swap3A_1195], %swap3A_1198 {strides = array<i32>} : memref<128x32xf32, #tpu.memory_space<vmem>>, vector<1x16xf32>,
        %mul3A_1199 = arith.constant 16 : i32
        %mul3A_1200 = arith.muli %scan3A_47, %mul3A_1199 : i32
        %add3A_1201 = arith.constant 13 : i32
        %add3A_1202 = arith.addi %mul3A_1200, %add3A_1201 : i32
        %slice3A_1203 = vector.extract_strided_slice %get3A_52 {offsets = [13], sizes = [1], strides = [1]} : vector<16xi32> to vector<1xi32>
        %squeeze3A_1204 = vector.extract %slice3A_1203[0] : i32 from vector<1xi32>
        %and3A_1205 = arith.constant 3 : i32
        %and3A_1206 = arith.andi %squeeze3A_1204, %and3A_1205 : i32
        %mul3A_1207 = arith.constant 32 : i32
        %mul3A_1208 = arith.muli %and3A_1206, %mul3A_1207 : i32
        %slice3A_1209 = vector.extract_strided_slice %get3A_58 {offsets = [13], sizes = [1], strides = [1]} : vector<16xi32> to vector<1xi32>
        %squeeze3A_1210 = vector.extract %slice3A_1209[0] : i32 from vector<1xi32>
        %and3A_1211 = arith.constant 3 : i32
        %and3A_1212 = arith.andi %squeeze3A_1210, %and3A_1211 : i32
        %mul3A_1213 = arith.constant 32 : i32
        %mul3A_1214 = arith.muli %and3A_1212, %mul3A_1213 : i32
        %add3A_1215 = arith.constant 0 : i32
        %add3A_1216 = arith.addi %mul3A_1208, %add3A_1215 : i32
        %add3A_1217 = arith.constant 0 : i32
        %add3A_1218 = arith.addi %mul3A_1214, %add3A_1217 : i32
        %get3A_1219 = arith.index_cast %add3A_1202 : i32 to index
        %get3A_1220 = arith.index_cast %add3A_1216 : i32 to index
        %get3A_1221 = tpu.vector_load %arg13[%get3A_1219, %get3A_1220] {strides = array<i32>} : memref<128x128xf32, #tpu.memory_space<vmem>>, vector<1x16xf32>,
        %get3A_1222 = vector.shape_cast %get3A_1221 : vector<1x16xf32> to vector<16xf32>
        %get3A_1223 = arith.index_cast %add3A_1202 : i32 to index
        %get3A_1224 = arith.index_cast %add3A_1218 : i32 to index
        %get3A_1225 = tpu.vector_load %arg14[%get3A_1223, %get3A_1224] {strides = array<i32>} : memref<128x128xf32, #tpu.memory_space<vmem>>, vector<1x16xf32>,
        %get3A_1226 = vector.shape_cast %get3A_1225 : vector<1x16xf32> to vector<16xf32>
        %mul3A_1227 = arith.mulf %get3A_1222, %get3A_1226 : vector<16xf32>
        %swap3A_1228 = arith.index_cast %add3A_1202 : i32 to index
        %swap3A_1229 = arith.constant 0 : index
        %swap3A_1230 = tpu.vector_load %arg17[%swap3A_1228, %swap3A_1229] {strides = array<i32>} : memref<128x32xf32, #tpu.memory_space<vmem>>, vector<1x16xf32>,
        %swap3A_1231 = vector.shape_cast %swap3A_1230 : vector<1x16xf32> to vector<16xf32>
        %swap3A_1232 = vector.shape_cast %mul3A_1227 : vector<16xf32> to vector<1x16xf32>
        tpu.vector_store %arg17[%swap3A_1228, %swap3A_1229], %swap3A_1232 {strides = array<i32>} : memref<128x32xf32, #tpu.memory_space<vmem>>, vector<1x16xf32>,
        %get3A_1233 = arith.index_cast %add3A_1202 : i32 to index
        %get3A_1234 = arith.index_cast %add3A_1216 : i32 to index
        %get3A_1235 = tpu.vector_load %arg15[%get3A_1233, %get3A_1234] {strides = array<i32>} : memref<128x128xf32, #tpu.memory_space<vmem>>, vector<1x16xf32>,
        %get3A_1236 = vector.shape_cast %get3A_1235 : vector<1x16xf32> to vector<16xf32>
        %swap3A_1237 = arith.index_cast %add3A_1202 : i32 to index
        %swap3A_1238 = arith.constant 0 : index
        %swap3A_1239 = tpu.vector_load %arg18[%swap3A_1237, %swap3A_1238] {strides = array<i32>} : memref<128x32xf32, #tpu.memory_space<vmem>>, vector<1x16xf32>,
        %swap3A_1240 = vector.shape_cast %swap3A_1239 : vector<1x16xf32> to vector<16xf32>
        %swap3A_1241 = vector.shape_cast %get3A_1236 : vector<16xf32> to vector<1x16xf32>
        tpu.vector_store %arg18[%swap3A_1237, %swap3A_1238], %swap3A_1241 {strides = array<i32>} : memref<128x32xf32, #tpu.memory_space<vmem>>, vector<1x16xf32>,
        %get3A_1242 = arith.index_cast %add3A_1202 : i32 to index
        %get3A_1243 = arith.index_cast %add3A_1218 : i32 to index
        %get3A_1244 = tpu.vector_load %arg16[%get3A_1242, %get3A_1243] {strides = array<i32>} : memref<128x128xf32, #tpu.memory_space<vmem>>, vector<1x16xf32>,
        %get3A_1245 = vector.shape_cast %get3A_1244 : vector<1x16xf32> to vector<16xf32>
        %swap3A_1246 = arith.index_cast %add3A_1202 : i32 to index
        %swap3A_1247 = arith.constant 0 : index
        %swap3A_1248 = tpu.vector_load %arg19[%swap3A_1246, %swap3A_1247] {strides = array<i32>} : memref<128x32xf32, #tpu.memory_space<vmem>>, vector<1x16xf32>,
        %swap3A_1249 = vector.shape_cast %swap3A_1248 : vector<1x16xf32> to vector<16xf32>
        %swap3A_1250 = vector.shape_cast %get3A_1245 : vector<16xf32> to vector<1x16xf32>
        tpu.vector_store %arg19[%swap3A_1246, %swap3A_1247], %swap3A_1250 {strides = array<i32>} : memref<128x32xf32, #tpu.memory_space<vmem>>, vector<1x16xf32>,
        %add3A_1251 = arith.constant 16 : i32
        %add3A_1252 = arith.addi %mul3A_1208, %add3A_1251 : i32
        %add3A_1253 = arith.constant 16 : i32
        %add3A_1254 = arith.addi %mul3A_1214, %add3A_1253 : i32
        %get3A_1255 = arith.index_cast %add3A_1202 : i32 to index
        %get3A_1256 = arith.index_cast %add3A_1252 : i32 to index
        %get3A_1257 = tpu.vector_load %arg13[%get3A_1255, %get3A_1256] {strides = array<i32>} : memref<128x128xf32, #tpu.memory_space<vmem>>, vector<1x16xf32>,
        %get3A_1258 = vector.shape_cast %get3A_1257 : vector<1x16xf32> to vector<16xf32>
        %get3A_1259 = arith.index_cast %add3A_1202 : i32 to index
        %get3A_1260 = arith.index_cast %add3A_1254 : i32 to index
        %get3A_1261 = tpu.vector_load %arg14[%get3A_1259, %get3A_1260] {strides = array<i32>} : memref<128x128xf32, #tpu.memory_space<vmem>>, vector<1x16xf32>,
        %get3A_1262 = vector.shape_cast %get3A_1261 : vector<1x16xf32> to vector<16xf32>
        %mul3A_1263 = arith.mulf %get3A_1258, %get3A_1262 : vector<16xf32>
        %swap3A_1264 = arith.index_cast %add3A_1202 : i32 to index
        %swap3A_1265 = arith.constant 16 : index
        %swap3A_1266 = tpu.vector_load %arg17[%swap3A_1264, %swap3A_1265] {strides = array<i32>} : memref<128x32xf32, #tpu.memory_space<vmem>>, vector<1x16xf32>,
        %swap3A_1267 = vector.shape_cast %swap3A_1266 : vector<1x16xf32> to vector<16xf32>
        %swap3A_1268 = vector.shape_cast %mul3A_1263 : vector<16xf32> to vector<1x16xf32>
        tpu.vector_store %arg17[%swap3A_1264, %swap3A_1265], %swap3A_1268 {strides = array<i32>} : memref<128x32xf32, #tpu.memory_space<vmem>>, vector<1x16xf32>,
        %get3A_1269 = arith.index_cast %add3A_1202 : i32 to index
        %get3A_1270 = arith.index_cast %add3A_1252 : i32 to index
        %get3A_1271 = tpu.vector_load %arg15[%get3A_1269, %get3A_1270] {strides = array<i32>} : memref<128x128xf32, #tpu.memory_space<vmem>>, vector<1x16xf32>,
        %get3A_1272 = vector.shape_cast %get3A_1271 : vector<1x16xf32> to vector<16xf32>
        %swap3A_1273 = arith.index_cast %add3A_1202 : i32 to index
        %swap3A_1274 = arith.constant 16 : index
        %swap3A_1275 = tpu.vector_load %arg18[%swap3A_1273, %swap3A_1274] {strides = array<i32>} : memref<128x32xf32, #tpu.memory_space<vmem>>, vector<1x16xf32>,
        %swap3A_1276 = vector.shape_cast %swap3A_1275 : vector<1x16xf32> to vector<16xf32>
        %swap3A_1277 = vector.shape_cast %get3A_1272 : vector<16xf32> to vector<1x16xf32>
        tpu.vector_store %arg18[%swap3A_1273, %swap3A_1274], %swap3A_1277 {strides = array<i32>} : memref<128x32xf32, #tpu.memory_space<vmem>>, vector<1x16xf32>,
        %get3A_1278 = arith.index_cast %add3A_1202 : i32 to index
        %get3A_1279 = arith.index_cast %add3A_1254 : i32 to index
        %get3A_1280 = tpu.vector_load %arg16[%get3A_1278, %get3A_1279] {strides = array<i32>} : memref<128x128xf32, #tpu.memory_space<vmem>>, vector<1x16xf32>,
        %get3A_1281 = vector.shape_cast %get3A_1280 : vector<1x16xf32> to vector<16xf32>
        %swap3A_1282 = arith.index_cast %add3A_1202 : i32 to index
        %swap3A_1283 = arith.constant 16 : index
        %swap3A_1284 = tpu.vector_load %arg19[%swap3A_1282, %swap3A_1283] {strides = array<i32>} : memref<128x32xf32, #tpu.memory_space<vmem>>, vector<1x16xf32>,
        %swap3A_1285 = vector.shape_cast %swap3A_1284 : vector<1x16xf32> to vector<16xf32>
        %swap3A_1286 = vector.shape_cast %get3A_1281 : vector<16xf32> to vector<1x16xf32>
        tpu.vector_store %arg19[%swap3A_1282, %swap3A_1283], %swap3A_1286 {strides = array<i32>} : memref<128x32xf32, #tpu.memory_space<vmem>>, vector<1x16xf32>,
        %mul3A_1287 = arith.constant 16 : i32
        %mul3A_1288 = arith.muli %scan3A_47, %mul3A_1287 : i32
        %add3A_1289 = arith.constant 14 : i32
        %add3A_1290 = arith.addi %mul3A_1288, %add3A_1289 : i32
        %slice3A_1291 = vector.extract_strided_slice %get3A_52 {offsets = [14], sizes = [1], strides = [1]} : vector<16xi32> to vector<1xi32>
        %squeeze3A_1292 = vector.extract %slice3A_1291[0] : i32 from vector<1xi32>
        %and3A_1293 = arith.constant 3 : i32
        %and3A_1294 = arith.andi %squeeze3A_1292, %and3A_1293 : i32
        %mul3A_1295 = arith.constant 32 : i32
        %mul3A_1296 = arith.muli %and3A_1294, %mul3A_1295 : i32
        %slice3A_1297 = vector.extract_strided_slice %get3A_58 {offsets = [14], sizes = [1], strides = [1]} : vector<16xi32> to vector<1xi32>
        %squeeze3A_1298 = vector.extract %slice3A_1297[0] : i32 from vector<1xi32>
        %and3A_1299 = arith.constant 3 : i32
        %and3A_1300 = arith.andi %squeeze3A_1298, %and3A_1299 : i32
        %mul3A_1301 = arith.constant 32 : i32
        %mul3A_1302 = arith.muli %and3A_1300, %mul3A_1301 : i32
        %add3A_1303 = arith.constant 0 : i32
        %add3A_1304 = arith.addi %mul3A_1296, %add3A_1303 : i32
        %add3A_1305 = arith.constant 0 : i32
        %add3A_1306 = arith.addi %mul3A_1302, %add3A_1305 : i32
        %get3A_1307 = arith.index_cast %add3A_1290 : i32 to index
        %get3A_1308 = arith.index_cast %add3A_1304 : i32 to index
        %get3A_1309 = tpu.vector_load %arg13[%get3A_1307, %get3A_1308] {strides = array<i32>} : memref<128x128xf32, #tpu.memory_space<vmem>>, vector<1x16xf32>,
        %get3A_1310 = vector.shape_cast %get3A_1309 : vector<1x16xf32> to vector<16xf32>
        %get3A_1311 = arith.index_cast %add3A_1290 : i32 to index
        %get3A_1312 = arith.index_cast %add3A_1306 : i32 to index
        %get3A_1313 = tpu.vector_load %arg14[%get3A_1311, %get3A_1312] {strides = array<i32>} : memref<128x128xf32, #tpu.memory_space<vmem>>, vector<1x16xf32>,
        %get3A_1314 = vector.shape_cast %get3A_1313 : vector<1x16xf32> to vector<16xf32>
        %mul3A_1315 = arith.mulf %get3A_1310, %get3A_1314 : vector<16xf32>
        %swap3A_1316 = arith.index_cast %add3A_1290 : i32 to index
        %swap3A_1317 = arith.constant 0 : index
        %swap3A_1318 = tpu.vector_load %arg17[%swap3A_1316, %swap3A_1317] {strides = array<i32>} : memref<128x32xf32, #tpu.memory_space<vmem>>, vector<1x16xf32>,
        %swap3A_1319 = vector.shape_cast %swap3A_1318 : vector<1x16xf32> to vector<16xf32>
        %swap3A_1320 = vector.shape_cast %mul3A_1315 : vector<16xf32> to vector<1x16xf32>
        tpu.vector_store %arg17[%swap3A_1316, %swap3A_1317], %swap3A_1320 {strides = array<i32>} : memref<128x32xf32, #tpu.memory_space<vmem>>, vector<1x16xf32>,
        %get3A_1321 = arith.index_cast %add3A_1290 : i32 to index
        %get3A_1322 = arith.index_cast %add3A_1304 : i32 to index
        %get3A_1323 = tpu.vector_load %arg15[%get3A_1321, %get3A_1322] {strides = array<i32>} : memref<128x128xf32, #tpu.memory_space<vmem>>, vector<1x16xf32>,
        %get3A_1324 = vector.shape_cast %get3A_1323 : vector<1x16xf32> to vector<16xf32>
        %swap3A_1325 = arith.index_cast %add3A_1290 : i32 to index
        %swap3A_1326 = arith.constant 0 : index
        %swap3A_1327 = tpu.vector_load %arg18[%swap3A_1325, %swap3A_1326] {strides = array<i32>} : memref<128x32xf32, #tpu.memory_space<vmem>>, vector<1x16xf32>,
        %swap3A_1328 = vector.shape_cast %swap3A_1327 : vector<1x16xf32> to vector<16xf32>
        %swap3A_1329 = vector.shape_cast %get3A_1324 : vector<16xf32> to vector<1x16xf32>
        tpu.vector_store %arg18[%swap3A_1325, %swap3A_1326], %swap3A_1329 {strides = array<i32>} : memref<128x32xf32, #tpu.memory_space<vmem>>, vector<1x16xf32>,
        %get3A_1330 = arith.index_cast %add3A_1290 : i32 to index
        %get3A_1331 = arith.index_cast %add3A_1306 : i32 to index
        %get3A_1332 = tpu.vector_load %arg16[%get3A_1330, %get3A_1331] {strides = array<i32>} : memref<128x128xf32, #tpu.memory_space<vmem>>, vector<1x16xf32>,
        %get3A_1333 = vector.shape_cast %get3A_1332 : vector<1x16xf32> to vector<16xf32>
        %swap3A_1334 = arith.index_cast %add3A_1290 : i32 to index
        %swap3A_1335 = arith.constant 0 : index
        %swap3A_1336 = tpu.vector_load %arg19[%swap3A_1334, %swap3A_1335] {strides = array<i32>} : memref<128x32xf32, #tpu.memory_space<vmem>>, vector<1x16xf32>,
        %swap3A_1337 = vector.shape_cast %swap3A_1336 : vector<1x16xf32> to vector<16xf32>
        %swap3A_1338 = vector.shape_cast %get3A_1333 : vector<16xf32> to vector<1x16xf32>
        tpu.vector_store %arg19[%swap3A_1334, %swap3A_1335], %swap3A_1338 {strides = array<i32>} : memref<128x32xf32, #tpu.memory_space<vmem>>, vector<1x16xf32>,
        %add3A_1339 = arith.constant 16 : i32
        %add3A_1340 = arith.addi %mul3A_1296, %add3A_1339 : i32
        %add3A_1341 = arith.constant 16 : i32
        %add3A_1342 = arith.addi %mul3A_1302, %add3A_1341 : i32
        %get3A_1343 = arith.index_cast %add3A_1290 : i32 to index
        %get3A_1344 = arith.index_cast %add3A_1340 : i32 to index
        %get3A_1345 = tpu.vector_load %arg13[%get3A_1343, %get3A_1344] {strides = array<i32>} : memref<128x128xf32, #tpu.memory_space<vmem>>, vector<1x16xf32>,
        %get3A_1346 = vector.shape_cast %get3A_1345 : vector<1x16xf32> to vector<16xf32>
        %get3A_1347 = arith.index_cast %add3A_1290 : i32 to index
        %get3A_1348 = arith.index_cast %add3A_1342 : i32 to index
        %get3A_1349 = tpu.vector_load %arg14[%get3A_1347, %get3A_1348] {strides = array<i32>} : memref<128x128xf32, #tpu.memory_space<vmem>>, vector<1x16xf32>,
        %get3A_1350 = vector.shape_cast %get3A_1349 : vector<1x16xf32> to vector<16xf32>
        %mul3A_1351 = arith.mulf %get3A_1346, %get3A_1350 : vector<16xf32>
        %swap3A_1352 = arith.index_cast %add3A_1290 : i32 to index
        %swap3A_1353 = arith.constant 16 : index
        %swap3A_1354 = tpu.vector_load %arg17[%swap3A_1352, %swap3A_1353] {strides = array<i32>} : memref<128x32xf32, #tpu.memory_space<vmem>>, vector<1x16xf32>,
        %swap3A_1355 = vector.shape_cast %swap3A_1354 : vector<1x16xf32> to vector<16xf32>
        %swap3A_1356 = vector.shape_cast %mul3A_1351 : vector<16xf32> to vector<1x16xf32>
        tpu.vector_store %arg17[%swap3A_1352, %swap3A_1353], %swap3A_1356 {strides = array<i32>} : memref<128x32xf32, #tpu.memory_space<vmem>>, vector<1x16xf32>,
        %get3A_1357 = arith.index_cast %add3A_1290 : i32 to index
        %get3A_1358 = arith.index_cast %add3A_1340 : i32 to index
        %get3A_1359 = tpu.vector_load %arg15[%get3A_1357, %get3A_1358] {strides = array<i32>} : memref<128x128xf32, #tpu.memory_space<vmem>>, vector<1x16xf32>,
        %get3A_1360 = vector.shape_cast %get3A_1359 : vector<1x16xf32> to vector<16xf32>
        %swap3A_1361 = arith.index_cast %add3A_1290 : i32 to index
        %swap3A_1362 = arith.constant 16 : index
        %swap3A_1363 = tpu.vector_load %arg18[%swap3A_1361, %swap3A_1362] {strides = array<i32>} : memref<128x32xf32, #tpu.memory_space<vmem>>, vector<1x16xf32>,
        %swap3A_1364 = vector.shape_cast %swap3A_1363 : vector<1x16xf32> to vector<16xf32>
        %swap3A_1365 = vector.shape_cast %get3A_1360 : vector<16xf32> to vector<1x16xf32>
        tpu.vector_store %arg18[%swap3A_1361, %swap3A_1362], %swap3A_1365 {strides = array<i32>} : memref<128x32xf32, #tpu.memory_space<vmem>>, vector<1x16xf32>,
        %get3A_1366 = arith.index_cast %add3A_1290 : i32 to index
        %get3A_1367 = arith.index_cast %add3A_1342 : i32 to index
        %get3A_1368 = tpu.vector_load %arg16[%get3A_1366, %get3A_1367] {strides = array<i32>} : memref<128x128xf32, #tpu.memory_space<vmem>>, vector<1x16xf32>,
        %get3A_1369 = vector.shape_cast %get3A_1368 : vector<1x16xf32> to vector<16xf32>
        %swap3A_1370 = arith.index_cast %add3A_1290 : i32 to index
        %swap3A_1371 = arith.constant 16 : index
        %swap3A_1372 = tpu.vector_load %arg19[%swap3A_1370, %swap3A_1371] {strides = array<i32>} : memref<128x32xf32, #tpu.memory_space<vmem>>, vector<1x16xf32>,
        %swap3A_1373 = vector.shape_cast %swap3A_1372 : vector<1x16xf32> to vector<16xf32>
        %swap3A_1374 = vector.shape_cast %get3A_1369 : vector<16xf32> to vector<1x16xf32>
        tpu.vector_store %arg19[%swap3A_1370, %swap3A_1371], %swap3A_1374 {strides = array<i32>} : memref<128x32xf32, #tpu.memory_space<vmem>>, vector<1x16xf32>,
        %mul3A_1375 = arith.constant 16 : i32
        %mul3A_1376 = arith.muli %scan3A_47, %mul3A_1375 : i32
        %add3A_1377 = arith.constant 15 : i32
        %add3A_1378 = arith.addi %mul3A_1376, %add3A_1377 : i32
        %slice3A_1379 = vector.extract_strided_slice %get3A_52 {offsets = [15], sizes = [1], strides = [1]} : vector<16xi32> to vector<1xi32>
        %squeeze3A_1380 = vector.extract %slice3A_1379[0] : i32 from vector<1xi32>
        %and3A_1381 = arith.constant 3 : i32
        %and3A_1382 = arith.andi %squeeze3A_1380, %and3A_1381 : i32
        %mul3A_1383 = arith.constant 32 : i32
        %mul3A_1384 = arith.muli %and3A_1382, %mul3A_1383 : i32
        %slice3A_1385 = vector.extract_strided_slice %get3A_58 {offsets = [15], sizes = [1], strides = [1]} : vector<16xi32> to vector<1xi32>
        %squeeze3A_1386 = vector.extract %slice3A_1385[0] : i32 from vector<1xi32>
        %and3A_1387 = arith.constant 3 : i32
        %and3A_1388 = arith.andi %squeeze3A_1386, %and3A_1387 : i32
        %mul3A_1389 = arith.constant 32 : i32
        %mul3A_1390 = arith.muli %and3A_1388, %mul3A_1389 : i32
        %add3A_1391 = arith.constant 0 : i32
        %add3A_1392 = arith.addi %mul3A_1384, %add3A_1391 : i32
        %add3A_1393 = arith.constant 0 : i32
        %add3A_1394 = arith.addi %mul3A_1390, %add3A_1393 : i32
        %get3A_1395 = arith.index_cast %add3A_1378 : i32 to index
        %get3A_1396 = arith.index_cast %add3A_1392 : i32 to index
        %get3A_1397 = tpu.vector_load %arg13[%get3A_1395, %get3A_1396] {strides = array<i32>} : memref<128x128xf32, #tpu.memory_space<vmem>>, vector<1x16xf32>,
        %get3A_1398 = vector.shape_cast %get3A_1397 : vector<1x16xf32> to vector<16xf32>
        %get3A_1399 = arith.index_cast %add3A_1378 : i32 to index
        %get3A_1400 = arith.index_cast %add3A_1394 : i32 to index
        %get3A_1401 = tpu.vector_load %arg14[%get3A_1399, %get3A_1400] {strides = array<i32>} : memref<128x128xf32, #tpu.memory_space<vmem>>, vector<1x16xf32>,
        %get3A_1402 = vector.shape_cast %get3A_1401 : vector<1x16xf32> to vector<16xf32>
        %mul3A_1403 = arith.mulf %get3A_1398, %get3A_1402 : vector<16xf32>
        %swap3A_1404 = arith.index_cast %add3A_1378 : i32 to index
        %swap3A_1405 = arith.constant 0 : index
        %swap3A_1406 = tpu.vector_load %arg17[%swap3A_1404, %swap3A_1405] {strides = array<i32>} : memref<128x32xf32, #tpu.memory_space<vmem>>, vector<1x16xf32>,
        %swap3A_1407 = vector.shape_cast %swap3A_1406 : vector<1x16xf32> to vector<16xf32>
        %swap3A_1408 = vector.shape_cast %mul3A_1403 : vector<16xf32> to vector<1x16xf32>
        tpu.vector_store %arg17[%swap3A_1404, %swap3A_1405], %swap3A_1408 {strides = array<i32>} : memref<128x32xf32, #tpu.memory_space<vmem>>, vector<1x16xf32>,
        %get3A_1409 = arith.index_cast %add3A_1378 : i32 to index
        %get3A_1410 = arith.index_cast %add3A_1392 : i32 to index
        %get3A_1411 = tpu.vector_load %arg15[%get3A_1409, %get3A_1410] {strides = array<i32>} : memref<128x128xf32, #tpu.memory_space<vmem>>, vector<1x16xf32>,
        %get3A_1412 = vector.shape_cast %get3A_1411 : vector<1x16xf32> to vector<16xf32>
        %swap3A_1413 = arith.index_cast %add3A_1378 : i32 to index
        %swap3A_1414 = arith.constant 0 : index
        %swap3A_1415 = tpu.vector_load %arg18[%swap3A_1413, %swap3A_1414] {strides = array<i32>} : memref<128x32xf32, #tpu.memory_space<vmem>>, vector<1x16xf32>,
        %swap3A_1416 = vector.shape_cast %swap3A_1415 : vector<1x16xf32> to vector<16xf32>
        %swap3A_1417 = vector.shape_cast %get3A_1412 : vector<16xf32> to vector<1x16xf32>
        tpu.vector_store %arg18[%swap3A_1413, %swap3A_1414], %swap3A_1417 {strides = array<i32>} : memref<128x32xf32, #tpu.memory_space<vmem>>, vector<1x16xf32>,
        %get3A_1418 = arith.index_cast %add3A_1378 : i32 to index
        %get3A_1419 = arith.index_cast %add3A_1394 : i32 to index
        %get3A_1420 = tpu.vector_load %arg16[%get3A_1418, %get3A_1419] {strides = array<i32>} : memref<128x128xf32, #tpu.memory_space<vmem>>, vector<1x16xf32>,
        %get3A_1421 = vector.shape_cast %get3A_1420 : vector<1x16xf32> to vector<16xf32>
        %swap3A_1422 = arith.index_cast %add3A_1378 : i32 to index
        %swap3A_1423 = arith.constant 0 : index
        %swap3A_1424 = tpu.vector_load %arg19[%swap3A_1422, %swap3A_1423] {strides = array<i32>} : memref<128x32xf32, #tpu.memory_space<vmem>>, vector<1x16xf32>,
        %swap3A_1425 = vector.shape_cast %swap3A_1424 : vector<1x16xf32> to vector<16xf32>
        %swap3A_1426 = vector.shape_cast %get3A_1421 : vector<16xf32> to vector<1x16xf32>
        tpu.vector_store %arg19[%swap3A_1422, %swap3A_1423], %swap3A_1426 {strides = array<i32>} : memref<128x32xf32, #tpu.memory_space<vmem>>, vector<1x16xf32>,
        %add3A_1427 = arith.constant 16 : i32
        %add3A_1428 = arith.addi %mul3A_1384, %add3A_1427 : i32
        %add3A_1429 = arith.constant 16 : i32
        %add3A_1430 = arith.addi %mul3A_1390, %add3A_1429 : i32
        %get3A_1431 = arith.index_cast %add3A_1378 : i32 to index
        %get3A_1432 = arith.index_cast %add3A_1428 : i32 to index
        %get3A_1433 = tpu.vector_load %arg13[%get3A_1431, %get3A_1432] {strides = array<i32>} : memref<128x128xf32, #tpu.memory_space<vmem>>, vector<1x16xf32>,
        %get3A_1434 = vector.shape_cast %get3A_1433 : vector<1x16xf32> to vector<16xf32>
        %get3A_1435 = arith.index_cast %add3A_1378 : i32 to index
        %get3A_1436 = arith.index_cast %add3A_1430 : i32 to index
        %get3A_1437 = tpu.vector_load %arg14[%get3A_1435, %get3A_1436] {strides = array<i32>} : memref<128x128xf32, #tpu.memory_space<vmem>>, vector<1x16xf32>,
        %get3A_1438 = vector.shape_cast %get3A_1437 : vector<1x16xf32> to vector<16xf32>
        %mul3A_1439 = arith.mulf %get3A_1434, %get3A_1438 : vector<16xf32>
        %swap3A_1440 = arith.index_cast %add3A_1378 : i32 to index
        %swap3A_1441 = arith.constant 16 : index
        %swap3A_1442 = tpu.vector_load %arg17[%swap3A_1440, %swap3A_1441] {strides = array<i32>} : memref<128x32xf32, #tpu.memory_space<vmem>>, vector<1x16xf32>,
        %swap3A_1443 = vector.shape_cast %swap3A_1442 : vector<1x16xf32> to vector<16xf32>
        %swap3A_1444 = vector.shape_cast %mul3A_1439 : vector<16xf32> to vector<1x16xf32>
        tpu.vector_store %arg17[%swap3A_1440, %swap3A_1441], %swap3A_1444 {strides = array<i32>} : memref<128x32xf32, #tpu.memory_space<vmem>>, vector<1x16xf32>,
        %get3A_1445 = arith.index_cast %add3A_1378 : i32 to index
        %get3A_1446 = arith.index_cast %add3A_1428 : i32 to index
        %get3A_1447 = tpu.vector_load %arg15[%get3A_1445, %get3A_1446] {strides = array<i32>} : memref<128x128xf32, #tpu.memory_space<vmem>>, vector<1x16xf32>,
        %get3A_1448 = vector.shape_cast %get3A_1447 : vector<1x16xf32> to vector<16xf32>
        %swap3A_1449 = arith.index_cast %add3A_1378 : i32 to index
        %swap3A_1450 = arith.constant 16 : index
        %swap3A_1451 = tpu.vector_load %arg18[%swap3A_1449, %swap3A_1450] {strides = array<i32>} : memref<128x32xf32, #tpu.memory_space<vmem>>, vector<1x16xf32>,
        %swap3A_1452 = vector.shape_cast %swap3A_1451 : vector<1x16xf32> to vector<16xf32>
        %swap3A_1453 = vector.shape_cast %get3A_1448 : vector<16xf32> to vector<1x16xf32>
        tpu.vector_store %arg18[%swap3A_1449, %swap3A_1450], %swap3A_1453 {strides = array<i32>} : memref<128x32xf32, #tpu.memory_space<vmem>>, vector<1x16xf32>,
        %get3A_1454 = arith.index_cast %add3A_1378 : i32 to index
        %get3A_1455 = arith.index_cast %add3A_1430 : i32 to index
        %get3A_1456 = tpu.vector_load %arg16[%get3A_1454, %get3A_1455] {strides = array<i32>} : memref<128x128xf32, #tpu.memory_space<vmem>>, vector<1x16xf32>,
        %get3A_1457 = vector.shape_cast %get3A_1456 : vector<1x16xf32> to vector<16xf32>
        %swap3A_1458 = arith.index_cast %add3A_1378 : i32 to index
        %swap3A_1459 = arith.constant 16 : index
        %swap3A_1460 = tpu.vector_load %arg19[%swap3A_1458, %swap3A_1459] {strides = array<i32>} : memref<128x32xf32, #tpu.memory_space<vmem>>, vector<1x16xf32>,
        %swap3A_1461 = vector.shape_cast %swap3A_1460 : vector<1x16xf32> to vector<16xf32>
        %swap3A_1462 = vector.shape_cast %get3A_1457 : vector<16xf32> to vector<1x16xf32>
        tpu.vector_store %arg19[%swap3A_1458, %swap3A_1459], %swap3A_1462 {strides = array<i32>} : memref<128x32xf32, #tpu.memory_space<vmem>>, vector<1x16xf32>,
      }
      %scan3A_46 = arith.constant 8 : i32
      "tpu.region"() ({
        %run_scoped3A = tpu.sem_alloc : memref<!tpu.dma_semaphore, #tpu.memory_space<semaphore_mem>>
        %dma_start3A = arith.constant 0 : i32
        %dma_start3A_47 = tpu.memref_slice %arg8[%add3A_17, %dma_start3A] : memref<16384x32xf32, #tpu.memory_space<hbm>> -> memref<128x32xf32, #tpu.memory_space<hbm>>
        %dma_start3A_48 = arith.constant 0 : i32
        %dma_start3A_49 = tpu.memref_slice %arg8[%add3A_17, %dma_start3A_48] : memref<16384x32xf32, #tpu.memory_space<hbm>> -> memref<128x32xf32, #tpu.memory_space<hbm>>
        tpu.enqueue_dma source(%arg17 : memref<128x32xf32, #tpu.memory_space<vmem>>) target(%dma_start3A_49 : memref<128x32xf32, #tpu.memory_space<hbm>>) target_semaphore(%run_scoped3A : memref<!tpu.dma_semaphore, #tpu.memory_space<semaphore_mem>>)
        %dma_wait3A_50 = arith.constant 0 : i32
        %dma_wait3A_51 = tpu.memref_slice %arg8[%add3A_17, %dma_wait3A_50] : memref<16384x32xf32, #tpu.memory_space<hbm>> -> memref<128x32xf32, #tpu.memory_space<hbm>>
        %dma_wait3A_52 = arith.constant 0 : i32
        %dma_wait3A_53 = tpu.memref_slice %arg8[%add3A_17, %dma_wait3A_52] : memref<16384x32xf32, #tpu.memory_space<hbm>> -> memref<128x32xf32, #tpu.memory_space<hbm>>
        tpu.wait_dma2 semaphore(%run_scoped3A : memref<!tpu.dma_semaphore, #tpu.memory_space<semaphore_mem>>) src(%arg17 : memref<128x32xf32, #tpu.memory_space<vmem>>) dst(%dma_wait3A_53 : memref<128x32xf32, #tpu.memory_space<hbm>>)
        tpu.yield
      }) : () -> ()
      "tpu.region"() ({
        %run_scoped3A = tpu.sem_alloc : memref<!tpu.dma_semaphore, #tpu.memory_space<semaphore_mem>>
        %dma_start3A = arith.constant 0 : i32
        %dma_start3A_47 = tpu.memref_slice %arg9[%add3A_17, %dma_start3A] : memref<16384x32xf32, #tpu.memory_space<hbm>> -> memref<128x32xf32, #tpu.memory_space<hbm>>
        %dma_start3A_48 = arith.constant 0 : i32
        %dma_start3A_49 = tpu.memref_slice %arg9[%add3A_17, %dma_start3A_48] : memref<16384x32xf32, #tpu.memory_space<hbm>> -> memref<128x32xf32, #tpu.memory_space<hbm>>
        tpu.enqueue_dma source(%arg18 : memref<128x32xf32, #tpu.memory_space<vmem>>) target(%dma_start3A_49 : memref<128x32xf32, #tpu.memory_space<hbm>>) target_semaphore(%run_scoped3A : memref<!tpu.dma_semaphore, #tpu.memory_space<semaphore_mem>>)
        %dma_wait3A_50 = arith.constant 0 : i32
        %dma_wait3A_51 = tpu.memref_slice %arg9[%add3A_17, %dma_wait3A_50] : memref<16384x32xf32, #tpu.memory_space<hbm>> -> memref<128x32xf32, #tpu.memory_space<hbm>>
        %dma_wait3A_52 = arith.constant 0 : i32
        %dma_wait3A_53 = tpu.memref_slice %arg9[%add3A_17, %dma_wait3A_52] : memref<16384x32xf32, #tpu.memory_space<hbm>> -> memref<128x32xf32, #tpu.memory_space<hbm>>
        tpu.wait_dma2 semaphore(%run_scoped3A : memref<!tpu.dma_semaphore, #tpu.memory_space<semaphore_mem>>) src(%arg18 : memref<128x32xf32, #tpu.memory_space<vmem>>) dst(%dma_wait3A_53 : memref<128x32xf32, #tpu.memory_space<hbm>>)
        tpu.yield
      }) : () -> ()
      "tpu.region"() ({
        %run_scoped3A = tpu.sem_alloc : memref<!tpu.dma_semaphore, #tpu.memory_space<semaphore_mem>>
        %dma_start3A = arith.constant 0 : i32
        %dma_start3A_47 = tpu.memref_slice %arg10[%add3A_17, %dma_start3A] : memref<16384x32xf32, #tpu.memory_space<hbm>> -> memref<128x32xf32, #tpu.memory_space<hbm>>
        %dma_start3A_48 = arith.constant 0 : i32
        %dma_start3A_49 = tpu.memref_slice %arg10[%add3A_17, %dma_start3A_48] : memref<16384x32xf32, #tpu.memory_space<hbm>> -> memref<128x32xf32, #tpu.memory_space<hbm>>
        tpu.enqueue_dma source(%arg19 : memref<128x32xf32, #tpu.memory_space<vmem>>) target(%dma_start3A_49 : memref<128x32xf32, #tpu.memory_space<hbm>>) target_semaphore(%run_scoped3A : memref<!tpu.dma_semaphore, #tpu.memory_space<semaphore_mem>>)
        %dma_wait3A_50 = arith.constant 0 : i32
        %dma_wait3A_51 = tpu.memref_slice %arg10[%add3A_17, %dma_wait3A_50] : memref<16384x32xf32, #tpu.memory_space<hbm>> -> memref<128x32xf32, #tpu.memory_space<hbm>>
        %dma_wait3A_52 = arith.constant 0 : i32
        %dma_wait3A_53 = tpu.memref_slice %arg10[%add3A_17, %dma_wait3A_52] : memref<16384x32xf32, #tpu.memory_space<hbm>> -> memref<128x32xf32, #tpu.memory_space<hbm>>
        tpu.wait_dma2 semaphore(%run_scoped3A : memref<!tpu.dma_semaphore, #tpu.memory_space<semaphore_mem>>) src(%arg19 : memref<128x32xf32, #tpu.memory_space<vmem>>) dst(%dma_wait3A_53 : memref<128x32xf32, #tpu.memory_space<hbm>>)
        tpu.yield
      }) : () -> ()
    }
    %scan3A_7 = arith.constant 4 : i32
    return
  }
}

module attributes {stable_mosaic.version = 14 : i64} {
  func.func @_tc_mlp_body(%arg0: i32, %arg1: memref<1024x32xf32, #tpu.memory_space<vmem>>, %arg2: memref<1024x32xf32, #tpu.memory_space<vmem>>, %arg3: memref<1024x32xf32, #tpu.memory_space<vmem>>, %arg4: memref<64x32xf32, #tpu.memory_space<vmem>>, %arg5: memref<1x32xf32, #tpu.memory_space<vmem>>, %arg6: memref<32x16xf32, #tpu.memory_space<vmem>>, %arg7: memref<1x16xf32, #tpu.memory_space<vmem>>, %arg8: memref<16x8xf32, #tpu.memory_space<vmem>>, %arg9: memref<1x8xf32, #tpu.memory_space<vmem>>, %arg10: memref<40x1xf32, #tpu.memory_space<vmem>>, %arg11: memref<1x1xf32, #tpu.memory_space<vmem>>, %arg12: memref<1024x1xf32, #tpu.memory_space<vmem>>) attributes {dimension_semantics = [#tpu.dimension_semantics<arbitrary>], iteration_bounds = array<i64: 16>, scalar_prefetch = 0 : i64, scratch_operands = 0 : i64, tpu.core_type = #tpu.core_type<tc>, window_params = [{transform_indices = @transform_0, window_bounds = array<i64: 1024, 32>}, {transform_indices = @transform_1, window_bounds = array<i64: 1024, 32>}, {transform_indices = @transform_2, window_bounds = array<i64: 1024, 32>}, {pipeline_mode = #tpu.pipeline_mode<synchronous>, transform_indices = @transform_3, window_bounds = array<i64: 64, 32>}, {pipeline_mode = #tpu.pipeline_mode<synchronous>, transform_indices = @transform_4, window_bounds = array<i64: 1, 32>}, {pipeline_mode = #tpu.pipeline_mode<synchronous>, transform_indices = @transform_5, window_bounds = array<i64: 32, 16>}, {pipeline_mode = #tpu.pipeline_mode<synchronous>, transform_indices = @transform_6, window_bounds = array<i64: 1, 16>}, {pipeline_mode = #tpu.pipeline_mode<synchronous>, transform_indices = @transform_7, window_bounds = array<i64: 16, 8>}, {pipeline_mode = #tpu.pipeline_mode<synchronous>, transform_indices = @transform_8, window_bounds = array<i64: 1, 8>}, {pipeline_mode = #tpu.pipeline_mode<synchronous>, transform_indices = @transform_9, window_bounds = array<i64: 40, 1>}, {pipeline_mode = #tpu.pipeline_mode<synchronous>, transform_indices = @transform_10, window_bounds = array<i64: 1, 1>}, {transform_indices = @transform_11, window_bounds = array<i64: 1024, 1>}]} {
    %get3A = arith.constant 0 : index
    %get3A_0 = arith.constant 0 : index
    %get3A_1 = vector.load %arg4[%get3A, %get3A_0] : memref<64x32xf32, #tpu.memory_space<vmem>>, vector<64x32xf32>
    %get3A_2 = arith.constant 0 : index
    %get3A_3 = arith.constant 0 : index
    %get3A_4 = vector.load %arg2[%get3A_2, %get3A_3] : memref<1024x32xf32, #tpu.memory_space<vmem>>, vector<1024x32xf32>
    %slice3A = vector.extract_strided_slice %get3A_1 {offsets = [0, 0], sizes = [32, 32], strides = [1, 1]} : vector<64x32xf32> to vector<32x32xf32>
    %dot_general3A = arith.constant dense<0.000000e+00> : vector<1024x32xf32>
    %dot_general3A_5 = tpu.matmul %get3A_4, %slice3A, %dot_general3A {dimension_numbers = #tpu.dot_dimension_numbers<[1], [0], [0], [1], [0, 0, 1, 1], [], []>, transpose_lhs_hint = false} : vector<1024x32xf32>, vector<32x32xf32>, vector<1024x32xf32> -> vector<1024x32xf32>
    %get3A_6 = arith.constant 0 : index
    %get3A_7 = arith.constant 0 : index
    %get3A_8 = vector.load %arg3[%get3A_6, %get3A_7] : memref<1024x32xf32, #tpu.memory_space<vmem>>, vector<1024x32xf32>
    %slice3A_9 = vector.extract_strided_slice %get3A_1 {offsets = [32, 0], sizes = [32, 32], strides = [1, 1]} : vector<64x32xf32> to vector<32x32xf32>
    %dot_general3A_10 = arith.constant dense<0.000000e+00> : vector<1024x32xf32>
    %dot_general3A_11 = tpu.matmul %get3A_8, %slice3A_9, %dot_general3A_10 {dimension_numbers = #tpu.dot_dimension_numbers<[1], [0], [0], [1], [0, 0, 1, 1], [], []>, transpose_lhs_hint = false} : vector<1024x32xf32>, vector<32x32xf32>, vector<1024x32xf32> -> vector<1024x32xf32>
    %add3A = arith.addf %dot_general3A_5, %dot_general3A_11 : vector<1024x32xf32>
    %get3A_12 = arith.constant 0 : index
    %get3A_13 = arith.constant 0 : index
    %get3A_14 = vector.load %arg5[%get3A_12, %get3A_13] : memref<1x32xf32, #tpu.memory_space<vmem>>, vector<1x32xf32>
    %add3A_15 = vector.broadcast %get3A_14 : vector<1x32xf32> to vector<1024x32xf32>
    %add3A_16 = arith.addf %add3A, %add3A_15 : vector<1024x32xf32>
    %max3A = arith.constant 0.000000e+00 : f32
    %max3A_17 = vector.broadcast %max3A : f32 to vector<1024x32xf32>
    %max3A_18 = arith.maximumf %add3A_16, %max3A_17 : vector<1024x32xf32>
    %get3A_19 = arith.constant 0 : index
    %get3A_20 = arith.constant 0 : index
    %get3A_21 = vector.load %arg6[%get3A_19, %get3A_20] : memref<32x16xf32, #tpu.memory_space<vmem>>, vector<32x16xf32>
    %dot_general3A_22 = arith.constant dense<0.000000e+00> : vector<1024x16xf32>
    %dot_general3A_23 = tpu.matmul %max3A_18, %get3A_21, %dot_general3A_22 {dimension_numbers = #tpu.dot_dimension_numbers<[1], [0], [0], [1], [0, 0, 1, 1], [], []>, transpose_lhs_hint = false} : vector<1024x32xf32>, vector<32x16xf32>, vector<1024x16xf32> -> vector<1024x16xf32>
    %get3A_24 = arith.constant 0 : index
    %get3A_25 = arith.constant 0 : index
    %get3A_26 = vector.load %arg7[%get3A_24, %get3A_25] : memref<1x16xf32, #tpu.memory_space<vmem>>, vector<1x16xf32>
    %add3A_27 = vector.broadcast %get3A_26 : vector<1x16xf32> to vector<1024x16xf32>
    %add3A_28 = arith.addf %dot_general3A_23, %add3A_27 : vector<1024x16xf32>
    %max3A_29 = arith.constant 0.000000e+00 : f32
    %max3A_30 = vector.broadcast %max3A_29 : f32 to vector<1024x16xf32>
    %max3A_31 = arith.maximumf %add3A_28, %max3A_30 : vector<1024x16xf32>
    %get3A_32 = arith.constant 0 : index
    %get3A_33 = arith.constant 0 : index
    %get3A_34 = vector.load %arg8[%get3A_32, %get3A_33] : memref<16x8xf32, #tpu.memory_space<vmem>>, vector<16x8xf32>
    %dot_general3A_35 = arith.constant dense<0.000000e+00> : vector<1024x8xf32>
    %dot_general3A_36 = tpu.matmul %max3A_31, %get3A_34, %dot_general3A_35 {dimension_numbers = #tpu.dot_dimension_numbers<[1], [0], [0], [1], [0, 0, 1, 1], [], []>, transpose_lhs_hint = false} : vector<1024x16xf32>, vector<16x8xf32>, vector<1024x8xf32> -> vector<1024x8xf32>
    %get3A_37 = arith.constant 0 : index
    %get3A_38 = arith.constant 0 : index
    %get3A_39 = vector.load %arg9[%get3A_37, %get3A_38] : memref<1x8xf32, #tpu.memory_space<vmem>>, vector<1x8xf32>
    %add3A_40 = vector.broadcast %get3A_39 : vector<1x8xf32> to vector<1024x8xf32>
    %add3A_41 = arith.addf %dot_general3A_36, %add3A_40 : vector<1024x8xf32>
    %max3A_42 = arith.constant 0.000000e+00 : f32
    %max3A_43 = vector.broadcast %max3A_42 : f32 to vector<1024x8xf32>
    %max3A_44 = arith.maximumf %add3A_41, %max3A_43 : vector<1024x8xf32>
    %get3A_45 = arith.constant 0 : index
    %get3A_46 = arith.constant 0 : index
    %get3A_47 = vector.load %arg10[%get3A_45, %get3A_46] : memref<40x1xf32, #tpu.memory_space<vmem>>, vector<40x1xf32>
    %get3A_48 = arith.constant 0 : index
    %get3A_49 = arith.constant 0 : index
    %get3A_50 = vector.load %arg1[%get3A_48, %get3A_49] : memref<1024x32xf32, #tpu.memory_space<vmem>>, vector<1024x32xf32>
    %slice3A_51 = vector.extract_strided_slice %get3A_47 {offsets = [0, 0], sizes = [32, 1], strides = [1, 1]} : vector<40x1xf32> to vector<32x1xf32>
    %dot_general3A_52 = arith.constant dense<0.000000e+00> : vector<1024x1xf32>
    %dot_general3A_53 = tpu.matmul %get3A_50, %slice3A_51, %dot_general3A_52 {dimension_numbers = #tpu.dot_dimension_numbers<[1], [0], [0], [1], [0, 0, 1, 1], [], []>, transpose_lhs_hint = false} : vector<1024x32xf32>, vector<32x1xf32>, vector<1024x1xf32> -> vector<1024x1xf32>
    %slice3A_54 = vector.extract_strided_slice %get3A_47 {offsets = [32, 0], sizes = [8, 1], strides = [1, 1]} : vector<40x1xf32> to vector<8x1xf32>
    %dot_general3A_55 = arith.constant dense<0.000000e+00> : vector<1024x1xf32>
    %dot_general3A_56 = tpu.matmul %max3A_44, %slice3A_54, %dot_general3A_55 {dimension_numbers = #tpu.dot_dimension_numbers<[1], [0], [0], [1], [0, 0, 1, 1], [], []>, transpose_lhs_hint = false} : vector<1024x8xf32>, vector<8x1xf32>, vector<1024x1xf32> -> vector<1024x1xf32>
    %add3A_57 = arith.addf %dot_general3A_53, %dot_general3A_56 : vector<1024x1xf32>
    %get3A_58 = arith.constant 0 : index
    %get3A_59 = arith.constant 0 : index
    %get3A_60 = vector.load %arg11[%get3A_58, %get3A_59] : memref<1x1xf32, #tpu.memory_space<vmem>>, vector<1x1xf32>
    %add3A_61 = vector.broadcast %get3A_60 : vector<1x1xf32> to vector<1024x1xf32>
    %add3A_62 = arith.addf %add3A_57, %add3A_61 : vector<1024x1xf32>
    %logistic3A = arith.negf %add3A_62 : vector<1024x1xf32>
    %logistic3A_63 = math.exp %logistic3A : vector<1024x1xf32>
    %logistic3A_64 = arith.constant 1.000000e+00 : f32
    %logistic3A_65 = vector.broadcast %logistic3A_64 : f32 to vector<1024x1xf32>
    %logistic3A_66 = arith.addf %logistic3A_65, %logistic3A_63 : vector<1024x1xf32>
    %logistic3A_67 = arith.divf %logistic3A_65, %logistic3A_66 : vector<1024x1xf32>
    %swap3A = arith.constant 0 : index
    %swap3A_68 = arith.constant 0 : index
    %swap3A_69 = vector.load %arg12[%swap3A, %swap3A_68] : memref<1024x1xf32, #tpu.memory_space<vmem>>, vector<1024x1xf32>
    tpu.vector_store %arg12[%swap3A, %swap3A_68], %logistic3A_67 {strides = array<i32>} : memref<1024x1xf32, #tpu.memory_space<vmem>>, vector<1024x1xf32>,
    return
  }
  func.func @transform_0(%arg0: i32) -> (i32, i32) {
    %c0_i32 = arith.constant 0 : i32
    %c0_i32_0 = arith.constant 0 : i32
    return %arg0, %c0_i32 : i32, i32
  }
  func.func @transform_1(%arg0: i32) -> (i32, i32) {
    %c0_i32 = arith.constant 0 : i32
    %c0_i32_0 = arith.constant 0 : i32
    return %arg0, %c0_i32 : i32, i32
  }
  func.func @transform_2(%arg0: i32) -> (i32, i32) {
    %c0_i32 = arith.constant 0 : i32
    %c0_i32_0 = arith.constant 0 : i32
    return %arg0, %c0_i32 : i32, i32
  }
  func.func @transform_3(%arg0: i32) -> (i32, i32) {
    %c0_i32 = arith.constant 0 : i32
    %c0_i32_0 = arith.constant 0 : i32
    %c0_i32_1 = arith.constant 0 : i32
    return %c0_i32, %c0_i32_0 : i32, i32
  }
  func.func @transform_4(%arg0: i32) -> (i32, i32) {
    %c0_i32 = arith.constant 0 : i32
    %c0_i32_0 = arith.constant 0 : i32
    %c0_i32_1 = arith.constant 0 : i32
    return %c0_i32, %c0_i32_0 : i32, i32
  }
  func.func @transform_5(%arg0: i32) -> (i32, i32) {
    %c0_i32 = arith.constant 0 : i32
    %c0_i32_0 = arith.constant 0 : i32
    %c0_i32_1 = arith.constant 0 : i32
    return %c0_i32, %c0_i32_0 : i32, i32
  }
  func.func @transform_6(%arg0: i32) -> (i32, i32) {
    %c0_i32 = arith.constant 0 : i32
    %c0_i32_0 = arith.constant 0 : i32
    %c0_i32_1 = arith.constant 0 : i32
    return %c0_i32, %c0_i32_0 : i32, i32
  }
  func.func @transform_7(%arg0: i32) -> (i32, i32) {
    %c0_i32 = arith.constant 0 : i32
    %c0_i32_0 = arith.constant 0 : i32
    %c0_i32_1 = arith.constant 0 : i32
    return %c0_i32, %c0_i32_0 : i32, i32
  }
  func.func @transform_8(%arg0: i32) -> (i32, i32) {
    %c0_i32 = arith.constant 0 : i32
    %c0_i32_0 = arith.constant 0 : i32
    %c0_i32_1 = arith.constant 0 : i32
    return %c0_i32, %c0_i32_0 : i32, i32
  }
  func.func @transform_9(%arg0: i32) -> (i32, i32) {
    %c0_i32 = arith.constant 0 : i32
    %c0_i32_0 = arith.constant 0 : i32
    %c0_i32_1 = arith.constant 0 : i32
    return %c0_i32, %c0_i32_0 : i32, i32
  }
  func.func @transform_10(%arg0: i32) -> (i32, i32) {
    %c0_i32 = arith.constant 0 : i32
    %c0_i32_0 = arith.constant 0 : i32
    %c0_i32_1 = arith.constant 0 : i32
    return %c0_i32, %c0_i32_0 : i32, i32
  }
  func.func @transform_11(%arg0: i32) -> (i32, i32) {
    %c0_i32 = arith.constant 0 : i32
    %c0_i32_0 = arith.constant 0 : i32
    return %arg0, %c0_i32 : i32, i32
  }
}

</mosaic_0001>

<sc_bundles>
// kernel: kernel.4.cloned.1.call-start
scs
__scs_entry_jumppad:
0x0: {  	(pc) =	sbr.rel $0x88, $3  }
0x1: {  	(tag) =	ssettag $0x0;
	lr =	simm.s32 $0x1  }
0x2: {  	[smem:$0x3F93] =	sst lr;
	_ =	strace $0xD0000000  }
0x3: {  	_ = 	snop  }
0x4: {  	_ = 	snop  }
0x5: {  	_ = 	snop  }
0x6: {  	_ = 	snop  }
0x7: {  	_ = 	snop  }
__scs_overlays_trampoline_lowered:
0x8: {  	[smem:$0x3FA2] =	sst s0  }
0x9: {  	[smem:$0x3FA3] =	sst s1  }
0xa: {  	[smem:$0x3FA4] =	sst s2  }
0xb: {  	[smem:$0x3FA5] =	sst s3  }
0xc: {  	[smem:$0x3FA6] =	sst s4  }
0xd: {  	[smem:$0x3FA7] =	sst s5  }
0xe: {  	[smem:$0x3FA8] =	sst s6  }
0xf: {  	[smem:$0x3FA9] =	sst s7  }
0x10: {  	[smem:$0x3FAA] =	sst s8  }
0x11: {  	[smem:$0x3FAB] =	sst s9;
	s0 =	simm.s32 @!p0 $0x0  }
0x12: {  	s1 =	sld [smem:$0x3F91];
	s0 =	simm.s32 @p0 $0x1  }
0x13: {  	[smem:$0x3FAC] =	sst s0;
	s0 =	simm.s32 @!p1 $0x0  }
0x14: {  	s2 =	sld [smem:$0x3F90];
	s0 =	simm.s32 @p1 $0x1  }
0x15: {  	[smem:$0x3FAD] =	sst s0;
	s0 =	simm.s32 @!p2 $0x0  }
0x16: {  	s3 =	sld [smem:$0x3FDB];
	s0 =	simm.s32 @p2 $0x1  }
0x17: {  	s4 =	simm.s32 $0x1BF5;
	[smem:$0x3FAF] =	sst s0  }
0x18: {  	s0 =	sld [smem:$0x3F92];
	_ =	swait.ge [sflag:s4], $0x0  }
0x19: {  	s7 =	sld [smem:$0x3F93]  }
0x1a: {  	s8 =	sadd.s32 $0xFFFFE003, lr  }
0x1b: {  	s9 =	sadd.s32 $0xFFFFFEF7, lr;
	s5 =	simm.s32 $0xFFFFFFFF;
	p2 =	slt.u32 s8, $0xFFFFF086  }
0x1c: {  	p1 =	slt.u32 s9, $0xF7A;
	s5 =	simm.s32 @!p2 $0x0  }
0x1d: {  	s5 =	simm.s32 @p1 $0x1;
	p0 =	seq.s32 s7, s2  }
0x1e: {  	s7 =	smul.u32 @!p0 $0xF7A, s2;
	p2 =	seq.s32 @!p0 s5, $0x0  }
0x1f: {  	s9 =	smul.u32 $0xF7A, s1;
	s8 =	simm.s32 @!p0 $0x1BF5;
	p2 =	por !p2, p0  }
0x20: {  	[sflag:s8] =	ssyncset.s32 @!p0 $0xFFFFF086;
	s6 =	sadd.s32 @!p0 s3, s7;
	s7 =	simm.s32 @!p0 $0x108  }
0x21: {  	s3 =	sadd.s32 s3, s9;
	s6 =	sadd.s32 @!p0 $0x88, s6;
	s7 =	simm.s32 @p2 $0x1082  }
0x22: {  	[simem:s7], [sflag:s8] =	dma.local @!p0 [hbm:s6], $0xF7A  }
0x23: {  	s9 =	sor.u32 $0xD0000000, s2;
	s6 =	simm.s32 $0x108;
	_ =	swait.ge @!p0 [sflag:s8], $0x0  }
0x24: {  	s3 =	sadd.s32 $0x88, s3;
	s6 =	simm.s32 @!p1 $0x1082;
	[sflag:s4] =	ssyncset.s32 $0xFFFFF086  }
0x25: {  	[simem:s6], [sflag:s4] =	dma.local [hbm:s3], $0xF7A  }
0x26: {  	[smem:$0x3F93] =	sst s1;
	(tag) =	ssettag s2;
	_ =	strace s9  }
0x27: {  	s1 =	sld [smem:$0x3FA3]  }
0x28: {  	s2 =	sld [smem:$0x3FA4]  }
0x29: {  	s4 =	sld [smem:$0x3FA6]  }
0x2a: {  	p0 =	seq.s32 s5, $0x0;
	s5 =	sld [smem:$0x3FA7]  }
0x2b: {  	s6 =	sld [smem:$0x3FA8]  }
0x2c: {  	s7 =	sld [smem:$0x3FA9]  }
0x2d: {  	s3 =	simm.s32 $0x108;
	s8 =	sld [smem:$0x3FAA]  }
0x2e: {  	s3 =	simm.s32 @!p0 $0x1082;
	s9 =	sld [smem:$0x3FAB]  }
0x2f: {  	lr =	sadd.s32 s0, s3;
	s0 =	sld [smem:$0x3FA2]  }
0x30: {  	s3 =	sld [smem:$0x3FA5]  }
0x31: {  	[smem:$0x3FAE] =	sst s10  }
0x32: {  	s10 =	sld [smem:$0x3FAC];
	_ =	sdelay $0x3  }
0x33: {  	p0 =	seq.s32 s10, $0x1;
	s10 =	sld [smem:$0x3FAE];
	_ =	sdelay $0x3  }
0x34: {  	[smem:$0x3FAE] =	sst s10  }
0x35: {  	s10 =	sld [smem:$0x3FAD];
	_ =	sdelay $0x3  }
0x36: {  	p1 =	seq.s32 s10, $0x1;
	s10 =	sld [smem:$0x3FAE];
	_ =	sdelay $0x3  }
0x37: {  	[smem:$0x3FAE] =	sst s10  }
0x38: {  	s10 =	sld [smem:$0x3FAF]  }
0x39: {  	_ = 	snop;
	(pc) =	sbr.ind lr, $3  }
0x3a: {  	_ = 	snop  }
0x3b: {  	_ = 	snop  }
0x3c: {  	p2 =	seq.s32 s10, $0x1;
	s10 =	sld [smem:$0x3FAE]  }
0x3d: {  	_ =	shalt  }
0x3e: {  	_ =	shalt  }
0x3f: {  	_ =	shalt  }
0x40: {  	_ =	shalt  }
0x41: {  	_ =	shalt  }
0x42: {  	_ =	shalt  }
0x43: {  	_ =	shalt  }
0x44: {  	_ =	shalt  }
0x45: {  	_ =	shalt  }
0x46: {  	_ =	shalt  }
0x47: {  	_ =	shalt  }
0x48: {  	_ =	shalt  }
0x49: {  	_ =	shalt  }
0x4a: {  	_ =	shalt  }
0x4b: {  	_ =	shalt  }
0x4c: {  	_ =	shalt  }
0x4d: {  	_ =	shalt  }
0x4e: {  	_ =	shalt  }
0x4f: {  	_ =	shalt  }
0x50: {  	_ =	shalt  }
0x51: {  	_ =	shalt  }
0x52: {  	_ =	shalt  }
0x53: {  	_ =	shalt  }
0x54: {  	_ =	shalt  }
0x55: {  	_ =	shalt  }
0x56: {  	_ =	shalt  }
0x57: {  	_ =	shalt  }
0x58: {  	_ =	shalt  }
0x59: {  	_ =	shalt  }
0x5a: {  	_ =	shalt  }
0x5b: {  	_ =	shalt  }
0x5c: {  	_ =	shalt  }
0x5d: {  	_ =	shalt  }
0x5e: {  	_ =	shalt  }
0x5f: {  	_ =	shalt  }
0x60: {  	_ =	shalt  }
0x61: {  	_ =	shalt  }
0x62: {  	_ =	shalt  }
0x63: {  	_ =	shalt  }
0x64: {  	_ =	shalt  }
0x65: {  	_ =	shalt  }
0x66: {  	_ =	shalt  }
0x67: {  	_ =	shalt  }
0x68: {  	_ =	shalt  }
0x69: {  	_ =	shalt  }
0x6a: {  	_ =	shalt  }
0x6b: {  	_ =	shalt  }
0x6c: {  	_ =	shalt  }
0x6d: {  	_ =	shalt  }
0x6e: {  	_ =	shalt  }
0x6f: {  	_ =	shalt  }
0x70: {  	_ =	shalt  }
0x71: {  	_ =	shalt  }
0x72: {  	_ =	shalt  }
0x73: {  	_ =	shalt  }
0x74: {  	_ =	shalt  }
0x75: {  	_ =	shalt  }
0x76: {  	_ =	shalt  }
0x77: {  	_ =	shalt  }
0x78: {  	_ =	shalt  }
0x79: {  	_ =	shalt  }
0x7a: {  	_ =	shalt  }
0x7b: {  	_ =	shalt  }
0x7c: {  	_ =	shalt  }
0x7d: {  	_ =	shalt  }
0x7e: {  	_ =	shalt  }
0x7f: {  	_ =	shalt  }
0x80: {  	_ =	shalt  }
0x81: {  	_ =	shalt  }
0x82: {  	_ =	shalt  }
0x83: {  	_ =	shalt  }
0x84: {  	_ =	shalt  }
0x85: {  	_ =	shalt  }
0x86: {  	_ =	shalt  }
0x87: {  	_ =	shalt  }
.Lfunc_end0:
.L_simem_size_0:
called_computation_lowered:
.L_overlay_start_0:
0x88: {  	s2 =	sld [smem:$0x3FD9]  }
0x89: {  	s3 =	sld [smem:$0x3FFE];
	_ =	sdelay $0x1  }
0x8a: {  	s1 =	srdreg.scid  }
0x8b: {  	s0 =	sand.u32 $0x1, s1  }
0x8c: {  	s17 =	sshll.u32 s0, $0xA;
	s2 =	sadd.s32 s3, s2  }
0x8d: {  	s2 =	sadd.s32 s2, s17  }
0x8e: {  	[smem:$0x3FBA] =	sst s2  }
0x8f: {  	_ = 	snop  }
0x90: {  	s2 =	sld [smem:$0x3FC9]  }
0x91: {  	s18 =	sld [smem:$0x3FC8];
	(tm) =	ssettm $0x1  }
0x92: {  	s4 =	sld [smem:$0x3FFB];
	_ =	sdelay $0x3  }
0x93: {  	_ =	strace s4  }
0x94: {  	s4 =	sld [smem:$0x3FFC];
	_ =	sdelay $0x3  }
0x95: {  	_ =	strace s4  }
0x96: {  	s4 =	sld [smem:$0x3FFD];
	_ =	sdelay $0x3  }
0x97: {  	_ =	strace s4  }
0x98: {  	_ =	strace $0x8FFFFFFF  }
0x99: {  	s19 =	sld [smem:$0x3FDB];
	_ =	sdelay $0x1  }
0x9a: {  	s5 =	simm.s32 $_scs_section_size  }
0x9b: {  	s6 =	simm.s32 $_size__tile_overlayer_lowered;
	s7 =	simm.s32 $_tile_overlayer_lowered  }
0x9c: {  	s22 =	simm.s32 $0x1BFF;
	s21 =	sshll.u32 s7, $0x1;
	s4 =	sadd.s32 s5, s19  }
0x9d: {  	s8 =	simm.s32 $0x0;
	s20 =	sshll.u32 s6, $0x1;
	s6 =	sadd.s32 s21, s4  }
0x9e: {  	[timem:s8], [sflag:s22] =	dma.local [hbm:s6], s20  }
0x9f: {  	_ =	swait.ge [sflag:s22], s20  }
0xa0: {  	s5 =	ssub.s32 $0x0, s20;
	[sflag:s22] =	ssyncset.done $0x0  }
0xa1: {  	[sflag:s22] =	ssyncadd.s32 s5;
	_ =	sdelay $0x1  }
0xa2: {  	s23 =	simm.s32 $0x1B8B  }
0xa3: {  	_ =	swait.ge [sflag:s23], $0x1  }
0xa4: {  	[sflag:s23] =	ssyncset.done $0x0  }
0xa5: {  	s25 =	simm.s32 $0x1B8E;
	s24 =	sld [smem:$0x3FFE];
	[sflag:s23] =	ssyncadd.s32 $0xFFFFFFFF  }
0xa6: {  	s26 =	simm.s32 $execute0_lowered;
	[smem:$0x3FD2] =	sst s25  }
0xa7: {  	s6 =	sshll.u32 s26, $0x1;
	_ =	strace $0x80000046;
	[dreg:$0x1] =	wrdreg $0xFFFFFFFF  }
0xa8: {  	s28 =	simm.s32 $_size_execute0_lowered;
	s4 =	sadd.s32 s4, s6;
	[dreg:$0x0] =	wrdreg $0x0  }
0xa9: {  	s6 =	sshll.u32 s28, $0x1;
	[dreg:$0x2] =	wrdreg s4  }
0xaa: {  	[dreg:$0x3] =	wrdreg s6  }
0xab: {  	[dreg:$0x4] =	wrdreg $0xC0  }
0xac: {  	_ =	task [dreg:s8], $0x5FFFF  }
0xad: {  	[dreg:$0x1] =	wrdreg $0xFFFFFFFF  }
0xae: {  	[dreg:$0x0] =	wrdreg $0x60  }
0xaf: {  	[dreg:$0x2] =	wrdreg s2  }
0xb0: {  	[dreg:$0x3] =	wrdreg s18  }
0xb1: {  	[dreg:$0x4] =	wrdreg s24  }
0xb2: {  	[dreg:$0x5] =	wrdreg $0x9  }
0xb3: {  	_ =	task.clear_ibuf [dreg:s8], $0x6FFFF;
	_ =	strace $0x90000046  }
0xb4: {  	s29 =	simm.s32 $0x9;
	_ =	strace $0x80000048  }
0xb5: {  	_ =	swait.ge [sflag:s29], $0x1  }
0xb6: {  	[sflag:s29] =	ssyncadd.s32 $0xFFFFFFFF  }
0xb7: {  	_ =	strace $0x90000048  }
0xb8: {  	_ =	sfence  }
0xb9: {  	s30 =	sld [smem:$0x0];
	_ =	sdelay $0x2  }
0xba: {  	s31 =	sshll.u32 s1, $0xD;
	s1 =	sshrl.u32 s1, $0x2  }
0xbb: {  	s3 =	sand.u32 $0x4000, s31;
	s1 =	sadd.s32 s1, s30  }
0xbc: {  	s0 =	sor.u32 s3, s0;
	s1 =	sshll.u32 s1, $0x11  }
0xbd: {  	s0 =	sor.u32 s1, s0  }
0xbe: {  	s0 =	sadd.s32 $0x8F2B, s0  }
0xbf: {  	[sflag:s0] =	ssyncadd.remote.s32 $0x1  }
0xc0: {  	_ =	sfence.sel $0xFFFF  }
0xc1: {  	[dreg:$0x0] =	wrdreg $0xFFFFFFFF;
	(pc) =	sbr.abs _section_cstart, $3  }
0xc2: {  	[dreg:$0x1] =	wrdreg $0xFFFFFFFF  }
0xc3: {  	_ =	task.clear_ibuf [dreg:s8], $0x2FFFF;
	_ =	strace $0x9FFFFFFF  }
0xc4: {  	(tm) =	ssettm $0x7FFFFFFF  }
0xc5: {  	_ =	shalt  }
tec
execute0_lowered:
.L_overlay_start_1:
0x0: {  	(tag) =	ssettag $0x1  }
0x1: {  	s11 =	rddreg [dreg:$0x0]  }
0x2: {  	s12 =	rddreg [dreg:$0x1]  }
0x3: {  	s10 =	rddreg [dreg:$0x2];
	s1 =	simm.s32 $0x0;
	s8 =	srdreg.scid  }
0x4: {  	s0 =	stileid.u32;
	s16 =	simm.s32 $0x10400;
	s17 =	simm.s32 $0x14400  }
0x5: {  	s18 =	simm.s32 $0x18400;
	s19 =	simm.s32 $0x0;
	[smem:$0x7FF] =	sst s1  }
0x6: {  	s2 =	sadd.s32 $0x1315800, s10;
	s3 =	sadd.s32 $0x1EB000, s10;
	s8 =	sand.u32 $0x1, s8  }
0x7: {  	s5 =	sadd.s32 $0xF44E00, s10;
	s9 =	sshll.u32 s0, $0xA;
	s14 =	sshll.u32 s8, $0x9  }
0x8: {  	s6 =	sadd.s32 $0x189400, s10;
	s7 =	sadd.s32 $0x2A00, s10;
	s9 =	sor.u32 s14, s9  }
0x9: {  	_ =	strace $0x80000047;
	s13 =	ssub.s32 $0x2, s8;
	s14 =	sshrl.u32 s9, $0x3  }
0xa: {  	s8 =	sadd.s32 $0x42A00, s10;
	s15 =	sshrl.u32 s13, $0x1;
	s29 =	sadd.s32 s11, s14  }
0xb: {  	s13 =	ssub.s32 s13, s15;
	s30 =	sadd.s32 s12, s14;
	[dreg:$0x4] =	wrdreg s29  }
0xc: {  	s10 =	sadd.s32 $0x82A00, s10;
	s31 =	smax.u32 s13, $0x1;
	[dreg:$0x5] =	wrdreg s30  }
0xd: {  	s15 =	simm.s32 $0x1;
	s14 =	simm.s32 $0x2;
	[dreg:$0x6] =	wrdreg s31  }
.LBB2_1:
0xe: {  	s0 =	rddreg [dreg:$0x4]  }
0xf: {  	[tilespmem:s1], [sflag:$0x2] =	stream.linear.gather [hbm4b:s0+s1], $0x200, $0x38;
	[tilespmem:$0x1C400] =	vst v63  }
0x10: {  	_ =	swait.ge [sflag:s14], $0x200  }
0x11: {  	[sflag:s14] =	ssyncset.done $0x0  }
0x12: {  	s20 =	simm.s32 $0x200;
	s31 =	rddreg [dreg:$0x5];
	[sflag:s14] =	ssyncadd.s32 $0xFFFFFE00  }
0x13: {  	[tilespmem:s20], [sflag:$0x2] =	stream.linear.gather [hbm4b:s31+s1], $0x200, $0x38;
	[tilespmem:$0x1C400] =	vst v63  }
0x14: {  	_ =	swait.ge [sflag:s14], $0x200  }
0x15: {  	[sflag:s14] =	ssyncset.done $0x0  }
0x16: {  	s21 =	simm.s32 $0x0;
	s22 =	simm.s32 $0x0;
	[sflag:s14] =	ssyncadd.s32 $0xFFFFFE00  }
.LBB2_2:
0x17: {  	v0 =	vld [tilespmem:s20+$0x0]  }
0x18: {  	v1 =	vld [tilespmem:s21+$0x0];
	_ =	sdelay $0x3  }
0x19: {  	v0 =	vshll.u32 v0, $0x2  }
0x1a: {  	v1 =	vshll.u32 v1, $0x2;
	(v2sf) =	vpush v0, $0x0  }
0x1b: {  	(v2sf) =	vpush v1, $0x0;
	_ =	sdelay $0x3  }
0x1c: {  	(v2sf) =	vpush v1, $0x1;
	_ =	sdelay $0x3  }
0x1d: {  	(v2sf) =	vpush v0, $0x1;
	_ =	sdelay $0x1  }
0x1e: {  	(v2sf) =	vpush v1, $0x2;
	_ =	sdelay $0x3  }
0x1f: {  	s23 =	spop (v2sf)  }
0x20: {  	s25 =	simm.s32 $0x400;
	s24 =	spop (v2sf)  }
0x21: {  	s4 =	simm.s32 $0x4400;
	s11 =	simm.s32 $0x8400;
	(v2sf) =	vpush v0, $0x2;
	s24 =	sand.u32 $0x1FFFFFF0, s24  }
0x22: {  	s13 =	simm.s32 $0xC400;
	s23 =	sand.u32 $0x1FFFFFF0, s23;
	s26 =	sadd.s32 s2, s24  }
0x23: {  	(v2sf) =	vpush v1, $0x3;
	[tilespmem:s25], [sflag:$0x1] =	stream.linear.gather [hbm4b:s26+s1], $0x80, $0x38;
	[tilespmem:$0x1C400] =	vst v63  }
0x24: {  	s29 =	simm.s32 $0x8B80;
	s0 =	spop (v2sf);
	s28 =	sadd.s32 s3, s23  }
0x25: {  	[tilespmem:s4], [sflag:$0x1] =	stream.linear.gather [hbm4b:s28+s1], $0x80, $0x38;
	[tilespmem:$0x1C400] =	vst v63  }
0x26: {  	s23 =	sadd.s32 s6, s23;
	s24 =	sadd.s32 s5, s24;
	s25 =	sand.u32 $0x1FFFFFF0, s0  }
0x27: {  	(v2sf) =	vpush v0, $0x3;
	[tilespmem:s11], [sflag:$0x1] =	stream.linear.gather [hbm4b:s24+s1], $0x80, $0x38;
	[tilespmem:$0x1C400] =	vst v63  }
0x28: {  	s12 =	spop (v2sf);
	s26 =	simm.s32 $0x480;
	s0 =	sadd.s32 s2, s25  }
0x29: {  	[tilespmem:s13], [sflag:$0x1] =	stream.linear.gather [hbm4b:s23+s1], $0x80, $0x38;
	[tilespmem:$0x1C400] =	vst v63  }
0x2a: {  	s25 =	sadd.s32 s5, s25;
	s4 =	spop (v2sf);
	s23 =	sand.u32 $0x1FFFFFF0, s12  }
0x2b: {  	(v2sf) =	vpush v1, $0x4;
	[tilespmem:s26], [sflag:$0x1] =	stream.linear.gather [hbm4b:s0+s1], $0x80, $0x38;
	[tilespmem:$0x1C400] =	vst v63  }
0x2c: {  	s11 =	simm.s32 $0x4480;
	s24 =	sand.u32 $0x1FFFFFF0, s4;
	s28 =	sadd.s32 s3, s23  }
0x2d: {  	[tilespmem:s11], [sflag:$0x1] =	stream.linear.gather [hbm4b:s28+s1], $0x80, $0x38;
	[tilespmem:$0x1C400] =	vst v63  }
0x2e: {  	s4 =	simm.s32 $0x500;
	s12 =	simm.s32 $0x8480;
	s23 =	sadd.s32 s6, s23  }
0x2f: {  	[tilespmem:s12], [sflag:$0x1] =	stream.linear.gather [hbm4b:s25+s1], $0x80, $0x38;
	[tilespmem:$0x1C400] =	vst v63  }
0x30: {  	s0 =	simm.s32 $0xC480;
	s26 =	simm.s32 $0x600;
	s13 =	spop (v2sf)  }
0x31: {  	(v2sf) =	vpush v0, $0x4;
	[tilespmem:s0], [sflag:$0x1] =	stream.linear.gather [hbm4b:s23+s1], $0x80, $0x38;
	[tilespmem:$0x1C400] =	vst v63  }
0x32: {  	s11 =	sadd.s32 s2, s24;
	s12 =	spop (v2sf);
	s23 =	sand.u32 $0x1FFFFFF0, s13  }
0x33: {  	(v2sf) =	vpush v1, $0x5;
	[tilespmem:s4], [sflag:$0x1] =	stream.linear.gather [hbm4b:s11+s1], $0x80, $0x38;
	[tilespmem:$0x1C400] =	vst v63  }
0x34: {  	s24 =	sadd.s32 s5, s24;
	s13 =	simm.s32 $0x4500;
	s28 =	sadd.s32 s3, s23  }
0x35: {  	[tilespmem:s13], [sflag:$0x1] =	stream.linear.gather [hbm4b:s28+s1], $0x80, $0x38;
	[tilespmem:$0x1C400] =	vst v63  }
0x36: {  	s25 =	sand.u32 $0x1FFFFFF0, s12;
	s0 =	simm.s32 $0x8500;
	s4 =	spop (v2sf)  }
0x37: {  	(v2sf) =	vpush v0, $0x5;
	[tilespmem:s0], [sflag:$0x1] =	stream.linear.gather [hbm4b:s24+s1], $0x80, $0x38;
	[tilespmem:$0x1C400] =	vst v63  }
0x38: {  	s12 =	simm.s32 $0x580;
	s23 =	sadd.s32 s6, s23;
	s11 =	simm.s32 $0xC500  }
0x39: {  	[tilespmem:s11], [sflag:$0x1] =	stream.linear.gather [hbm4b:s23+s1], $0x80, $0x38;
	[tilespmem:$0x1C400] =	vst v63  }
0x3a: {  	s13 =	sadd.s32 s2, s25;
	s0 =	spop (v2sf);
	s23 =	sand.u32 $0x1FFFFFF0, s4  }
0x3b: {  	(v2sf) =	vpush v1, $0x6;
	[tilespmem:s12], [sflag:$0x1] =	stream.linear.gather [hbm4b:s13+s1], $0x80, $0x38;
	[tilespmem:$0x1C400] =	vst v63  }
0x3c: {  	s24 =	sand.u32 $0x1FFFFFF0, s0;
	s4 =	simm.s32 $0x4580;
	s28 =	sadd.s32 s3, s23  }
0x3d: {  	[tilespmem:s4], [sflag:$0x1] =	stream.linear.gather [hbm4b:s28+s1], $0x80, $0x38;
	[tilespmem:$0x1C400] =	vst v63  }
0x3e: {  	s25 =	sadd.s32 s5, s25;
	s11 =	simm.s32 $0x8580;
	s0 =	sadd.s32 s2, s24  }
0x3f: {  	[tilespmem:s11], [sflag:$0x1] =	stream.linear.gather [hbm4b:s25+s1], $0x80, $0x38;
	[tilespmem:$0x1C400] =	vst v63  }
0x40: {  	s23 =	sadd.s32 s6, s23;
	s13 =	simm.s32 $0xC580;
	s12 =	spop (v2sf)  }
0x41: {  	(v2sf) =	vpush v0, $0x6;
	[tilespmem:s13], [sflag:$0x1] =	stream.linear.gather [hbm4b:s23+s1], $0x80, $0x38;
	[tilespmem:$0x1C400] =	vst v63  }
0x42: {  	s24 =	sadd.s32 s5, s24;
	s4 =	spop (v2sf);
	s23 =	sand.u32 $0x1FFFFFF0, s12  }
0x43: {  	(v2sf) =	vpush v1, $0x7;
	[tilespmem:s26], [sflag:$0x1] =	stream.linear.gather [hbm4b:s0+s1], $0x80, $0x38;
	[tilespmem:$0x1C400] =	vst v63  }
0x44: {  	s11 =	simm.s32 $0x4600;
	s25 =	sand.u32 $0x1FFFFFF0, s4;
	s28 =	sadd.s32 s3, s23  }
0x45: {  	[tilespmem:s11], [sflag:$0x1] =	stream.linear.gather [hbm4b:s28+s1], $0x80, $0x38;
	[tilespmem:$0x1C400] =	vst v63  }
0x46: {  	s4 =	simm.s32 $0x680;
	s12 =	simm.s32 $0x8600;
	s13 =	spop (v2sf)  }
0x47: {  	(v2sf) =	vpush v0, $0x7;
	[tilespmem:s12], [sflag:$0x1] =	stream.linear.gather [hbm4b:s24+s1], $0x80, $0x38;
	[tilespmem:$0x1C400] =	vst v63  }
0x48: {  	s23 =	sadd.s32 s6, s23;
	s0 =	simm.s32 $0xC600;
	s26 =	simm.s32 $0x780  }
0x49: {  	[tilespmem:s0], [sflag:$0x1] =	stream.linear.gather [hbm4b:s23+s1], $0x80, $0x38;
	[tilespmem:$0x1C400] =	vst v63  }
0x4a: {  	s11 =	sadd.s32 s2, s25;
	s12 =	spop (v2sf);
	s23 =	sand.u32 $0x1FFFFFF0, s13  }
0x4b: {  	(v2sf) =	vpush v1, $0x8;
	[tilespmem:s4], [sflag:$0x1] =	stream.linear.gather [hbm4b:s11+s1], $0x80, $0x38;
	[tilespmem:$0x1C400] =	vst v63  }
0x4c: {  	s25 =	sadd.s32 s5, s25;
	s13 =	simm.s32 $0x4680;
	s28 =	sadd.s32 s3, s23  }
0x4d: {  	[tilespmem:s13], [sflag:$0x1] =	stream.linear.gather [hbm4b:s28+s1], $0x80, $0x38;
	[tilespmem:$0x1C400] =	vst v63  }
0x4e: {  	s24 =	sand.u32 $0x1FFFFFF0, s12;
	s12 =	simm.s32 $0x700;
	s0 =	simm.s32 $0x8680  }
0x4f: {  	[tilespmem:s0], [sflag:$0x1] =	stream.linear.gather [hbm4b:s25+s1], $0x80, $0x38;
	[tilespmem:$0x1C400] =	vst v63  }
0x50: {  	s23 =	sadd.s32 s6, s23;
	s11 =	simm.s32 $0xC680;
	s4 =	spop (v2sf)  }
0x51: {  	(v2sf) =	vpush v0, $0x8;
	[tilespmem:s11], [sflag:$0x1] =	stream.linear.gather [hbm4b:s23+s1], $0x80, $0x38;
	[tilespmem:$0x1C400] =	vst v63  }
0x52: {  	s13 =	sadd.s32 s2, s24;
	s0 =	spop (v2sf);
	s23 =	sand.u32 $0x1FFFFFF0, s4  }
0x53: {  	(v2sf) =	vpush v1, $0x9;
	[tilespmem:s12], [sflag:$0x1] =	stream.linear.gather [hbm4b:s13+s1], $0x80, $0x38;
	[tilespmem:$0x1C400] =	vst v63  }
0x54: {  	s24 =	sadd.s32 s5, s24;
	s4 =	simm.s32 $0x4700;
	s28 =	sadd.s32 s3, s23  }
0x55: {  	[tilespmem:s4], [sflag:$0x1] =	stream.linear.gather [hbm4b:s28+s1], $0x80, $0x38;
	[tilespmem:$0x1C400] =	vst v63  }
0x56: {  	s25 =	sand.u32 $0x1FFFFFF0, s0;
	s11 =	simm.s32 $0x8700;
	s12 =	spop (v2sf)  }
0x57: {  	(v2sf) =	vpush v0, $0x9;
	[tilespmem:s11], [sflag:$0x1] =	stream.linear.gather [hbm4b:s24+s1], $0x80, $0x38;
	[tilespmem:$0x1C400] =	vst v63  }
0x58: {  	s0 =	sadd.s32 s2, s25;
	s23 =	sadd.s32 s6, s23;
	s13 =	simm.s32 $0xC700  }
0x59: {  	[tilespmem:s13], [sflag:$0x1] =	stream.linear.gather [hbm4b:s23+s1], $0x80, $0x38;
	[tilespmem:$0x1C400] =	vst v63  }
0x5a: {  	s25 =	sadd.s32 s5, s25;
	s4 =	spop (v2sf);
	s23 =	sand.u32 $0x1FFFFFF0, s12  }
0x5b: {  	(v2sf) =	vpush v1, $0xA;
	[tilespmem:s26], [sflag:$0x1] =	stream.linear.gather [hbm4b:s0+s1], $0x80, $0x38;
	[tilespmem:$0x1C400] =	vst v63  }
0x5c: {  	s11 =	simm.s32 $0x4780;
	s24 =	sand.u32 $0x1FFFFFF0, s4;
	s28 =	sadd.s32 s3, s23  }
0x5d: {  	[tilespmem:s11], [sflag:$0x1] =	stream.linear.gather [hbm4b:s28+s1], $0x80, $0x38;
	[tilespmem:$0x1C400] =	vst v63  }
0x5e: {  	s4 =	simm.s32 $0x800;
	s12 =	simm.s32 $0x8780;
	s23 =	sadd.s32 s6, s23  }
0x5f: {  	[tilespmem:s12], [sflag:$0x1] =	stream.linear.gather [hbm4b:s25+s1], $0x80, $0x38;
	[tilespmem:$0x1C400] =	vst v63  }
0x60: {  	s13 =	spop (v2sf);
	s0 =	simm.s32 $0xC780;
	s26 =	simm.s32 $0x900  }
0x61: {  	(v2sf) =	vpush v0, $0xA;
	[tilespmem:s0], [sflag:$0x1] =	stream.linear.gather [hbm4b:s23+s1], $0x80, $0x38;
	[tilespmem:$0x1C400] =	vst v63  }
0x62: {  	s11 =	sadd.s32 s2, s24;
	s12 =	spop (v2sf);
	s23 =	sand.u32 $0x1FFFFFF0, s13  }
0x63: {  	(v2sf) =	vpush v1, $0xB;
	[tilespmem:s4], [sflag:$0x1] =	stream.linear.gather [hbm4b:s11+s1], $0x80, $0x38;
	[tilespmem:$0x1C400] =	vst v63  }
0x64: {  	s24 =	sadd.s32 s5, s24;
	s13 =	simm.s32 $0x4800;
	s28 =	sadd.s32 s3, s23  }
0x65: {  	[tilespmem:s13], [sflag:$0x1] =	stream.linear.gather [hbm4b:s28+s1], $0x80, $0x38;
	[tilespmem:$0x1C400] =	vst v63  }
0x66: {  	s25 =	sand.u32 $0x1FFFFFF0, s12;
	s0 =	simm.s32 $0x8800;
	s4 =	spop (v2sf)  }
0x67: {  	(v2sf) =	vpush v0, $0xB;
	[tilespmem:s0], [sflag:$0x1] =	stream.linear.gather [hbm4b:s24+s1], $0x80, $0x38;
	[tilespmem:$0x1C400] =	vst v63  }
0x68: {  	s12 =	simm.s32 $0x880;
	s23 =	sadd.s32 s6, s23;
	s11 =	simm.s32 $0xC800  }
0x69: {  	[tilespmem:s11], [sflag:$0x1] =	stream.linear.gather [hbm4b:s23+s1], $0x80, $0x38;
	[tilespmem:$0x1C400] =	vst v63  }
0x6a: {  	s13 =	sadd.s32 s2, s25;
	s24 =	sand.u32 $0x1FFFFFF0, s4;
	s0 =	spop (v2sf)  }
0x6b: {  	(v2sf) =	vpush v1, $0xC;
	[tilespmem:s12], [sflag:$0x1] =	stream.linear.gather [hbm4b:s13+s1], $0x80, $0x38;
	[tilespmem:$0x1C400] =	vst v63  }
0x6c: {  	s25 =	sadd.s32 s5, s25;
	s4 =	simm.s32 $0x4880;
	s28 =	sadd.s32 s3, s24  }
0x6d: {  	[tilespmem:s4], [sflag:$0x1] =	stream.linear.gather [hbm4b:s28+s1], $0x80, $0x38;
	[tilespmem:$0x1C400] =	vst v63  }
0x6e: {  	s24 =	sadd.s32 s6, s24;
	s23 =	sand.u32 $0x1FFFFFF0, s0;
	s11 =	simm.s32 $0x8880  }
0x6f: {  	[tilespmem:s11], [sflag:$0x1] =	stream.linear.gather [hbm4b:s25+s1], $0x80, $0x38;
	[tilespmem:$0x1C400] =	vst v63  }
0x70: {  	s0 =	sadd.s32 s2, s23;
	s12 =	spop (v2sf);
	s13 =	simm.s32 $0xC880  }
0x71: {  	(v2sf) =	vpush v0, $0xC;
	[tilespmem:s13], [sflag:$0x1] =	stream.linear.gather [hbm4b:s24+s1], $0x80, $0x38;
	[tilespmem:$0x1C400] =	vst v63  }
0x72: {  	s23 =	sadd.s32 s5, s23;
	s4 =	spop (v2sf);
	s24 =	sand.u32 $0x1FFFFFF0, s12  }
0x73: {  	(v2sf) =	vpush v1, $0xD;
	[tilespmem:s26], [sflag:$0x1] =	stream.linear.gather [hbm4b:s0+s1], $0x80, $0x38;
	[tilespmem:$0x1C400] =	vst v63  }
0x74: {  	s11 =	simm.s32 $0x4900;
	s25 =	sand.u32 $0x1FFFFFF0, s4;
	s28 =	sadd.s32 s3, s24  }
0x75: {  	[tilespmem:s11], [sflag:$0x1] =	stream.linear.gather [hbm4b:s28+s1], $0x80, $0x38;
	[tilespmem:$0x1C400] =	vst v63  }
0x76: {  	s4 =	simm.s32 $0x980;
	s12 =	simm.s32 $0x8900;
	s13 =	spop (v2sf)  }
0x77: {  	(v2sf) =	vpush v0, $0xD;
	[tilespmem:s12], [sflag:$0x1] =	stream.linear.gather [hbm4b:s23+s1], $0x80, $0x38;
	[tilespmem:$0x1C400] =	vst v63  }
0x78: {  	s24 =	sadd.s32 s6, s24;
	s0 =	simm.s32 $0xC900;
	s26 =	simm.s32 $0xA80  }
0x79: {  	[tilespmem:s0], [sflag:$0x1] =	stream.linear.gather [hbm4b:s24+s1], $0x80, $0x38;
	[tilespmem:$0x1C400] =	vst v63  }
0x7a: {  	s11 =	sadd.s32 s2, s25;
	s23 =	sand.u32 $0x1FFFFFF0, s13;
	s12 =	spop (v2sf)  }
0x7b: {  	(v2sf) =	vpush v1, $0xE;
	[tilespmem:s4], [sflag:$0x1] =	stream.linear.gather [hbm4b:s11+s1], $0x80, $0x38;
	[tilespmem:$0x1C400] =	vst v63  }
0x7c: {  	s25 =	sadd.s32 s5, s25;
	s13 =	simm.s32 $0x4980;
	s28 =	sadd.s32 s3, s23  }
0x7d: {  	[tilespmem:s13], [sflag:$0x1] =	stream.linear.gather [hbm4b:s28+s1], $0x80, $0x38;
	[tilespmem:$0x1C400] =	vst v63  }
0x7e: {  	s23 =	sadd.s32 s6, s23;
	s24 =	sand.u32 $0x1FFFFFF0, s12;
	s0 =	simm.s32 $0x8980  }
0x7f: {  	[tilespmem:s0], [sflag:$0x1] =	stream.linear.gather [hbm4b:s25+s1], $0x80, $0x38;
	[tilespmem:$0x1C400] =	vst v63  }
0x80: {  	s12 =	simm.s32 $0xA00;
	s4 =	spop (v2sf);
	s11 =	simm.s32 $0xC980  }
0x81: {  	(v2sf) =	vpush v0, $0xE;
	[tilespmem:s11], [sflag:$0x1] =	stream.linear.gather [hbm4b:s23+s1], $0x80, $0x38;
	[tilespmem:$0x1C400] =	vst v63  }
0x82: {  	s13 =	sadd.s32 s2, s24;
	s25 =	sand.u32 $0x1FFFFFF0, s4;
	s0 =	spop (v2sf)  }
0x83: {  	(v2sf) =	vpush v1, $0xF;
	[tilespmem:s12], [sflag:$0x1] =	stream.linear.gather [hbm4b:s13+s1], $0x80, $0x38;
	[tilespmem:$0x1C400] =	vst v63  }
0x84: {  	s24 =	sadd.s32 s5, s24;
	s4 =	simm.s32 $0x4A00;
	s28 =	sadd.s32 s3, s25  }
0x85: {  	[tilespmem:s4], [sflag:$0x1] =	stream.linear.gather [hbm4b:s28+s1], $0x80, $0x38;
	[tilespmem:$0x1C400] =	vst v63  }
0x86: {  	s23 =	sand.u32 $0x1FFFFFF0, s0;
	s11 =	simm.s32 $0x8A00;
	s12 =	spop (v2sf)  }
0x87: {  	(v2sf) =	vpush v0, $0xF;
	[tilespmem:s11], [sflag:$0x1] =	stream.linear.gather [hbm4b:s24+s1], $0x80, $0x38;
	[tilespmem:$0x1C400] =	vst v63  }
0x88: {  	s25 =	sadd.s32 s6, s25;
	s0 =	sadd.s32 s2, s23;
	s13 =	simm.s32 $0xCA00  }
0x89: {  	[tilespmem:s13], [sflag:$0x1] =	stream.linear.gather [hbm4b:s25+s1], $0x80, $0x38;
	[tilespmem:$0x1C400] =	vst v63  }
0x8a: {  	s23 =	sadd.s32 s5, s23;
	s4 =	spop (v2sf);
	s24 =	sand.u32 $0x1FFFFFF0, s12  }
0x8b: {  	[tilespmem:s26], [sflag:$0x1] =	stream.linear.gather [hbm4b:s0+s1], $0x80, $0x38;
	[tilespmem:$0x1C400] =	vst v63  }
0x8c: {  	s11 =	simm.s32 $0x4A80;
	s12 =	simm.s32 $0x8A80;
	s28 =	sadd.s32 s3, s24  }
0x8d: {  	[tilespmem:s11], [sflag:$0x1] =	stream.linear.gather [hbm4b:s28+s1], $0x80, $0x38;
	[tilespmem:$0x1C400] =	vst v63  }
0x8e: {  	s24 =	sadd.s32 s6, s24;
	s25 =	sand.u32 $0x1FFFFFF0, s4;
	s4 =	simm.s32 $0xB00  }
0x8f: {  	[tilespmem:s12], [sflag:$0x1] =	stream.linear.gather [hbm4b:s23+s1], $0x80, $0x38;
	[tilespmem:$0x1C400] =	vst v63  }
0x90: {  	s13 =	spop (v2sf);
	s0 =	simm.s32 $0xCA80;
	s11 =	sadd.s32 s2, s25  }
0x91: {  	[tilespmem:s0], [sflag:$0x1] =	stream.linear.gather [hbm4b:s24+s1], $0x80, $0x38;
	[tilespmem:$0x1C400] =	vst v63  }
0x92: {  	s25 =	sadd.s32 s5, s25;
	s23 =	sand.u32 $0x1FFFFFF0, s13;
	s12 =	spop (v2sf)  }
0x93: {  	[tilespmem:s4], [sflag:$0x1] =	stream.linear.gather [hbm4b:s11+s1], $0x80, $0x38;
	[tilespmem:$0x1C400] =	vst v63  }
0x94: {  	s13 =	simm.s32 $0x4B00;
	s28 =	sadd.s32 s3, s23;
	s26 =	sand.u32 $0x1FFFFFF0, s12  }
0x95: {  	[tilespmem:s13], [sflag:$0x1] =	stream.linear.gather [hbm4b:s28+s1], $0x80, $0x38;
	[tilespmem:$0x1C400] =	vst v63  }
0x96: {  	s23 =	sadd.s32 s6, s23;
	s0 =	simm.s32 $0x8B00;
	s4 =	spop (v2sf)  }
0x97: {  	[tilespmem:s0], [sflag:$0x1] =	stream.linear.gather [hbm4b:s25+s1], $0x80, $0x38;
	[tilespmem:$0x1C400] =	vst v63  }
0x98: {  	s12 =	simm.s32 $0xB80;
	s11 =	simm.s32 $0xCB00;
	s31 =	sand.u32 $0x1FFFFFF0, s4  }
0x99: {  	[tilespmem:s11], [sflag:$0x1] =	stream.linear.gather [hbm4b:s23+s1], $0x80, $0x38;
	[tilespmem:$0x1C400] =	vst v63  }
0x9a: {  	s30 =	sadd.s32 s5, s26;
	s13 =	sadd.s32 s2, s26;
	s24 =	sadd.s32 s3, s31  }
0x9b: {  	[tilespmem:s12], [sflag:$0x1] =	stream.linear.gather [hbm4b:s13+s1], $0x80, $0x38;
	[tilespmem:$0x1C400] =	vst v63  }
0x9c: {  	s28 =	simm.s32 $0x0;
	s26 =	smov.u32 s21;
	s25 =	simm.s32 $0x4B80  }
0x9d: {  	[tilespmem:s25], [sflag:$0x1] =	stream.linear.gather [hbm4b:s24+s1], $0x80, $0x38;
	[tilespmem:$0x1C400] =	vst v63  }
0x9e: {  	s23 =	sshll.u32 s22, $0x7;
	s24 =	simm.s32 $0x2000;
	s25 =	smov.u32 s20  }
.LBB2_3:
0x9f: {  	p0 =	sne.s32 s24, $0xE000  }
0xa0: {  	s25 =	sadd.s32 $0x10, s25;
	s26 =	sadd.s32 $0x10, s26;
	s0 =	smov.u32 s24  }
0xa1: {  	[tilespmem:s29], [sflag:$0x1] =	stream.linear.gather [hbm4b:s30+s1], $0x80, $0x38;
	[tilespmem:$0x1C400] =	vst v63  }
0xa2: {  	s24 =	sadd.s32 $0x2000, s24;
	s28 =	sadd.s32 $0xCB80, s28;
	s29 =	sadd.s32 s6, s31  }
0xa3: {  	[tilespmem:s28], [sflag:$0x1] =	stream.linear.gather [hbm4b:s29+s1], $0x80, $0x38;
	[tilespmem:$0x1C400] =	vst v63  }
0xa4: {  	v0 =	vld [tilespmem:s25+$0x0]  }
0xa5: {  	v1 =	vld [tilespmem:s26+$0x0];
	_ =	sdelay $0x3  }
0xa6: {  	v0 =	vshll.u32 v0, $0x2  }
0xa7: {  	v1 =	vshll.u32 v1, $0x2;
	(v2sf) =	vpush v0, $0x0  }
0xa8: {  	(v2sf) =	vpush v1, $0x0  }
0xa9: {  	(v2sf) =	vpush v1, $0x1;
	_ =	sdelay $0x2  }
0xaa: {  	(v2sf) =	vpush v0, $0x1;
	_ =	sdelay $0x1  }
0xab: {  	(v2sf) =	vpush v1, $0x2;
	_ =	sdelay $0x3  }
0xac: {  	(v2sf) =	vpush v0, $0x2;
	_ =	sdelay $0x2  }
0xad: {  	s28 =	sshra.s32 s0, $0x2  }
0xae: {  	s29 =	sadd.s32 $0x8B80, s28;
	s0 =	spop (v2sf);
	(v2sf) =	vpush v1, $0x3  }
0xaf: {  	s30 =	sadd.s32 $0x400, s28;
	s0 =	sand.u32 $0x1FFFFFF0, s0;
	s31 =	spop (v2sf)  }
0xb0: {  	s31 =	sand.u32 $0x1FFFFFF0, s31;
	s4 =	spop (v2sf)  }
0xb1: {  	s12 =	sadd.s32 $0x4400, s28;
	s11 =	sadd.s32 s2, s31;
	s4 =	sand.u32 $0x1FFFFFF0, s4  }
0xb2: {  	[tilespmem:s30], [sflag:$0x1] =	stream.linear.gather [hbm4b:s11+s1], $0x80, $0x38;
	(v2sf) =	vpush v0, $0x3;
	[tilespmem:$0x1C400] =	vst v63  }
0xb3: {  	s11 =	sadd.s32 s3, s0;
	s30 =	sadd.s32 $0x8400, s28;
	s13 =	spop (v2sf)  }
0xb4: {  	[tilespmem:s12], [sflag:$0x1] =	stream.linear.gather [hbm4b:s11+s1], $0x80, $0x38;
	[tilespmem:$0x1C400] =	vst v63  }
0xb5: {  	s11 =	sadd.s32 s5, s31;
	s12 =	sand.u32 $0x1FFFFFF0, s13;
	s13 =	spop (v2sf)  }
0xb6: {  	[tilespmem:s30], [sflag:$0x1] =	stream.linear.gather [hbm4b:s11+s1], $0x80, $0x38;
	(v2sf) =	vpush v1, $0x4;
	[tilespmem:$0x1C400] =	vst v63  }
0xb7: {  	s0 =	sadd.s32 s6, s0;
	s11 =	sadd.s32 $0xC400, s28;
	s13 =	sand.u32 $0x1FFFFFF0, s13  }
0xb8: {  	[tilespmem:s11], [sflag:$0x1] =	stream.linear.gather [hbm4b:s0+s1], $0x80, $0x38;
	[tilespmem:$0x1C400] =	vst v63  }
0xb9: {  	s0 =	sadd.s32 $0x480, s28;
	s11 =	sadd.s32 s2, s4;
	s30 =	spop (v2sf)  }
0xba: {  	[tilespmem:s0], [sflag:$0x1] =	stream.linear.gather [hbm4b:s11+s1], $0x80, $0x38;
	(v2sf) =	vpush v0, $0x4;
	[tilespmem:$0x1C400] =	vst v63  }
0xbb: {  	s0 =	sadd.s32 $0x4480, s28;
	s11 =	sadd.s32 s3, s12;
	s30 =	sand.u32 $0x1FFFFFF0, s30  }
0xbc: {  	[tilespmem:s0], [sflag:$0x1] =	stream.linear.gather [hbm4b:s11+s1], $0x80, $0x38;
	[tilespmem:$0x1C400] =	vst v63  }
0xbd: {  	s4 =	sadd.s32 s5, s4;
	s0 =	sadd.s32 $0x8480, s28;
	s11 =	spop (v2sf)  }
0xbe: {  	[tilespmem:s0], [sflag:$0x1] =	stream.linear.gather [hbm4b:s4+s1], $0x80, $0x38;
	(v2sf) =	vpush v1, $0x5;
	[tilespmem:$0x1C400] =	vst v63  }
0xbf: {  	s0 =	sadd.s32 $0xC480, s28;
	s4 =	sadd.s32 s6, s12;
	s11 =	sand.u32 $0x1FFFFFF0, s11  }
0xc0: {  	[tilespmem:s0], [sflag:$0x1] =	stream.linear.gather [hbm4b:s4+s1], $0x80, $0x38;
	[tilespmem:$0x1C400] =	vst v63  }
0xc1: {  	s0 =	sadd.s32 $0x500, s28;
	s4 =	sadd.s32 s2, s13;
	s12 =	spop (v2sf)  }
0xc2: {  	[tilespmem:s0], [sflag:$0x1] =	stream.linear.gather [hbm4b:s4+s1], $0x80, $0x38;
	(v2sf) =	vpush v0, $0x5;
	[tilespmem:$0x1C400] =	vst v63  }
0xc3: {  	s0 =	sadd.s32 $0x4500, s28;
	s4 =	sadd.s32 s3, s30;
	s12 =	sand.u32 $0x1FFFFFF0, s12  }
0xc4: {  	[tilespmem:s0], [sflag:$0x1] =	stream.linear.gather [hbm4b:s4+s1], $0x80, $0x38;
	[tilespmem:$0x1C400] =	vst v63  }
0xc5: {  	s0 =	sadd.s32 $0x8500, s28;
	s4 =	sadd.s32 s5, s13;
	s13 =	spop (v2sf)  }
0xc6: {  	[tilespmem:s0], [sflag:$0x1] =	stream.linear.gather [hbm4b:s4+s1], $0x80, $0x38;
	(v2sf) =	vpush v1, $0x6;
	[tilespmem:$0x1C400] =	vst v63  }
0xc7: {  	s0 =	sadd.s32 $0xC500, s28;
	s4 =	sadd.s32 s6, s30;
	s13 =	sand.u32 $0x1FFFFFF0, s13  }
0xc8: {  	[tilespmem:s0], [sflag:$0x1] =	stream.linear.gather [hbm4b:s4+s1], $0x80, $0x38;
	[tilespmem:$0x1C400] =	vst v63  }
0xc9: {  	s0 =	sadd.s32 $0x580, s28;
	s4 =	sadd.s32 s2, s11;
	s30 =	spop (v2sf)  }
0xca: {  	[tilespmem:s0], [sflag:$0x1] =	stream.linear.gather [hbm4b:s4+s1], $0x80, $0x38;
	(v2sf) =	vpush v0, $0x6;
	[tilespmem:$0x1C400] =	vst v63  }
0xcb: {  	s0 =	sadd.s32 $0x4580, s28;
	s4 =	sadd.s32 s3, s12;
	s30 =	sand.u32 $0x1FFFFFF0, s30  }
0xcc: {  	[tilespmem:s0], [sflag:$0x1] =	stream.linear.gather [hbm4b:s4+s1], $0x80, $0x38;
	[tilespmem:$0x1C400] =	vst v63  }
0xcd: {  	s0 =	sadd.s32 $0x8580, s28;
	s4 =	sadd.s32 s5, s11;
	s11 =	spop (v2sf)  }
0xce: {  	[tilespmem:s0], [sflag:$0x1] =	stream.linear.gather [hbm4b:s4+s1], $0x80, $0x38;
	(v2sf) =	vpush v1, $0x7;
	[tilespmem:$0x1C400] =	vst v63  }
0xcf: {  	s0 =	sadd.s32 $0xC580, s28;
	s4 =	sadd.s32 s6, s12;
	s11 =	sand.u32 $0x1FFFFFF0, s11  }
0xd0: {  	[tilespmem:s0], [sflag:$0x1] =	stream.linear.gather [hbm4b:s4+s1], $0x80, $0x38;
	[tilespmem:$0x1C400] =	vst v63  }
0xd1: {  	s0 =	sadd.s32 $0x600, s28;
	s4 =	sadd.s32 s2, s13;
	s12 =	spop (v2sf)  }
0xd2: {  	[tilespmem:s0], [sflag:$0x1] =	stream.linear.gather [hbm4b:s4+s1], $0x80, $0x38;
	(v2sf) =	vpush v0, $0x7;
	[tilespmem:$0x1C400] =	vst v63  }
0xd3: {  	s0 =	sadd.s32 $0x4600, s28;
	s4 =	sadd.s32 s3, s30;
	s12 =	sand.u32 $0x1FFFFFF0, s12  }
0xd4: {  	[tilespmem:s0], [sflag:$0x1] =	stream.linear.gather [hbm4b:s4+s1], $0x80, $0x38;
	[tilespmem:$0x1C400] =	vst v63  }
0xd5: {  	s0 =	sadd.s32 $0x8600, s28;
	s4 =	sadd.s32 s5, s13;
	s13 =	spop (v2sf)  }
0xd6: {  	[tilespmem:s0], [sflag:$0x1] =	stream.linear.gather [hbm4b:s4+s1], $0x80, $0x38;
	(v2sf) =	vpush v1, $0x8;
	[tilespmem:$0x1C400] =	vst v63  }
0xd7: {  	s0 =	sadd.s32 $0xC600, s28;
	s4 =	sadd.s32 s6, s30;
	s13 =	sand.u32 $0x1FFFFFF0, s13  }
0xd8: {  	[tilespmem:s0], [sflag:$0x1] =	stream.linear.gather [hbm4b:s4+s1], $0x80, $0x38;
	[tilespmem:$0x1C400] =	vst v63  }
0xd9: {  	s0 =	sadd.s32 $0x680, s28;
	s4 =	sadd.s32 s2, s11;
	s30 =	spop (v2sf)  }
0xda: {  	[tilespmem:s0], [sflag:$0x1] =	stream.linear.gather [hbm4b:s4+s1], $0x80, $0x38;
	(v2sf) =	vpush v0, $0x8;
	[tilespmem:$0x1C400] =	vst v63  }
0xdb: {  	s0 =	sadd.s32 $0x4680, s28;
	s4 =	sadd.s32 s3, s12;
	s30 =	sand.u32 $0x1FFFFFF0, s30  }
0xdc: {  	[tilespmem:s0], [sflag:$0x1] =	stream.linear.gather [hbm4b:s4+s1], $0x80, $0x38;
	[tilespmem:$0x1C400] =	vst v63  }
0xdd: {  	s0 =	sadd.s32 $0x8680, s28;
	s4 =	sadd.s32 s5, s11;
	s11 =	spop (v2sf)  }
0xde: {  	[tilespmem:s0], [sflag:$0x1] =	stream.linear.gather [hbm4b:s4+s1], $0x80, $0x38;
	(v2sf) =	vpush v1, $0x9;
	[tilespmem:$0x1C400] =	vst v63  }
0xdf: {  	s0 =	sadd.s32 $0xC680, s28;
	s4 =	sadd.s32 s6, s12;
	s11 =	sand.u32 $0x1FFFFFF0, s11  }
0xe0: {  	[tilespmem:s0], [sflag:$0x1] =	stream.linear.gather [hbm4b:s4+s1], $0x80, $0x38;
	[tilespmem:$0x1C400] =	vst v63  }
0xe1: {  	s0 =	sadd.s32 $0x700, s28;
	s4 =	sadd.s32 s2, s13;
	s12 =	spop (v2sf)  }
0xe2: {  	[tilespmem:s0], [sflag:$0x1] =	stream.linear.gather [hbm4b:s4+s1], $0x80, $0x38;
	(v2sf) =	vpush v0, $0x9;
	[tilespmem:$0x1C400] =	vst v63  }
0xe3: {  	s0 =	sadd.s32 $0x4700, s28;
	s4 =	sadd.s32 s3, s30;
	s12 =	sand.u32 $0x1FFFFFF0, s12  }
0xe4: {  	[tilespmem:s0], [sflag:$0x1] =	stream.linear.gather [hbm4b:s4+s1], $0x80, $0x38;
	(v2sf) =	vpush v1, $0xA;
	[tilespmem:$0x1C400] =	vst v63  }
0xe5: {  	s0 =	sadd.s32 $0x8700, s28;
	s4 =	sadd.s32 s5, s13;
	s13 =	spop (v2sf)  }
0xe6: {  	[tilespmem:s0], [sflag:$0x1] =	stream.linear.gather [hbm4b:s4+s1], $0x80, $0x38;
	[tilespmem:$0x1C400] =	vst v63  }
0xe7: {  	s0 =	sadd.s32 $0xC700, s28;
	s4 =	sadd.s32 s6, s30;
	s13 =	sand.u32 $0x1FFFFFF0, s13  }
0xe8: {  	[tilespmem:s0], [sflag:$0x1] =	stream.linear.gather [hbm4b:s4+s1], $0x80, $0x38;
	(v2sf) =	vpush v0, $0xA;
	[tilespmem:$0x1C400] =	vst v63  }
0xe9: {  	s0 =	sadd.s32 $0x780, s28;
	s4 =	sadd.s32 s2, s11;
	s30 =	spop (v2sf)  }
0xea: {  	[tilespmem:s0], [sflag:$0x1] =	stream.linear.gather [hbm4b:s4+s1], $0x80, $0x38;
	[tilespmem:$0x1C400] =	vst v63  }
0xeb: {  	s0 =	sadd.s32 $0x4780, s28;
	s4 =	sadd.s32 s3, s12;
	s30 =	sand.u32 $0x1FFFFFF0, s30  }
0xec: {  	[tilespmem:s0], [sflag:$0x1] =	stream.linear.gather [hbm4b:s4+s1], $0x80, $0x38;
	[tilespmem:$0x1C400] =	vst v63  }
0xed: {  	s0 =	sadd.s32 $0x8780, s28;
	s4 =	sadd.s32 s5, s11;
	s11 =	spop (v2sf)  }
0xee: {  	[tilespmem:s0], [sflag:$0x1] =	stream.linear.gather [hbm4b:s4+s1], $0x80, $0x38;
	(v2sf) =	vpush v1, $0xB;
	[tilespmem:$0x1C400] =	vst v63  }
0xef: {  	s0 =	sadd.s32 $0xC780, s28;
	s4 =	sadd.s32 s6, s12;
	s11 =	sand.u32 $0x1FFFFFF0, s11  }
0xf0: {  	[tilespmem:s0], [sflag:$0x1] =	stream.linear.gather [hbm4b:s4+s1], $0x80, $0x38;
	[tilespmem:$0x1C400] =	vst v63  }
0xf1: {  	s0 =	sadd.s32 $0x800, s28;
	s4 =	sadd.s32 s2, s13;
	s12 =	spop (v2sf)  }
0xf2: {  	[tilespmem:s0], [sflag:$0x1] =	stream.linear.gather [hbm4b:s4+s1], $0x80, $0x38;
	(v2sf) =	vpush v0, $0xB;
	[tilespmem:$0x1C400] =	vst v63  }
0xf3: {  	s0 =	sadd.s32 $0x4800, s28;
	s4 =	sadd.s32 s3, s30;
	s31 =	spop (v2sf)  }
0xf4: {  	[tilespmem:s0], [sflag:$0x1] =	stream.linear.gather [hbm4b:s4+s1], $0x80, $0x38;
	(v2sf) =	vpush v1, $0xC;
	[tilespmem:$0x1C400] =	vst v63  }
0xf5: {  	s0 =	sadd.s32 $0x8800, s28;
	s4 =	sadd.s32 s5, s13;
	s13 =	sand.u32 $0x1FFFFFF0, s31  }
0xf6: {  	[tilespmem:s0], [sflag:$0x1] =	stream.linear.gather [hbm4b:s4+s1], $0x80, $0x38;
	[tilespmem:$0x1C400] =	vst v63  }
0xf7: {  	s0 =	sadd.s32 $0xC800, s28;
	s4 =	sadd.s32 s6, s30;
	s30 =	spop (v2sf)  }
0xf8: {  	[tilespmem:s0], [sflag:$0x1] =	stream.linear.gather [hbm4b:s4+s1], $0x80, $0x38;
	(v2sf) =	vpush v0, $0xC;
	[tilespmem:$0x1C400] =	vst v63  }
0xf9: {  	s12 =	sand.u32 $0x1FFFFFF0, s12;
	s0 =	sadd.s32 $0x880, s28;
	s4 =	sadd.s32 s2, s11  }
0xfa: {  	[tilespmem:s0], [sflag:$0x1] =	stream.linear.gather [hbm4b:s4+s1], $0x80, $0x38;
	[tilespmem:$0x1C400] =	vst v63  }
0xfb: {  	s30 =	sand.u32 $0x1FFFFFF0, s30;
	s0 =	sadd.s32 $0x4880, s28;
	s4 =	sadd.s32 s3, s12  }
0xfc: {  	[tilespmem:s0], [sflag:$0x1] =	stream.linear.gather [hbm4b:s4+s1], $0x80, $0x38;
	(v2sf) =	vpush v1, $0xD;
	[tilespmem:$0x1C400] =	vst v63  }
0xfd: {  	s0 =	sadd.s32 $0x8880, s28;
	s4 =	sadd.s32 s5, s11;
	s11 =	spop (v2sf)  }
0xfe: {  	[tilespmem:s0], [sflag:$0x1] =	stream.linear.gather [hbm4b:s4+s1], $0x80, $0x38;
	[tilespmem:$0x1C400] =	vst v63  }
0xff: {  	s0 =	sadd.s32 $0xC880, s28;
	s4 =	sadd.s32 s6, s12;
	s11 =	sand.u32 $0x1FFFFFF0, s11  }
0x100: {  	[tilespmem:s0], [sflag:$0x1] =	stream.linear.gather [hbm4b:s4+s1], $0x80, $0x38;
	(v2sf) =	vpush v0, $0xD;
	[tilespmem:$0x1C400] =	vst v63  }
0x101: {  	s0 =	sadd.s32 $0x900, s28;
	s4 =	sadd.s32 s2, s13;
	s12 =	spop (v2sf)  }
0x102: {  	[tilespmem:s0], [sflag:$0x1] =	stream.linear.gather [hbm4b:s4+s1], $0x80, $0x38;
	[tilespmem:$0x1C400] =	vst v63  }
0x103: {  	s0 =	sadd.s32 $0x4900, s28;
	s4 =	sadd.s32 s3, s30;
	s31 =	spop (v2sf)  }
0x104: {  	[tilespmem:s0], [sflag:$0x1] =	stream.linear.gather [hbm4b:s4+s1], $0x80, $0x38;
	[tilespmem:$0x1C400] =	vst v63  }
0x105: {  	s0 =	sadd.s32 $0x8900, s28;
	s4 =	sadd.s32 s5, s13;
	s13 =	sand.u32 $0x1FFFFFF0, s31  }
0x106: {  	[tilespmem:s0], [sflag:$0x1] =	stream.linear.gather [hbm4b:s4+s1], $0x80, $0x38;
	(v2sf) =	vpush v1, $0xE;
	[tilespmem:$0x1C400] =	vst v63  }
0x107: {  	s0 =	sadd.s32 $0xC900, s28;
	s4 =	sadd.s32 s6, s30;
	s30 =	spop (v2sf)  }
0x108: {  	[tilespmem:s0], [sflag:$0x1] =	stream.linear.gather [hbm4b:s4+s1], $0x80, $0x38;
	[tilespmem:$0x1C400] =	vst v63  }
0x109: {  	s12 =	sand.u32 $0x1FFFFFF0, s12;
	s0 =	sadd.s32 $0x980, s28;
	s4 =	sadd.s32 s2, s11  }
0x10a: {  	[tilespmem:s0], [sflag:$0x1] =	stream.linear.gather [hbm4b:s4+s1], $0x80, $0x38;
	(v2sf) =	vpush v0, $0xE;
	[tilespmem:$0x1C400] =	vst v63  }
0x10b: {  	s0 =	sadd.s32 $0x4980, s28;
	s4 =	sadd.s32 s3, s12;
	s31 =	spop (v2sf)  }
0x10c: {  	[tilespmem:s0], [sflag:$0x1] =	stream.linear.gather [hbm4b:s4+s1], $0x80, $0x38;
	[tilespmem:$0x1C400] =	vst v63  }
0x10d: {  	s0 =	sadd.s32 $0x8980, s28;
	s4 =	sadd.s32 s5, s11;
	s11 =	sand.u32 $0x1FFFFFF0, s31  }
0x10e: {  	[tilespmem:s0], [sflag:$0x1] =	stream.linear.gather [hbm4b:s4+s1], $0x80, $0x38;
	(v2sf) =	vpush v1, $0xF;
	[tilespmem:$0x1C400] =	vst v63  }
0x10f: {  	s0 =	sadd.s32 $0xC980, s28;
	s4 =	sadd.s32 s6, s12;
	s12 =	spop (v2sf)  }
0x110: {  	[tilespmem:s0], [sflag:$0x1] =	stream.linear.gather [hbm4b:s4+s1], $0x80, $0x38;
	[tilespmem:$0x1C400] =	vst v63  }
0x111: {  	s30 =	sand.u32 $0x1FFFFFF0, s30;
	s0 =	sadd.s32 $0xA00, s28;
	s4 =	sadd.s32 s2, s13  }
0x112: {  	[tilespmem:s0], [sflag:$0x1] =	stream.linear.gather [hbm4b:s4+s1], $0x80, $0x38;
	(v2sf) =	vpush v0, $0xF;
	[tilespmem:$0x1C400] =	vst v63  }
0x113: {  	s12 =	sand.u32 $0x1FFFFFF0, s12;
	s0 =	sadd.s32 $0x4A00, s28;
	s4 =	sadd.s32 s3, s30  }
0x114: {  	[tilespmem:s0], [sflag:$0x1] =	stream.linear.gather [hbm4b:s4+s1], $0x80, $0x38;
	[tilespmem:$0x1C400] =	vst v63  }
0x115: {  	s0 =	sadd.s32 $0x8A00, s28;
	s4 =	sadd.s32 s5, s13;
	s13 =	spop (v2sf)  }
0x116: {  	[tilespmem:s0], [sflag:$0x1] =	stream.linear.gather [hbm4b:s4+s1], $0x80, $0x38;
	[tilespmem:$0x1C400] =	vst v63  }
0x117: {  	s0 =	sadd.s32 $0xCA00, s28;
	s4 =	sadd.s32 s6, s30;
	s13 =	sand.u32 $0x1FFFFFF0, s13  }
0x118: {  	[tilespmem:s0], [sflag:$0x1] =	stream.linear.gather [hbm4b:s4+s1], $0x80, $0x38;
	[tilespmem:$0x1C400] =	vst v63  }
0x119: {  	s0 =	sadd.s32 $0xA80, s28;
	s4 =	sadd.s32 s2, s11;
	s30 =	spop (v2sf)  }
0x11a: {  	[tilespmem:s0], [sflag:$0x1] =	stream.linear.gather [hbm4b:s4+s1], $0x80, $0x38;
	[tilespmem:$0x1C400] =	vst v63  }
0x11b: {  	s0 =	sadd.s32 $0x4A80, s28;
	s4 =	sadd.s32 s3, s12;
	s31 =	sand.u32 $0x1FFFFFF0, s30  }
0x11c: {  	[tilespmem:s0], [sflag:$0x1] =	stream.linear.gather [hbm4b:s4+s1], $0x80, $0x38;
	[tilespmem:$0x1C400] =	vst v63  }
0x11d: {  	s0 =	sadd.s32 $0x8A80, s28;
	s4 =	sadd.s32 s5, s11;
	s11 =	spop (v2sf)  }
0x11e: {  	[tilespmem:s0], [sflag:$0x1] =	stream.linear.gather [hbm4b:s4+s1], $0x80, $0x38;
	[tilespmem:$0x1C400] =	vst v63  }
0x11f: {  	s0 =	sadd.s32 $0xCA80, s28;
	s4 =	sadd.s32 s6, s12;
	s11 =	sand.u32 $0x1FFFFFF0, s11  }
0x120: {  	[tilespmem:s0], [sflag:$0x1] =	stream.linear.gather [hbm4b:s4+s1], $0x80, $0x38;
	[tilespmem:$0x1C400] =	vst v63  }
0x121: {  	s0 =	sadd.s32 $0xB00, s28;
	s4 =	sadd.s32 s2, s13;
	s12 =	spop (v2sf)  }
0x122: {  	[tilespmem:s0], [sflag:$0x1] =	stream.linear.gather [hbm4b:s4+s1], $0x80, $0x38;
	[tilespmem:$0x1C400] =	vst v63  }
0x123: {  	s30 =	sadd.s32 s5, s11;
	s0 =	sadd.s32 $0x4B00, s28;
	s4 =	sadd.s32 s3, s31  }
0x124: {  	[tilespmem:s0], [sflag:$0x1] =	stream.linear.gather [hbm4b:s4+s1], $0x80, $0x38;
	[tilespmem:$0x1C400] =	vst v63  }
0x125: {  	s0 =	sadd.s32 $0x8B00, s28;
	s4 =	sadd.s32 s5, s13  }
0x126: {  	[tilespmem:s0], [sflag:$0x1] =	stream.linear.gather [hbm4b:s4+s1], $0x80, $0x38;
	[tilespmem:$0x1C400] =	vst v63  }
0x127: {  	s0 =	sadd.s32 $0xCB00, s28;
	s4 =	sadd.s32 s6, s31  }
0x128: {  	[tilespmem:s0], [sflag:$0x1] =	stream.linear.gather [hbm4b:s4+s1], $0x80, $0x38;
	[tilespmem:$0x1C400] =	vst v63  }
.Ltmp0:
0x129: {  	_ = 	snop;
	(pc) =	sbr.rel @p0 .LBB2_3-.Ltmp0, $4  }
0x12a: {  	s31 =	sand.u32 $0x1FFFFFF0, s12;
	s0 =	sadd.s32 $0xB80, s28;
	s4 =	sadd.s32 s2, s11  }
0x12b: {  	[tilespmem:s0], [sflag:$0x1] =	stream.linear.gather [hbm4b:s4+s1], $0x80, $0x38;
	[tilespmem:$0x1C400] =	vst v63  }
0x12c: {  	s0 =	sadd.s32 $0x4B80, s28;
	s4 =	sadd.s32 s3, s31  }
0x12d: {  	[tilespmem:s0], [sflag:$0x1] =	stream.linear.gather [hbm4b:s4+s1], $0x80, $0x38;
	[tilespmem:$0x1C400] =	vst v63  }
0x12e: {  	[tilespmem:s29], [sflag:$0x1] =	stream.linear.gather [hbm4b:s30+s1], $0x80, $0x38;
	[tilespmem:$0x1C400] =	vst v63  }
0x12f: {  	s0 =	sadd.s32 $0xCB80, s28;
	s4 =	sadd.s32 s6, s31  }
0x130: {  	[tilespmem:s0], [sflag:$0x1] =	stream.linear.gather [hbm4b:s4+s1], $0x80, $0x38;
	[tilespmem:$0x1C400] =	vst v63  }
0x131: {  	_ =	swait.ge [sflag:s15], $0x4000  }
0x132: {  	[sflag:s15] =	ssyncset.done $0x0  }
0x133: {  	[sflag:s15] =	ssyncadd.s32 $0xFFFFC000  }
0x134: {  	_ =	swait.ge [sflag:s15], $0x4000  }
0x135: {  	[sflag:s15] =	ssyncset.done $0x0  }
0x136: {  	[sflag:s15] =	ssyncadd.s32 $0xFFFFC000  }
0x137: {  	_ =	swait.ge [sflag:s15], $0x4000  }
0x138: {  	[sflag:s15] =	ssyncset.done $0x0  }
0x139: {  	v0 =	vmov s23;
	[sflag:s15] =	ssyncadd.s32 $0xFFFFC000  }
0x13a: {  	_ =	swait.ge [sflag:s15], $0x4000  }
0x13b: {  	[sflag:s15] =	ssyncset.done $0x0  }
0x13c: {  	s24 =	simm.s32 $0x0;
	[sflag:s15] =	ssyncadd.s32 $0xFFFFC000  }
.LBB2_5:
0x13d: {  	s0 =	sshll.u32 s24, $0x4  }
0x13e: {  	v1 =	vld.idx.msk [tilespmem:v0+s0+$0x0 ss:$0x1], $0xffff  }
0x13f: {  	v2 =	vld.idx.msk [tilespmem:v0+s0+$0x200 ss:$0x1], $0xffff;
	_ =	sdelay $0x3  }
0x140: {  	v1 =	vshll.u32 v1, $0x5  }
0x141: {  	v2 =	vshll.u32 v2, $0x5;
	(v2sf) =	vpush v1, $0x0  }
0x142: {  	(v2sf) =	vpush v2, $0x0;
	_ =	sdelay $0xd  }
0x143: {  	s29 =	spop (v2sf)  }
0x144: {  	s25 =	sshll.u32 s24, $0xB;
	s0 =	sand.u32 $0x60, s29;
	s4 =	spop (v2sf)  }
0x145: {  	s4 =	sand.u32 $0x60, s4;
	s0 =	sor.u32 s25, s0  }
0x146: {  	v3 =	vld [tilespmem:s0+$0x400];
	s4 =	sor.u32 s25, s4  }
0x147: {  	v4 =	vld [tilespmem:s4+$0x4400];
	_ =	sdelay $0x4  }
0x148: {  	v3 =	vmul.f32 v4, v3;
	_ =	sdelay $0x1  }
0x149: {  	[tilespmem:s25+$0x10400] =	vst v3  }
0x14a: {  	v3 =	vld [tilespmem:s0+$0x8400];
	_ =	sdelay $0x4  }
0x14b: {  	[tilespmem:s25+$0x14400] =	vst v3  }
0x14c: {  	v3 =	vld [tilespmem:s4+$0xC400];
	_ =	sdelay $0x4  }
0x14d: {  	[tilespmem:s25+$0x18400] =	vst v3  }
0x14e: {  	v3 =	vld [tilespmem:s0+$0x410]  }
0x14f: {  	v35 =	vld [tilespmem:s4+$0x4410];
	_ =	sdelay $0x1  }
0x150: {  	(v2sf) =	vpush v1, $0x1  }
0x151: {  	(v2sf) =	vpush v2, $0x1;
	_ =	sdelay $0x1  }
0x152: {  	v3 =	vmul.f32 v35, v3;
	_ =	sdelay $0x1  }
0x153: {  	[tilespmem:s25+$0x10410] =	vst v3  }
0x154: {  	v3 =	vld [tilespmem:s0+$0x8410];
	_ =	sdelay $0x4  }
0x155: {  	[tilespmem:s25+$0x14410] =	vst v3  }
0x156: {  	v3 =	vld [tilespmem:s4+$0xC410];
	_ =	sdelay $0x2  }
0x157: {  	s30 =	spop (v2sf)  }
0x158: {  	s11 =	sor.u32 $0x80, s25;
	s31 =	spop (v2sf);
	s0 =	sand.u32 $0x60, s30  }
0x159: {  	s12 =	sor.u32 s11, s0;
	s4 =	sand.u32 $0x60, s31;
	[tilespmem:s25+$0x18410] =	vst v3  }
0x15a: {  	s11 =	sor.u32 s11, s4;
	v3 =	vld [tilespmem:s12+$0x400]  }
0x15b: {  	v36 =	vld [tilespmem:s11+$0x4400];
	_ =	sdelay $0x4  }
0x15c: {  	v3 =	vmul.f32 v36, v3;
	_ =	sdelay $0x1  }
0x15d: {  	[tilespmem:s25+$0x10480] =	vst v3  }
0x15e: {  	v3 =	vld [tilespmem:s12+$0x8400];
	_ =	sdelay $0x4  }
0x15f: {  	[tilespmem:s25+$0x14480] =	vst v3  }
0x160: {  	v3 =	vld [tilespmem:s11+$0xC400];
	_ =	sdelay $0x4  }
0x161: {  	s0 =	sor.u32 s0, s25;
	[tilespmem:s25+$0x18480] =	vst v3  }
0x162: {  	s4 =	sor.u32 s4, s25;
	v3 =	vld [tilespmem:s0+$0x490]  }
0x163: {  	v37 =	vld [tilespmem:s4+$0x4490];
	_ =	sdelay $0x1  }
0x164: {  	(v2sf) =	vpush v1, $0x2  }
0x165: {  	(v2sf) =	vpush v2, $0x2;
	_ =	sdelay $0x1  }
0x166: {  	v3 =	vmul.f32 v37, v3;
	_ =	sdelay $0x1  }
0x167: {  	[tilespmem:s25+$0x10490] =	vst v3  }
0x168: {  	v3 =	vld [tilespmem:s0+$0x8490];
	_ =	sdelay $0x4  }
0x169: {  	[tilespmem:s25+$0x14490] =	vst v3  }
0x16a: {  	v3 =	vld [tilespmem:s4+$0xC490];
	_ =	sdelay $0x2  }
0x16b: {  	s11 =	spop (v2sf)  }
0x16c: {  	s13 =	sor.u32 $0x100, s25;
	s12 =	spop (v2sf);
	s0 =	sand.u32 $0x60, s11  }
0x16d: {  	s26 =	sor.u32 s13, s0;
	s4 =	sand.u32 $0x60, s12;
	[tilespmem:s25+$0x18490] =	vst v3  }
0x16e: {  	s11 =	sor.u32 s13, s4;
	v3 =	vld [tilespmem:s26+$0x400]  }
0x16f: {  	v38 =	vld [tilespmem:s11+$0x4400];
	_ =	sdelay $0x4  }
0x170: {  	v3 =	vmul.f32 v38, v3;
	_ =	sdelay $0x1  }
0x171: {  	[tilespmem:s25+$0x10500] =	vst v3  }
0x172: {  	v3 =	vld [tilespmem:s26+$0x8400];
	_ =	sdelay $0x4  }
0x173: {  	[tilespmem:s25+$0x14500] =	vst v3  }
0x174: {  	v3 =	vld [tilespmem:s11+$0xC400];
	_ =	sdelay $0x4  }
0x175: {  	s0 =	sor.u32 s0, s25;
	[tilespmem:s25+$0x18500] =	vst v3  }
0x176: {  	s4 =	sor.u32 s4, s25;
	v3 =	vld [tilespmem:s0+$0x510]  }
0x177: {  	v39 =	vld [tilespmem:s4+$0x4510];
	_ =	sdelay $0x1  }
0x178: {  	(v2sf) =	vpush v1, $0x3  }
0x179: {  	(v2sf) =	vpush v2, $0x3;
	_ =	sdelay $0x1  }
0x17a: {  	v3 =	vmul.f32 v39, v3;
	_ =	sdelay $0x1  }
0x17b: {  	[tilespmem:s25+$0x10510] =	vst v3  }
0x17c: {  	v3 =	vld [tilespmem:s0+$0x8510];
	_ =	sdelay $0x4  }
0x17d: {  	[tilespmem:s25+$0x14510] =	vst v3  }
0x17e: {  	v3 =	vld [tilespmem:s4+$0xC510];
	_ =	sdelay $0x2  }
0x17f: {  	s28 =	spop (v2sf)  }
0x180: {  	s30 =	sor.u32 $0x180, s25;
	s29 =	spop (v2sf);
	s0 =	sand.u32 $0x60, s28  }
0x181: {  	s31 =	sor.u32 s30, s0;
	s4 =	sand.u32 $0x60, s29;
	[tilespmem:s25+$0x18510] =	vst v3  }
0x182: {  	s11 =	sor.u32 s30, s4;
	v3 =	vld [tilespmem:s31+$0x400]  }
0x183: {  	v40 =	vld [tilespmem:s11+$0x4400];
	_ =	sdelay $0x4  }
0x184: {  	v3 =	vmul.f32 v40, v3;
	_ =	sdelay $0x1  }
0x185: {  	[tilespmem:s25+$0x10580] =	vst v3  }
0x186: {  	v3 =	vld [tilespmem:s31+$0x8400];
	_ =	sdelay $0x4  }
0x187: {  	[tilespmem:s25+$0x14580] =	vst v3  }
0x188: {  	v3 =	vld [tilespmem:s11+$0xC400];
	_ =	sdelay $0x4  }
0x189: {  	s0 =	sor.u32 s0, s25;
	[tilespmem:s25+$0x18580] =	vst v3  }
0x18a: {  	s4 =	sor.u32 s4, s25;
	v3 =	vld [tilespmem:s0+$0x590]  }
0x18b: {  	v41 =	vld [tilespmem:s4+$0x4590];
	_ =	sdelay $0x1  }
0x18c: {  	(v2sf) =	vpush v1, $0x4  }
0x18d: {  	(v2sf) =	vpush v2, $0x4;
	_ =	sdelay $0x1  }
0x18e: {  	v3 =	vmul.f32 v41, v3;
	_ =	sdelay $0x1  }
0x18f: {  	[tilespmem:s25+$0x10590] =	vst v3  }
0x190: {  	v3 =	vld [tilespmem:s0+$0x8590];
	_ =	sdelay $0x4  }
0x191: {  	[tilespmem:s25+$0x14590] =	vst v3  }
0x192: {  	v3 =	vld [tilespmem:s4+$0xC590];
	_ =	sdelay $0x2  }
0x193: {  	s11 =	spop (v2sf)  }
0x194: {  	s13 =	sor.u32 $0x200, s25;
	s12 =	spop (v2sf);
	s0 =	sand.u32 $0x60, s11  }
0x195: {  	s26 =	sor.u32 s13, s0;
	s4 =	sand.u32 $0x60, s12;
	[tilespmem:s25+$0x18590] =	vst v3  }
0x196: {  	s11 =	sor.u32 s13, s4;
	v3 =	vld [tilespmem:s26+$0x400]  }
0x197: {  	v42 =	vld [tilespmem:s11+$0x4400];
	_ =	sdelay $0x4  }
0x198: {  	v3 =	vmul.f32 v42, v3;
	_ =	sdelay $0x1  }
0x199: {  	[tilespmem:s25+$0x10600] =	vst v3  }
0x19a: {  	v3 =	vld [tilespmem:s26+$0x8400];
	_ =	sdelay $0x4  }
0x19b: {  	[tilespmem:s25+$0x14600] =	vst v3  }
0x19c: {  	v3 =	vld [tilespmem:s11+$0xC400];
	_ =	sdelay $0x4  }
0x19d: {  	s0 =	sor.u32 s0, s25;
	[tilespmem:s25+$0x18600] =	vst v3  }
0x19e: {  	s4 =	sor.u32 s4, s25;
	v3 =	vld [tilespmem:s0+$0x610]  }
0x19f: {  	v43 =	vld [tilespmem:s4+$0x4610];
	_ =	sdelay $0x1  }
0x1a0: {  	(v2sf) =	vpush v1, $0x5  }
0x1a1: {  	(v2sf) =	vpush v2, $0x5;
	_ =	sdelay $0x1  }
0x1a2: {  	v3 =	vmul.f32 v43, v3;
	_ =	sdelay $0x1  }
0x1a3: {  	[tilespmem:s25+$0x10610] =	vst v3  }
0x1a4: {  	v3 =	vld [tilespmem:s0+$0x8610];
	_ =	sdelay $0x4  }
0x1a5: {  	[tilespmem:s25+$0x14610] =	vst v3  }
0x1a6: {  	v3 =	vld [tilespmem:s4+$0xC610];
	_ =	sdelay $0x2  }
0x1a7: {  	s28 =	spop (v2sf)  }
0x1a8: {  	s30 =	sor.u32 $0x280, s25;
	s29 =	spop (v2sf);
	s0 =	sand.u32 $0x60, s28  }
0x1a9: {  	s31 =	sor.u32 s30, s0;
	s4 =	sand.u32 $0x60, s29;
	[tilespmem:s25+$0x18610] =	vst v3  }
0x1aa: {  	s11 =	sor.u32 s30, s4;
	v3 =	vld [tilespmem:s31+$0x400]  }
0x1ab: {  	v44 =	vld [tilespmem:s11+$0x4400];
	_ =	sdelay $0x4  }
0x1ac: {  	v3 =	vmul.f32 v44, v3;
	_ =	sdelay $0x1  }
0x1ad: {  	[tilespmem:s25+$0x10680] =	vst v3  }
0x1ae: {  	v3 =	vld [tilespmem:s31+$0x8400];
	_ =	sdelay $0x4  }
0x1af: {  	[tilespmem:s25+$0x14680] =	vst v3  }
0x1b0: {  	v3 =	vld [tilespmem:s11+$0xC400];
	_ =	sdelay $0x4  }
0x1b1: {  	s0 =	sor.u32 s0, s25;
	[tilespmem:s25+$0x18680] =	vst v3  }
0x1b2: {  	s4 =	sor.u32 s4, s25;
	v3 =	vld [tilespmem:s0+$0x690]  }
0x1b3: {  	v45 =	vld [tilespmem:s4+$0x4690];
	_ =	sdelay $0x1  }
0x1b4: {  	(v2sf) =	vpush v1, $0x6  }
0x1b5: {  	(v2sf) =	vpush v2, $0x6;
	_ =	sdelay $0x1  }
0x1b6: {  	v3 =	vmul.f32 v45, v3;
	_ =	sdelay $0x1  }
0x1b7: {  	[tilespmem:s25+$0x10690] =	vst v3  }
0x1b8: {  	v3 =	vld [tilespmem:s0+$0x8690];
	_ =	sdelay $0x4  }
0x1b9: {  	[tilespmem:s25+$0x14690] =	vst v3  }
0x1ba: {  	v3 =	vld [tilespmem:s4+$0xC690];
	_ =	sdelay $0x2  }
0x1bb: {  	s11 =	spop (v2sf)  }
0x1bc: {  	s13 =	sor.u32 $0x300, s25;
	s12 =	spop (v2sf);
	s0 =	sand.u32 $0x60, s11  }
0x1bd: {  	s26 =	sor.u32 s13, s0;
	s4 =	sand.u32 $0x60, s12;
	[tilespmem:s25+$0x18690] =	vst v3  }
0x1be: {  	s11 =	sor.u32 s13, s4;
	v3 =	vld [tilespmem:s26+$0x400]  }
0x1bf: {  	v46 =	vld [tilespmem:s11+$0x4400];
	_ =	sdelay $0x4  }
0x1c0: {  	v3 =	vmul.f32 v46, v3;
	_ =	sdelay $0x1  }
0x1c1: {  	[tilespmem:s25+$0x10700] =	vst v3  }
0x1c2: {  	v3 =	vld [tilespmem:s26+$0x8400];
	_ =	sdelay $0x4  }
0x1c3: {  	[tilespmem:s25+$0x14700] =	vst v3  }
0x1c4: {  	v3 =	vld [tilespmem:s11+$0xC400];
	_ =	sdelay $0x4  }
0x1c5: {  	s0 =	sor.u32 s0, s25;
	[tilespmem:s25+$0x18700] =	vst v3  }
0x1c6: {  	s4 =	sor.u32 s4, s25;
	v3 =	vld [tilespmem:s0+$0x710]  }
0x1c7: {  	v47 =	vld [tilespmem:s4+$0x4710];
	_ =	sdelay $0x1  }
0x1c8: {  	(v2sf) =	vpush v1, $0x7  }
0x1c9: {  	(v2sf) =	vpush v2, $0x7;
	_ =	sdelay $0x1  }
0x1ca: {  	v3 =	vmul.f32 v47, v3;
	_ =	sdelay $0x1  }
0x1cb: {  	[tilespmem:s25+$0x10710] =	vst v3  }
0x1cc: {  	v3 =	vld [tilespmem:s0+$0x8710];
	_ =	sdelay $0x4  }
0x1cd: {  	[tilespmem:s25+$0x14710] =	vst v3  }
0x1ce: {  	v3 =	vld [tilespmem:s4+$0xC710];
	_ =	sdelay $0x2  }
0x1cf: {  	s28 =	spop (v2sf)  }
0x1d0: {  	s30 =	sor.u32 $0x380, s25;
	s29 =	spop (v2sf);
	s0 =	sand.u32 $0x60, s28  }
0x1d1: {  	s31 =	sor.u32 s30, s0;
	s4 =	sand.u32 $0x60, s29;
	[tilespmem:s25+$0x18710] =	vst v3  }
0x1d2: {  	s11 =	sor.u32 s30, s4;
	v3 =	vld [tilespmem:s31+$0x400]  }
0x1d3: {  	v48 =	vld [tilespmem:s11+$0x4400];
	_ =	sdelay $0x4  }
0x1d4: {  	v3 =	vmul.f32 v48, v3;
	_ =	sdelay $0x1  }
0x1d5: {  	[tilespmem:s25+$0x10780] =	vst v3  }
0x1d6: {  	v3 =	vld [tilespmem:s31+$0x8400];
	_ =	sdelay $0x4  }
0x1d7: {  	[tilespmem:s25+$0x14780] =	vst v3  }
0x1d8: {  	v3 =	vld [tilespmem:s11+$0xC400];
	_ =	sdelay $0x4  }
0x1d9: {  	s0 =	sor.u32 s0, s25;
	[tilespmem:s25+$0x18780] =	vst v3  }
0x1da: {  	s4 =	sor.u32 s4, s25;
	v3 =	vld [tilespmem:s0+$0x790]  }
0x1db: {  	v49 =	vld [tilespmem:s4+$0x4790];
	_ =	sdelay $0x1  }
0x1dc: {  	(v2sf) =	vpush v1, $0x8  }
0x1dd: {  	(v2sf) =	vpush v2, $0x8;
	_ =	sdelay $0x1  }
0x1de: {  	v3 =	vmul.f32 v49, v3;
	_ =	sdelay $0x1  }
0x1df: {  	[tilespmem:s25+$0x10790] =	vst v3  }
0x1e0: {  	v3 =	vld [tilespmem:s0+$0x8790];
	_ =	sdelay $0x4  }
0x1e1: {  	[tilespmem:s25+$0x14790] =	vst v3  }
0x1e2: {  	v3 =	vld [tilespmem:s4+$0xC790];
	_ =	sdelay $0x2  }
0x1e3: {  	s11 =	spop (v2sf)  }
0x1e4: {  	s13 =	sor.u32 $0x400, s25;
	s12 =	spop (v2sf);
	s0 =	sand.u32 $0x60, s11  }
0x1e5: {  	s26 =	sor.u32 s13, s0;
	s4 =	sand.u32 $0x60, s12;
	[tilespmem:s25+$0x18790] =	vst v3  }
0x1e6: {  	s11 =	sor.u32 s13, s4;
	v3 =	vld [tilespmem:s26+$0x400]  }
0x1e7: {  	v50 =	vld [tilespmem:s11+$0x4400];
	_ =	sdelay $0x4  }
0x1e8: {  	v3 =	vmul.f32 v50, v3;
	_ =	sdelay $0x1  }
0x1e9: {  	[tilespmem:s25+$0x10800] =	vst v3  }
0x1ea: {  	v3 =	vld [tilespmem:s26+$0x8400];
	_ =	sdelay $0x4  }
0x1eb: {  	[tilespmem:s25+$0x14800] =	vst v3  }
0x1ec: {  	v3 =	vld [tilespmem:s11+$0xC400];
	_ =	sdelay $0x4  }
0x1ed: {  	s0 =	sor.u32 s0, s25;
	[tilespmem:s25+$0x18800] =	vst v3  }
0x1ee: {  	s4 =	sor.u32 s4, s25;
	v3 =	vld [tilespmem:s0+$0x810]  }
0x1ef: {  	v51 =	vld [tilespmem:s4+$0x4810];
	_ =	sdelay $0x1  }
0x1f0: {  	(v2sf) =	vpush v1, $0x9  }
0x1f1: {  	(v2sf) =	vpush v2, $0x9;
	_ =	sdelay $0x1  }
0x1f2: {  	v3 =	vmul.f32 v51, v3;
	_ =	sdelay $0x1  }
0x1f3: {  	[tilespmem:s25+$0x10810] =	vst v3  }
0x1f4: {  	v3 =	vld [tilespmem:s0+$0x8810];
	_ =	sdelay $0x4  }
0x1f5: {  	[tilespmem:s25+$0x14810] =	vst v3  }
0x1f6: {  	v3 =	vld [tilespmem:s4+$0xC810];
	_ =	sdelay $0x2  }
0x1f7: {  	s28 =	spop (v2sf)  }
0x1f8: {  	s30 =	sor.u32 $0x480, s25;
	s29 =	spop (v2sf);
	s0 =	sand.u32 $0x60, s28  }
0x1f9: {  	s31 =	sor.u32 s30, s0;
	s4 =	sand.u32 $0x60, s29;
	[tilespmem:s25+$0x18810] =	vst v3  }
0x1fa: {  	s11 =	sor.u32 s30, s4;
	v3 =	vld [tilespmem:s31+$0x400]  }
0x1fb: {  	v52 =	vld [tilespmem:s11+$0x4400];
	_ =	sdelay $0x4  }
0x1fc: {  	v3 =	vmul.f32 v52, v3;
	_ =	sdelay $0x1  }
0x1fd: {  	[tilespmem:s25+$0x10880] =	vst v3  }
0x1fe: {  	v3 =	vld [tilespmem:s31+$0x8400];
	_ =	sdelay $0x4  }
0x1ff: {  	[tilespmem:s25+$0x14880] =	vst v3  }
0x200: {  	v3 =	vld [tilespmem:s11+$0xC400];
	_ =	sdelay $0x4  }
0x201: {  	s0 =	sor.u32 s0, s25;
	[tilespmem:s25+$0x18880] =	vst v3  }
0x202: {  	s4 =	sor.u32 s4, s25;
	v3 =	vld [tilespmem:s0+$0x890]  }
0x203: {  	v53 =	vld [tilespmem:s4+$0x4890];
	_ =	sdelay $0x1  }
0x204: {  	(v2sf) =	vpush v1, $0xA  }
0x205: {  	(v2sf) =	vpush v2, $0xA;
	_ =	sdelay $0x1  }
0x206: {  	v3 =	vmul.f32 v53, v3;
	_ =	sdelay $0x1  }
0x207: {  	[tilespmem:s25+$0x10890] =	vst v3  }
0x208: {  	v3 =	vld [tilespmem:s0+$0x8890];
	_ =	sdelay $0x4  }
0x209: {  	[tilespmem:s25+$0x14890] =	vst v3  }
0x20a: {  	v3 =	vld [tilespmem:s4+$0xC890];
	_ =	sdelay $0x2  }
0x20b: {  	s11 =	spop (v2sf)  }
0x20c: {  	s13 =	sor.u32 $0x500, s25;
	s12 =	spop (v2sf);
	s0 =	sand.u32 $0x60, s11  }
0x20d: {  	s26 =	sor.u32 s13, s0;
	s4 =	sand.u32 $0x60, s12;
	[tilespmem:s25+$0x18890] =	vst v3  }
0x20e: {  	s11 =	sor.u32 s13, s4;
	v3 =	vld [tilespmem:s26+$0x400]  }
0x20f: {  	v54 =	vld [tilespmem:s11+$0x4400];
	_ =	sdelay $0x4  }
0x210: {  	v3 =	vmul.f32 v54, v3;
	_ =	sdelay $0x1  }
0x211: {  	[tilespmem:s25+$0x10900] =	vst v3  }
0x212: {  	v3 =	vld [tilespmem:s26+$0x8400];
	_ =	sdelay $0x4  }
0x213: {  	[tilespmem:s25+$0x14900] =	vst v3  }
0x214: {  	v3 =	vld [tilespmem:s11+$0xC400];
	_ =	sdelay $0x4  }
0x215: {  	s0 =	sor.u32 s0, s25;
	[tilespmem:s25+$0x18900] =	vst v3  }
0x216: {  	s4 =	sor.u32 s4, s25;
	v3 =	vld [tilespmem:s0+$0x910]  }
0x217: {  	v55 =	vld [tilespmem:s4+$0x4910];
	_ =	sdelay $0x1  }
0x218: {  	(v2sf) =	vpush v1, $0xB  }
0x219: {  	(v2sf) =	vpush v2, $0xB;
	_ =	sdelay $0x1  }
0x21a: {  	v3 =	vmul.f32 v55, v3;
	_ =	sdelay $0x1  }
0x21b: {  	[tilespmem:s25+$0x10910] =	vst v3  }
0x21c: {  	v3 =	vld [tilespmem:s0+$0x8910];
	_ =	sdelay $0x4  }
0x21d: {  	[tilespmem:s25+$0x14910] =	vst v3  }
0x21e: {  	v3 =	vld [tilespmem:s4+$0xC910];
	_ =	sdelay $0x2  }
0x21f: {  	s28 =	spop (v2sf)  }
0x220: {  	s30 =	sor.u32 $0x580, s25;
	s29 =	spop (v2sf);
	s0 =	sand.u32 $0x60, s28  }
0x221: {  	s31 =	sor.u32 s30, s0;
	s4 =	sand.u32 $0x60, s29;
	[tilespmem:s25+$0x18910] =	vst v3  }
0x222: {  	s11 =	sor.u32 s30, s4;
	v3 =	vld [tilespmem:s31+$0x400]  }
0x223: {  	v56 =	vld [tilespmem:s11+$0x4400];
	_ =	sdelay $0x4  }
0x224: {  	v3 =	vmul.f32 v56, v3;
	_ =	sdelay $0x1  }
0x225: {  	[tilespmem:s25+$0x10980] =	vst v3  }
0x226: {  	v3 =	vld [tilespmem:s31+$0x8400];
	_ =	sdelay $0x4  }
0x227: {  	[tilespmem:s25+$0x14980] =	vst v3  }
0x228: {  	v3 =	vld [tilespmem:s11+$0xC400];
	_ =	sdelay $0x4  }
0x229: {  	s0 =	sor.u32 s0, s25;
	[tilespmem:s25+$0x18980] =	vst v3  }
0x22a: {  	s4 =	sor.u32 s4, s25;
	v3 =	vld [tilespmem:s0+$0x990]  }
0x22b: {  	v57 =	vld [tilespmem:s4+$0x4990];
	_ =	sdelay $0x1  }
0x22c: {  	(v2sf) =	vpush v1, $0xC  }
0x22d: {  	(v2sf) =	vpush v2, $0xC;
	_ =	sdelay $0x1  }
0x22e: {  	v3 =	vmul.f32 v57, v3;
	_ =	sdelay $0x1  }
0x22f: {  	[tilespmem:s25+$0x10990] =	vst v3  }
0x230: {  	v3 =	vld [tilespmem:s0+$0x8990];
	_ =	sdelay $0x4  }
0x231: {  	[tilespmem:s25+$0x14990] =	vst v3  }
0x232: {  	v3 =	vld [tilespmem:s4+$0xC990];
	_ =	sdelay $0x2  }
0x233: {  	s11 =	spop (v2sf)  }
0x234: {  	s13 =	sor.u32 $0x600, s25;
	s12 =	spop (v2sf);
	s0 =	sand.u32 $0x60, s11  }
0x235: {  	s26 =	sor.u32 s13, s0;
	s4 =	sand.u32 $0x60, s12;
	[tilespmem:s25+$0x18990] =	vst v3  }
0x236: {  	s11 =	sor.u32 s13, s4;
	v3 =	vld [tilespmem:s26+$0x400]  }
0x237: {  	v58 =	vld [tilespmem:s11+$0x4400];
	_ =	sdelay $0x4  }
0x238: {  	v3 =	vmul.f32 v58, v3;
	_ =	sdelay $0x1  }
0x239: {  	[tilespmem:s25+$0x10A00] =	vst v3  }
0x23a: {  	v3 =	vld [tilespmem:s26+$0x8400];
	_ =	sdelay $0x4  }
0x23b: {  	[tilespmem:s25+$0x14A00] =	vst v3  }
0x23c: {  	v3 =	vld [tilespmem:s11+$0xC400];
	_ =	sdelay $0x4  }
0x23d: {  	s0 =	sor.u32 s0, s25;
	[tilespmem:s25+$0x18A00] =	vst v3  }
0x23e: {  	s4 =	sor.u32 s4, s25;
	v3 =	vld [tilespmem:s0+$0xA10]  }
0x23f: {  	v59 =	vld [tilespmem:s4+$0x4A10];
	_ =	sdelay $0x1  }
0x240: {  	(v2sf) =	vpush v1, $0xD  }
0x241: {  	(v2sf) =	vpush v2, $0xD;
	_ =	sdelay $0x1  }
0x242: {  	v3 =	vmul.f32 v59, v3;
	_ =	sdelay $0x1  }
0x243: {  	[tilespmem:s25+$0x10A10] =	vst v3  }
0x244: {  	v3 =	vld [tilespmem:s0+$0x8A10];
	_ =	sdelay $0x4  }
0x245: {  	[tilespmem:s25+$0x14A10] =	vst v3  }
0x246: {  	v3 =	vld [tilespmem:s4+$0xCA10];
	_ =	sdelay $0x2  }
0x247: {  	s28 =	spop (v2sf)  }
0x248: {  	s30 =	sor.u32 $0x680, s25;
	s29 =	spop (v2sf);
	s0 =	sand.u32 $0x60, s28  }
0x249: {  	s31 =	sor.u32 s30, s0;
	s4 =	sand.u32 $0x60, s29;
	[tilespmem:s25+$0x18A10] =	vst v3  }
0x24a: {  	s11 =	sor.u32 s30, s4;
	v3 =	vld [tilespmem:s31+$0x400]  }
0x24b: {  	v60 =	vld [tilespmem:s11+$0x4400];
	_ =	sdelay $0x4  }
0x24c: {  	v3 =	vmul.f32 v60, v3;
	_ =	sdelay $0x1  }
0x24d: {  	[tilespmem:s25+$0x10A80] =	vst v3  }
0x24e: {  	v3 =	vld [tilespmem:s31+$0x8400];
	_ =	sdelay $0x4  }
0x24f: {  	[tilespmem:s25+$0x14A80] =	vst v3  }
0x250: {  	v3 =	vld [tilespmem:s11+$0xC400];
	_ =	sdelay $0x4  }
0x251: {  	s0 =	sor.u32 s0, s25;
	[tilespmem:s25+$0x18A80] =	vst v3  }
0x252: {  	s4 =	sor.u32 s4, s25;
	v3 =	vld [tilespmem:s0+$0xA90]  }
0x253: {  	v61 =	vld [tilespmem:s4+$0x4A90];
	_ =	sdelay $0x1  }
0x254: {  	(v2sf) =	vpush v1, $0xE  }
0x255: {  	(v2sf) =	vpush v2, $0xE;
	_ =	sdelay $0x1  }
0x256: {  	v3 =	vmul.f32 v61, v3;
	_ =	sdelay $0x1  }
0x257: {  	[tilespmem:s25+$0x10A90] =	vst v3  }
0x258: {  	v3 =	vld [tilespmem:s0+$0x8A90];
	_ =	sdelay $0x4  }
0x259: {  	[tilespmem:s25+$0x14A90] =	vst v3  }
0x25a: {  	v3 =	vld [tilespmem:s4+$0xCA90];
	_ =	sdelay $0x2  }
0x25b: {  	s11 =	spop (v2sf)  }
0x25c: {  	s13 =	sor.u32 $0x700, s25;
	s12 =	spop (v2sf);
	s0 =	sand.u32 $0x60, s11  }
0x25d: {  	s26 =	sor.u32 s13, s0;
	s4 =	sand.u32 $0x60, s12;
	[tilespmem:s25+$0x18A90] =	vst v3  }
0x25e: {  	s11 =	sor.u32 s13, s4;
	v3 =	vld [tilespmem:s26+$0x400]  }
0x25f: {  	v62 =	vld [tilespmem:s11+$0x4400];
	_ =	sdelay $0x4  }
0x260: {  	v3 =	vmul.f32 v62, v3;
	_ =	sdelay $0x1  }
0x261: {  	[tilespmem:s25+$0x10B00] =	vst v3  }
0x262: {  	v3 =	vld [tilespmem:s26+$0x8400];
	_ =	sdelay $0x4  }
0x263: {  	[tilespmem:s25+$0x14B00] =	vst v3  }
0x264: {  	v3 =	vld [tilespmem:s11+$0xC400];
	_ =	sdelay $0x4  }
0x265: {  	s0 =	sor.u32 s0, s25;
	[tilespmem:s25+$0x18B00] =	vst v3  }
0x266: {  	s4 =	sor.u32 s4, s25;
	v3 =	vld [tilespmem:s0+$0xB10]  }
0x267: {  	v63 =	vld [tilespmem:s4+$0x4B10];
	_ =	sdelay $0x1  }
0x268: {  	(v2sf) =	vpush v1, $0xF  }
0x269: {  	(v2sf) =	vpush v2, $0xF;
	_ =	sdelay $0x1  }
0x26a: {  	v1 =	vmul.f32 v63, v3;
	_ =	sdelay $0x1  }
0x26b: {  	[tilespmem:s25+$0x10B10] =	vst v1  }
0x26c: {  	v1 =	vld [tilespmem:s0+$0x8B10];
	_ =	sdelay $0x4  }
0x26d: {  	[tilespmem:s25+$0x14B10] =	vst v1  }
0x26e: {  	v1 =	vld [tilespmem:s4+$0xCB10];
	_ =	sdelay $0x2  }
0x26f: {  	s28 =	spop (v2sf)  }
0x270: {  	s30 =	sor.u32 $0x780, s25;
	s29 =	spop (v2sf);
	s0 =	sand.u32 $0x60, s28  }
0x271: {  	s31 =	sor.u32 s30, s0;
	s4 =	sand.u32 $0x60, s29;
	[tilespmem:s25+$0x18B10] =	vst v1  }
0x272: {  	s11 =	sor.u32 s30, s4;
	v1 =	vld [tilespmem:s31+$0x400]  }
0x273: {  	v2 =	vld [tilespmem:s11+$0x4400];
	_ =	sdelay $0x4  }
0x274: {  	v1 =	vmul.f32 v2, v1;
	_ =	sdelay $0x1  }
0x275: {  	[tilespmem:s25+$0x10B80] =	vst v1  }
0x276: {  	v1 =	vld [tilespmem:s31+$0x8400];
	_ =	sdelay $0x4  }
0x277: {  	[tilespmem:s25+$0x14B80] =	vst v1  }
0x278: {  	v1 =	vld [tilespmem:s11+$0xC400];
	_ =	sdelay $0x4  }
0x279: {  	s0 =	sor.u32 s0, s25;
	[tilespmem:s25+$0x18B80] =	vst v1  }
0x27a: {  	s4 =	sor.u32 s4, s25;
	v1 =	vld [tilespmem:s0+$0xB90]  }
0x27b: {  	v2 =	vld [tilespmem:s4+$0x4B90];
	_ =	sdelay $0x4  }
0x27c: {  	v1 =	vmul.f32 v2, v1;
	_ =	sdelay $0x1  }
0x27d: {  	[tilespmem:s25+$0x10B90] =	vst v1  }
0x27e: {  	v1 =	vld [tilespmem:s0+$0x8B90];
	_ =	sdelay $0x4  }
0x27f: {  	[tilespmem:s25+$0x14B90] =	vst v1  }
0x280: {  	p0 =	sne.s32 s24, $0x7;
	v1 =	vld [tilespmem:s4+$0xCB90]  }
.Ltmp1:
0x281: {  	_ = 	snop;
	(pc) =	sbr.rel @p0 .LBB2_5-.Ltmp1, $2  }
0x282: {  	_ =	sdelay $0x2  }
0x283: {  	s24 =	sadd.s32 $0x1, s24;
	[tilespmem:s25+$0x18B90] =	vst v1  }
0x284: {  	s0 =	sor.u32 s9, s23  }
0x285: {  	s0 =	sshll.u32 s0, $0x4  }
0x286: {  	s4 =	sadd.s32 s7, s0  }
0x287: {  	[hbm4b:s4+s1] =	stream.linear.scatter [tilespmem:s16], [sflag:$0x2], $0x4000, $0x38;
	[tilespmem:$0x1C400] =	vst v63  }
0x288: {  	_ =	swait.ge [sflag:s14], $0x4000  }
0x289: {  	[sflag:s14] =	ssyncset.done $0x0  }
0x28a: {  	s31 =	sadd.s32 s8, s0;
	[sflag:s14] =	ssyncadd.s32 $0xFFFFC000  }
0x28b: {  	[hbm4b:s31+s1] =	stream.linear.scatter [tilespmem:s17], [sflag:$0x2], $0x4000, $0x38;
	[tilespmem:$0x1C400] =	vst v63  }
0x28c: {  	s22 =	sadd.s32 $0x1, s22;
	_ =	swait.ge [sflag:s14], $0x4000  }
0x28d: {  	p0 =	sne.s32 s22, $0x4;
	[sflag:s14] =	ssyncset.done $0x0  }
.Ltmp2:
0x28e: {  	s0 =	sadd.s32 s10, s0;
	[sflag:s14] =	ssyncadd.s32 $0xFFFFC000;
	(pc) =	sbr.rel @p0 .LBB2_2-.Ltmp2, $4  }
0x28f: {  	[hbm4b:s0+s1] =	stream.linear.scatter [tilespmem:s18], [sflag:$0x2], $0x4000, $0x38;
	[tilespmem:$0x1C400] =	vst v63  }
0x290: {  	_ =	swait.ge [sflag:s14], $0x4000  }
0x291: {  	[sflag:s14] =	ssyncset.done $0x0  }
0x292: {  	s20 =	sadd.s32 $0x80, s20;
	s21 =	sadd.s32 $0x80, s21;
	[sflag:s14] =	ssyncadd.s32 $0xFFFFC000  }
0x293: {  	s19 =	sadd.s32 $0x1, s19;
	s0 =	rddreg [dreg:$0x6]  }
0x294: {  	p0 =	sne.s32 s19, s0  }
.Ltmp3:
0x295: {  	_ = 	snop;
	(pc) =	sbr.rel @p0 .LBB2_1-.Ltmp3, $1  }
0x296: {  	_ =	sdelay $0x3  }
0x297: {  	_ =	sfence.sel $0x180000  }
0x298: {  	[bflag:$0x0] =	sbarrier.arrive $0xFFFF  }
0x299: {  	_ =	strace $0x90000047  }
0x29a: {  	s0 =	stileid.u32;
	[bflag:$0x2] =	sbarrier.arrive $0xFFFF  }
0x29b: {  	p0 =	sne.s32 s0, $0x0;
	s0 =	rddreg [dreg:$0x3]  }
0x29c: {  	s0 =	sadd.s32 @!p0 $0x100000, s0  }
0x29d: {  	[sflag:s0] =	ssyncadd.tile.s32 @!p0 $0x1;
	_ =	shalt  }
.Lfunc_end2:
_tile_overlayer_lowered:
.L_overlay_start_2:
0x29e: {  	(tag) =	ssettag $0x2  }
0x29f: {  	s0 =	rddreg [dreg:$0x0];
	s2 =	stileid.u32  }
0x2a0: {  	s1 =	rddreg [dreg:$0x1];
	p0 =	sne.s32 s2, $0x0  }
0x2a1: {  	s3 =	rddreg [dreg:$0x2];
	[bflag:$0x3] =	sbarrier.arrive $0xFFFF;
	s2 =	simm.s32 @!p0 $0x1C02  }
0x2a2: {  	[timem:s3], [sflag:s2] =	dma.local @!p0 [hbm:s0], s1  }
0x2a3: {  	s0 =	simm.s32 @!p0 $0x2  }
0x2a4: {  	_ =	swait.ge @!p0 [sflag:s0], s1  }
0x2a5: {  	s1 =	ssub.s32 @!p0 $0x0, s1;
	[sflag:s0] =	ssyncset.done @!p0 $0x0  }
0x2a6: {  	[sflag:s0] =	ssyncadd.s32 @!p0 s1  }
0x2a7: {  	[bflag:$0x3] =	sbarrier.arrive $0xFFFF  }
0x2a8: {  	_ =	shalt  }

</sc_bundles>
